<compile_context>
chip_gen: v7x
topology: tpu7x:2x2x1
jax: 0.10.2.dev20260603
libtpu: 0.0.44.dev20260713+nightly
codegen_flags: <defaults>
</compile_context>

<pallas_src>
import functools

import jax
import jax.numpy as jnp
from jax import lax
from jax.experimental import pallas as pl
from jax.experimental.pallas import tpu as pltpu
from jax.experimental.pallas import tpu_sc as plsc

B = 4
N = 1024
K = 33
KPAD = 40
PTS = 64

_INF = float("inf")
_BIGI = 1 << 30


def _bf(v):
    return v.astype(jnp.bfloat16)


DROWS = 256


def _d2_tc_body(xk_ref, xkp_ref, d2_ref, cm_ref):
    i = pl.program_id(0)
    t = i % (N // DROWS)
    xk = xk_ref[0]
    xkp = xkp_ref[0]
    xt = xk_ref[0, pl.ds(t * DROWS, DROWS), :]
    sq_full = jnp.sum(xk * xk, axis=1)
    sq_tile = jnp.sum(xt * xt, axis=1)
    gram = lax.dot_general(_bf(xt), _bf(xk), (((1,), (1,)), ((), ())),
                           preferred_element_type=jnp.float32)
    d2_ref[...] = sq_tile[:, None] + sq_full[None, :] - 2.0 * gram

    sqp_full = jnp.sum(xkp * xkp, axis=1)
    gramp = lax.dot_general(_bf(xt), _bf(xkp), (((1,), (1,)), ((), ())),
                            preferred_element_type=jnp.float32)
    d2p = sq_tile[:, None] + sqp_full[None, :] - 2.0 * gramp
    m = d2p
    for width in (512, 256, 128, 64):
        m = jnp.minimum(m[:, :width], m[:, width:])
    cm_ref[...] = jnp.concatenate(
        [m, jnp.zeros((DROWS, 64), jnp.float32)], axis=1)


def _d2_tc(xk, xkp):
    ck = xk.shape[-1]
    tiles = N // DROWS
    return pl.pallas_call(
        _d2_tc_body,
        grid=(B * tiles,),
        in_specs=[pl.BlockSpec((1, N, ck), lambda i: (i // tiles, 0, 0)),
                  pl.BlockSpec((1, N, ck), lambda i: (i // tiles, 0, 0))],
        out_specs=(pl.BlockSpec((DROWS, N), lambda i: (i, 0)),
                   pl.BlockSpec((DROWS, 128), lambda i: (i, 0))),
        out_shape=(jax.ShapeDtypeStruct((B * N, N), jnp.float32),
                   jax.ShapeDtypeStruct((B * N, 128), jnp.float32)),
    )(xk, xkp)


def _sc_topk_gather(d2, cm, srcs, grp):
    info = plsc.get_sparse_core_info()
    nc, ns = info.num_cores, info.num_subcores
    nw = nc * ns
    rows_per_w = (B * N) // nw
    n_src = len(srcs)
    n_grp = rows_per_w // grp
    mesh = plsc.VectorSubcoreMesh(core_axis_name="c", subcore_axis_name="s")

    out_type = ([jax.ShapeDtypeStruct((B * N * KPAD,), jnp.int32)] +
                [jax.ShapeDtypeStruct((B * N * KPAD, 128), jnp.float32)
                 for _ in range(n_src)])
    scratch = [
        pltpu.VMEM((grp, N), jnp.float32),
        pltpu.VMEM((grp, 128), jnp.float32),
        pltpu.VMEM((grp * KPAD,), jnp.int32),
        pltpu.VMEM((grp * KPAD,), jnp.int32),
    ]
    for _ in range(2 * n_src):
        scratch.append(pltpu.VMEM((grp * KPAD, 128), jnp.float32))
    scratch += [pltpu.SemaphoreType.DMA] * 4

    @functools.partial(pl.kernel, out_type=tuple(out_type), mesh=mesh,
                       scratch_types=scratch)
    def run(*refs):
        d2_hbm, cm_hbm = refs[0], refs[1]
        src_hbms = refs[2:2 + n_src]
        out_hbm = refs[2 + n_src]
        e_hbms = refs[3 + n_src:3 + 2 * n_src]
        sc = 3 + 2 * n_src
        rows_v, cmin_v = refs[sc], refs[sc + 1]
        idx_p = refs[sc + 2:sc + 4]
        ebuf_p = [refs[sc + 4:sc + 4 + n_src],
                  refs[sc + 4 + n_src:sc + 4 + 2 * n_src]]
        gsem_p = refs[sc + 4 + 2 * n_src:sc + 6 + 2 * n_src]
        wsem_p = refs[sc + 6 + 2 * n_src:sc + 8 + 2 * n_src]
        wid = lax.axis_index("s") * nc + lax.axis_index("c")
        base = wid * rows_per_w
        boff = (base // N) * N
        iot = lax.iota(jnp.int32, 16)

        p8, p4, p2, p1 = (iot ^ 8), (iot ^ 4), (iot ^ 2), (iot ^ 1)
        _dn = lax.GatherDimensionNumbers(offset_dims=(),
                                         collapsed_slice_dims=(0,),
                                         start_index_map=(0,))

        def shuf(v, perm):
            return lax.gather(v, perm[:, None], _dn, slice_sizes=(1,),
                              mode=lax.GatherScatterMode.PROMISE_IN_BOUNDS)

        def vmin(v):
            v = jnp.minimum(v, shuf(v, p8))
            v = jnp.minimum(v, shuf(v, p4))
            v = jnp.minimum(v, shuf(v, p2))
            v = jnp.minimum(v, shuf(v, p1))
            return v[0]

        def step(rows_v, cmin_v, idx_v, r, s):
            q0 = cmin_v[r, pl.ds(0, 16)]
            q1 = cmin_v[r, pl.ds(16, 16)]
            q2 = cmin_v[r, pl.ds(32, 16)]
            q3 = cmin_v[r, pl.ds(48, 16)]
            m = vmin(jnp.minimum(jnp.minimum(q0, q1),
                                 jnp.minimum(q2, q3)))
            candc = jnp.minimum(
                jnp.minimum(jnp.where(q0 == m, iot, _BIGI),
                            jnp.where(q1 == m, iot + 16, _BIGI)),
                jnp.minimum(jnp.where(q2 == m, iot + 32, _BIGI),
                            jnp.where(q3 == m, iot + 48, _BIGI)))
            cstar = vmin(candc)
            u = rows_v[r, pl.ds(cstar * 16, 16)]
            lstar = vmin(jnp.where(u == m, iot, _BIGI))
            j = cstar * 16 + lstar
            pos = r * KPAD + s
            pb = (pos >> 3) << 3
            iv = idx_v[pl.ds(pb, 16)]
            idx_v[pl.ds(pb, 16)] = jnp.where(iot == pos - pb, j + boff, iv)
            unew = jnp.where(iot == lstar, _INF, u)
            rows_v[r, pl.ds(cstar * 16, 16)] = unew
            qb = (cstar >> 4) << 4
            qv = cmin_v[r, pl.ds(qb, 16)]
            cmin_v[r, pl.ds(qb, 16)] = jnp.where(
                iot == cstar - qb, vmin(unew), qv)

        def pads(idx_v, r):
            j0 = idx_v[pl.ds(r * KPAD, 16)][0]
            tb = r * KPAD + 24
            tv = idx_v[pl.ds(tb, 16)]
            idx_v[pl.ds(tb, 16)] = jnp.where(iot >= K - 24, j0, tv)

        def topk_group(g, idx_v):
            r0 = base + g * grp
            pltpu.sync_copy(d2_hbm.at[pl.ds(r0, grp)], rows_v)
            pltpu.sync_copy(cm_hbm.at[pl.ds(r0, grp)], cmin_v)

            def row(r, _):
                def extract(s, _):
                    step(rows_v, cmin_v, idx_v, r, s)
                    return 0
                lax.fori_loop(0, K, extract, 0)
                pads(idx_v, r)
                return 0
            lax.fori_loop(0, grp, row, 0)
            pltpu.sync_copy(idx_v, out_hbm.at[pl.ds(r0 * KPAD, grp * KPAD)])

        nrow = grp * KPAD

        def seg(t, p):
            g = t * 2 + p
            idx_v = idx_p[p]
            gsem, wsem = gsem_p[p], wsem_p[p]

            @pl.when(t > 0)
            def _():
                e0m2 = (base + (g - 2) * grp) * KPAD
                for s in range(n_src):
                    pltpu.make_async_copy(
                        src_hbms[s].at[pl.ds(0, nrow)], ebuf_p[p][s],
                        gsem).wait()
                for s in range(n_src):
                    pltpu.async_copy(ebuf_p[p][s],
                                     e_hbms[s].at[pl.ds(e0m2, nrow)], wsem)

            topk_group(g, idx_v)

            @pl.when(t > 0)
            def _():
                for s in range(n_src):
                    pltpu.make_async_copy(
                        ebuf_p[p][s], e_hbms[s].at[pl.ds(0, nrow)],
                        wsem).wait()

            for s in range(n_src):
                pltpu.async_copy(src_hbms[s].at[idx_v], ebuf_p[p][s], gsem)

        def tloop(t, _):
            seg(t, 0)
            seg(t, 1)
            return 0
        lax.fori_loop(0, n_grp // 2, tloop, 0)

        for p in range(2):
            gl = n_grp - 2 + p
            e0 = (base + gl * grp) * KPAD
            for s in range(n_src):
                pltpu.make_async_copy(src_hbms[s].at[pl.ds(0, nrow)],
                                      ebuf_p[p][s], gsem_p[p]).wait()
            for s in range(n_src):
                pltpu.sync_copy(ebuf_p[p][s], e_hbms[s].at[pl.ds(e0, nrow)])

    res = run(d2, cm, *srcs)
    return res[0], list(res[1:])


def _make_edge_body(cf, co, copad_out, n_e):
    def body(*refs):
        e_refs = refs[:n_e]
        idx_ref, xi_ref, w_ref, b_ref, out_ref = refs[n_e:]
        tile = pl.program_id(0)

        parts = []
        got = 0
        for er in e_refs:
            take = min(128, cf - got)
            parts.append(er[...][:, :take])
            got += take
        xj = jnp.concatenate(parts, axis=1) if len(parts) > 1 else parts[0]
        xi = xi_ref[...][:, :cf]
        xj3 = xj.reshape(PTS, KPAD, cf)
        diff = xj3 - xi[:, None, :]
        xi_rep = jnp.broadcast_to(xi[:, None, :], (PTS, KPAD, cf))
        feat = jnp.concatenate(
            [_bf(xi_rep).reshape(PTS * KPAD, cf),
             _bf(diff).reshape(PTS * KPAD, cf)], axis=1)
        msg = lax.dot_general(feat, _bf(w_ref[...]),
                              (((1,), (0,)), ((), ())),
                              preferred_element_type=jnp.float32) + b_ref[...]
        msg = jnp.maximum(msg, 0.0)
        pid = tile * PTS + lax.broadcasted_iota(jnp.int32, (PTS, KPAD), 0)
        pen = jnp.where(idx_ref[...] == pid, -1e30, 0.0)
        msg3 = msg.reshape(PTS, KPAD, co) + pen[:, :, None]
        res = jnp.max(msg3, axis=1)
        if copad_out > co:
            res = jnp.concatenate(
                [res, jnp.zeros((PTS, copad_out - co), jnp.float32)], axis=1)
        out_ref[...] = res
    return body


def _edge_tc(e_list, idx2d, xi, w, bias, copad_out):
    cf = w.shape[0] // 2
    co = w.shape[1]
    n_e = len(e_list)
    in_specs = [pl.BlockSpec((PTS * KPAD, 128), lambda i: (i, 0))
                for _ in range(n_e)]
    in_specs += [
        pl.BlockSpec((PTS, KPAD), lambda i: (i, 0)),
        pl.BlockSpec((PTS, xi.shape[-1]), lambda i: (i, 0)),
        pl.BlockSpec((2 * cf, co), lambda i: (0, 0)),
        pl.BlockSpec((co,), lambda i: (0,)),
    ]
    return pl.pallas_call(
        _make_edge_body(cf, co, copad_out, n_e),
        grid=((B * N) // PTS,),
        in_specs=in_specs,
        out_specs=pl.BlockSpec((PTS, copad_out), lambda i: (i, 0)),
        out_shape=jax.ShapeDtypeStruct((B * N, copad_out), jnp.float32),
    )(*e_list, idx2d, xi, w, bias)


def _mlp_body(x_ref, w1_ref, w2_ref, b2_ref, w3_ref, b3_ref, o_ref):
    h = jnp.maximum(lax.dot_general(_bf(x_ref[...]), _bf(w1_ref[...]),
                                    (((1,), (0,)), ((), ())),
                                    preferred_element_type=jnp.float32), 0.0)
    h = jnp.maximum(lax.dot_general(_bf(h), _bf(w2_ref[...]),
                                    (((1,), (0,)), ((), ())),
                                    preferred_element_type=jnp.float32)
                    + b2_ref[...], 0.0)
    o_ref[...] = jnp.tanh(lax.dot_general(_bf(h), _bf(w3_ref[...]),
                                          (((1,), (0,)), ((), ())),
                                          preferred_element_type=jnp.float32)
                          + b3_ref[...])


def _mlp(x4, wl1, wl2, bl2, wl3, bl3):
    rows = 256
    return pl.pallas_call(
        _mlp_body,
        grid=((B * N) // rows,),
        in_specs=[
            pl.BlockSpec((rows, 512), lambda i: (i, 0)),
            pl.BlockSpec((512, 256), lambda i: (0, 0)),
            pl.BlockSpec((256, 128), lambda i: (0, 0)),
            pl.BlockSpec((128,), lambda i: (0,)),
            pl.BlockSpec((128, 3), lambda i: (0, 0)),
            pl.BlockSpec((3,), lambda i: (0,)),
        ],
        out_specs=pl.BlockSpec((rows, 3), lambda i: (i, 0)),
        out_shape=jax.ShapeDtypeStruct((B * N, 3), jnp.float32),
    )(x4, wl1, wl2, bl2, wl3, bl3)


def _stage(xk, srcs, xf, w, bias, copad_out):
    import numpy as _np
    inv = (_np.arange(N) % 64) * 16 + _np.arange(N) // 64
    xkp = xk[:, inv, :]
    d2, cmx = _d2_tc(xk, xkp)
    idx_flat, e_list = _sc_topk_gather(d2, cmx, srcs,
                                       grp=4 if len(srcs) > 1 else 8)
    return _edge_tc(e_list, idx_flat.reshape(B * N, KPAD), xf, w, bias,
                    copad_out)


def kernel(x, W1, b1, W2, b2, W3, b3, W4, b4, Wl1, Wl2, bl2, Wl3, bl3):
    xf0 = x.reshape(B * N, 3)
    x0p = jnp.pad(xf0, ((0, 0), (0, 125)))
    x1p = _stage(x, [x0p], x0p, W1, b1, 128)
    x2p = _stage(x1p.reshape(B, N, 128), [x1p], x1p, W2, b2, 128)
    x3 = _stage(x2p.reshape(B, N, 128), [x2p], x2p, W3, b3, 144)
    xc = jnp.concatenate([x1p[:, :16], x2p[:, :48], x3], axis=1)
    xc_lo = xc[:, :128]
    xc_hi = jnp.pad(xc[:, 128:], ((0, 0), (0, 48)))
    x4 = _stage(x3.reshape(B, N, 144), [xc_lo, xc_hi], xc, W4, b4, 512)
    out = _mlp(x4, Wl1, Wl2, bl2, Wl3, bl3)
    return out.reshape(B, N, 3)

# --- scband reference (transcript-rebuilt; emitter-appended) ---
"""Pipeline reference for scband-feature-extraction-82179904242018 (READ-ONLY COPY).

The authoritative reference and input builder live on the scoring server;
editing this copy changes nothing except your own understanding.
"""

import jax, jax.numpy as jnp
import numpy as np

K_NEIGHBORS = 32


def _knn(x, k):
    # x: (B, N, d) -> indices of k nearest neighbors (incl. self), (B, N, k)
    sq = jnp.sum(x * x, axis=-1)
    d2 = sq[:, :, None] + sq[:, None, :] - 2.0 * jnp.einsum('bnd,bmd->bnm', x, x)
    _, idx = jax.lax.top_k(-d2, k)
    return idx


def _edge_conv(x, idx, W, b):
    # DynamicEdgeConv: message = ReLU(Linear([x_i, x_j - x_i])), max-aggregate over
    # kNN neighbors with self-loops removed (mask idx == center).
    B, N, C = x.shape
    xj = jax.vmap(lambda xb, ib: xb[ib])(x, idx)          # (B, N, K, C) gather
    xi = jnp.broadcast_to(x[:, :, None, :], xj.shape)
    msg = jnp.concatenate([xi, xj - xi], axis=-1) @ W + b
    msg = jax.nn.relu(msg)
    self_mask = idx == jnp.arange(N)[None, :, None]
    msg = jnp.where(self_mask[..., None], -1e30, msg)
    return jnp.max(msg, axis=2)


def setup_inputs(seed: int = 0):
    key = jax.random.key(seed)
    ks = jax.random.split(key, 16)
    B, N = 4, 1024

    def lin(kk, fi, fo):
        return jax.random.normal(kk, (fi, fo), dtype=jnp.float32) * (1.0 / np.sqrt(fi))

    return {
        'x': jax.random.normal(ks[0], (B, N, 3), dtype=jnp.float32),
        'W1': lin(ks[1], 6, 16), 'b1': jnp.zeros((16,), jnp.float32),
        'W2': lin(ks[2], 32, 48), 'b2': jnp.zeros((48,), jnp.float32),
        'W3': lin(ks[3], 96, 144), 'b3': jnp.zeros((144,), jnp.float32),
        'W4': lin(ks[4], 416, 512), 'b4': jnp.zeros((512,), jnp.float32),
        'Wl1': lin(ks[5], 512, 256),
        'Wl2': lin(ks[6], 256, 128), 'bl2': jnp.zeros((128,), jnp.float32),
        'Wl3': lin(ks[7], 128, 3), 'bl3': jnp.zeros((3,), jnp.float32),
    }


def reference(x, W1, b1, W2, b2, W3, b3, W4, b4, Wl1, Wl2, bl2, Wl3, bl3):
    k = K_NEIGHBORS
    idx = _knn(x, k + 1)
    x1 = _edge_conv(x, idx, W1, b1)
    idx = _knn(x1, k + 1)
    x2 = _edge_conv(x1, idx, W2, b2)
    idx = _knn(x2, k + 1)
    x3 = _edge_conv(x2, idx, W3, b3)
    idx = _knn(x3, k + 1)
    xc = jnp.concatenate([x1, x2, x3], axis=-1)  # (B, N, 208)
    x4 = _edge_conv(xc, idx, W4, b4)             # (B, N, 512)
    h = jax.nn.relu(x4 @ Wl1)
    h = jax.nn.relu(h @ Wl2 + bl2)
    out = jnp.tanh(h @ Wl3 + bl3)                # (B, N, 3)
    return out

if __name__ == "__main__":
    import jax
    _d = setup_inputs()
    print(jax.jit(kernel)(*tuple(_d.values())))

</pallas_src>

<mosaic_0001>
#map = affine_map<(d0, d1) -> (0, 0)>
#map1 = affine_map<(d0, d1) -> (0)>
module attributes {stable_mosaic.version = 14 : i64} {
  func.func @run(%arg0: i32, %arg1: i32, %arg2: memref<4096x1024xf32, #tpu.memory_space<hbm>>, %arg3: memref<4096x128xf32, #tpu.memory_space<hbm>>, %arg4: memref<4096x128xf32, #tpu.memory_space<hbm>>, %arg5: memref<4096x128xf32, #tpu.memory_space<hbm>>, %arg6: memref<163840xi32, #tpu.memory_space<hbm>>, %arg7: memref<163840x128xf32, #tpu.memory_space<hbm>>, %arg8: memref<163840x128xf32, #tpu.memory_space<hbm>>, %arg9: memref<4x1024xf32, #tpu.memory_space<vmem>>, %arg10: memref<4x128xf32, #tpu.memory_space<vmem>>, %arg11: memref<160xi32, #tpu.memory_space<vmem>>, %arg12: memref<160xi32, #tpu.memory_space<vmem>>, %arg13: memref<160x128xf32, #tpu.memory_space<vmem>>, %arg14: memref<160x128xf32, #tpu.memory_space<vmem>>, %arg15: memref<160x128xf32, #tpu.memory_space<vmem>>, %arg16: memref<160x128xf32, #tpu.memory_space<vmem>>, %arg17: memref<!tpu.dma_semaphore, #tpu.memory_space<semaphore_mem>>, %arg18: memref<!tpu.dma_semaphore, #tpu.memory_space<semaphore_mem>>, %arg19: memref<!tpu.dma_semaphore, #tpu.memory_space<semaphore_mem>>, %arg20: memref<!tpu.dma_semaphore, #tpu.memory_space<semaphore_mem>>) attributes {dimension_semantics = [#tpu.dimension_semantics<core_parallel>, #tpu.dimension_semantics<subcore_parallel>], iteration_bounds = array<i64: 2, 16>, scalar_prefetch = 0 : i64, scratch_operands = 12 : i64, tpu.core_type = #tpu.core_type<sc_vector_subcore>, window_params = [{transform_indices = #map}, {transform_indices = #map}, {transform_indices = #map}, {transform_indices = #map}, {transform_indices = #map1}, {transform_indices = #map}, {transform_indices = #map}]} {
    %mul3A = arith.constant 2 : i32
    %mul3A_0 = arith.muli %arg1, %mul3A : i32
    %add3A = arith.addi %mul3A_0, %arg0 : i32
    %mul3A_1 = arith.constant 128 : i32
    %mul3A_2 = arith.muli %add3A, %mul3A_1 : i32
    %jit3A = arith.constant 1024 : i32
    %div3A = arith.divsi %mul3A_2, %jit3A : i32
    %sign3A = arith.constant 0 : i32
    %sign3A_3 = arith.cmpi sgt, %mul3A_2, %sign3A : i32
    %sign3A_4 = arith.extui %sign3A_3 : i1 to i32
    %sign3A_5 = arith.constant 0 : i32
    %sign3A_6 = arith.cmpi slt, %mul3A_2, %sign3A_5 : i32
    %sign3A_7 = arith.extui %sign3A_6 : i1 to i32
    %sign3A_8 = arith.subi %sign3A_4, %sign3A_7 : i32
    %sign3A_9 = arith.constant 0 : i32
    %sign3A_10 = arith.cmpi sgt, %jit3A, %sign3A_9 : i32
    %sign3A_11 = arith.extui %sign3A_10 : i1 to i32
    %sign3A_12 = arith.constant 0 : i32
    %sign3A_13 = arith.cmpi slt, %jit3A, %sign3A_12 : i32
    %sign3A_14 = arith.extui %sign3A_13 : i1 to i32
    %sign3A_15 = arith.subi %sign3A_11, %sign3A_14 : i32
    %ne3A = arith.cmpi ne, %sign3A_8, %sign3A_15 : i32
    %rem3A = arith.remsi %mul3A_2, %jit3A : i32
    %ne3A_16 = arith.constant 0 : i32
    %ne3A_17 = arith.cmpi ne, %rem3A, %ne3A_16 : i32
    %and3A = arith.andi %ne3A, %ne3A_17 : i1
    %sub3A = arith.constant 1 : i32
    %sub3A_18 = arith.subi %div3A, %sub3A : i32
    %select_n3A = arith.select %and3A, %sub3A_18, %div3A : i32
    %mul3A_19 = arith.constant 1024 : i32
    %mul3A_20 = arith.muli %select_n3A, %mul3A_19 : i32
    %iota3A = tpu.iota {dimensions = array<i32: 0>} : vector<16xi32>
    %xor3A = arith.constant 8 : i32
    %xor3A_21 = vector.broadcast %xor3A : i32 to vector<16xi32>
    %xor3A_22 = arith.xori %iota3A, %xor3A_21 : vector<16xi32>
    %xor3A_23 = arith.constant 4 : i32
    %xor3A_24 = vector.broadcast %xor3A_23 : i32 to vector<16xi32>
    %xor3A_25 = arith.xori %iota3A, %xor3A_24 : vector<16xi32>
    %xor3A_26 = arith.constant 2 : i32
    %xor3A_27 = vector.broadcast %xor3A_26 : i32 to vector<16xi32>
    %xor3A_28 = arith.xori %iota3A, %xor3A_27 : vector<16xi32>
    %xor3A_29 = arith.constant 1 : i32
    %xor3A_30 = vector.broadcast %xor3A_29 : i32 to vector<16xi32>
    %xor3A_31 = arith.xori %iota3A, %xor3A_30 : vector<16xi32>
    %scan3A = arith.constant 0 : i32
    %scan3A_32 = arith.constant 0 : i32
    %scan3A_33 = arith.constant 16 : i32
    %scan3A_34 = arith.addi %scan3A_32, %scan3A_33 : i32
    %scan3A_35 = arith.constant 1 : i32
    %scan3A_36 = scf.for %scan3A_69 = %scan3A_32 to %scan3A_34 step %scan3A_35 iter_args(%scan3A_70 = %scan3A) -> (i32)  : i32 {
      %mul3A_71 = arith.constant 2 : i32
      %mul3A_72 = arith.muli %scan3A_69, %mul3A_71 : i32
      %add3A_73 = arith.constant 0 : i32
      %add3A_74 = arith.addi %mul3A_72, %add3A_73 : i32
      %gt3A = arith.constant 0 : i32
      %gt3A_75 = arith.cmpi sgt, %scan3A_69, %gt3A : i32
      %convert_element_type3A = arith.extui %gt3A_75 : i1 to i32
      %cond3A = arith.constant 0 : i32
      %cond3A_76 = arith.cmpi ne, %convert_element_type3A, %cond3A : i32
      scf.if %cond3A_76 {
        %sub3A_132 = arith.constant 2 : i32
        %sub3A_133 = arith.subi %add3A_74, %sub3A_132 : i32
        %mul3A_134 = arith.constant 4 : i32
        %mul3A_135 = arith.muli %sub3A_133, %mul3A_134 : i32
        %add3A_136 = arith.addi %mul3A_2, %mul3A_135 : i32
        %mul3A_137 = arith.constant 40 : i32
        %mul3A_138 = arith.muli %add3A_136, %mul3A_137 : i32
        %dma_wait3A_139 = arith.constant 0 : i32
        %dma_wait3A_140 = arith.constant 0 : i32
        %dma_wait3A_141 = tpu.memref_slice %arg4[%dma_wait3A_139, %dma_wait3A_140] : memref<4096x128xf32, #tpu.memory_space<hbm>> -> memref<160x128xf32, #tpu.memory_space<hbm>>
        %dma_wait3A_142 = arith.constant 0 : i32
        %dma_wait3A_143 = arith.constant 0 : i32
        %dma_wait3A_144 = tpu.memref_slice %arg4[%dma_wait3A_142, %dma_wait3A_143] : memref<4096x128xf32, #tpu.memory_space<hbm>> -> memref<160x128xf32, #tpu.memory_space<hbm>>
        tpu.wait_dma2 semaphore(%arg17 : memref<!tpu.dma_semaphore, #tpu.memory_space<semaphore_mem>>) src(%dma_wait3A_144 : memref<160x128xf32, #tpu.memory_space<hbm>>) dst(%arg13 : memref<160x128xf32, #tpu.memory_space<vmem>>)
        %dma_wait3A_145 = arith.constant 0 : i32
        %dma_wait3A_146 = arith.constant 0 : i32
        %dma_wait3A_147 = tpu.memref_slice %arg5[%dma_wait3A_145, %dma_wait3A_146] : memref<4096x128xf32, #tpu.memory_space<hbm>> -> memref<160x128xf32, #tpu.memory_space<hbm>>
        %dma_wait3A_148 = arith.constant 0 : i32
        %dma_wait3A_149 = arith.constant 0 : i32
        %dma_wait3A_150 = tpu.memref_slice %arg5[%dma_wait3A_148, %dma_wait3A_149] : memref<4096x128xf32, #tpu.memory_space<hbm>> -> memref<160x128xf32, #tpu.memory_space<hbm>>
        tpu.wait_dma2 semaphore(%arg17 : memref<!tpu.dma_semaphore, #tpu.memory_space<semaphore_mem>>) src(%dma_wait3A_150 : memref<160x128xf32, #tpu.memory_space<hbm>>) dst(%arg14 : memref<160x128xf32, #tpu.memory_space<vmem>>)
        %dma_start3A_151 = arith.constant 0 : i32
        %dma_start3A_152 = tpu.memref_slice %arg7[%mul3A_138, %dma_start3A_151] : memref<163840x128xf32, #tpu.memory_space<hbm>> -> memref<160x128xf32, #tpu.memory_space<hbm>>
        %dma_start3A_153 = arith.constant 0 : i32
        %dma_start3A_154 = tpu.memref_slice %arg7[%mul3A_138, %dma_start3A_153] : memref<163840x128xf32, #tpu.memory_space<hbm>> -> memref<160x128xf32, #tpu.memory_space<hbm>>
        tpu.enqueue_dma source(%arg13 : memref<160x128xf32, #tpu.memory_space<vmem>>) target(%dma_start3A_154 : memref<160x128xf32, #tpu.memory_space<hbm>>) target_semaphore(%arg19 : memref<!tpu.dma_semaphore, #tpu.memory_space<semaphore_mem>>)
        %dma_start3A_155 = arith.constant 0 : i32
        %dma_start3A_156 = tpu.memref_slice %arg8[%mul3A_138, %dma_start3A_155] : memref<163840x128xf32, #tpu.memory_space<hbm>> -> memref<160x128xf32, #tpu.memory_space<hbm>>
        %dma_start3A_157 = arith.constant 0 : i32
        %dma_start3A_158 = tpu.memref_slice %arg8[%mul3A_138, %dma_start3A_157] : memref<163840x128xf32, #tpu.memory_space<hbm>> -> memref<160x128xf32, #tpu.memory_space<hbm>>
        tpu.enqueue_dma source(%arg14 : memref<160x128xf32, #tpu.memory_space<vmem>>) target(%dma_start3A_158 : memref<160x128xf32, #tpu.memory_space<hbm>>) target_semaphore(%arg19 : memref<!tpu.dma_semaphore, #tpu.memory_space<semaphore_mem>>)
      } else {
      }
      %mul3A_77 = arith.constant 4 : i32
      %mul3A_78 = arith.muli %add3A_74, %mul3A_77 : i32
      %add3A_79 = arith.addi %mul3A_2, %mul3A_78 : i32
      "tpu.region"() ({
        %run_scoped3A = tpu.sem_alloc : memref<!tpu.dma_semaphore, #tpu.memory_space<semaphore_mem>>
        %dma_start3A_132 = arith.constant 0 : i32
        %dma_start3A_133 = tpu.memref_slice %arg2[%add3A_79, %dma_start3A_132] : memref<4096x1024xf32, #tpu.memory_space<hbm>> -> memref<4x1024xf32, #tpu.memory_space<hbm>>
        %dma_start3A_134 = arith.constant 0 : i32
        %dma_start3A_135 = tpu.memref_slice %arg2[%add3A_79, %dma_start3A_134] : memref<4096x1024xf32, #tpu.memory_space<hbm>> -> memref<4x1024xf32, #tpu.memory_space<hbm>>
        tpu.enqueue_dma source(%dma_start3A_135 : memref<4x1024xf32, #tpu.memory_space<hbm>>) target(%arg9 : memref<4x1024xf32, #tpu.memory_space<vmem>>) target_semaphore(%run_scoped3A : memref<!tpu.dma_semaphore, #tpu.memory_space<semaphore_mem>>)
        %dma_wait3A_136 = arith.constant 0 : i32
        %dma_wait3A_137 = tpu.memref_slice %arg2[%add3A_79, %dma_wait3A_136] : memref<4096x1024xf32, #tpu.memory_space<hbm>> -> memref<4x1024xf32, #tpu.memory_space<hbm>>
        %dma_wait3A_138 = arith.constant 0 : i32
        %dma_wait3A_139 = tpu.memref_slice %arg2[%add3A_79, %dma_wait3A_138] : memref<4096x1024xf32, #tpu.memory_space<hbm>> -> memref<4x1024xf32, #tpu.memory_space<hbm>>
        tpu.wait_dma2 semaphore(%run_scoped3A : memref<!tpu.dma_semaphore, #tpu.memory_space<semaphore_mem>>) src(%dma_wait3A_139 : memref<4x1024xf32, #tpu.memory_space<hbm>>) dst(%arg9 : memref<4x1024xf32, #tpu.memory_space<vmem>>)
        tpu.yield
      }) : () -> ()
      "tpu.region"() ({
        %run_scoped3A = tpu.sem_alloc : memref<!tpu.dma_semaphore, #tpu.memory_space<semaphore_mem>>
        %dma_start3A_132 = arith.constant 0 : i32
        %dma_start3A_133 = tpu.memref_slice %arg3[%add3A_79, %dma_start3A_132] : memref<4096x128xf32, #tpu.memory_space<hbm>> -> memref<4x128xf32, #tpu.memory_space<hbm>>
        %dma_start3A_134 = arith.constant 0 : i32
        %dma_start3A_135 = tpu.memref_slice %arg3[%add3A_79, %dma_start3A_134] : memref<4096x128xf32, #tpu.memory_space<hbm>> -> memref<4x128xf32, #tpu.memory_space<hbm>>
        tpu.enqueue_dma source(%dma_start3A_135 : memref<4x128xf32, #tpu.memory_space<hbm>>) target(%arg10 : memref<4x128xf32, #tpu.memory_space<vmem>>) target_semaphore(%run_scoped3A : memref<!tpu.dma_semaphore, #tpu.memory_space<semaphore_mem>>)
        %dma_wait3A_136 = arith.constant 0 : i32
        %dma_wait3A_137 = tpu.memref_slice %arg3[%add3A_79, %dma_wait3A_136] : memref<4096x128xf32, #tpu.memory_space<hbm>> -> memref<4x128xf32, #tpu.memory_space<hbm>>
        %dma_wait3A_138 = arith.constant 0 : i32
        %dma_wait3A_139 = tpu.memref_slice %arg3[%add3A_79, %dma_wait3A_138] : memref<4096x128xf32, #tpu.memory_space<hbm>> -> memref<4x128xf32, #tpu.memory_space<hbm>>
        tpu.wait_dma2 semaphore(%run_scoped3A : memref<!tpu.dma_semaphore, #tpu.memory_space<semaphore_mem>>) src(%dma_wait3A_139 : memref<4x128xf32, #tpu.memory_space<hbm>>) dst(%arg10 : memref<4x128xf32, #tpu.memory_space<vmem>>)
        tpu.yield
      }) : () -> ()
      %scan3A_80 = arith.constant 0 : i32
      %scan3A_81 = arith.constant 0 : i32
      %scan3A_82 = arith.constant 4 : i32
      %scan3A_83 = arith.addi %scan3A_81, %scan3A_82 : i32
      %scan3A_84 = arith.constant 1 : i32
      %scan3A_85 = scf.for %scan3A_132 = %scan3A_81 to %scan3A_83 step %scan3A_84 iter_args(%scan3A_133 = %scan3A_80) -> (i32)  : i32 {
        %scan3A_134 = arith.constant 0 : i32
        %scan3A_135 = arith.constant 0 : i32
        %scan3A_136 = arith.constant 33 : i32
        %scan3A_137 = arith.addi %scan3A_135, %scan3A_136 : i32
        %scan3A_138 = arith.constant 1 : i32
        %scan3A_139 = scf.for %scan3A_159 = %scan3A_135 to %scan3A_137 step %scan3A_138 iter_args(%scan3A_160 = %scan3A_134) -> (i32)  : i32 {
          %get3A_161 = arith.index_cast %scan3A_132 : i32 to index
          %get3A_162 = arith.constant 0 : index
          %get3A_163 = tpu.vector_load %arg10[%get3A_161, %get3A_162] {strides = array<i32>} : memref<4x128xf32, #tpu.memory_space<vmem>>, vector<1x16xf32>,
          %get3A_164 = vector.shape_cast %get3A_163 : vector<1x16xf32> to vector<16xf32>
          %get3A_165 = arith.index_cast %scan3A_132 : i32 to index
          %get3A_166 = arith.constant 16 : index
          %get3A_167 = tpu.vector_load %arg10[%get3A_165, %get3A_166] {strides = array<i32>} : memref<4x128xf32, #tpu.memory_space<vmem>>, vector<1x16xf32>,
          %get3A_168 = vector.shape_cast %get3A_167 : vector<1x16xf32> to vector<16xf32>
          %get3A_169 = arith.index_cast %scan3A_132 : i32 to index
          %get3A_170 = arith.constant 32 : index
          %get3A_171 = tpu.vector_load %arg10[%get3A_169, %get3A_170] {strides = array<i32>} : memref<4x128xf32, #tpu.memory_space<vmem>>, vector<1x16xf32>,
          %get3A_172 = vector.shape_cast %get3A_171 : vector<1x16xf32> to vector<16xf32>
          %get3A_173 = arith.index_cast %scan3A_132 : i32 to index
          %get3A_174 = arith.constant 48 : index
          %get3A_175 = tpu.vector_load %arg10[%get3A_173, %get3A_174] {strides = array<i32>} : memref<4x128xf32, #tpu.memory_space<vmem>>, vector<1x16xf32>,
          %get3A_176 = vector.shape_cast %get3A_175 : vector<1x16xf32> to vector<16xf32>
          %min3A = arith.minimumf %get3A_164, %get3A_168 : vector<16xf32>
          %min3A_177 = arith.minimumf %get3A_172, %get3A_176 : vector<16xf32>
          %min3A_178 = arith.minimumf %min3A, %min3A_177 : vector<16xf32>
          %broadcast_in_dim3A_179 = vector.shape_cast %xor3A_22 : vector<16xi32> to vector<16x1xi32>
          %gather3A = vector.shape_cast %broadcast_in_dim3A_179 : vector<16x1xi32> to vector<16xi32>
          %gather3A_180 = tpu.dynamic_gather %min3A_178[%gather3A] in [0] : vector<16xf32>, vector<16xi32> -> vector<16xf32>
          %min3A_181 = arith.minimumf %min3A_178, %gather3A_180 : vector<16xf32>
          %broadcast_in_dim3A_182 = vector.shape_cast %xor3A_25 : vector<16xi32> to vector<16x1xi32>
          %gather3A_183 = vector.shape_cast %broadcast_in_dim3A_182 : vector<16x1xi32> to vector<16xi32>
          %gather3A_184 = tpu.dynamic_gather %min3A_181[%gather3A_183] in [0] : vector<16xf32>, vector<16xi32> -> vector<16xf32>
          %min3A_185 = arith.minimumf %min3A_181, %gather3A_184 : vector<16xf32>
          %broadcast_in_dim3A_186 = vector.shape_cast %xor3A_28 : vector<16xi32> to vector<16x1xi32>
          %gather3A_187 = vector.shape_cast %broadcast_in_dim3A_186 : vector<16x1xi32> to vector<16xi32>
          %gather3A_188 = tpu.dynamic_gather %min3A_185[%gather3A_187] in [0] : vector<16xf32>, vector<16xi32> -> vector<16xf32>
          %min3A_189 = arith.minimumf %min3A_185, %gather3A_188 : vector<16xf32>
          %broadcast_in_dim3A_190 = vector.shape_cast %xor3A_31 : vector<16xi32> to vector<16x1xi32>
          %gather3A_191 = vector.shape_cast %broadcast_in_dim3A_190 : vector<16x1xi32> to vector<16xi32>
          %gather3A_192 = tpu.dynamic_gather %min3A_189[%gather3A_191] in [0] : vector<16xf32>, vector<16xi32> -> vector<16xf32>
          %min3A_193 = arith.minimumf %min3A_189, %gather3A_192 : vector<16xf32>
          %slice3A_194 = vector.extract_strided_slice %min3A_193 {offsets = [0], sizes = [1], strides = [1]} : vector<16xf32> to vector<1xf32>
          %squeeze3A_195 = vector.extract %slice3A_194[0] : f32 from vector<1xf32>
          %eq3A = vector.broadcast %squeeze3A_195 : f32 to vector<16xf32>
          %eq3A_196 = arith.cmpf oeq, %get3A_164, %eq3A : vector<16xf32>
          %jit3A_197 = arith.constant 1073741824 : i32
          %broadcast_in_dim3A_198 = vector.broadcast %jit3A_197 : i32 to vector<16xi32>
          %select_n3A_199 = arith.select %eq3A_196, %iota3A, %broadcast_in_dim3A_198 : vector<16xi1>, vector<16xi32>
          %eq3A_200 = vector.broadcast %squeeze3A_195 : f32 to vector<16xf32>
          %eq3A_201 = arith.cmpf oeq, %get3A_168, %eq3A_200 : vector<16xf32>
          %add3A_202 = arith.constant 16 : i32
          %add3A_203 = vector.broadcast %add3A_202 : i32 to vector<16xi32>
          %add3A_204 = arith.addi %iota3A, %add3A_203 : vector<16xi32>
          %jit3A_205 = arith.constant 1073741824 : i32
          %broadcast_in_dim3A_206 = vector.broadcast %jit3A_205 : i32 to vector<16xi32>
          %select_n3A_207 = arith.select %eq3A_201, %add3A_204, %broadcast_in_dim3A_206 : vector<16xi1>, vector<16xi32>
          %min3A_208 = arith.minsi %select_n3A_199, %select_n3A_207 : vector<16xi32>
          %eq3A_209 = vector.broadcast %squeeze3A_195 : f32 to vector<16xf32>
          %eq3A_210 = arith.cmpf oeq, %get3A_172, %eq3A_209 : vector<16xf32>
          %add3A_211 = arith.constant 32 : i32
          %add3A_212 = vector.broadcast %add3A_211 : i32 to vector<16xi32>
          %add3A_213 = arith.addi %iota3A, %add3A_212 : vector<16xi32>
          %jit3A_214 = arith.constant 1073741824 : i32
          %broadcast_in_dim3A_215 = vector.broadcast %jit3A_214 : i32 to vector<16xi32>
          %select_n3A_216 = arith.select %eq3A_210, %add3A_213, %broadcast_in_dim3A_215 : vector<16xi1>, vector<16xi32>
          %eq3A_217 = vector.broadcast %squeeze3A_195 : f32 to vector<16xf32>
          %eq3A_218 = arith.cmpf oeq, %get3A_176, %eq3A_217 : vector<16xf32>
          %add3A_219 = arith.constant 48 : i32
          %add3A_220 = vector.broadcast %add3A_219 : i32 to vector<16xi32>
          %add3A_221 = arith.addi %iota3A, %add3A_220 : vector<16xi32>
          %jit3A_222 = arith.constant 1073741824 : i32
          %broadcast_in_dim3A_223 = vector.broadcast %jit3A_222 : i32 to vector<16xi32>
          %select_n3A_224 = arith.select %eq3A_218, %add3A_221, %broadcast_in_dim3A_223 : vector<16xi1>, vector<16xi32>
          %min3A_225 = arith.minsi %select_n3A_216, %select_n3A_224 : vector<16xi32>
          %min3A_226 = arith.minsi %min3A_208, %min3A_225 : vector<16xi32>
          %broadcast_in_dim3A_227 = vector.shape_cast %xor3A_22 : vector<16xi32> to vector<16x1xi32>
          %gather3A_228 = vector.shape_cast %broadcast_in_dim3A_227 : vector<16x1xi32> to vector<16xi32>
          %gather3A_229 = tpu.dynamic_gather %min3A_226[%gather3A_228] in [0] : vector<16xi32>, vector<16xi32> -> vector<16xi32>
          %min3A_230 = arith.minsi %min3A_226, %gather3A_229 : vector<16xi32>
          %broadcast_in_dim3A_231 = vector.shape_cast %xor3A_25 : vector<16xi32> to vector<16x1xi32>
          %gather3A_232 = vector.shape_cast %broadcast_in_dim3A_231 : vector<16x1xi32> to vector<16xi32>
          %gather3A_233 = tpu.dynamic_gather %min3A_230[%gather3A_232] in [0] : vector<16xi32>, vector<16xi32> -> vector<16xi32>
          %min3A_234 = arith.minsi %min3A_230, %gather3A_233 : vector<16xi32>
          %broadcast_in_dim3A_235 = vector.shape_cast %xor3A_28 : vector<16xi32> to vector<16x1xi32>
          %gather3A_236 = vector.shape_cast %broadcast_in_dim3A_235 : vector<16x1xi32> to vector<16xi32>
          %gather3A_237 = tpu.dynamic_gather %min3A_234[%gather3A_236] in [0] : vector<16xi32>, vector<16xi32> -> vector<16xi32>
          %min3A_238 = arith.minsi %min3A_234, %gather3A_237 : vector<16xi32>
          %broadcast_in_dim3A_239 = vector.shape_cast %xor3A_31 : vector<16xi32> to vector<16x1xi32>
          %gather3A_240 = vector.shape_cast %broadcast_in_dim3A_239 : vector<16x1xi32> to vector<16xi32>
          %gather3A_241 = tpu.dynamic_gather %min3A_238[%gather3A_240] in [0] : vector<16xi32>, vector<16xi32> -> vector<16xi32>
          %min3A_242 = arith.minsi %min3A_238, %gather3A_241 : vector<16xi32>
          %slice3A_243 = vector.extract_strided_slice %min3A_242 {offsets = [0], sizes = [1], strides = [1]} : vector<16xi32> to vector<1xi32>
          %squeeze3A_244 = vector.extract %slice3A_243[0] : i32 from vector<1xi32>
          %mul3A_245 = arith.constant 16 : i32
          %mul3A_246 = arith.muli %squeeze3A_244, %mul3A_245 : i32
          %get3A_247 = arith.index_cast %scan3A_132 : i32 to index
          %get3A_248 = arith.index_cast %mul3A_246 : i32 to index
          %get3A_249 = tpu.vector_load %arg9[%get3A_247, %get3A_248] {strides = array<i32>} : memref<4x1024xf32, #tpu.memory_space<vmem>>, vector<1x16xf32>,
          %get3A_250 = vector.shape_cast %get3A_249 : vector<1x16xf32> to vector<16xf32>
          %eq3A_251 = vector.broadcast %squeeze3A_195 : f32 to vector<16xf32>
          %eq3A_252 = arith.cmpf oeq, %get3A_250, %eq3A_251 : vector<16xf32>
          %jit3A_253 = arith.constant 1073741824 : i32
          %broadcast_in_dim3A_254 = vector.broadcast %jit3A_253 : i32 to vector<16xi32>
          %select_n3A_255 = arith.select %eq3A_252, %iota3A, %broadcast_in_dim3A_254 : vector<16xi1>, vector<16xi32>
          %broadcast_in_dim3A_256 = vector.shape_cast %xor3A_22 : vector<16xi32> to vector<16x1xi32>
          %gather3A_257 = vector.shape_cast %broadcast_in_dim3A_256 : vector<16x1xi32> to vector<16xi32>
          %gather3A_258 = tpu.dynamic_gather %select_n3A_255[%gather3A_257] in [0] : vector<16xi32>, vector<16xi32> -> vector<16xi32>
          %min3A_259 = arith.minsi %select_n3A_255, %gather3A_258 : vector<16xi32>
          %broadcast_in_dim3A_260 = vector.shape_cast %xor3A_25 : vector<16xi32> to vector<16x1xi32>
          %gather3A_261 = vector.shape_cast %broadcast_in_dim3A_260 : vector<16x1xi32> to vector<16xi32>
          %gather3A_262 = tpu.dynamic_gather %min3A_259[%gather3A_261] in [0] : vector<16xi32>, vector<16xi32> -> vector<16xi32>
          %min3A_263 = arith.minsi %min3A_259, %gather3A_262 : vector<16xi32>
          %broadcast_in_dim3A_264 = vector.shape_cast %xor3A_28 : vector<16xi32> to vector<16x1xi32>
          %gather3A_265 = vector.shape_cast %broadcast_in_dim3A_264 : vector<16x1xi32> to vector<16xi32>
          %gather3A_266 = tpu.dynamic_gather %min3A_263[%gather3A_265] in [0] : vector<16xi32>, vector<16xi32> -> vector<16xi32>
          %min3A_267 = arith.minsi %min3A_263, %gather3A_266 : vector<16xi32>
          %broadcast_in_dim3A_268 = vector.shape_cast %xor3A_31 : vector<16xi32> to vector<16x1xi32>
          %gather3A_269 = vector.shape_cast %broadcast_in_dim3A_268 : vector<16x1xi32> to vector<16xi32>
          %gather3A_270 = tpu.dynamic_gather %min3A_267[%gather3A_269] in [0] : vector<16xi32>, vector<16xi32> -> vector<16xi32>
          %min3A_271 = arith.minsi %min3A_267, %gather3A_270 : vector<16xi32>
          %slice3A_272 = vector.extract_strided_slice %min3A_271 {offsets = [0], sizes = [1], strides = [1]} : vector<16xi32> to vector<1xi32>
          %squeeze3A_273 = vector.extract %slice3A_272[0] : i32 from vector<1xi32>
          %mul3A_274 = arith.constant 16 : i32
          %mul3A_275 = arith.muli %squeeze3A_244, %mul3A_274 : i32
          %add3A_276 = arith.addi %mul3A_275, %squeeze3A_273 : i32
          %mul3A_277 = arith.constant 40 : i32
          %mul3A_278 = arith.muli %scan3A_132, %mul3A_277 : i32
          %add3A_279 = arith.addi %mul3A_278, %scan3A_159 : i32
          %shift_right_arithmetic3A = arith.constant 3 : i32
          %shift_right_arithmetic3A_280 = arith.shrsi %add3A_279, %shift_right_arithmetic3A : i32
          %shift_left3A = arith.constant 3 : i32
          %shift_left3A_281 = arith.shli %shift_right_arithmetic3A_280, %shift_left3A : i32
          %get3A_282 = arith.index_cast %shift_left3A_281 : i32 to index
          %get3A_283 = tpu.vector_load %arg11[%get3A_282] {strides = array<i32>} : memref<160xi32, #tpu.memory_space<vmem>>, vector<16xi32>,
          %get3A_284 = vector.shape_cast %get3A_283 : vector<16xi32> to vector<16xi32>
          %sub3A_285 = arith.subi %add3A_279, %shift_left3A_281 : i32
          %eq3A_286 = vector.broadcast %sub3A_285 : i32 to vector<16xi32>
          %eq3A_287 = arith.cmpi eq, %iota3A, %eq3A_286 : vector<16xi32>
          %add3A_288 = arith.addi %add3A_276, %mul3A_20 : i32
          %broadcast_in_dim3A_289 = vector.broadcast %add3A_288 : i32 to vector<16xi32>
          %select_n3A_290 = arith.select %eq3A_287, %broadcast_in_dim3A_289, %get3A_284 : vector<16xi1>, vector<16xi32>
          %swap3A_291 = arith.index_cast %shift_left3A_281 : i32 to index
          %swap3A_292 = tpu.vector_load %arg11[%swap3A_291] {strides = array<i32>} : memref<160xi32, #tpu.memory_space<vmem>>, vector<16xi32>,
          %swap3A_293 = vector.shape_cast %swap3A_292 : vector<16xi32> to vector<16xi32>
          %swap3A_294 = vector.shape_cast %select_n3A_290 : vector<16xi32> to vector<16xi32>
          tpu.vector_store %arg11[%swap3A_291], %swap3A_294 {strides = array<i32>} : memref<160xi32, #tpu.memory_space<vmem>>, vector<16xi32>,
          %eq3A_295 = vector.broadcast %squeeze3A_273 : i32 to vector<16xi32>
          %eq3A_296 = arith.cmpi eq, %iota3A, %eq3A_295 : vector<16xi32>
          %jit3A_297 = arith.constant 0x7F800000 : f32
          %broadcast_in_dim3A_298 = vector.broadcast %jit3A_297 : f32 to vector<16xf32>
          %select_n3A_299 = arith.select %eq3A_296, %broadcast_in_dim3A_298, %get3A_250 : vector<16xi1>, vector<16xf32>
          %mul3A_300 = arith.constant 16 : i32
          %mul3A_301 = arith.muli %squeeze3A_244, %mul3A_300 : i32
          %swap3A_302 = arith.index_cast %scan3A_132 : i32 to index
          %swap3A_303 = arith.index_cast %mul3A_301 : i32 to index
          %swap3A_304 = tpu.vector_load %arg9[%swap3A_302, %swap3A_303] {strides = array<i32>} : memref<4x1024xf32, #tpu.memory_space<vmem>>, vector<1x16xf32>,
          %swap3A_305 = vector.shape_cast %swap3A_304 : vector<1x16xf32> to vector<16xf32>
          %swap3A_306 = vector.shape_cast %select_n3A_299 : vector<16xf32> to vector<1x16xf32>
          tpu.vector_store %arg9[%swap3A_302, %swap3A_303], %swap3A_306 {strides = array<i32>} : memref<4x1024xf32, #tpu.memory_space<vmem>>, vector<1x16xf32>,
          %shift_right_arithmetic3A_307 = arith.constant 4 : i32
          %shift_right_arithmetic3A_308 = arith.shrsi %squeeze3A_244, %shift_right_arithmetic3A_307 : i32
          %shift_left3A_309 = arith.constant 4 : i32
          %shift_left3A_310 = arith.shli %shift_right_arithmetic3A_308, %shift_left3A_309 : i32
          %get3A_311 = arith.index_cast %scan3A_132 : i32 to index
          %get3A_312 = arith.index_cast %shift_left3A_310 : i32 to index
          %get3A_313 = tpu.vector_load %arg10[%get3A_311, %get3A_312] {strides = array<i32>} : memref<4x128xf32, #tpu.memory_space<vmem>>, vector<1x16xf32>,
          %get3A_314 = vector.shape_cast %get3A_313 : vector<1x16xf32> to vector<16xf32>
          %sub3A_315 = arith.subi %squeeze3A_244, %shift_left3A_310 : i32
          %eq3A_316 = vector.broadcast %sub3A_315 : i32 to vector<16xi32>
          %eq3A_317 = arith.cmpi eq, %iota3A, %eq3A_316 : vector<16xi32>
          %broadcast_in_dim3A_318 = vector.shape_cast %xor3A_22 : vector<16xi32> to vector<16x1xi32>
          %gather3A_319 = vector.shape_cast %broadcast_in_dim3A_318 : vector<16x1xi32> to vector<16xi32>
          %gather3A_320 = tpu.dynamic_gather %select_n3A_299[%gather3A_319] in [0] : vector<16xf32>, vector<16xi32> -> vector<16xf32>
          %min3A_321 = arith.minimumf %select_n3A_299, %gather3A_320 : vector<16xf32>
          %broadcast_in_dim3A_322 = vector.shape_cast %xor3A_25 : vector<16xi32> to vector<16x1xi32>
          %gather3A_323 = vector.shape_cast %broadcast_in_dim3A_322 : vector<16x1xi32> to vector<16xi32>
          %gather3A_324 = tpu.dynamic_gather %min3A_321[%gather3A_323] in [0] : vector<16xf32>, vector<16xi32> -> vector<16xf32>
          %min3A_325 = arith.minimumf %min3A_321, %gather3A_324 : vector<16xf32>
          %broadcast_in_dim3A_326 = vector.shape_cast %xor3A_28 : vector<16xi32> to vector<16x1xi32>
          %gather3A_327 = vector.shape_cast %broadcast_in_dim3A_326 : vector<16x1xi32> to vector<16xi32>
          %gather3A_328 = tpu.dynamic_gather %min3A_325[%gather3A_327] in [0] : vector<16xf32>, vector<16xi32> -> vector<16xf32>
          %min3A_329 = arith.minimumf %min3A_325, %gather3A_328 : vector<16xf32>
          %broadcast_in_dim3A_330 = vector.shape_cast %xor3A_31 : vector<16xi32> to vector<16x1xi32>
          %gather3A_331 = vector.shape_cast %broadcast_in_dim3A_330 : vector<16x1xi32> to vector<16xi32>
          %gather3A_332 = tpu.dynamic_gather %min3A_329[%gather3A_331] in [0] : vector<16xf32>, vector<16xi32> -> vector<16xf32>
          %min3A_333 = arith.minimumf %min3A_329, %gather3A_332 : vector<16xf32>
          %slice3A_334 = vector.extract_strided_slice %min3A_333 {offsets = [0], sizes = [1], strides = [1]} : vector<16xf32> to vector<1xf32>
          %squeeze3A_335 = vector.extract %slice3A_334[0] : f32 from vector<1xf32>
          %broadcast_in_dim3A_336 = vector.broadcast %squeeze3A_335 : f32 to vector<16xf32>
          %select_n3A_337 = arith.select %eq3A_317, %broadcast_in_dim3A_336, %get3A_314 : vector<16xi1>, vector<16xf32>
          %swap3A_338 = arith.index_cast %scan3A_132 : i32 to index
          %swap3A_339 = arith.index_cast %shift_left3A_310 : i32 to index
          %swap3A_340 = tpu.vector_load %arg10[%swap3A_338, %swap3A_339] {strides = array<i32>} : memref<4x128xf32, #tpu.memory_space<vmem>>, vector<1x16xf32>,
          %swap3A_341 = vector.shape_cast %swap3A_340 : vector<1x16xf32> to vector<16xf32>
          %swap3A_342 = vector.shape_cast %select_n3A_337 : vector<16xf32> to vector<1x16xf32>
          tpu.vector_store %arg10[%swap3A_338, %swap3A_339], %swap3A_342 {strides = array<i32>} : memref<4x128xf32, #tpu.memory_space<vmem>>, vector<1x16xf32>,
          %scan3A_343 = arith.constant 0 : i32
          scf.yield %scan3A_343 : i32
        }
        %scan3A_140 = arith.constant 33 : i32
        %mul3A_141 = arith.constant 40 : i32
        %mul3A_142 = arith.muli %scan3A_132, %mul3A_141 : i32
        %get3A = arith.index_cast %mul3A_142 : i32 to index
        %get3A_143 = tpu.vector_load %arg11[%get3A] {strides = array<i32>} : memref<160xi32, #tpu.memory_space<vmem>>, vector<16xi32>,
        %get3A_144 = vector.shape_cast %get3A_143 : vector<16xi32> to vector<16xi32>
        %slice3A = vector.extract_strided_slice %get3A_144 {offsets = [0], sizes = [1], strides = [1]} : vector<16xi32> to vector<1xi32>
        %squeeze3A = vector.extract %slice3A[0] : i32 from vector<1xi32>
        %mul3A_145 = arith.constant 40 : i32
        %mul3A_146 = arith.muli %scan3A_132, %mul3A_145 : i32
        %add3A_147 = arith.constant 24 : i32
        %add3A_148 = arith.addi %mul3A_146, %add3A_147 : i32
        %get3A_149 = arith.index_cast %add3A_148 : i32 to index
        %get3A_150 = tpu.vector_load %arg11[%get3A_149] {strides = array<i32>} : memref<160xi32, #tpu.memory_space<vmem>>, vector<16xi32>,
        %get3A_151 = vector.shape_cast %get3A_150 : vector<16xi32> to vector<16xi32>
        %ge3A = arith.constant 9 : i32
        %ge3A_152 = vector.broadcast %ge3A : i32 to vector<16xi32>
        %ge3A_153 = arith.cmpi sge, %iota3A, %ge3A_152 : vector<16xi32>
        %broadcast_in_dim3A = vector.broadcast %squeeze3A : i32 to vector<16xi32>
        %select_n3A_154 = arith.select %ge3A_153, %broadcast_in_dim3A, %get3A_151 : vector<16xi1>, vector<16xi32>
        %swap3A = arith.index_cast %add3A_148 : i32 to index
        %swap3A_155 = tpu.vector_load %arg11[%swap3A] {strides = array<i32>} : memref<160xi32, #tpu.memory_space<vmem>>, vector<16xi32>,
        %swap3A_156 = vector.shape_cast %swap3A_155 : vector<16xi32> to vector<16xi32>
        %swap3A_157 = vector.shape_cast %select_n3A_154 : vector<16xi32> to vector<16xi32>
        tpu.vector_store %arg11[%swap3A], %swap3A_157 {strides = array<i32>} : memref<160xi32, #tpu.memory_space<vmem>>, vector<16xi32>,
        %scan3A_158 = arith.constant 0 : i32
        scf.yield %scan3A_158 : i32
      }
      %scan3A_86 = arith.constant 4 : i32
      %mul3A_87 = arith.constant 40 : i32
      %mul3A_88 = arith.muli %add3A_79, %mul3A_87 : i32
      "tpu.region"() ({
        %run_scoped3A = tpu.sem_alloc : memref<!tpu.dma_semaphore, #tpu.memory_space<semaphore_mem>>
        %dma_start3A_132 = tpu.memref_slice %arg6[%mul3A_88] : memref<163840xi32, #tpu.memory_space<hbm>> -> memref<160xi32, #tpu.memory_space<hbm>>
        %dma_start3A_133 = tpu.memref_slice %arg6[%mul3A_88] : memref<163840xi32, #tpu.memory_space<hbm>> -> memref<160xi32, #tpu.memory_space<hbm>>
        tpu.enqueue_dma source(%arg11 : memref<160xi32, #tpu.memory_space<vmem>>) target(%dma_start3A_133 : memref<160xi32, #tpu.memory_space<hbm>>) target_semaphore(%run_scoped3A : memref<!tpu.dma_semaphore, #tpu.memory_space<semaphore_mem>>)
        %dma_wait3A_134 = tpu.memref_slice %arg6[%mul3A_88] : memref<163840xi32, #tpu.memory_space<hbm>> -> memref<160xi32, #tpu.memory_space<hbm>>
        %dma_wait3A_135 = tpu.memref_slice %arg6[%mul3A_88] : memref<163840xi32, #tpu.memory_space<hbm>> -> memref<160xi32, #tpu.memory_space<hbm>>
        tpu.wait_dma2 semaphore(%run_scoped3A : memref<!tpu.dma_semaphore, #tpu.memory_space<semaphore_mem>>) src(%arg11 : memref<160xi32, #tpu.memory_space<vmem>>) dst(%dma_wait3A_135 : memref<160xi32, #tpu.memory_space<hbm>>)
        tpu.yield
      }) : () -> ()
      %gt3A_89 = arith.constant 0 : i32
      %gt3A_90 = arith.cmpi sgt, %scan3A_69, %gt3A_89 : i32
      %convert_element_type3A_91 = arith.extui %gt3A_90 : i1 to i32
      %cond3A_92 = arith.constant 0 : i32
      %cond3A_93 = arith.cmpi ne, %convert_element_type3A_91, %cond3A_92 : i32
      scf.if %cond3A_93 {
        %dma_wait3A_132 = arith.constant 0 : i32
        %dma_wait3A_133 = arith.constant 0 : i32
        %dma_wait3A_134 = tpu.memref_slice %arg7[%dma_wait3A_132, %dma_wait3A_133] : memref<163840x128xf32, #tpu.memory_space<hbm>> -> memref<160x128xf32, #tpu.memory_space<hbm>>
        %dma_wait3A_135 = arith.constant 0 : i32
        %dma_wait3A_136 = arith.constant 0 : i32
        %dma_wait3A_137 = tpu.memref_slice %arg7[%dma_wait3A_135, %dma_wait3A_136] : memref<163840x128xf32, #tpu.memory_space<hbm>> -> memref<160x128xf32, #tpu.memory_space<hbm>>
        tpu.wait_dma2 semaphore(%arg19 : memref<!tpu.dma_semaphore, #tpu.memory_space<semaphore_mem>>) src(%arg13 : memref<160x128xf32, #tpu.memory_space<vmem>>) dst(%dma_wait3A_137 : memref<160x128xf32, #tpu.memory_space<hbm>>)
        %dma_wait3A_138 = arith.constant 0 : i32
        %dma_wait3A_139 = arith.constant 0 : i32
        %dma_wait3A_140 = tpu.memref_slice %arg8[%dma_wait3A_138, %dma_wait3A_139] : memref<163840x128xf32, #tpu.memory_space<hbm>> -> memref<160x128xf32, #tpu.memory_space<hbm>>
        %dma_wait3A_141 = arith.constant 0 : i32
        %dma_wait3A_142 = arith.constant 0 : i32
        %dma_wait3A_143 = tpu.memref_slice %arg8[%dma_wait3A_141, %dma_wait3A_142] : memref<163840x128xf32, #tpu.memory_space<hbm>> -> memref<160x128xf32, #tpu.memory_space<hbm>>
        tpu.wait_dma2 semaphore(%arg19 : memref<!tpu.dma_semaphore, #tpu.memory_space<semaphore_mem>>) src(%arg14 : memref<160x128xf32, #tpu.memory_space<vmem>>) dst(%dma_wait3A_143 : memref<160x128xf32, #tpu.memory_space<hbm>>)
      } else {
      }
      %dma_start3A = arith.constant 0 : i32
      %dma_start3A_94 = arith.constant 0 : i32
      %dma_start3A_95 = tpu.memref_slice %arg4[%dma_start3A, %dma_start3A_94] : memref<4096x128xf32, #tpu.memory_space<hbm>> -> memref<4096x128xf32, #tpu.memory_space<hbm>>
      tpu.enqueue_indirect_dma source(%dma_start3A_95 : memref<4096x128xf32, #tpu.memory_space<hbm>>) target(%arg13 : memref<160x128xf32, #tpu.memory_space<vmem>>) offsets(%arg11 : memref<160xi32, #tpu.memory_space<vmem>>) semaphore(%arg17 : memref<!tpu.dma_semaphore, #tpu.memory_space<semaphore_mem>>)
      %dma_start3A_96 = arith.constant 0 : i32
      %dma_start3A_97 = arith.constant 0 : i32
      %dma_start3A_98 = tpu.memref_slice %arg5[%dma_start3A_96, %dma_start3A_97] : memref<4096x128xf32, #tpu.memory_space<hbm>> -> memref<4096x128xf32, #tpu.memory_space<hbm>>
      tpu.enqueue_indirect_dma source(%dma_start3A_98 : memref<4096x128xf32, #tpu.memory_space<hbm>>) target(%arg14 : memref<160x128xf32, #tpu.memory_space<vmem>>) offsets(%arg11 : memref<160xi32, #tpu.memory_space<vmem>>) semaphore(%arg17 : memref<!tpu.dma_semaphore, #tpu.memory_space<semaphore_mem>>)
      %mul3A_99 = arith.constant 2 : i32
      %mul3A_100 = arith.muli %scan3A_69, %mul3A_99 : i32
      %add3A_101 = arith.constant 1 : i32
      %add3A_102 = arith.addi %mul3A_100, %add3A_101 : i32
      %gt3A_103 = arith.constant 0 : i32
      %gt3A_104 = arith.cmpi sgt, %scan3A_69, %gt3A_103 : i32
      %convert_element_type3A_105 = arith.extui %gt3A_104 : i1 to i32
      %cond3A_106 = arith.constant 0 : i32
      %cond3A_107 = arith.cmpi ne, %convert_element_type3A_105, %cond3A_106 : i32
      scf.if %cond3A_107 {
        %sub3A_132 = arith.constant 2 : i32
        %sub3A_133 = arith.subi %add3A_102, %sub3A_132 : i32
        %mul3A_134 = arith.constant 4 : i32
        %mul3A_135 = arith.muli %sub3A_133, %mul3A_134 : i32
        %add3A_136 = arith.addi %mul3A_2, %mul3A_135 : i32
        %mul3A_137 = arith.constant 40 : i32
        %mul3A_138 = arith.muli %add3A_136, %mul3A_137 : i32
        %dma_wait3A_139 = arith.constant 0 : i32
        %dma_wait3A_140 = arith.constant 0 : i32
        %dma_wait3A_141 = tpu.memref_slice %arg4[%dma_wait3A_139, %dma_wait3A_140] : memref<4096x128xf32, #tpu.memory_space<hbm>> -> memref<160x128xf32, #tpu.memory_space<hbm>>
        %dma_wait3A_142 = arith.constant 0 : i32
        %dma_wait3A_143 = arith.constant 0 : i32
        %dma_wait3A_144 = tpu.memref_slice %arg4[%dma_wait3A_142, %dma_wait3A_143] : memref<4096x128xf32, #tpu.memory_space<hbm>> -> memref<160x128xf32, #tpu.memory_space<hbm>>
        tpu.wait_dma2 semaphore(%arg18 : memref<!tpu.dma_semaphore, #tpu.memory_space<semaphore_mem>>) src(%dma_wait3A_144 : memref<160x128xf32, #tpu.memory_space<hbm>>) dst(%arg15 : memref<160x128xf32, #tpu.memory_space<vmem>>)
        %dma_wait3A_145 = arith.constant 0 : i32
        %dma_wait3A_146 = arith.constant 0 : i32
        %dma_wait3A_147 = tpu.memref_slice %arg5[%dma_wait3A_145, %dma_wait3A_146] : memref<4096x128xf32, #tpu.memory_space<hbm>> -> memref<160x128xf32, #tpu.memory_space<hbm>>
        %dma_wait3A_148 = arith.constant 0 : i32
        %dma_wait3A_149 = arith.constant 0 : i32
        %dma_wait3A_150 = tpu.memref_slice %arg5[%dma_wait3A_148, %dma_wait3A_149] : memref<4096x128xf32, #tpu.memory_space<hbm>> -> memref<160x128xf32, #tpu.memory_space<hbm>>
        tpu.wait_dma2 semaphore(%arg18 : memref<!tpu.dma_semaphore, #tpu.memory_space<semaphore_mem>>) src(%dma_wait3A_150 : memref<160x128xf32, #tpu.memory_space<hbm>>) dst(%arg16 : memref<160x128xf32, #tpu.memory_space<vmem>>)
        %dma_start3A_151 = arith.constant 0 : i32
        %dma_start3A_152 = tpu.memref_slice %arg7[%mul3A_138, %dma_start3A_151] : memref<163840x128xf32, #tpu.memory_space<hbm>> -> memref<160x128xf32, #tpu.memory_space<hbm>>
        %dma_start3A_153 = arith.constant 0 : i32
        %dma_start3A_154 = tpu.memref_slice %arg7[%mul3A_138, %dma_start3A_153] : memref<163840x128xf32, #tpu.memory_space<hbm>> -> memref<160x128xf32, #tpu.memory_space<hbm>>
        tpu.enqueue_dma source(%arg15 : memref<160x128xf32, #tpu.memory_space<vmem>>) target(%dma_start3A_154 : memref<160x128xf32, #tpu.memory_space<hbm>>) target_semaphore(%arg20 : memref<!tpu.dma_semaphore, #tpu.memory_space<semaphore_mem>>)
        %dma_start3A_155 = arith.constant 0 : i32
        %dma_start3A_156 = tpu.memref_slice %arg8[%mul3A_138, %dma_start3A_155] : memref<163840x128xf32, #tpu.memory_space<hbm>> -> memref<160x128xf32, #tpu.memory_space<hbm>>
        %dma_start3A_157 = arith.constant 0 : i32
        %dma_start3A_158 = tpu.memref_slice %arg8[%mul3A_138, %dma_start3A_157] : memref<163840x128xf32, #tpu.memory_space<hbm>> -> memref<160x128xf32, #tpu.memory_space<hbm>>
        tpu.enqueue_dma source(%arg16 : memref<160x128xf32, #tpu.memory_space<vmem>>) target(%dma_start3A_158 : memref<160x128xf32, #tpu.memory_space<hbm>>) target_semaphore(%arg20 : memref<!tpu.dma_semaphore, #tpu.memory_space<semaphore_mem>>)
      } else {
      }
      %mul3A_108 = arith.constant 4 : i32
      %mul3A_109 = arith.muli %add3A_102, %mul3A_108 : i32
      %add3A_110 = arith.addi %mul3A_2, %mul3A_109 : i32
      "tpu.region"() ({
        %run_scoped3A = tpu.sem_alloc : memref<!tpu.dma_semaphore, #tpu.memory_space<semaphore_mem>>
        %dma_start3A_132 = arith.constant 0 : i32
        %dma_start3A_133 = tpu.memref_slice %arg2[%add3A_110, %dma_start3A_132] : memref<4096x1024xf32, #tpu.memory_space<hbm>> -> memref<4x1024xf32, #tpu.memory_space<hbm>>
        %dma_start3A_134 = arith.constant 0 : i32
        %dma_start3A_135 = tpu.memref_slice %arg2[%add3A_110, %dma_start3A_134] : memref<4096x1024xf32, #tpu.memory_space<hbm>> -> memref<4x1024xf32, #tpu.memory_space<hbm>>
        tpu.enqueue_dma source(%dma_start3A_135 : memref<4x1024xf32, #tpu.memory_space<hbm>>) target(%arg9 : memref<4x1024xf32, #tpu.memory_space<vmem>>) target_semaphore(%run_scoped3A : memref<!tpu.dma_semaphore, #tpu.memory_space<semaphore_mem>>)
        %dma_wait3A_136 = arith.constant 0 : i32
        %dma_wait3A_137 = tpu.memref_slice %arg2[%add3A_110, %dma_wait3A_136] : memref<4096x1024xf32, #tpu.memory_space<hbm>> -> memref<4x1024xf32, #tpu.memory_space<hbm>>
        %dma_wait3A_138 = arith.constant 0 : i32
        %dma_wait3A_139 = tpu.memref_slice %arg2[%add3A_110, %dma_wait3A_138] : memref<4096x1024xf32, #tpu.memory_space<hbm>> -> memref<4x1024xf32, #tpu.memory_space<hbm>>
        tpu.wait_dma2 semaphore(%run_scoped3A : memref<!tpu.dma_semaphore, #tpu.memory_space<semaphore_mem>>) src(%dma_wait3A_139 : memref<4x1024xf32, #tpu.memory_space<hbm>>) dst(%arg9 : memref<4x1024xf32, #tpu.memory_space<vmem>>)
        tpu.yield
      }) : () -> ()
      "tpu.region"() ({
        %run_scoped3A = tpu.sem_alloc : memref<!tpu.dma_semaphore, #tpu.memory_space<semaphore_mem>>
        %dma_start3A_132 = arith.constant 0 : i32
        %dma_start3A_133 = tpu.memref_slice %arg3[%add3A_110, %dma_start3A_132] : memref<4096x128xf32, #tpu.memory_space<hbm>> -> memref<4x128xf32, #tpu.memory_space<hbm>>
        %dma_start3A_134 = arith.constant 0 : i32
        %dma_start3A_135 = tpu.memref_slice %arg3[%add3A_110, %dma_start3A_134] : memref<4096x128xf32, #tpu.memory_space<hbm>> -> memref<4x128xf32, #tpu.memory_space<hbm>>
        tpu.enqueue_dma source(%dma_start3A_135 : memref<4x128xf32, #tpu.memory_space<hbm>>) target(%arg10 : memref<4x128xf32, #tpu.memory_space<vmem>>) target_semaphore(%run_scoped3A : memref<!tpu.dma_semaphore, #tpu.memory_space<semaphore_mem>>)
        %dma_wait3A_136 = arith.constant 0 : i32
        %dma_wait3A_137 = tpu.memref_slice %arg3[%add3A_110, %dma_wait3A_136] : memref<4096x128xf32, #tpu.memory_space<hbm>> -> memref<4x128xf32, #tpu.memory_space<hbm>>
        %dma_wait3A_138 = arith.constant 0 : i32
        %dma_wait3A_139 = tpu.memref_slice %arg3[%add3A_110, %dma_wait3A_138] : memref<4096x128xf32, #tpu.memory_space<hbm>> -> memref<4x128xf32, #tpu.memory_space<hbm>>
        tpu.wait_dma2 semaphore(%run_scoped3A : memref<!tpu.dma_semaphore, #tpu.memory_space<semaphore_mem>>) src(%dma_wait3A_139 : memref<4x128xf32, #tpu.memory_space<hbm>>) dst(%arg10 : memref<4x128xf32, #tpu.memory_space<vmem>>)
        tpu.yield
      }) : () -> ()
      %scan3A_111 = arith.constant 0 : i32
      %scan3A_112 = arith.constant 0 : i32
      %scan3A_113 = arith.constant 4 : i32
      %scan3A_114 = arith.addi %scan3A_112, %scan3A_113 : i32
      %scan3A_115 = arith.constant 1 : i32
      %scan3A_116 = scf.for %scan3A_132 = %scan3A_112 to %scan3A_114 step %scan3A_115 iter_args(%scan3A_133 = %scan3A_111) -> (i32)  : i32 {
        %scan3A_134 = arith.constant 0 : i32
        %scan3A_135 = arith.constant 0 : i32
        %scan3A_136 = arith.constant 33 : i32
        %scan3A_137 = arith.addi %scan3A_135, %scan3A_136 : i32
        %scan3A_138 = arith.constant 1 : i32
        %scan3A_139 = scf.for %scan3A_159 = %scan3A_135 to %scan3A_137 step %scan3A_138 iter_args(%scan3A_160 = %scan3A_134) -> (i32)  : i32 {
          %get3A_161 = arith.index_cast %scan3A_132 : i32 to index
          %get3A_162 = arith.constant 0 : index
          %get3A_163 = tpu.vector_load %arg10[%get3A_161, %get3A_162] {strides = array<i32>} : memref<4x128xf32, #tpu.memory_space<vmem>>, vector<1x16xf32>,
          %get3A_164 = vector.shape_cast %get3A_163 : vector<1x16xf32> to vector<16xf32>
          %get3A_165 = arith.index_cast %scan3A_132 : i32 to index
          %get3A_166 = arith.constant 16 : index
          %get3A_167 = tpu.vector_load %arg10[%get3A_165, %get3A_166] {strides = array<i32>} : memref<4x128xf32, #tpu.memory_space<vmem>>, vector<1x16xf32>,
          %get3A_168 = vector.shape_cast %get3A_167 : vector<1x16xf32> to vector<16xf32>
          %get3A_169 = arith.index_cast %scan3A_132 : i32 to index
          %get3A_170 = arith.constant 32 : index
          %get3A_171 = tpu.vector_load %arg10[%get3A_169, %get3A_170] {strides = array<i32>} : memref<4x128xf32, #tpu.memory_space<vmem>>, vector<1x16xf32>,
          %get3A_172 = vector.shape_cast %get3A_171 : vector<1x16xf32> to vector<16xf32>
          %get3A_173 = arith.index_cast %scan3A_132 : i32 to index
          %get3A_174 = arith.constant 48 : index
          %get3A_175 = tpu.vector_load %arg10[%get3A_173, %get3A_174] {strides = array<i32>} : memref<4x128xf32, #tpu.memory_space<vmem>>, vector<1x16xf32>,
          %get3A_176 = vector.shape_cast %get3A_175 : vector<1x16xf32> to vector<16xf32>
          %min3A = arith.minimumf %get3A_164, %get3A_168 : vector<16xf32>
          %min3A_177 = arith.minimumf %get3A_172, %get3A_176 : vector<16xf32>
          %min3A_178 = arith.minimumf %min3A, %min3A_177 : vector<16xf32>
          %broadcast_in_dim3A_179 = vector.shape_cast %xor3A_22 : vector<16xi32> to vector<16x1xi32>
          %gather3A = vector.shape_cast %broadcast_in_dim3A_179 : vector<16x1xi32> to vector<16xi32>
          %gather3A_180 = tpu.dynamic_gather %min3A_178[%gather3A] in [0] : vector<16xf32>, vector<16xi32> -> vector<16xf32>
          %min3A_181 = arith.minimumf %min3A_178, %gather3A_180 : vector<16xf32>
          %broadcast_in_dim3A_182 = vector.shape_cast %xor3A_25 : vector<16xi32> to vector<16x1xi32>
          %gather3A_183 = vector.shape_cast %broadcast_in_dim3A_182 : vector<16x1xi32> to vector<16xi32>
          %gather3A_184 = tpu.dynamic_gather %min3A_181[%gather3A_183] in [0] : vector<16xf32>, vector<16xi32> -> vector<16xf32>
          %min3A_185 = arith.minimumf %min3A_181, %gather3A_184 : vector<16xf32>
          %broadcast_in_dim3A_186 = vector.shape_cast %xor3A_28 : vector<16xi32> to vector<16x1xi32>
          %gather3A_187 = vector.shape_cast %broadcast_in_dim3A_186 : vector<16x1xi32> to vector<16xi32>
          %gather3A_188 = tpu.dynamic_gather %min3A_185[%gather3A_187] in [0] : vector<16xf32>, vector<16xi32> -> vector<16xf32>
          %min3A_189 = arith.minimumf %min3A_185, %gather3A_188 : vector<16xf32>
          %broadcast_in_dim3A_190 = vector.shape_cast %xor3A_31 : vector<16xi32> to vector<16x1xi32>
          %gather3A_191 = vector.shape_cast %broadcast_in_dim3A_190 : vector<16x1xi32> to vector<16xi32>
          %gather3A_192 = tpu.dynamic_gather %min3A_189[%gather3A_191] in [0] : vector<16xf32>, vector<16xi32> -> vector<16xf32>
          %min3A_193 = arith.minimumf %min3A_189, %gather3A_192 : vector<16xf32>
          %slice3A_194 = vector.extract_strided_slice %min3A_193 {offsets = [0], sizes = [1], strides = [1]} : vector<16xf32> to vector<1xf32>
          %squeeze3A_195 = vector.extract %slice3A_194[0] : f32 from vector<1xf32>
          %eq3A = vector.broadcast %squeeze3A_195 : f32 to vector<16xf32>
          %eq3A_196 = arith.cmpf oeq, %get3A_164, %eq3A : vector<16xf32>
          %jit3A_197 = arith.constant 1073741824 : i32
          %broadcast_in_dim3A_198 = vector.broadcast %jit3A_197 : i32 to vector<16xi32>
          %select_n3A_199 = arith.select %eq3A_196, %iota3A, %broadcast_in_dim3A_198 : vector<16xi1>, vector<16xi32>
          %eq3A_200 = vector.broadcast %squeeze3A_195 : f32 to vector<16xf32>
          %eq3A_201 = arith.cmpf oeq, %get3A_168, %eq3A_200 : vector<16xf32>
          %add3A_202 = arith.constant 16 : i32
          %add3A_203 = vector.broadcast %add3A_202 : i32 to vector<16xi32>
          %add3A_204 = arith.addi %iota3A, %add3A_203 : vector<16xi32>
          %jit3A_205 = arith.constant 1073741824 : i32
          %broadcast_in_dim3A_206 = vector.broadcast %jit3A_205 : i32 to vector<16xi32>
          %select_n3A_207 = arith.select %eq3A_201, %add3A_204, %broadcast_in_dim3A_206 : vector<16xi1>, vector<16xi32>
          %min3A_208 = arith.minsi %select_n3A_199, %select_n3A_207 : vector<16xi32>
          %eq3A_209 = vector.broadcast %squeeze3A_195 : f32 to vector<16xf32>
          %eq3A_210 = arith.cmpf oeq, %get3A_172, %eq3A_209 : vector<16xf32>
          %add3A_211 = arith.constant 32 : i32
          %add3A_212 = vector.broadcast %add3A_211 : i32 to vector<16xi32>
          %add3A_213 = arith.addi %iota3A, %add3A_212 : vector<16xi32>
          %jit3A_214 = arith.constant 1073741824 : i32
          %broadcast_in_dim3A_215 = vector.broadcast %jit3A_214 : i32 to vector<16xi32>
          %select_n3A_216 = arith.select %eq3A_210, %add3A_213, %broadcast_in_dim3A_215 : vector<16xi1>, vector<16xi32>
          %eq3A_217 = vector.broadcast %squeeze3A_195 : f32 to vector<16xf32>
          %eq3A_218 = arith.cmpf oeq, %get3A_176, %eq3A_217 : vector<16xf32>
          %add3A_219 = arith.constant 48 : i32
          %add3A_220 = vector.broadcast %add3A_219 : i32 to vector<16xi32>
          %add3A_221 = arith.addi %iota3A, %add3A_220 : vector<16xi32>
          %jit3A_222 = arith.constant 1073741824 : i32
          %broadcast_in_dim3A_223 = vector.broadcast %jit3A_222 : i32 to vector<16xi32>
          %select_n3A_224 = arith.select %eq3A_218, %add3A_221, %broadcast_in_dim3A_223 : vector<16xi1>, vector<16xi32>
          %min3A_225 = arith.minsi %select_n3A_216, %select_n3A_224 : vector<16xi32>
          %min3A_226 = arith.minsi %min3A_208, %min3A_225 : vector<16xi32>
          %broadcast_in_dim3A_227 = vector.shape_cast %xor3A_22 : vector<16xi32> to vector<16x1xi32>
          %gather3A_228 = vector.shape_cast %broadcast_in_dim3A_227 : vector<16x1xi32> to vector<16xi32>
          %gather3A_229 = tpu.dynamic_gather %min3A_226[%gather3A_228] in [0] : vector<16xi32>, vector<16xi32> -> vector<16xi32>
          %min3A_230 = arith.minsi %min3A_226, %gather3A_229 : vector<16xi32>
          %broadcast_in_dim3A_231 = vector.shape_cast %xor3A_25 : vector<16xi32> to vector<16x1xi32>
          %gather3A_232 = vector.shape_cast %broadcast_in_dim3A_231 : vector<16x1xi32> to vector<16xi32>
          %gather3A_233 = tpu.dynamic_gather %min3A_230[%gather3A_232] in [0] : vector<16xi32>, vector<16xi32> -> vector<16xi32>
          %min3A_234 = arith.minsi %min3A_230, %gather3A_233 : vector<16xi32>
          %broadcast_in_dim3A_235 = vector.shape_cast %xor3A_28 : vector<16xi32> to vector<16x1xi32>
          %gather3A_236 = vector.shape_cast %broadcast_in_dim3A_235 : vector<16x1xi32> to vector<16xi32>
          %gather3A_237 = tpu.dynamic_gather %min3A_234[%gather3A_236] in [0] : vector<16xi32>, vector<16xi32> -> vector<16xi32>
          %min3A_238 = arith.minsi %min3A_234, %gather3A_237 : vector<16xi32>
          %broadcast_in_dim3A_239 = vector.shape_cast %xor3A_31 : vector<16xi32> to vector<16x1xi32>
          %gather3A_240 = vector.shape_cast %broadcast_in_dim3A_239 : vector<16x1xi32> to vector<16xi32>
          %gather3A_241 = tpu.dynamic_gather %min3A_238[%gather3A_240] in [0] : vector<16xi32>, vector<16xi32> -> vector<16xi32>
          %min3A_242 = arith.minsi %min3A_238, %gather3A_241 : vector<16xi32>
          %slice3A_243 = vector.extract_strided_slice %min3A_242 {offsets = [0], sizes = [1], strides = [1]} : vector<16xi32> to vector<1xi32>
          %squeeze3A_244 = vector.extract %slice3A_243[0] : i32 from vector<1xi32>
          %mul3A_245 = arith.constant 16 : i32
          %mul3A_246 = arith.muli %squeeze3A_244, %mul3A_245 : i32
          %get3A_247 = arith.index_cast %scan3A_132 : i32 to index
          %get3A_248 = arith.index_cast %mul3A_246 : i32 to index
          %get3A_249 = tpu.vector_load %arg9[%get3A_247, %get3A_248] {strides = array<i32>} : memref<4x1024xf32, #tpu.memory_space<vmem>>, vector<1x16xf32>,
          %get3A_250 = vector.shape_cast %get3A_249 : vector<1x16xf32> to vector<16xf32>
          %eq3A_251 = vector.broadcast %squeeze3A_195 : f32 to vector<16xf32>
          %eq3A_252 = arith.cmpf oeq, %get3A_250, %eq3A_251 : vector<16xf32>
          %jit3A_253 = arith.constant 1073741824 : i32
          %broadcast_in_dim3A_254 = vector.broadcast %jit3A_253 : i32 to vector<16xi32>
          %select_n3A_255 = arith.select %eq3A_252, %iota3A, %broadcast_in_dim3A_254 : vector<16xi1>, vector<16xi32>
          %broadcast_in_dim3A_256 = vector.shape_cast %xor3A_22 : vector<16xi32> to vector<16x1xi32>
          %gather3A_257 = vector.shape_cast %broadcast_in_dim3A_256 : vector<16x1xi32> to vector<16xi32>
          %gather3A_258 = tpu.dynamic_gather %select_n3A_255[%gather3A_257] in [0] : vector<16xi32>, vector<16xi32> -> vector<16xi32>
          %min3A_259 = arith.minsi %select_n3A_255, %gather3A_258 : vector<16xi32>
          %broadcast_in_dim3A_260 = vector.shape_cast %xor3A_25 : vector<16xi32> to vector<16x1xi32>
          %gather3A_261 = vector.shape_cast %broadcast_in_dim3A_260 : vector<16x1xi32> to vector<16xi32>
          %gather3A_262 = tpu.dynamic_gather %min3A_259[%gather3A_261] in [0] : vector<16xi32>, vector<16xi32> -> vector<16xi32>
          %min3A_263 = arith.minsi %min3A_259, %gather3A_262 : vector<16xi32>
          %broadcast_in_dim3A_264 = vector.shape_cast %xor3A_28 : vector<16xi32> to vector<16x1xi32>
          %gather3A_265 = vector.shape_cast %broadcast_in_dim3A_264 : vector<16x1xi32> to vector<16xi32>
          %gather3A_266 = tpu.dynamic_gather %min3A_263[%gather3A_265] in [0] : vector<16xi32>, vector<16xi32> -> vector<16xi32>
          %min3A_267 = arith.minsi %min3A_263, %gather3A_266 : vector<16xi32>
          %broadcast_in_dim3A_268 = vector.shape_cast %xor3A_31 : vector<16xi32> to vector<16x1xi32>
          %gather3A_269 = vector.shape_cast %broadcast_in_dim3A_268 : vector<16x1xi32> to vector<16xi32>
          %gather3A_270 = tpu.dynamic_gather %min3A_267[%gather3A_269] in [0] : vector<16xi32>, vector<16xi32> -> vector<16xi32>
          %min3A_271 = arith.minsi %min3A_267, %gather3A_270 : vector<16xi32>
          %slice3A_272 = vector.extract_strided_slice %min3A_271 {offsets = [0], sizes = [1], strides = [1]} : vector<16xi32> to vector<1xi32>
          %squeeze3A_273 = vector.extract %slice3A_272[0] : i32 from vector<1xi32>
          %mul3A_274 = arith.constant 16 : i32
          %mul3A_275 = arith.muli %squeeze3A_244, %mul3A_274 : i32
          %add3A_276 = arith.addi %mul3A_275, %squeeze3A_273 : i32
          %mul3A_277 = arith.constant 40 : i32
          %mul3A_278 = arith.muli %scan3A_132, %mul3A_277 : i32
          %add3A_279 = arith.addi %mul3A_278, %scan3A_159 : i32
          %shift_right_arithmetic3A = arith.constant 3 : i32
          %shift_right_arithmetic3A_280 = arith.shrsi %add3A_279, %shift_right_arithmetic3A : i32
          %shift_left3A = arith.constant 3 : i32
          %shift_left3A_281 = arith.shli %shift_right_arithmetic3A_280, %shift_left3A : i32
          %get3A_282 = arith.index_cast %shift_left3A_281 : i32 to index
          %get3A_283 = tpu.vector_load %arg12[%get3A_282] {strides = array<i32>} : memref<160xi32, #tpu.memory_space<vmem>>, vector<16xi32>,
          %get3A_284 = vector.shape_cast %get3A_283 : vector<16xi32> to vector<16xi32>
          %sub3A_285 = arith.subi %add3A_279, %shift_left3A_281 : i32
          %eq3A_286 = vector.broadcast %sub3A_285 : i32 to vector<16xi32>
          %eq3A_287 = arith.cmpi eq, %iota3A, %eq3A_286 : vector<16xi32>
          %add3A_288 = arith.addi %add3A_276, %mul3A_20 : i32
          %broadcast_in_dim3A_289 = vector.broadcast %add3A_288 : i32 to vector<16xi32>
          %select_n3A_290 = arith.select %eq3A_287, %broadcast_in_dim3A_289, %get3A_284 : vector<16xi1>, vector<16xi32>
          %swap3A_291 = arith.index_cast %shift_left3A_281 : i32 to index
          %swap3A_292 = tpu.vector_load %arg12[%swap3A_291] {strides = array<i32>} : memref<160xi32, #tpu.memory_space<vmem>>, vector<16xi32>,
          %swap3A_293 = vector.shape_cast %swap3A_292 : vector<16xi32> to vector<16xi32>
          %swap3A_294 = vector.shape_cast %select_n3A_290 : vector<16xi32> to vector<16xi32>
          tpu.vector_store %arg12[%swap3A_291], %swap3A_294 {strides = array<i32>} : memref<160xi32, #tpu.memory_space<vmem>>, vector<16xi32>,
          %eq3A_295 = vector.broadcast %squeeze3A_273 : i32 to vector<16xi32>
          %eq3A_296 = arith.cmpi eq, %iota3A, %eq3A_295 : vector<16xi32>
          %jit3A_297 = arith.constant 0x7F800000 : f32
          %broadcast_in_dim3A_298 = vector.broadcast %jit3A_297 : f32 to vector<16xf32>
          %select_n3A_299 = arith.select %eq3A_296, %broadcast_in_dim3A_298, %get3A_250 : vector<16xi1>, vector<16xf32>
          %mul3A_300 = arith.constant 16 : i32
          %mul3A_301 = arith.muli %squeeze3A_244, %mul3A_300 : i32
          %swap3A_302 = arith.index_cast %scan3A_132 : i32 to index
          %swap3A_303 = arith.index_cast %mul3A_301 : i32 to index
          %swap3A_304 = tpu.vector_load %arg9[%swap3A_302, %swap3A_303] {strides = array<i32>} : memref<4x1024xf32, #tpu.memory_space<vmem>>, vector<1x16xf32>,
          %swap3A_305 = vector.shape_cast %swap3A_304 : vector<1x16xf32> to vector<16xf32>
          %swap3A_306 = vector.shape_cast %select_n3A_299 : vector<16xf32> to vector<1x16xf32>
          tpu.vector_store %arg9[%swap3A_302, %swap3A_303], %swap3A_306 {strides = array<i32>} : memref<4x1024xf32, #tpu.memory_space<vmem>>, vector<1x16xf32>,
          %shift_right_arithmetic3A_307 = arith.constant 4 : i32
          %shift_right_arithmetic3A_308 = arith.shrsi %squeeze3A_244, %shift_right_arithmetic3A_307 : i32
          %shift_left3A_309 = arith.constant 4 : i32
          %shift_left3A_310 = arith.shli %shift_right_arithmetic3A_308, %shift_left3A_309 : i32
          %get3A_311 = arith.index_cast %scan3A_132 : i32 to index
          %get3A_312 = arith.index_cast %shift_left3A_310 : i32 to index
          %get3A_313 = tpu.vector_load %arg10[%get3A_311, %get3A_312] {strides = array<i32>} : memref<4x128xf32, #tpu.memory_space<vmem>>, vector<1x16xf32>,
          %get3A_314 = vector.shape_cast %get3A_313 : vector<1x16xf32> to vector<16xf32>
          %sub3A_315 = arith.subi %squeeze3A_244, %shift_left3A_310 : i32
          %eq3A_316 = vector.broadcast %sub3A_315 : i32 to vector<16xi32>
          %eq3A_317 = arith.cmpi eq, %iota3A, %eq3A_316 : vector<16xi32>
          %broadcast_in_dim3A_318 = vector.shape_cast %xor3A_22 : vector<16xi32> to vector<16x1xi32>
          %gather3A_319 = vector.shape_cast %broadcast_in_dim3A_318 : vector<16x1xi32> to vector<16xi32>
          %gather3A_320 = tpu.dynamic_gather %select_n3A_299[%gather3A_319] in [0] : vector<16xf32>, vector<16xi32> -> vector<16xf32>
          %min3A_321 = arith.minimumf %select_n3A_299, %gather3A_320 : vector<16xf32>
          %broadcast_in_dim3A_322 = vector.shape_cast %xor3A_25 : vector<16xi32> to vector<16x1xi32>
          %gather3A_323 = vector.shape_cast %broadcast_in_dim3A_322 : vector<16x1xi32> to vector<16xi32>
          %gather3A_324 = tpu.dynamic_gather %min3A_321[%gather3A_323] in [0] : vector<16xf32>, vector<16xi32> -> vector<16xf32>
          %min3A_325 = arith.minimumf %min3A_321, %gather3A_324 : vector<16xf32>
          %broadcast_in_dim3A_326 = vector.shape_cast %xor3A_28 : vector<16xi32> to vector<16x1xi32>
          %gather3A_327 = vector.shape_cast %broadcast_in_dim3A_326 : vector<16x1xi32> to vector<16xi32>
          %gather3A_328 = tpu.dynamic_gather %min3A_325[%gather3A_327] in [0] : vector<16xf32>, vector<16xi32> -> vector<16xf32>
          %min3A_329 = arith.minimumf %min3A_325, %gather3A_328 : vector<16xf32>
          %broadcast_in_dim3A_330 = vector.shape_cast %xor3A_31 : vector<16xi32> to vector<16x1xi32>
          %gather3A_331 = vector.shape_cast %broadcast_in_dim3A_330 : vector<16x1xi32> to vector<16xi32>
          %gather3A_332 = tpu.dynamic_gather %min3A_329[%gather3A_331] in [0] : vector<16xf32>, vector<16xi32> -> vector<16xf32>
          %min3A_333 = arith.minimumf %min3A_329, %gather3A_332 : vector<16xf32>
          %slice3A_334 = vector.extract_strided_slice %min3A_333 {offsets = [0], sizes = [1], strides = [1]} : vector<16xf32> to vector<1xf32>
          %squeeze3A_335 = vector.extract %slice3A_334[0] : f32 from vector<1xf32>
          %broadcast_in_dim3A_336 = vector.broadcast %squeeze3A_335 : f32 to vector<16xf32>
          %select_n3A_337 = arith.select %eq3A_317, %broadcast_in_dim3A_336, %get3A_314 : vector<16xi1>, vector<16xf32>
          %swap3A_338 = arith.index_cast %scan3A_132 : i32 to index
          %swap3A_339 = arith.index_cast %shift_left3A_310 : i32 to index
          %swap3A_340 = tpu.vector_load %arg10[%swap3A_338, %swap3A_339] {strides = array<i32>} : memref<4x128xf32, #tpu.memory_space<vmem>>, vector<1x16xf32>,
          %swap3A_341 = vector.shape_cast %swap3A_340 : vector<1x16xf32> to vector<16xf32>
          %swap3A_342 = vector.shape_cast %select_n3A_337 : vector<16xf32> to vector<1x16xf32>
          tpu.vector_store %arg10[%swap3A_338, %swap3A_339], %swap3A_342 {strides = array<i32>} : memref<4x128xf32, #tpu.memory_space<vmem>>, vector<1x16xf32>,
          %scan3A_343 = arith.constant 0 : i32
          scf.yield %scan3A_343 : i32
        }
        %scan3A_140 = arith.constant 33 : i32
        %mul3A_141 = arith.constant 40 : i32
        %mul3A_142 = arith.muli %scan3A_132, %mul3A_141 : i32
        %get3A = arith.index_cast %mul3A_142 : i32 to index
        %get3A_143 = tpu.vector_load %arg12[%get3A] {strides = array<i32>} : memref<160xi32, #tpu.memory_space<vmem>>, vector<16xi32>,
        %get3A_144 = vector.shape_cast %get3A_143 : vector<16xi32> to vector<16xi32>
        %slice3A = vector.extract_strided_slice %get3A_144 {offsets = [0], sizes = [1], strides = [1]} : vector<16xi32> to vector<1xi32>
        %squeeze3A = vector.extract %slice3A[0] : i32 from vector<1xi32>
        %mul3A_145 = arith.constant 40 : i32
        %mul3A_146 = arith.muli %scan3A_132, %mul3A_145 : i32
        %add3A_147 = arith.constant 24 : i32
        %add3A_148 = arith.addi %mul3A_146, %add3A_147 : i32
        %get3A_149 = arith.index_cast %add3A_148 : i32 to index
        %get3A_150 = tpu.vector_load %arg12[%get3A_149] {strides = array<i32>} : memref<160xi32, #tpu.memory_space<vmem>>, vector<16xi32>,
        %get3A_151 = vector.shape_cast %get3A_150 : vector<16xi32> to vector<16xi32>
        %ge3A = arith.constant 9 : i32
        %ge3A_152 = vector.broadcast %ge3A : i32 to vector<16xi32>
        %ge3A_153 = arith.cmpi sge, %iota3A, %ge3A_152 : vector<16xi32>
        %broadcast_in_dim3A = vector.broadcast %squeeze3A : i32 to vector<16xi32>
        %select_n3A_154 = arith.select %ge3A_153, %broadcast_in_dim3A, %get3A_151 : vector<16xi1>, vector<16xi32>
        %swap3A = arith.index_cast %add3A_148 : i32 to index
        %swap3A_155 = tpu.vector_load %arg12[%swap3A] {strides = array<i32>} : memref<160xi32, #tpu.memory_space<vmem>>, vector<16xi32>,
        %swap3A_156 = vector.shape_cast %swap3A_155 : vector<16xi32> to vector<16xi32>
        %swap3A_157 = vector.shape_cast %select_n3A_154 : vector<16xi32> to vector<16xi32>
        tpu.vector_store %arg12[%swap3A], %swap3A_157 {strides = array<i32>} : memref<160xi32, #tpu.memory_space<vmem>>, vector<16xi32>,
        %scan3A_158 = arith.constant 0 : i32
        scf.yield %scan3A_158 : i32
      }
      %scan3A_117 = arith.constant 4 : i32
      %mul3A_118 = arith.constant 40 : i32
      %mul3A_119 = arith.muli %add3A_110, %mul3A_118 : i32
      "tpu.region"() ({
        %run_scoped3A = tpu.sem_alloc : memref<!tpu.dma_semaphore, #tpu.memory_space<semaphore_mem>>
        %dma_start3A_132 = tpu.memref_slice %arg6[%mul3A_119] : memref<163840xi32, #tpu.memory_space<hbm>> -> memref<160xi32, #tpu.memory_space<hbm>>
        %dma_start3A_133 = tpu.memref_slice %arg6[%mul3A_119] : memref<163840xi32, #tpu.memory_space<hbm>> -> memref<160xi32, #tpu.memory_space<hbm>>
        tpu.enqueue_dma source(%arg12 : memref<160xi32, #tpu.memory_space<vmem>>) target(%dma_start3A_133 : memref<160xi32, #tpu.memory_space<hbm>>) target_semaphore(%run_scoped3A : memref<!tpu.dma_semaphore, #tpu.memory_space<semaphore_mem>>)
        %dma_wait3A_134 = tpu.memref_slice %arg6[%mul3A_119] : memref<163840xi32, #tpu.memory_space<hbm>> -> memref<160xi32, #tpu.memory_space<hbm>>
        %dma_wait3A_135 = tpu.memref_slice %arg6[%mul3A_119] : memref<163840xi32, #tpu.memory_space<hbm>> -> memref<160xi32, #tpu.memory_space<hbm>>
        tpu.wait_dma2 semaphore(%run_scoped3A : memref<!tpu.dma_semaphore, #tpu.memory_space<semaphore_mem>>) src(%arg12 : memref<160xi32, #tpu.memory_space<vmem>>) dst(%dma_wait3A_135 : memref<160xi32, #tpu.memory_space<hbm>>)
        tpu.yield
      }) : () -> ()
      %gt3A_120 = arith.constant 0 : i32
      %gt3A_121 = arith.cmpi sgt, %scan3A_69, %gt3A_120 : i32
      %convert_element_type3A_122 = arith.extui %gt3A_121 : i1 to i32
      %cond3A_123 = arith.constant 0 : i32
      %cond3A_124 = arith.cmpi ne, %convert_element_type3A_122, %cond3A_123 : i32
      scf.if %cond3A_124 {
        %dma_wait3A_132 = arith.constant 0 : i32
        %dma_wait3A_133 = arith.constant 0 : i32
        %dma_wait3A_134 = tpu.memref_slice %arg7[%dma_wait3A_132, %dma_wait3A_133] : memref<163840x128xf32, #tpu.memory_space<hbm>> -> memref<160x128xf32, #tpu.memory_space<hbm>>
        %dma_wait3A_135 = arith.constant 0 : i32
        %dma_wait3A_136 = arith.constant 0 : i32
        %dma_wait3A_137 = tpu.memref_slice %arg7[%dma_wait3A_135, %dma_wait3A_136] : memref<163840x128xf32, #tpu.memory_space<hbm>> -> memref<160x128xf32, #tpu.memory_space<hbm>>
        tpu.wait_dma2 semaphore(%arg20 : memref<!tpu.dma_semaphore, #tpu.memory_space<semaphore_mem>>) src(%arg15 : memref<160x128xf32, #tpu.memory_space<vmem>>) dst(%dma_wait3A_137 : memref<160x128xf32, #tpu.memory_space<hbm>>)
        %dma_wait3A_138 = arith.constant 0 : i32
        %dma_wait3A_139 = arith.constant 0 : i32
        %dma_wait3A_140 = tpu.memref_slice %arg8[%dma_wait3A_138, %dma_wait3A_139] : memref<163840x128xf32, #tpu.memory_space<hbm>> -> memref<160x128xf32, #tpu.memory_space<hbm>>
        %dma_wait3A_141 = arith.constant 0 : i32
        %dma_wait3A_142 = arith.constant 0 : i32
        %dma_wait3A_143 = tpu.memref_slice %arg8[%dma_wait3A_141, %dma_wait3A_142] : memref<163840x128xf32, #tpu.memory_space<hbm>> -> memref<160x128xf32, #tpu.memory_space<hbm>>
        tpu.wait_dma2 semaphore(%arg20 : memref<!tpu.dma_semaphore, #tpu.memory_space<semaphore_mem>>) src(%arg16 : memref<160x128xf32, #tpu.memory_space<vmem>>) dst(%dma_wait3A_143 : memref<160x128xf32, #tpu.memory_space<hbm>>)
      } else {
      }
      %dma_start3A_125 = arith.constant 0 : i32
      %dma_start3A_126 = arith.constant 0 : i32
      %dma_start3A_127 = tpu.memref_slice %arg4[%dma_start3A_125, %dma_start3A_126] : memref<4096x128xf32, #tpu.memory_space<hbm>> -> memref<4096x128xf32, #tpu.memory_space<hbm>>
      tpu.enqueue_indirect_dma source(%dma_start3A_127 : memref<4096x128xf32, #tpu.memory_space<hbm>>) target(%arg15 : memref<160x128xf32, #tpu.memory_space<vmem>>) offsets(%arg12 : memref<160xi32, #tpu.memory_space<vmem>>) semaphore(%arg18 : memref<!tpu.dma_semaphore, #tpu.memory_space<semaphore_mem>>)
      %dma_start3A_128 = arith.constant 0 : i32
      %dma_start3A_129 = arith.constant 0 : i32
      %dma_start3A_130 = tpu.memref_slice %arg5[%dma_start3A_128, %dma_start3A_129] : memref<4096x128xf32, #tpu.memory_space<hbm>> -> memref<4096x128xf32, #tpu.memory_space<hbm>>
      tpu.enqueue_indirect_dma source(%dma_start3A_130 : memref<4096x128xf32, #tpu.memory_space<hbm>>) target(%arg16 : memref<160x128xf32, #tpu.memory_space<vmem>>) offsets(%arg12 : memref<160xi32, #tpu.memory_space<vmem>>) semaphore(%arg18 : memref<!tpu.dma_semaphore, #tpu.memory_space<semaphore_mem>>)
      %scan3A_131 = arith.constant 0 : i32
      scf.yield %scan3A_131 : i32
    }
    %scan3A_37 = arith.constant 16 : i32
    %add3A_38 = arith.constant 120 : i32
    %add3A_39 = arith.addi %mul3A_2, %add3A_38 : i32
    %mul3A_40 = arith.constant 40 : i32
    %mul3A_41 = arith.muli %add3A_39, %mul3A_40 : i32
    %dma_wait3A = arith.constant 0 : i32
    %dma_wait3A_42 = arith.constant 0 : i32
    %dma_wait3A_43 = tpu.memref_slice %arg4[%dma_wait3A, %dma_wait3A_42] : memref<4096x128xf32, #tpu.memory_space<hbm>> -> memref<160x128xf32, #tpu.memory_space<hbm>>
    %dma_wait3A_44 = arith.constant 0 : i32
    %dma_wait3A_45 = arith.constant 0 : i32
    %dma_wait3A_46 = tpu.memref_slice %arg4[%dma_wait3A_44, %dma_wait3A_45] : memref<4096x128xf32, #tpu.memory_space<hbm>> -> memref<160x128xf32, #tpu.memory_space<hbm>>
    tpu.wait_dma2 semaphore(%arg17 : memref<!tpu.dma_semaphore, #tpu.memory_space<semaphore_mem>>) src(%dma_wait3A_46 : memref<160x128xf32, #tpu.memory_space<hbm>>) dst(%arg13 : memref<160x128xf32, #tpu.memory_space<vmem>>)
    %dma_wait3A_47 = arith.constant 0 : i32
    %dma_wait3A_48 = arith.constant 0 : i32
    %dma_wait3A_49 = tpu.memref_slice %arg5[%dma_wait3A_47, %dma_wait3A_48] : memref<4096x128xf32, #tpu.memory_space<hbm>> -> memref<160x128xf32, #tpu.memory_space<hbm>>
    %dma_wait3A_50 = arith.constant 0 : i32
    %dma_wait3A_51 = arith.constant 0 : i32
    %dma_wait3A_52 = tpu.memref_slice %arg5[%dma_wait3A_50, %dma_wait3A_51] : memref<4096x128xf32, #tpu.memory_space<hbm>> -> memref<160x128xf32, #tpu.memory_space<hbm>>
    tpu.wait_dma2 semaphore(%arg17 : memref<!tpu.dma_semaphore, #tpu.memory_space<semaphore_mem>>) src(%dma_wait3A_52 : memref<160x128xf32, #tpu.memory_space<hbm>>) dst(%arg14 : memref<160x128xf32, #tpu.memory_space<vmem>>)
    "tpu.region"() ({
      %run_scoped3A = tpu.sem_alloc : memref<!tpu.dma_semaphore, #tpu.memory_space<semaphore_mem>>
      %dma_start3A = arith.constant 0 : i32
      %dma_start3A_69 = tpu.memref_slice %arg7[%mul3A_41, %dma_start3A] : memref<163840x128xf32, #tpu.memory_space<hbm>> -> memref<160x128xf32, #tpu.memory_space<hbm>>
      %dma_start3A_70 = arith.constant 0 : i32
      %dma_start3A_71 = tpu.memref_slice %arg7[%mul3A_41, %dma_start3A_70] : memref<163840x128xf32, #tpu.memory_space<hbm>> -> memref<160x128xf32, #tpu.memory_space<hbm>>
      tpu.enqueue_dma source(%arg13 : memref<160x128xf32, #tpu.memory_space<vmem>>) target(%dma_start3A_71 : memref<160x128xf32, #tpu.memory_space<hbm>>) target_semaphore(%run_scoped3A : memref<!tpu.dma_semaphore, #tpu.memory_space<semaphore_mem>>)
      %dma_wait3A_72 = arith.constant 0 : i32
      %dma_wait3A_73 = tpu.memref_slice %arg7[%mul3A_41, %dma_wait3A_72] : memref<163840x128xf32, #tpu.memory_space<hbm>> -> memref<160x128xf32, #tpu.memory_space<hbm>>
      %dma_wait3A_74 = arith.constant 0 : i32
      %dma_wait3A_75 = tpu.memref_slice %arg7[%mul3A_41, %dma_wait3A_74] : memref<163840x128xf32, #tpu.memory_space<hbm>> -> memref<160x128xf32, #tpu.memory_space<hbm>>
      tpu.wait_dma2 semaphore(%run_scoped3A : memref<!tpu.dma_semaphore, #tpu.memory_space<semaphore_mem>>) src(%arg13 : memref<160x128xf32, #tpu.memory_space<vmem>>) dst(%dma_wait3A_75 : memref<160x128xf32, #tpu.memory_space<hbm>>)
      tpu.yield
    }) : () -> ()
    "tpu.region"() ({
      %run_scoped3A = tpu.sem_alloc : memref<!tpu.dma_semaphore, #tpu.memory_space<semaphore_mem>>
      %dma_start3A = arith.constant 0 : i32
      %dma_start3A_69 = tpu.memref_slice %arg8[%mul3A_41, %dma_start3A] : memref<163840x128xf32, #tpu.memory_space<hbm>> -> memref<160x128xf32, #tpu.memory_space<hbm>>
      %dma_start3A_70 = arith.constant 0 : i32
      %dma_start3A_71 = tpu.memref_slice %arg8[%mul3A_41, %dma_start3A_70] : memref<163840x128xf32, #tpu.memory_space<hbm>> -> memref<160x128xf32, #tpu.memory_space<hbm>>
      tpu.enqueue_dma source(%arg14 : memref<160x128xf32, #tpu.memory_space<vmem>>) target(%dma_start3A_71 : memref<160x128xf32, #tpu.memory_space<hbm>>) target_semaphore(%run_scoped3A : memref<!tpu.dma_semaphore, #tpu.memory_space<semaphore_mem>>)
      %dma_wait3A_72 = arith.constant 0 : i32
      %dma_wait3A_73 = tpu.memref_slice %arg8[%mul3A_41, %dma_wait3A_72] : memref<163840x128xf32, #tpu.memory_space<hbm>> -> memref<160x128xf32, #tpu.memory_space<hbm>>
      %dma_wait3A_74 = arith.constant 0 : i32
      %dma_wait3A_75 = tpu.memref_slice %arg8[%mul3A_41, %dma_wait3A_74] : memref<163840x128xf32, #tpu.memory_space<hbm>> -> memref<160x128xf32, #tpu.memory_space<hbm>>
      tpu.wait_dma2 semaphore(%run_scoped3A : memref<!tpu.dma_semaphore, #tpu.memory_space<semaphore_mem>>) src(%arg14 : memref<160x128xf32, #tpu.memory_space<vmem>>) dst(%dma_wait3A_75 : memref<160x128xf32, #tpu.memory_space<hbm>>)
      tpu.yield
    }) : () -> ()
    %add3A_53 = arith.constant 124 : i32
    %add3A_54 = arith.addi %mul3A_2, %add3A_53 : i32
    %mul3A_55 = arith.constant 40 : i32
    %mul3A_56 = arith.muli %add3A_54, %mul3A_55 : i32
    %dma_wait3A_57 = arith.constant 0 : i32
    %dma_wait3A_58 = arith.constant 0 : i32
    %dma_wait3A_59 = tpu.memref_slice %arg4[%dma_wait3A_57, %dma_wait3A_58] : memref<4096x128xf32, #tpu.memory_space<hbm>> -> memref<160x128xf32, #tpu.memory_space<hbm>>
    %dma_wait3A_60 = arith.constant 0 : i32
    %dma_wait3A_61 = arith.constant 0 : i32
    %dma_wait3A_62 = tpu.memref_slice %arg4[%dma_wait3A_60, %dma_wait3A_61] : memref<4096x128xf32, #tpu.memory_space<hbm>> -> memref<160x128xf32, #tpu.memory_space<hbm>>
    tpu.wait_dma2 semaphore(%arg18 : memref<!tpu.dma_semaphore, #tpu.memory_space<semaphore_mem>>) src(%dma_wait3A_62 : memref<160x128xf32, #tpu.memory_space<hbm>>) dst(%arg15 : memref<160x128xf32, #tpu.memory_space<vmem>>)
    %dma_wait3A_63 = arith.constant 0 : i32
    %dma_wait3A_64 = arith.constant 0 : i32
    %dma_wait3A_65 = tpu.memref_slice %arg5[%dma_wait3A_63, %dma_wait3A_64] : memref<4096x128xf32, #tpu.memory_space<hbm>> -> memref<160x128xf32, #tpu.memory_space<hbm>>
    %dma_wait3A_66 = arith.constant 0 : i32
    %dma_wait3A_67 = arith.constant 0 : i32
    %dma_wait3A_68 = tpu.memref_slice %arg5[%dma_wait3A_66, %dma_wait3A_67] : memref<4096x128xf32, #tpu.memory_space<hbm>> -> memref<160x128xf32, #tpu.memory_space<hbm>>
    tpu.wait_dma2 semaphore(%arg18 : memref<!tpu.dma_semaphore, #tpu.memory_space<semaphore_mem>>) src(%dma_wait3A_68 : memref<160x128xf32, #tpu.memory_space<hbm>>) dst(%arg16 : memref<160x128xf32, #tpu.memory_space<vmem>>)
    "tpu.region"() ({
      %run_scoped3A = tpu.sem_alloc : memref<!tpu.dma_semaphore, #tpu.memory_space<semaphore_mem>>
      %dma_start3A = arith.constant 0 : i32
      %dma_start3A_69 = tpu.memref_slice %arg7[%mul3A_56, %dma_start3A] : memref<163840x128xf32, #tpu.memory_space<hbm>> -> memref<160x128xf32, #tpu.memory_space<hbm>>
      %dma_start3A_70 = arith.constant 0 : i32
      %dma_start3A_71 = tpu.memref_slice %arg7[%mul3A_56, %dma_start3A_70] : memref<163840x128xf32, #tpu.memory_space<hbm>> -> memref<160x128xf32, #tpu.memory_space<hbm>>
      tpu.enqueue_dma source(%arg15 : memref<160x128xf32, #tpu.memory_space<vmem>>) target(%dma_start3A_71 : memref<160x128xf32, #tpu.memory_space<hbm>>) target_semaphore(%run_scoped3A : memref<!tpu.dma_semaphore, #tpu.memory_space<semaphore_mem>>)
      %dma_wait3A_72 = arith.constant 0 : i32
      %dma_wait3A_73 = tpu.memref_slice %arg7[%mul3A_56, %dma_wait3A_72] : memref<163840x128xf32, #tpu.memory_space<hbm>> -> memref<160x128xf32, #tpu.memory_space<hbm>>
      %dma_wait3A_74 = arith.constant 0 : i32
      %dma_wait3A_75 = tpu.memref_slice %arg7[%mul3A_56, %dma_wait3A_74] : memref<163840x128xf32, #tpu.memory_space<hbm>> -> memref<160x128xf32, #tpu.memory_space<hbm>>
      tpu.wait_dma2 semaphore(%run_scoped3A : memref<!tpu.dma_semaphore, #tpu.memory_space<semaphore_mem>>) src(%arg15 : memref<160x128xf32, #tpu.memory_space<vmem>>) dst(%dma_wait3A_75 : memref<160x128xf32, #tpu.memory_space<hbm>>)
      tpu.yield
    }) : () -> ()
    "tpu.region"() ({
      %run_scoped3A = tpu.sem_alloc : memref<!tpu.dma_semaphore, #tpu.memory_space<semaphore_mem>>
      %dma_start3A = arith.constant 0 : i32
      %dma_start3A_69 = tpu.memref_slice %arg8[%mul3A_56, %dma_start3A] : memref<163840x128xf32, #tpu.memory_space<hbm>> -> memref<160x128xf32, #tpu.memory_space<hbm>>
      %dma_start3A_70 = arith.constant 0 : i32
      %dma_start3A_71 = tpu.memref_slice %arg8[%mul3A_56, %dma_start3A_70] : memref<163840x128xf32, #tpu.memory_space<hbm>> -> memref<160x128xf32, #tpu.memory_space<hbm>>
      tpu.enqueue_dma source(%arg16 : memref<160x128xf32, #tpu.memory_space<vmem>>) target(%dma_start3A_71 : memref<160x128xf32, #tpu.memory_space<hbm>>) target_semaphore(%run_scoped3A : memref<!tpu.dma_semaphore, #tpu.memory_space<semaphore_mem>>)
      %dma_wait3A_72 = arith.constant 0 : i32
      %dma_wait3A_73 = tpu.memref_slice %arg8[%mul3A_56, %dma_wait3A_72] : memref<163840x128xf32, #tpu.memory_space<hbm>> -> memref<160x128xf32, #tpu.memory_space<hbm>>
      %dma_wait3A_74 = arith.constant 0 : i32
      %dma_wait3A_75 = tpu.memref_slice %arg8[%mul3A_56, %dma_wait3A_74] : memref<163840x128xf32, #tpu.memory_space<hbm>> -> memref<160x128xf32, #tpu.memory_space<hbm>>
      tpu.wait_dma2 semaphore(%run_scoped3A : memref<!tpu.dma_semaphore, #tpu.memory_space<semaphore_mem>>) src(%arg16 : memref<160x128xf32, #tpu.memory_space<vmem>>) dst(%dma_wait3A_75 : memref<160x128xf32, #tpu.memory_space<hbm>>)
      tpu.yield
    }) : () -> ()
    return
  }
}

#map = affine_map<(d0, d1) -> (0, 0)>
#map1 = affine_map<(d0, d1) -> (0)>
module attributes {stable_mosaic.version = 14 : i64} {
  func.func @run(%arg0: i32, %arg1: i32, %arg2: memref<4096x1024xf32, #tpu.memory_space<hbm>>, %arg3: memref<4096x128xf32, #tpu.memory_space<hbm>>, %arg4: memref<4096x128xf32, #tpu.memory_space<hbm>>, %arg5: memref<163840xi32, #tpu.memory_space<hbm>>, %arg6: memref<163840x128xf32, #tpu.memory_space<hbm>>, %arg7: memref<8x1024xf32, #tpu.memory_space<vmem>>, %arg8: memref<8x128xf32, #tpu.memory_space<vmem>>, %arg9: memref<320xi32, #tpu.memory_space<vmem>>, %arg10: memref<320xi32, #tpu.memory_space<vmem>>, %arg11: memref<320x128xf32, #tpu.memory_space<vmem>>, %arg12: memref<320x128xf32, #tpu.memory_space<vmem>>, %arg13: memref<!tpu.dma_semaphore, #tpu.memory_space<semaphore_mem>>, %arg14: memref<!tpu.dma_semaphore, #tpu.memory_space<semaphore_mem>>, %arg15: memref<!tpu.dma_semaphore, #tpu.memory_space<semaphore_mem>>, %arg16: memref<!tpu.dma_semaphore, #tpu.memory_space<semaphore_mem>>) attributes {dimension_semantics = [#tpu.dimension_semantics<core_parallel>, #tpu.dimension_semantics<subcore_parallel>], iteration_bounds = array<i64: 2, 16>, scalar_prefetch = 0 : i64, scratch_operands = 10 : i64, tpu.core_type = #tpu.core_type<sc_vector_subcore>, window_params = [{transform_indices = #map}, {transform_indices = #map}, {transform_indices = #map}, {transform_indices = #map1}, {transform_indices = #map}]} {
    %mul3A = arith.constant 2 : i32
    %mul3A_0 = arith.muli %arg1, %mul3A : i32
    %add3A = arith.addi %mul3A_0, %arg0 : i32
    %mul3A_1 = arith.constant 128 : i32
    %mul3A_2 = arith.muli %add3A, %mul3A_1 : i32
    %jit3A = arith.constant 1024 : i32
    %div3A = arith.divsi %mul3A_2, %jit3A : i32
    %sign3A = arith.constant 0 : i32
    %sign3A_3 = arith.cmpi sgt, %mul3A_2, %sign3A : i32
    %sign3A_4 = arith.extui %sign3A_3 : i1 to i32
    %sign3A_5 = arith.constant 0 : i32
    %sign3A_6 = arith.cmpi slt, %mul3A_2, %sign3A_5 : i32
    %sign3A_7 = arith.extui %sign3A_6 : i1 to i32
    %sign3A_8 = arith.subi %sign3A_4, %sign3A_7 : i32
    %sign3A_9 = arith.constant 0 : i32
    %sign3A_10 = arith.cmpi sgt, %jit3A, %sign3A_9 : i32
    %sign3A_11 = arith.extui %sign3A_10 : i1 to i32
    %sign3A_12 = arith.constant 0 : i32
    %sign3A_13 = arith.cmpi slt, %jit3A, %sign3A_12 : i32
    %sign3A_14 = arith.extui %sign3A_13 : i1 to i32
    %sign3A_15 = arith.subi %sign3A_11, %sign3A_14 : i32
    %ne3A = arith.cmpi ne, %sign3A_8, %sign3A_15 : i32
    %rem3A = arith.remsi %mul3A_2, %jit3A : i32
    %ne3A_16 = arith.constant 0 : i32
    %ne3A_17 = arith.cmpi ne, %rem3A, %ne3A_16 : i32
    %and3A = arith.andi %ne3A, %ne3A_17 : i1
    %sub3A = arith.constant 1 : i32
    %sub3A_18 = arith.subi %div3A, %sub3A : i32
    %select_n3A = arith.select %and3A, %sub3A_18, %div3A : i32
    %mul3A_19 = arith.constant 1024 : i32
    %mul3A_20 = arith.muli %select_n3A, %mul3A_19 : i32
    %iota3A = tpu.iota {dimensions = array<i32: 0>} : vector<16xi32>
    %xor3A = arith.constant 8 : i32
    %xor3A_21 = vector.broadcast %xor3A : i32 to vector<16xi32>
    %xor3A_22 = arith.xori %iota3A, %xor3A_21 : vector<16xi32>
    %xor3A_23 = arith.constant 4 : i32
    %xor3A_24 = vector.broadcast %xor3A_23 : i32 to vector<16xi32>
    %xor3A_25 = arith.xori %iota3A, %xor3A_24 : vector<16xi32>
    %xor3A_26 = arith.constant 2 : i32
    %xor3A_27 = vector.broadcast %xor3A_26 : i32 to vector<16xi32>
    %xor3A_28 = arith.xori %iota3A, %xor3A_27 : vector<16xi32>
    %xor3A_29 = arith.constant 1 : i32
    %xor3A_30 = vector.broadcast %xor3A_29 : i32 to vector<16xi32>
    %xor3A_31 = arith.xori %iota3A, %xor3A_30 : vector<16xi32>
    %scan3A = arith.constant 0 : i32
    %scan3A_32 = arith.constant 0 : i32
    %scan3A_33 = arith.constant 8 : i32
    %scan3A_34 = arith.addi %scan3A_32, %scan3A_33 : i32
    %scan3A_35 = arith.constant 1 : i32
    %scan3A_36 = scf.for %scan3A_57 = %scan3A_32 to %scan3A_34 step %scan3A_35 iter_args(%scan3A_58 = %scan3A) -> (i32)  : i32 {
      %mul3A_59 = arith.constant 2 : i32
      %mul3A_60 = arith.muli %scan3A_57, %mul3A_59 : i32
      %add3A_61 = arith.constant 0 : i32
      %add3A_62 = arith.addi %mul3A_60, %add3A_61 : i32
      %gt3A = arith.constant 0 : i32
      %gt3A_63 = arith.cmpi sgt, %scan3A_57, %gt3A : i32
      %convert_element_type3A = arith.extui %gt3A_63 : i1 to i32
      %cond3A = arith.constant 0 : i32
      %cond3A_64 = arith.cmpi ne, %convert_element_type3A, %cond3A : i32
      scf.if %cond3A_64 {
        %sub3A_114 = arith.constant 2 : i32
        %sub3A_115 = arith.subi %add3A_62, %sub3A_114 : i32
        %mul3A_116 = arith.constant 8 : i32
        %mul3A_117 = arith.muli %sub3A_115, %mul3A_116 : i32
        %add3A_118 = arith.addi %mul3A_2, %mul3A_117 : i32
        %mul3A_119 = arith.constant 40 : i32
        %mul3A_120 = arith.muli %add3A_118, %mul3A_119 : i32
        %dma_wait3A_121 = arith.constant 0 : i32
        %dma_wait3A_122 = arith.constant 0 : i32
        %dma_wait3A_123 = tpu.memref_slice %arg4[%dma_wait3A_121, %dma_wait3A_122] : memref<4096x128xf32, #tpu.memory_space<hbm>> -> memref<320x128xf32, #tpu.memory_space<hbm>>
        %dma_wait3A_124 = arith.constant 0 : i32
        %dma_wait3A_125 = arith.constant 0 : i32
        %dma_wait3A_126 = tpu.memref_slice %arg4[%dma_wait3A_124, %dma_wait3A_125] : memref<4096x128xf32, #tpu.memory_space<hbm>> -> memref<320x128xf32, #tpu.memory_space<hbm>>
        tpu.wait_dma2 semaphore(%arg13 : memref<!tpu.dma_semaphore, #tpu.memory_space<semaphore_mem>>) src(%dma_wait3A_126 : memref<320x128xf32, #tpu.memory_space<hbm>>) dst(%arg11 : memref<320x128xf32, #tpu.memory_space<vmem>>)
        %dma_start3A_127 = arith.constant 0 : i32
        %dma_start3A_128 = tpu.memref_slice %arg6[%mul3A_120, %dma_start3A_127] : memref<163840x128xf32, #tpu.memory_space<hbm>> -> memref<320x128xf32, #tpu.memory_space<hbm>>
        %dma_start3A_129 = arith.constant 0 : i32
        %dma_start3A_130 = tpu.memref_slice %arg6[%mul3A_120, %dma_start3A_129] : memref<163840x128xf32, #tpu.memory_space<hbm>> -> memref<320x128xf32, #tpu.memory_space<hbm>>
        tpu.enqueue_dma source(%arg11 : memref<320x128xf32, #tpu.memory_space<vmem>>) target(%dma_start3A_130 : memref<320x128xf32, #tpu.memory_space<hbm>>) target_semaphore(%arg15 : memref<!tpu.dma_semaphore, #tpu.memory_space<semaphore_mem>>)
      } else {
      }
      %mul3A_65 = arith.constant 8 : i32
      %mul3A_66 = arith.muli %add3A_62, %mul3A_65 : i32
      %add3A_67 = arith.addi %mul3A_2, %mul3A_66 : i32
      "tpu.region"() ({
        %run_scoped3A = tpu.sem_alloc : memref<!tpu.dma_semaphore, #tpu.memory_space<semaphore_mem>>
        %dma_start3A_114 = arith.constant 0 : i32
        %dma_start3A_115 = tpu.memref_slice %arg2[%add3A_67, %dma_start3A_114] : memref<4096x1024xf32, #tpu.memory_space<hbm>> -> memref<8x1024xf32, #tpu.memory_space<hbm>>
        %dma_start3A_116 = arith.constant 0 : i32
        %dma_start3A_117 = tpu.memref_slice %arg2[%add3A_67, %dma_start3A_116] : memref<4096x1024xf32, #tpu.memory_space<hbm>> -> memref<8x1024xf32, #tpu.memory_space<hbm>>
        tpu.enqueue_dma source(%dma_start3A_117 : memref<8x1024xf32, #tpu.memory_space<hbm>>) target(%arg7 : memref<8x1024xf32, #tpu.memory_space<vmem>>) target_semaphore(%run_scoped3A : memref<!tpu.dma_semaphore, #tpu.memory_space<semaphore_mem>>)
        %dma_wait3A_118 = arith.constant 0 : i32
        %dma_wait3A_119 = tpu.memref_slice %arg2[%add3A_67, %dma_wait3A_118] : memref<4096x1024xf32, #tpu.memory_space<hbm>> -> memref<8x1024xf32, #tpu.memory_space<hbm>>
        %dma_wait3A_120 = arith.constant 0 : i32
        %dma_wait3A_121 = tpu.memref_slice %arg2[%add3A_67, %dma_wait3A_120] : memref<4096x1024xf32, #tpu.memory_space<hbm>> -> memref<8x1024xf32, #tpu.memory_space<hbm>>
        tpu.wait_dma2 semaphore(%run_scoped3A : memref<!tpu.dma_semaphore, #tpu.memory_space<semaphore_mem>>) src(%dma_wait3A_121 : memref<8x1024xf32, #tpu.memory_space<hbm>>) dst(%arg7 : memref<8x1024xf32, #tpu.memory_space<vmem>>)
        tpu.yield
      }) : () -> ()
      "tpu.region"() ({
        %run_scoped3A = tpu.sem_alloc : memref<!tpu.dma_semaphore, #tpu.memory_space<semaphore_mem>>
        %dma_start3A_114 = arith.constant 0 : i32
        %dma_start3A_115 = tpu.memref_slice %arg3[%add3A_67, %dma_start3A_114] : memref<4096x128xf32, #tpu.memory_space<hbm>> -> memref<8x128xf32, #tpu.memory_space<hbm>>
        %dma_start3A_116 = arith.constant 0 : i32
        %dma_start3A_117 = tpu.memref_slice %arg3[%add3A_67, %dma_start3A_116] : memref<4096x128xf32, #tpu.memory_space<hbm>> -> memref<8x128xf32, #tpu.memory_space<hbm>>
        tpu.enqueue_dma source(%dma_start3A_117 : memref<8x128xf32, #tpu.memory_space<hbm>>) target(%arg8 : memref<8x128xf32, #tpu.memory_space<vmem>>) target_semaphore(%run_scoped3A : memref<!tpu.dma_semaphore, #tpu.memory_space<semaphore_mem>>)
        %dma_wait3A_118 = arith.constant 0 : i32
        %dma_wait3A_119 = tpu.memref_slice %arg3[%add3A_67, %dma_wait3A_118] : memref<4096x128xf32, #tpu.memory_space<hbm>> -> memref<8x128xf32, #tpu.memory_space<hbm>>
        %dma_wait3A_120 = arith.constant 0 : i32
        %dma_wait3A_121 = tpu.memref_slice %arg3[%add3A_67, %dma_wait3A_120] : memref<4096x128xf32, #tpu.memory_space<hbm>> -> memref<8x128xf32, #tpu.memory_space<hbm>>
        tpu.wait_dma2 semaphore(%run_scoped3A : memref<!tpu.dma_semaphore, #tpu.memory_space<semaphore_mem>>) src(%dma_wait3A_121 : memref<8x128xf32, #tpu.memory_space<hbm>>) dst(%arg8 : memref<8x128xf32, #tpu.memory_space<vmem>>)
        tpu.yield
      }) : () -> ()
      %scan3A_68 = arith.constant 0 : i32
      %scan3A_69 = arith.constant 0 : i32
      %scan3A_70 = arith.constant 8 : i32
      %scan3A_71 = arith.addi %scan3A_69, %scan3A_70 : i32
      %scan3A_72 = arith.constant 1 : i32
      %scan3A_73 = scf.for %scan3A_114 = %scan3A_69 to %scan3A_71 step %scan3A_72 iter_args(%scan3A_115 = %scan3A_68) -> (i32)  : i32 {
        %scan3A_116 = arith.constant 0 : i32
        %scan3A_117 = arith.constant 0 : i32
        %scan3A_118 = arith.constant 33 : i32
        %scan3A_119 = arith.addi %scan3A_117, %scan3A_118 : i32
        %scan3A_120 = arith.constant 1 : i32
        %scan3A_121 = scf.for %scan3A_141 = %scan3A_117 to %scan3A_119 step %scan3A_120 iter_args(%scan3A_142 = %scan3A_116) -> (i32)  : i32 {
          %get3A_143 = arith.index_cast %scan3A_114 : i32 to index
          %get3A_144 = arith.constant 0 : index
          %get3A_145 = tpu.vector_load %arg8[%get3A_143, %get3A_144] {strides = array<i32>} : memref<8x128xf32, #tpu.memory_space<vmem>>, vector<1x16xf32>,
          %get3A_146 = vector.shape_cast %get3A_145 : vector<1x16xf32> to vector<16xf32>
          %get3A_147 = arith.index_cast %scan3A_114 : i32 to index
          %get3A_148 = arith.constant 16 : index
          %get3A_149 = tpu.vector_load %arg8[%get3A_147, %get3A_148] {strides = array<i32>} : memref<8x128xf32, #tpu.memory_space<vmem>>, vector<1x16xf32>,
          %get3A_150 = vector.shape_cast %get3A_149 : vector<1x16xf32> to vector<16xf32>
          %get3A_151 = arith.index_cast %scan3A_114 : i32 to index
          %get3A_152 = arith.constant 32 : index
          %get3A_153 = tpu.vector_load %arg8[%get3A_151, %get3A_152] {strides = array<i32>} : memref<8x128xf32, #tpu.memory_space<vmem>>, vector<1x16xf32>,
          %get3A_154 = vector.shape_cast %get3A_153 : vector<1x16xf32> to vector<16xf32>
          %get3A_155 = arith.index_cast %scan3A_114 : i32 to index
          %get3A_156 = arith.constant 48 : index
          %get3A_157 = tpu.vector_load %arg8[%get3A_155, %get3A_156] {strides = array<i32>} : memref<8x128xf32, #tpu.memory_space<vmem>>, vector<1x16xf32>,
          %get3A_158 = vector.shape_cast %get3A_157 : vector<1x16xf32> to vector<16xf32>
          %min3A = arith.minimumf %get3A_146, %get3A_150 : vector<16xf32>
          %min3A_159 = arith.minimumf %get3A_154, %get3A_158 : vector<16xf32>
          %min3A_160 = arith.minimumf %min3A, %min3A_159 : vector<16xf32>
          %broadcast_in_dim3A_161 = vector.shape_cast %xor3A_22 : vector<16xi32> to vector<16x1xi32>
          %gather3A = vector.shape_cast %broadcast_in_dim3A_161 : vector<16x1xi32> to vector<16xi32>
          %gather3A_162 = tpu.dynamic_gather %min3A_160[%gather3A] in [0] : vector<16xf32>, vector<16xi32> -> vector<16xf32>
          %min3A_163 = arith.minimumf %min3A_160, %gather3A_162 : vector<16xf32>
          %broadcast_in_dim3A_164 = vector.shape_cast %xor3A_25 : vector<16xi32> to vector<16x1xi32>
          %gather3A_165 = vector.shape_cast %broadcast_in_dim3A_164 : vector<16x1xi32> to vector<16xi32>
          %gather3A_166 = tpu.dynamic_gather %min3A_163[%gather3A_165] in [0] : vector<16xf32>, vector<16xi32> -> vector<16xf32>
          %min3A_167 = arith.minimumf %min3A_163, %gather3A_166 : vector<16xf32>
          %broadcast_in_dim3A_168 = vector.shape_cast %xor3A_28 : vector<16xi32> to vector<16x1xi32>
          %gather3A_169 = vector.shape_cast %broadcast_in_dim3A_168 : vector<16x1xi32> to vector<16xi32>
          %gather3A_170 = tpu.dynamic_gather %min3A_167[%gather3A_169] in [0] : vector<16xf32>, vector<16xi32> -> vector<16xf32>
          %min3A_171 = arith.minimumf %min3A_167, %gather3A_170 : vector<16xf32>
          %broadcast_in_dim3A_172 = vector.shape_cast %xor3A_31 : vector<16xi32> to vector<16x1xi32>
          %gather3A_173 = vector.shape_cast %broadcast_in_dim3A_172 : vector<16x1xi32> to vector<16xi32>
          %gather3A_174 = tpu.dynamic_gather %min3A_171[%gather3A_173] in [0] : vector<16xf32>, vector<16xi32> -> vector<16xf32>
          %min3A_175 = arith.minimumf %min3A_171, %gather3A_174 : vector<16xf32>
          %slice3A_176 = vector.extract_strided_slice %min3A_175 {offsets = [0], sizes = [1], strides = [1]} : vector<16xf32> to vector<1xf32>
          %squeeze3A_177 = vector.extract %slice3A_176[0] : f32 from vector<1xf32>
          %eq3A = vector.broadcast %squeeze3A_177 : f32 to vector<16xf32>
          %eq3A_178 = arith.cmpf oeq, %get3A_146, %eq3A : vector<16xf32>
          %jit3A_179 = arith.constant 1073741824 : i32
          %broadcast_in_dim3A_180 = vector.broadcast %jit3A_179 : i32 to vector<16xi32>
          %select_n3A_181 = arith.select %eq3A_178, %iota3A, %broadcast_in_dim3A_180 : vector<16xi1>, vector<16xi32>
          %eq3A_182 = vector.broadcast %squeeze3A_177 : f32 to vector<16xf32>
          %eq3A_183 = arith.cmpf oeq, %get3A_150, %eq3A_182 : vector<16xf32>
          %add3A_184 = arith.constant 16 : i32
          %add3A_185 = vector.broadcast %add3A_184 : i32 to vector<16xi32>
          %add3A_186 = arith.addi %iota3A, %add3A_185 : vector<16xi32>
          %jit3A_187 = arith.constant 1073741824 : i32
          %broadcast_in_dim3A_188 = vector.broadcast %jit3A_187 : i32 to vector<16xi32>
          %select_n3A_189 = arith.select %eq3A_183, %add3A_186, %broadcast_in_dim3A_188 : vector<16xi1>, vector<16xi32>
          %min3A_190 = arith.minsi %select_n3A_181, %select_n3A_189 : vector<16xi32>
          %eq3A_191 = vector.broadcast %squeeze3A_177 : f32 to vector<16xf32>
          %eq3A_192 = arith.cmpf oeq, %get3A_154, %eq3A_191 : vector<16xf32>
          %add3A_193 = arith.constant 32 : i32
          %add3A_194 = vector.broadcast %add3A_193 : i32 to vector<16xi32>
          %add3A_195 = arith.addi %iota3A, %add3A_194 : vector<16xi32>
          %jit3A_196 = arith.constant 1073741824 : i32
          %broadcast_in_dim3A_197 = vector.broadcast %jit3A_196 : i32 to vector<16xi32>
          %select_n3A_198 = arith.select %eq3A_192, %add3A_195, %broadcast_in_dim3A_197 : vector<16xi1>, vector<16xi32>
          %eq3A_199 = vector.broadcast %squeeze3A_177 : f32 to vector<16xf32>
          %eq3A_200 = arith.cmpf oeq, %get3A_158, %eq3A_199 : vector<16xf32>
          %add3A_201 = arith.constant 48 : i32
          %add3A_202 = vector.broadcast %add3A_201 : i32 to vector<16xi32>
          %add3A_203 = arith.addi %iota3A, %add3A_202 : vector<16xi32>
          %jit3A_204 = arith.constant 1073741824 : i32
          %broadcast_in_dim3A_205 = vector.broadcast %jit3A_204 : i32 to vector<16xi32>
          %select_n3A_206 = arith.select %eq3A_200, %add3A_203, %broadcast_in_dim3A_205 : vector<16xi1>, vector<16xi32>
          %min3A_207 = arith.minsi %select_n3A_198, %select_n3A_206 : vector<16xi32>
          %min3A_208 = arith.minsi %min3A_190, %min3A_207 : vector<16xi32>
          %broadcast_in_dim3A_209 = vector.shape_cast %xor3A_22 : vector<16xi32> to vector<16x1xi32>
          %gather3A_210 = vector.shape_cast %broadcast_in_dim3A_209 : vector<16x1xi32> to vector<16xi32>
          %gather3A_211 = tpu.dynamic_gather %min3A_208[%gather3A_210] in [0] : vector<16xi32>, vector<16xi32> -> vector<16xi32>
          %min3A_212 = arith.minsi %min3A_208, %gather3A_211 : vector<16xi32>
          %broadcast_in_dim3A_213 = vector.shape_cast %xor3A_25 : vector<16xi32> to vector<16x1xi32>
          %gather3A_214 = vector.shape_cast %broadcast_in_dim3A_213 : vector<16x1xi32> to vector<16xi32>
          %gather3A_215 = tpu.dynamic_gather %min3A_212[%gather3A_214] in [0] : vector<16xi32>, vector<16xi32> -> vector<16xi32>
          %min3A_216 = arith.minsi %min3A_212, %gather3A_215 : vector<16xi32>
          %broadcast_in_dim3A_217 = vector.shape_cast %xor3A_28 : vector<16xi32> to vector<16x1xi32>
          %gather3A_218 = vector.shape_cast %broadcast_in_dim3A_217 : vector<16x1xi32> to vector<16xi32>
          %gather3A_219 = tpu.dynamic_gather %min3A_216[%gather3A_218] in [0] : vector<16xi32>, vector<16xi32> -> vector<16xi32>
          %min3A_220 = arith.minsi %min3A_216, %gather3A_219 : vector<16xi32>
          %broadcast_in_dim3A_221 = vector.shape_cast %xor3A_31 : vector<16xi32> to vector<16x1xi32>
          %gather3A_222 = vector.shape_cast %broadcast_in_dim3A_221 : vector<16x1xi32> to vector<16xi32>
          %gather3A_223 = tpu.dynamic_gather %min3A_220[%gather3A_222] in [0] : vector<16xi32>, vector<16xi32> -> vector<16xi32>
          %min3A_224 = arith.minsi %min3A_220, %gather3A_223 : vector<16xi32>
          %slice3A_225 = vector.extract_strided_slice %min3A_224 {offsets = [0], sizes = [1], strides = [1]} : vector<16xi32> to vector<1xi32>
          %squeeze3A_226 = vector.extract %slice3A_225[0] : i32 from vector<1xi32>
          %mul3A_227 = arith.constant 16 : i32
          %mul3A_228 = arith.muli %squeeze3A_226, %mul3A_227 : i32
          %get3A_229 = arith.index_cast %scan3A_114 : i32 to index
          %get3A_230 = arith.index_cast %mul3A_228 : i32 to index
          %get3A_231 = tpu.vector_load %arg7[%get3A_229, %get3A_230] {strides = array<i32>} : memref<8x1024xf32, #tpu.memory_space<vmem>>, vector<1x16xf32>,
          %get3A_232 = vector.shape_cast %get3A_231 : vector<1x16xf32> to vector<16xf32>
          %eq3A_233 = vector.broadcast %squeeze3A_177 : f32 to vector<16xf32>
          %eq3A_234 = arith.cmpf oeq, %get3A_232, %eq3A_233 : vector<16xf32>
          %jit3A_235 = arith.constant 1073741824 : i32
          %broadcast_in_dim3A_236 = vector.broadcast %jit3A_235 : i32 to vector<16xi32>
          %select_n3A_237 = arith.select %eq3A_234, %iota3A, %broadcast_in_dim3A_236 : vector<16xi1>, vector<16xi32>
          %broadcast_in_dim3A_238 = vector.shape_cast %xor3A_22 : vector<16xi32> to vector<16x1xi32>
          %gather3A_239 = vector.shape_cast %broadcast_in_dim3A_238 : vector<16x1xi32> to vector<16xi32>
          %gather3A_240 = tpu.dynamic_gather %select_n3A_237[%gather3A_239] in [0] : vector<16xi32>, vector<16xi32> -> vector<16xi32>
          %min3A_241 = arith.minsi %select_n3A_237, %gather3A_240 : vector<16xi32>
          %broadcast_in_dim3A_242 = vector.shape_cast %xor3A_25 : vector<16xi32> to vector<16x1xi32>
          %gather3A_243 = vector.shape_cast %broadcast_in_dim3A_242 : vector<16x1xi32> to vector<16xi32>
          %gather3A_244 = tpu.dynamic_gather %min3A_241[%gather3A_243] in [0] : vector<16xi32>, vector<16xi32> -> vector<16xi32>
          %min3A_245 = arith.minsi %min3A_241, %gather3A_244 : vector<16xi32>
          %broadcast_in_dim3A_246 = vector.shape_cast %xor3A_28 : vector<16xi32> to vector<16x1xi32>
          %gather3A_247 = vector.shape_cast %broadcast_in_dim3A_246 : vector<16x1xi32> to vector<16xi32>
          %gather3A_248 = tpu.dynamic_gather %min3A_245[%gather3A_247] in [0] : vector<16xi32>, vector<16xi32> -> vector<16xi32>
          %min3A_249 = arith.minsi %min3A_245, %gather3A_248 : vector<16xi32>
          %broadcast_in_dim3A_250 = vector.shape_cast %xor3A_31 : vector<16xi32> to vector<16x1xi32>
          %gather3A_251 = vector.shape_cast %broadcast_in_dim3A_250 : vector<16x1xi32> to vector<16xi32>
          %gather3A_252 = tpu.dynamic_gather %min3A_249[%gather3A_251] in [0] : vector<16xi32>, vector<16xi32> -> vector<16xi32>
          %min3A_253 = arith.minsi %min3A_249, %gather3A_252 : vector<16xi32>
          %slice3A_254 = vector.extract_strided_slice %min3A_253 {offsets = [0], sizes = [1], strides = [1]} : vector<16xi32> to vector<1xi32>
          %squeeze3A_255 = vector.extract %slice3A_254[0] : i32 from vector<1xi32>
          %mul3A_256 = arith.constant 16 : i32
          %mul3A_257 = arith.muli %squeeze3A_226, %mul3A_256 : i32
          %add3A_258 = arith.addi %mul3A_257, %squeeze3A_255 : i32
          %mul3A_259 = arith.constant 40 : i32
          %mul3A_260 = arith.muli %scan3A_114, %mul3A_259 : i32
          %add3A_261 = arith.addi %mul3A_260, %scan3A_141 : i32
          %shift_right_arithmetic3A = arith.constant 3 : i32
          %shift_right_arithmetic3A_262 = arith.shrsi %add3A_261, %shift_right_arithmetic3A : i32
          %shift_left3A = arith.constant 3 : i32
          %shift_left3A_263 = arith.shli %shift_right_arithmetic3A_262, %shift_left3A : i32
          %get3A_264 = arith.index_cast %shift_left3A_263 : i32 to index
          %get3A_265 = tpu.vector_load %arg9[%get3A_264] {strides = array<i32>} : memref<320xi32, #tpu.memory_space<vmem>>, vector<16xi32>,
          %get3A_266 = vector.shape_cast %get3A_265 : vector<16xi32> to vector<16xi32>
          %sub3A_267 = arith.subi %add3A_261, %shift_left3A_263 : i32
          %eq3A_268 = vector.broadcast %sub3A_267 : i32 to vector<16xi32>
          %eq3A_269 = arith.cmpi eq, %iota3A, %eq3A_268 : vector<16xi32>
          %add3A_270 = arith.addi %add3A_258, %mul3A_20 : i32
          %broadcast_in_dim3A_271 = vector.broadcast %add3A_270 : i32 to vector<16xi32>
          %select_n3A_272 = arith.select %eq3A_269, %broadcast_in_dim3A_271, %get3A_266 : vector<16xi1>, vector<16xi32>
          %swap3A_273 = arith.index_cast %shift_left3A_263 : i32 to index
          %swap3A_274 = tpu.vector_load %arg9[%swap3A_273] {strides = array<i32>} : memref<320xi32, #tpu.memory_space<vmem>>, vector<16xi32>,
          %swap3A_275 = vector.shape_cast %swap3A_274 : vector<16xi32> to vector<16xi32>
          %swap3A_276 = vector.shape_cast %select_n3A_272 : vector<16xi32> to vector<16xi32>
          tpu.vector_store %arg9[%swap3A_273], %swap3A_276 {strides = array<i32>} : memref<320xi32, #tpu.memory_space<vmem>>, vector<16xi32>,
          %eq3A_277 = vector.broadcast %squeeze3A_255 : i32 to vector<16xi32>
          %eq3A_278 = arith.cmpi eq, %iota3A, %eq3A_277 : vector<16xi32>
          %jit3A_279 = arith.constant 0x7F800000 : f32
          %broadcast_in_dim3A_280 = vector.broadcast %jit3A_279 : f32 to vector<16xf32>
          %select_n3A_281 = arith.select %eq3A_278, %broadcast_in_dim3A_280, %get3A_232 : vector<16xi1>, vector<16xf32>
          %mul3A_282 = arith.constant 16 : i32
          %mul3A_283 = arith.muli %squeeze3A_226, %mul3A_282 : i32
          %swap3A_284 = arith.index_cast %scan3A_114 : i32 to index
          %swap3A_285 = arith.index_cast %mul3A_283 : i32 to index
          %swap3A_286 = tpu.vector_load %arg7[%swap3A_284, %swap3A_285] {strides = array<i32>} : memref<8x1024xf32, #tpu.memory_space<vmem>>, vector<1x16xf32>,
          %swap3A_287 = vector.shape_cast %swap3A_286 : vector<1x16xf32> to vector<16xf32>
          %swap3A_288 = vector.shape_cast %select_n3A_281 : vector<16xf32> to vector<1x16xf32>
          tpu.vector_store %arg7[%swap3A_284, %swap3A_285], %swap3A_288 {strides = array<i32>} : memref<8x1024xf32, #tpu.memory_space<vmem>>, vector<1x16xf32>,
          %shift_right_arithmetic3A_289 = arith.constant 4 : i32
          %shift_right_arithmetic3A_290 = arith.shrsi %squeeze3A_226, %shift_right_arithmetic3A_289 : i32
          %shift_left3A_291 = arith.constant 4 : i32
          %shift_left3A_292 = arith.shli %shift_right_arithmetic3A_290, %shift_left3A_291 : i32
          %get3A_293 = arith.index_cast %scan3A_114 : i32 to index
          %get3A_294 = arith.index_cast %shift_left3A_292 : i32 to index
          %get3A_295 = tpu.vector_load %arg8[%get3A_293, %get3A_294] {strides = array<i32>} : memref<8x128xf32, #tpu.memory_space<vmem>>, vector<1x16xf32>,
          %get3A_296 = vector.shape_cast %get3A_295 : vector<1x16xf32> to vector<16xf32>
          %sub3A_297 = arith.subi %squeeze3A_226, %shift_left3A_292 : i32
          %eq3A_298 = vector.broadcast %sub3A_297 : i32 to vector<16xi32>
          %eq3A_299 = arith.cmpi eq, %iota3A, %eq3A_298 : vector<16xi32>
          %broadcast_in_dim3A_300 = vector.shape_cast %xor3A_22 : vector<16xi32> to vector<16x1xi32>
          %gather3A_301 = vector.shape_cast %broadcast_in_dim3A_300 : vector<16x1xi32> to vector<16xi32>
          %gather3A_302 = tpu.dynamic_gather %select_n3A_281[%gather3A_301] in [0] : vector<16xf32>, vector<16xi32> -> vector<16xf32>
          %min3A_303 = arith.minimumf %select_n3A_281, %gather3A_302 : vector<16xf32>
          %broadcast_in_dim3A_304 = vector.shape_cast %xor3A_25 : vector<16xi32> to vector<16x1xi32>
          %gather3A_305 = vector.shape_cast %broadcast_in_dim3A_304 : vector<16x1xi32> to vector<16xi32>
          %gather3A_306 = tpu.dynamic_gather %min3A_303[%gather3A_305] in [0] : vector<16xf32>, vector<16xi32> -> vector<16xf32>
          %min3A_307 = arith.minimumf %min3A_303, %gather3A_306 : vector<16xf32>
          %broadcast_in_dim3A_308 = vector.shape_cast %xor3A_28 : vector<16xi32> to vector<16x1xi32>
          %gather3A_309 = vector.shape_cast %broadcast_in_dim3A_308 : vector<16x1xi32> to vector<16xi32>
          %gather3A_310 = tpu.dynamic_gather %min3A_307[%gather3A_309] in [0] : vector<16xf32>, vector<16xi32> -> vector<16xf32>
          %min3A_311 = arith.minimumf %min3A_307, %gather3A_310 : vector<16xf32>
          %broadcast_in_dim3A_312 = vector.shape_cast %xor3A_31 : vector<16xi32> to vector<16x1xi32>
          %gather3A_313 = vector.shape_cast %broadcast_in_dim3A_312 : vector<16x1xi32> to vector<16xi32>
          %gather3A_314 = tpu.dynamic_gather %min3A_311[%gather3A_313] in [0] : vector<16xf32>, vector<16xi32> -> vector<16xf32>
          %min3A_315 = arith.minimumf %min3A_311, %gather3A_314 : vector<16xf32>
          %slice3A_316 = vector.extract_strided_slice %min3A_315 {offsets = [0], sizes = [1], strides = [1]} : vector<16xf32> to vector<1xf32>
          %squeeze3A_317 = vector.extract %slice3A_316[0] : f32 from vector<1xf32>
          %broadcast_in_dim3A_318 = vector.broadcast %squeeze3A_317 : f32 to vector<16xf32>
          %select_n3A_319 = arith.select %eq3A_299, %broadcast_in_dim3A_318, %get3A_296 : vector<16xi1>, vector<16xf32>
          %swap3A_320 = arith.index_cast %scan3A_114 : i32 to index
          %swap3A_321 = arith.index_cast %shift_left3A_292 : i32 to index
          %swap3A_322 = tpu.vector_load %arg8[%swap3A_320, %swap3A_321] {strides = array<i32>} : memref<8x128xf32, #tpu.memory_space<vmem>>, vector<1x16xf32>,
          %swap3A_323 = vector.shape_cast %swap3A_322 : vector<1x16xf32> to vector<16xf32>
          %swap3A_324 = vector.shape_cast %select_n3A_319 : vector<16xf32> to vector<1x16xf32>
          tpu.vector_store %arg8[%swap3A_320, %swap3A_321], %swap3A_324 {strides = array<i32>} : memref<8x128xf32, #tpu.memory_space<vmem>>, vector<1x16xf32>,
          %scan3A_325 = arith.constant 0 : i32
          scf.yield %scan3A_325 : i32
        }
        %scan3A_122 = arith.constant 33 : i32
        %mul3A_123 = arith.constant 40 : i32
        %mul3A_124 = arith.muli %scan3A_114, %mul3A_123 : i32
        %get3A = arith.index_cast %mul3A_124 : i32 to index
        %get3A_125 = tpu.vector_load %arg9[%get3A] {strides = array<i32>} : memref<320xi32, #tpu.memory_space<vmem>>, vector<16xi32>,
        %get3A_126 = vector.shape_cast %get3A_125 : vector<16xi32> to vector<16xi32>
        %slice3A = vector.extract_strided_slice %get3A_126 {offsets = [0], sizes = [1], strides = [1]} : vector<16xi32> to vector<1xi32>
        %squeeze3A = vector.extract %slice3A[0] : i32 from vector<1xi32>
        %mul3A_127 = arith.constant 40 : i32
        %mul3A_128 = arith.muli %scan3A_114, %mul3A_127 : i32
        %add3A_129 = arith.constant 24 : i32
        %add3A_130 = arith.addi %mul3A_128, %add3A_129 : i32
        %get3A_131 = arith.index_cast %add3A_130 : i32 to index
        %get3A_132 = tpu.vector_load %arg9[%get3A_131] {strides = array<i32>} : memref<320xi32, #tpu.memory_space<vmem>>, vector<16xi32>,
        %get3A_133 = vector.shape_cast %get3A_132 : vector<16xi32> to vector<16xi32>
        %ge3A = arith.constant 9 : i32
        %ge3A_134 = vector.broadcast %ge3A : i32 to vector<16xi32>
        %ge3A_135 = arith.cmpi sge, %iota3A, %ge3A_134 : vector<16xi32>
        %broadcast_in_dim3A = vector.broadcast %squeeze3A : i32 to vector<16xi32>
        %select_n3A_136 = arith.select %ge3A_135, %broadcast_in_dim3A, %get3A_133 : vector<16xi1>, vector<16xi32>
        %swap3A = arith.index_cast %add3A_130 : i32 to index
        %swap3A_137 = tpu.vector_load %arg9[%swap3A] {strides = array<i32>} : memref<320xi32, #tpu.memory_space<vmem>>, vector<16xi32>,
        %swap3A_138 = vector.shape_cast %swap3A_137 : vector<16xi32> to vector<16xi32>
        %swap3A_139 = vector.shape_cast %select_n3A_136 : vector<16xi32> to vector<16xi32>
        tpu.vector_store %arg9[%swap3A], %swap3A_139 {strides = array<i32>} : memref<320xi32, #tpu.memory_space<vmem>>, vector<16xi32>,
        %scan3A_140 = arith.constant 0 : i32
        scf.yield %scan3A_140 : i32
      }
      %scan3A_74 = arith.constant 8 : i32
      %mul3A_75 = arith.constant 40 : i32
      %mul3A_76 = arith.muli %add3A_67, %mul3A_75 : i32
      "tpu.region"() ({
        %run_scoped3A = tpu.sem_alloc : memref<!tpu.dma_semaphore, #tpu.memory_space<semaphore_mem>>
        %dma_start3A_114 = tpu.memref_slice %arg5[%mul3A_76] : memref<163840xi32, #tpu.memory_space<hbm>> -> memref<320xi32, #tpu.memory_space<hbm>>
        %dma_start3A_115 = tpu.memref_slice %arg5[%mul3A_76] : memref<163840xi32, #tpu.memory_space<hbm>> -> memref<320xi32, #tpu.memory_space<hbm>>
        tpu.enqueue_dma source(%arg9 : memref<320xi32, #tpu.memory_space<vmem>>) target(%dma_start3A_115 : memref<320xi32, #tpu.memory_space<hbm>>) target_semaphore(%run_scoped3A : memref<!tpu.dma_semaphore, #tpu.memory_space<semaphore_mem>>)
        %dma_wait3A_116 = tpu.memref_slice %arg5[%mul3A_76] : memref<163840xi32, #tpu.memory_space<hbm>> -> memref<320xi32, #tpu.memory_space<hbm>>
        %dma_wait3A_117 = tpu.memref_slice %arg5[%mul3A_76] : memref<163840xi32, #tpu.memory_space<hbm>> -> memref<320xi32, #tpu.memory_space<hbm>>
        tpu.wait_dma2 semaphore(%run_scoped3A : memref<!tpu.dma_semaphore, #tpu.memory_space<semaphore_mem>>) src(%arg9 : memref<320xi32, #tpu.memory_space<vmem>>) dst(%dma_wait3A_117 : memref<320xi32, #tpu.memory_space<hbm>>)
        tpu.yield
      }) : () -> ()
      %gt3A_77 = arith.constant 0 : i32
      %gt3A_78 = arith.cmpi sgt, %scan3A_57, %gt3A_77 : i32
      %convert_element_type3A_79 = arith.extui %gt3A_78 : i1 to i32
      %cond3A_80 = arith.constant 0 : i32
      %cond3A_81 = arith.cmpi ne, %convert_element_type3A_79, %cond3A_80 : i32
      scf.if %cond3A_81 {
        %dma_wait3A_114 = arith.constant 0 : i32
        %dma_wait3A_115 = arith.constant 0 : i32
        %dma_wait3A_116 = tpu.memref_slice %arg6[%dma_wait3A_114, %dma_wait3A_115] : memref<163840x128xf32, #tpu.memory_space<hbm>> -> memref<320x128xf32, #tpu.memory_space<hbm>>
        %dma_wait3A_117 = arith.constant 0 : i32
        %dma_wait3A_118 = arith.constant 0 : i32
        %dma_wait3A_119 = tpu.memref_slice %arg6[%dma_wait3A_117, %dma_wait3A_118] : memref<163840x128xf32, #tpu.memory_space<hbm>> -> memref<320x128xf32, #tpu.memory_space<hbm>>
        tpu.wait_dma2 semaphore(%arg15 : memref<!tpu.dma_semaphore, #tpu.memory_space<semaphore_mem>>) src(%arg11 : memref<320x128xf32, #tpu.memory_space<vmem>>) dst(%dma_wait3A_119 : memref<320x128xf32, #tpu.memory_space<hbm>>)
      } else {
      }
      %dma_start3A = arith.constant 0 : i32
      %dma_start3A_82 = arith.constant 0 : i32
      %dma_start3A_83 = tpu.memref_slice %arg4[%dma_start3A, %dma_start3A_82] : memref<4096x128xf32, #tpu.memory_space<hbm>> -> memref<4096x128xf32, #tpu.memory_space<hbm>>
      tpu.enqueue_indirect_dma source(%dma_start3A_83 : memref<4096x128xf32, #tpu.memory_space<hbm>>) target(%arg11 : memref<320x128xf32, #tpu.memory_space<vmem>>) offsets(%arg9 : memref<320xi32, #tpu.memory_space<vmem>>) semaphore(%arg13 : memref<!tpu.dma_semaphore, #tpu.memory_space<semaphore_mem>>)
      %mul3A_84 = arith.constant 2 : i32
      %mul3A_85 = arith.muli %scan3A_57, %mul3A_84 : i32
      %add3A_86 = arith.constant 1 : i32
      %add3A_87 = arith.addi %mul3A_85, %add3A_86 : i32
      %gt3A_88 = arith.constant 0 : i32
      %gt3A_89 = arith.cmpi sgt, %scan3A_57, %gt3A_88 : i32
      %convert_element_type3A_90 = arith.extui %gt3A_89 : i1 to i32
      %cond3A_91 = arith.constant 0 : i32
      %cond3A_92 = arith.cmpi ne, %convert_element_type3A_90, %cond3A_91 : i32
      scf.if %cond3A_92 {
        %sub3A_114 = arith.constant 2 : i32
        %sub3A_115 = arith.subi %add3A_87, %sub3A_114 : i32
        %mul3A_116 = arith.constant 8 : i32
        %mul3A_117 = arith.muli %sub3A_115, %mul3A_116 : i32
        %add3A_118 = arith.addi %mul3A_2, %mul3A_117 : i32
        %mul3A_119 = arith.constant 40 : i32
        %mul3A_120 = arith.muli %add3A_118, %mul3A_119 : i32
        %dma_wait3A_121 = arith.constant 0 : i32
        %dma_wait3A_122 = arith.constant 0 : i32
        %dma_wait3A_123 = tpu.memref_slice %arg4[%dma_wait3A_121, %dma_wait3A_122] : memref<4096x128xf32, #tpu.memory_space<hbm>> -> memref<320x128xf32, #tpu.memory_space<hbm>>
        %dma_wait3A_124 = arith.constant 0 : i32
        %dma_wait3A_125 = arith.constant 0 : i32
        %dma_wait3A_126 = tpu.memref_slice %arg4[%dma_wait3A_124, %dma_wait3A_125] : memref<4096x128xf32, #tpu.memory_space<hbm>> -> memref<320x128xf32, #tpu.memory_space<hbm>>
        tpu.wait_dma2 semaphore(%arg14 : memref<!tpu.dma_semaphore, #tpu.memory_space<semaphore_mem>>) src(%dma_wait3A_126 : memref<320x128xf32, #tpu.memory_space<hbm>>) dst(%arg12 : memref<320x128xf32, #tpu.memory_space<vmem>>)
        %dma_start3A_127 = arith.constant 0 : i32
        %dma_start3A_128 = tpu.memref_slice %arg6[%mul3A_120, %dma_start3A_127] : memref<163840x128xf32, #tpu.memory_space<hbm>> -> memref<320x128xf32, #tpu.memory_space<hbm>>
        %dma_start3A_129 = arith.constant 0 : i32
        %dma_start3A_130 = tpu.memref_slice %arg6[%mul3A_120, %dma_start3A_129] : memref<163840x128xf32, #tpu.memory_space<hbm>> -> memref<320x128xf32, #tpu.memory_space<hbm>>
        tpu.enqueue_dma source(%arg12 : memref<320x128xf32, #tpu.memory_space<vmem>>) target(%dma_start3A_130 : memref<320x128xf32, #tpu.memory_space<hbm>>) target_semaphore(%arg16 : memref<!tpu.dma_semaphore, #tpu.memory_space<semaphore_mem>>)
      } else {
      }
      %mul3A_93 = arith.constant 8 : i32
      %mul3A_94 = arith.muli %add3A_87, %mul3A_93 : i32
      %add3A_95 = arith.addi %mul3A_2, %mul3A_94 : i32
      "tpu.region"() ({
        %run_scoped3A = tpu.sem_alloc : memref<!tpu.dma_semaphore, #tpu.memory_space<semaphore_mem>>
        %dma_start3A_114 = arith.constant 0 : i32
        %dma_start3A_115 = tpu.memref_slice %arg2[%add3A_95, %dma_start3A_114] : memref<4096x1024xf32, #tpu.memory_space<hbm>> -> memref<8x1024xf32, #tpu.memory_space<hbm>>
        %dma_start3A_116 = arith.constant 0 : i32
        %dma_start3A_117 = tpu.memref_slice %arg2[%add3A_95, %dma_start3A_116] : memref<4096x1024xf32, #tpu.memory_space<hbm>> -> memref<8x1024xf32, #tpu.memory_space<hbm>>
        tpu.enqueue_dma source(%dma_start3A_117 : memref<8x1024xf32, #tpu.memory_space<hbm>>) target(%arg7 : memref<8x1024xf32, #tpu.memory_space<vmem>>) target_semaphore(%run_scoped3A : memref<!tpu.dma_semaphore, #tpu.memory_space<semaphore_mem>>)
        %dma_wait3A_118 = arith.constant 0 : i32
        %dma_wait3A_119 = tpu.memref_slice %arg2[%add3A_95, %dma_wait3A_118] : memref<4096x1024xf32, #tpu.memory_space<hbm>> -> memref<8x1024xf32, #tpu.memory_space<hbm>>
        %dma_wait3A_120 = arith.constant 0 : i32
        %dma_wait3A_121 = tpu.memref_slice %arg2[%add3A_95, %dma_wait3A_120] : memref<4096x1024xf32, #tpu.memory_space<hbm>> -> memref<8x1024xf32, #tpu.memory_space<hbm>>
        tpu.wait_dma2 semaphore(%run_scoped3A : memref<!tpu.dma_semaphore, #tpu.memory_space<semaphore_mem>>) src(%dma_wait3A_121 : memref<8x1024xf32, #tpu.memory_space<hbm>>) dst(%arg7 : memref<8x1024xf32, #tpu.memory_space<vmem>>)
        tpu.yield
      }) : () -> ()
      "tpu.region"() ({
        %run_scoped3A = tpu.sem_alloc : memref<!tpu.dma_semaphore, #tpu.memory_space<semaphore_mem>>
        %dma_start3A_114 = arith.constant 0 : i32
        %dma_start3A_115 = tpu.memref_slice %arg3[%add3A_95, %dma_start3A_114] : memref<4096x128xf32, #tpu.memory_space<hbm>> -> memref<8x128xf32, #tpu.memory_space<hbm>>
        %dma_start3A_116 = arith.constant 0 : i32
        %dma_start3A_117 = tpu.memref_slice %arg3[%add3A_95, %dma_start3A_116] : memref<4096x128xf32, #tpu.memory_space<hbm>> -> memref<8x128xf32, #tpu.memory_space<hbm>>
        tpu.enqueue_dma source(%dma_start3A_117 : memref<8x128xf32, #tpu.memory_space<hbm>>) target(%arg8 : memref<8x128xf32, #tpu.memory_space<vmem>>) target_semaphore(%run_scoped3A : memref<!tpu.dma_semaphore, #tpu.memory_space<semaphore_mem>>)
        %dma_wait3A_118 = arith.constant 0 : i32
        %dma_wait3A_119 = tpu.memref_slice %arg3[%add3A_95, %dma_wait3A_118] : memref<4096x128xf32, #tpu.memory_space<hbm>> -> memref<8x128xf32, #tpu.memory_space<hbm>>
        %dma_wait3A_120 = arith.constant 0 : i32
        %dma_wait3A_121 = tpu.memref_slice %arg3[%add3A_95, %dma_wait3A_120] : memref<4096x128xf32, #tpu.memory_space<hbm>> -> memref<8x128xf32, #tpu.memory_space<hbm>>
        tpu.wait_dma2 semaphore(%run_scoped3A : memref<!tpu.dma_semaphore, #tpu.memory_space<semaphore_mem>>) src(%dma_wait3A_121 : memref<8x128xf32, #tpu.memory_space<hbm>>) dst(%arg8 : memref<8x128xf32, #tpu.memory_space<vmem>>)
        tpu.yield
      }) : () -> ()
      %scan3A_96 = arith.constant 0 : i32
      %scan3A_97 = arith.constant 0 : i32
      %scan3A_98 = arith.constant 8 : i32
      %scan3A_99 = arith.addi %scan3A_97, %scan3A_98 : i32
      %scan3A_100 = arith.constant 1 : i32
      %scan3A_101 = scf.for %scan3A_114 = %scan3A_97 to %scan3A_99 step %scan3A_100 iter_args(%scan3A_115 = %scan3A_96) -> (i32)  : i32 {
        %scan3A_116 = arith.constant 0 : i32
        %scan3A_117 = arith.constant 0 : i32
        %scan3A_118 = arith.constant 33 : i32
        %scan3A_119 = arith.addi %scan3A_117, %scan3A_118 : i32
        %scan3A_120 = arith.constant 1 : i32
        %scan3A_121 = scf.for %scan3A_141 = %scan3A_117 to %scan3A_119 step %scan3A_120 iter_args(%scan3A_142 = %scan3A_116) -> (i32)  : i32 {
          %get3A_143 = arith.index_cast %scan3A_114 : i32 to index
          %get3A_144 = arith.constant 0 : index
          %get3A_145 = tpu.vector_load %arg8[%get3A_143, %get3A_144] {strides = array<i32>} : memref<8x128xf32, #tpu.memory_space<vmem>>, vector<1x16xf32>,
          %get3A_146 = vector.shape_cast %get3A_145 : vector<1x16xf32> to vector<16xf32>
          %get3A_147 = arith.index_cast %scan3A_114 : i32 to index
          %get3A_148 = arith.constant 16 : index
          %get3A_149 = tpu.vector_load %arg8[%get3A_147, %get3A_148] {strides = array<i32>} : memref<8x128xf32, #tpu.memory_space<vmem>>, vector<1x16xf32>,
          %get3A_150 = vector.shape_cast %get3A_149 : vector<1x16xf32> to vector<16xf32>
          %get3A_151 = arith.index_cast %scan3A_114 : i32 to index
          %get3A_152 = arith.constant 32 : index
          %get3A_153 = tpu.vector_load %arg8[%get3A_151, %get3A_152] {strides = array<i32>} : memref<8x128xf32, #tpu.memory_space<vmem>>, vector<1x16xf32>,
          %get3A_154 = vector.shape_cast %get3A_153 : vector<1x16xf32> to vector<16xf32>
          %get3A_155 = arith.index_cast %scan3A_114 : i32 to index
          %get3A_156 = arith.constant 48 : index
          %get3A_157 = tpu.vector_load %arg8[%get3A_155, %get3A_156] {strides = array<i32>} : memref<8x128xf32, #tpu.memory_space<vmem>>, vector<1x16xf32>,
          %get3A_158 = vector.shape_cast %get3A_157 : vector<1x16xf32> to vector<16xf32>
          %min3A = arith.minimumf %get3A_146, %get3A_150 : vector<16xf32>
          %min3A_159 = arith.minimumf %get3A_154, %get3A_158 : vector<16xf32>
          %min3A_160 = arith.minimumf %min3A, %min3A_159 : vector<16xf32>
          %broadcast_in_dim3A_161 = vector.shape_cast %xor3A_22 : vector<16xi32> to vector<16x1xi32>
          %gather3A = vector.shape_cast %broadcast_in_dim3A_161 : vector<16x1xi32> to vector<16xi32>
          %gather3A_162 = tpu.dynamic_gather %min3A_160[%gather3A] in [0] : vector<16xf32>, vector<16xi32> -> vector<16xf32>
          %min3A_163 = arith.minimumf %min3A_160, %gather3A_162 : vector<16xf32>
          %broadcast_in_dim3A_164 = vector.shape_cast %xor3A_25 : vector<16xi32> to vector<16x1xi32>
          %gather3A_165 = vector.shape_cast %broadcast_in_dim3A_164 : vector<16x1xi32> to vector<16xi32>
          %gather3A_166 = tpu.dynamic_gather %min3A_163[%gather3A_165] in [0] : vector<16xf32>, vector<16xi32> -> vector<16xf32>
          %min3A_167 = arith.minimumf %min3A_163, %gather3A_166 : vector<16xf32>
          %broadcast_in_dim3A_168 = vector.shape_cast %xor3A_28 : vector<16xi32> to vector<16x1xi32>
          %gather3A_169 = vector.shape_cast %broadcast_in_dim3A_168 : vector<16x1xi32> to vector<16xi32>
          %gather3A_170 = tpu.dynamic_gather %min3A_167[%gather3A_169] in [0] : vector<16xf32>, vector<16xi32> -> vector<16xf32>
          %min3A_171 = arith.minimumf %min3A_167, %gather3A_170 : vector<16xf32>
          %broadcast_in_dim3A_172 = vector.shape_cast %xor3A_31 : vector<16xi32> to vector<16x1xi32>
          %gather3A_173 = vector.shape_cast %broadcast_in_dim3A_172 : vector<16x1xi32> to vector<16xi32>
          %gather3A_174 = tpu.dynamic_gather %min3A_171[%gather3A_173] in [0] : vector<16xf32>, vector<16xi32> -> vector<16xf32>
          %min3A_175 = arith.minimumf %min3A_171, %gather3A_174 : vector<16xf32>
          %slice3A_176 = vector.extract_strided_slice %min3A_175 {offsets = [0], sizes = [1], strides = [1]} : vector<16xf32> to vector<1xf32>
          %squeeze3A_177 = vector.extract %slice3A_176[0] : f32 from vector<1xf32>
          %eq3A = vector.broadcast %squeeze3A_177 : f32 to vector<16xf32>
          %eq3A_178 = arith.cmpf oeq, %get3A_146, %eq3A : vector<16xf32>
          %jit3A_179 = arith.constant 1073741824 : i32
          %broadcast_in_dim3A_180 = vector.broadcast %jit3A_179 : i32 to vector<16xi32>
          %select_n3A_181 = arith.select %eq3A_178, %iota3A, %broadcast_in_dim3A_180 : vector<16xi1>, vector<16xi32>
          %eq3A_182 = vector.broadcast %squeeze3A_177 : f32 to vector<16xf32>
          %eq3A_183 = arith.cmpf oeq, %get3A_150, %eq3A_182 : vector<16xf32>
          %add3A_184 = arith.constant 16 : i32
          %add3A_185 = vector.broadcast %add3A_184 : i32 to vector<16xi32>
          %add3A_186 = arith.addi %iota3A, %add3A_185 : vector<16xi32>
          %jit3A_187 = arith.constant 1073741824 : i32
          %broadcast_in_dim3A_188 = vector.broadcast %jit3A_187 : i32 to vector<16xi32>
          %select_n3A_189 = arith.select %eq3A_183, %add3A_186, %broadcast_in_dim3A_188 : vector<16xi1>, vector<16xi32>
          %min3A_190 = arith.minsi %select_n3A_181, %select_n3A_189 : vector<16xi32>
          %eq3A_191 = vector.broadcast %squeeze3A_177 : f32 to vector<16xf32>
          %eq3A_192 = arith.cmpf oeq, %get3A_154, %eq3A_191 : vector<16xf32>
          %add3A_193 = arith.constant 32 : i32
          %add3A_194 = vector.broadcast %add3A_193 : i32 to vector<16xi32>
          %add3A_195 = arith.addi %iota3A, %add3A_194 : vector<16xi32>
          %jit3A_196 = arith.constant 1073741824 : i32
          %broadcast_in_dim3A_197 = vector.broadcast %jit3A_196 : i32 to vector<16xi32>
          %select_n3A_198 = arith.select %eq3A_192, %add3A_195, %broadcast_in_dim3A_197 : vector<16xi1>, vector<16xi32>
          %eq3A_199 = vector.broadcast %squeeze3A_177 : f32 to vector<16xf32>
          %eq3A_200 = arith.cmpf oeq, %get3A_158, %eq3A_199 : vector<16xf32>
          %add3A_201 = arith.constant 48 : i32
          %add3A_202 = vector.broadcast %add3A_201 : i32 to vector<16xi32>
          %add3A_203 = arith.addi %iota3A, %add3A_202 : vector<16xi32>
          %jit3A_204 = arith.constant 1073741824 : i32
          %broadcast_in_dim3A_205 = vector.broadcast %jit3A_204 : i32 to vector<16xi32>
          %select_n3A_206 = arith.select %eq3A_200, %add3A_203, %broadcast_in_dim3A_205 : vector<16xi1>, vector<16xi32>
          %min3A_207 = arith.minsi %select_n3A_198, %select_n3A_206 : vector<16xi32>
          %min3A_208 = arith.minsi %min3A_190, %min3A_207 : vector<16xi32>
          %broadcast_in_dim3A_209 = vector.shape_cast %xor3A_22 : vector<16xi32> to vector<16x1xi32>
          %gather3A_210 = vector.shape_cast %broadcast_in_dim3A_209 : vector<16x1xi32> to vector<16xi32>
          %gather3A_211 = tpu.dynamic_gather %min3A_208[%gather3A_210] in [0] : vector<16xi32>, vector<16xi32> -> vector<16xi32>
          %min3A_212 = arith.minsi %min3A_208, %gather3A_211 : vector<16xi32>
          %broadcast_in_dim3A_213 = vector.shape_cast %xor3A_25 : vector<16xi32> to vector<16x1xi32>
          %gather3A_214 = vector.shape_cast %broadcast_in_dim3A_213 : vector<16x1xi32> to vector<16xi32>
          %gather3A_215 = tpu.dynamic_gather %min3A_212[%gather3A_214] in [0] : vector<16xi32>, vector<16xi32> -> vector<16xi32>
          %min3A_216 = arith.minsi %min3A_212, %gather3A_215 : vector<16xi32>
          %broadcast_in_dim3A_217 = vector.shape_cast %xor3A_28 : vector<16xi32> to vector<16x1xi32>
          %gather3A_218 = vector.shape_cast %broadcast_in_dim3A_217 : vector<16x1xi32> to vector<16xi32>
          %gather3A_219 = tpu.dynamic_gather %min3A_216[%gather3A_218] in [0] : vector<16xi32>, vector<16xi32> -> vector<16xi32>
          %min3A_220 = arith.minsi %min3A_216, %gather3A_219 : vector<16xi32>
          %broadcast_in_dim3A_221 = vector.shape_cast %xor3A_31 : vector<16xi32> to vector<16x1xi32>
          %gather3A_222 = vector.shape_cast %broadcast_in_dim3A_221 : vector<16x1xi32> to vector<16xi32>
          %gather3A_223 = tpu.dynamic_gather %min3A_220[%gather3A_222] in [0] : vector<16xi32>, vector<16xi32> -> vector<16xi32>
          %min3A_224 = arith.minsi %min3A_220, %gather3A_223 : vector<16xi32>
          %slice3A_225 = vector.extract_strided_slice %min3A_224 {offsets = [0], sizes = [1], strides = [1]} : vector<16xi32> to vector<1xi32>
          %squeeze3A_226 = vector.extract %slice3A_225[0] : i32 from vector<1xi32>
          %mul3A_227 = arith.constant 16 : i32
          %mul3A_228 = arith.muli %squeeze3A_226, %mul3A_227 : i32
          %get3A_229 = arith.index_cast %scan3A_114 : i32 to index
          %get3A_230 = arith.index_cast %mul3A_228 : i32 to index
          %get3A_231 = tpu.vector_load %arg7[%get3A_229, %get3A_230] {strides = array<i32>} : memref<8x1024xf32, #tpu.memory_space<vmem>>, vector<1x16xf32>,
          %get3A_232 = vector.shape_cast %get3A_231 : vector<1x16xf32> to vector<16xf32>
          %eq3A_233 = vector.broadcast %squeeze3A_177 : f32 to vector<16xf32>
          %eq3A_234 = arith.cmpf oeq, %get3A_232, %eq3A_233 : vector<16xf32>
          %jit3A_235 = arith.constant 1073741824 : i32
          %broadcast_in_dim3A_236 = vector.broadcast %jit3A_235 : i32 to vector<16xi32>
          %select_n3A_237 = arith.select %eq3A_234, %iota3A, %broadcast_in_dim3A_236 : vector<16xi1>, vector<16xi32>
          %broadcast_in_dim3A_238 = vector.shape_cast %xor3A_22 : vector<16xi32> to vector<16x1xi32>
          %gather3A_239 = vector.shape_cast %broadcast_in_dim3A_238 : vector<16x1xi32> to vector<16xi32>
          %gather3A_240 = tpu.dynamic_gather %select_n3A_237[%gather3A_239] in [0] : vector<16xi32>, vector<16xi32> -> vector<16xi32>
          %min3A_241 = arith.minsi %select_n3A_237, %gather3A_240 : vector<16xi32>
          %broadcast_in_dim3A_242 = vector.shape_cast %xor3A_25 : vector<16xi32> to vector<16x1xi32>
          %gather3A_243 = vector.shape_cast %broadcast_in_dim3A_242 : vector<16x1xi32> to vector<16xi32>
          %gather3A_244 = tpu.dynamic_gather %min3A_241[%gather3A_243] in [0] : vector<16xi32>, vector<16xi32> -> vector<16xi32>
          %min3A_245 = arith.minsi %min3A_241, %gather3A_244 : vector<16xi32>
          %broadcast_in_dim3A_246 = vector.shape_cast %xor3A_28 : vector<16xi32> to vector<16x1xi32>
          %gather3A_247 = vector.shape_cast %broadcast_in_dim3A_246 : vector<16x1xi32> to vector<16xi32>
          %gather3A_248 = tpu.dynamic_gather %min3A_245[%gather3A_247] in [0] : vector<16xi32>, vector<16xi32> -> vector<16xi32>
          %min3A_249 = arith.minsi %min3A_245, %gather3A_248 : vector<16xi32>
          %broadcast_in_dim3A_250 = vector.shape_cast %xor3A_31 : vector<16xi32> to vector<16x1xi32>
          %gather3A_251 = vector.shape_cast %broadcast_in_dim3A_250 : vector<16x1xi32> to vector<16xi32>
          %gather3A_252 = tpu.dynamic_gather %min3A_249[%gather3A_251] in [0] : vector<16xi32>, vector<16xi32> -> vector<16xi32>
          %min3A_253 = arith.minsi %min3A_249, %gather3A_252 : vector<16xi32>
          %slice3A_254 = vector.extract_strided_slice %min3A_253 {offsets = [0], sizes = [1], strides = [1]} : vector<16xi32> to vector<1xi32>
          %squeeze3A_255 = vector.extract %slice3A_254[0] : i32 from vector<1xi32>
          %mul3A_256 = arith.constant 16 : i32
          %mul3A_257 = arith.muli %squeeze3A_226, %mul3A_256 : i32
          %add3A_258 = arith.addi %mul3A_257, %squeeze3A_255 : i32
          %mul3A_259 = arith.constant 40 : i32
          %mul3A_260 = arith.muli %scan3A_114, %mul3A_259 : i32
          %add3A_261 = arith.addi %mul3A_260, %scan3A_141 : i32
          %shift_right_arithmetic3A = arith.constant 3 : i32
          %shift_right_arithmetic3A_262 = arith.shrsi %add3A_261, %shift_right_arithmetic3A : i32
          %shift_left3A = arith.constant 3 : i32
          %shift_left3A_263 = arith.shli %shift_right_arithmetic3A_262, %shift_left3A : i32
          %get3A_264 = arith.index_cast %shift_left3A_263 : i32 to index
          %get3A_265 = tpu.vector_load %arg10[%get3A_264] {strides = array<i32>} : memref<320xi32, #tpu.memory_space<vmem>>, vector<16xi32>,
          %get3A_266 = vector.shape_cast %get3A_265 : vector<16xi32> to vector<16xi32>
          %sub3A_267 = arith.subi %add3A_261, %shift_left3A_263 : i32
          %eq3A_268 = vector.broadcast %sub3A_267 : i32 to vector<16xi32>
          %eq3A_269 = arith.cmpi eq, %iota3A, %eq3A_268 : vector<16xi32>
          %add3A_270 = arith.addi %add3A_258, %mul3A_20 : i32
          %broadcast_in_dim3A_271 = vector.broadcast %add3A_270 : i32 to vector<16xi32>
          %select_n3A_272 = arith.select %eq3A_269, %broadcast_in_dim3A_271, %get3A_266 : vector<16xi1>, vector<16xi32>
          %swap3A_273 = arith.index_cast %shift_left3A_263 : i32 to index
          %swap3A_274 = tpu.vector_load %arg10[%swap3A_273] {strides = array<i32>} : memref<320xi32, #tpu.memory_space<vmem>>, vector<16xi32>,
          %swap3A_275 = vector.shape_cast %swap3A_274 : vector<16xi32> to vector<16xi32>
          %swap3A_276 = vector.shape_cast %select_n3A_272 : vector<16xi32> to vector<16xi32>
          tpu.vector_store %arg10[%swap3A_273], %swap3A_276 {strides = array<i32>} : memref<320xi32, #tpu.memory_space<vmem>>, vector<16xi32>,
          %eq3A_277 = vector.broadcast %squeeze3A_255 : i32 to vector<16xi32>
          %eq3A_278 = arith.cmpi eq, %iota3A, %eq3A_277 : vector<16xi32>
          %jit3A_279 = arith.constant 0x7F800000 : f32
          %broadcast_in_dim3A_280 = vector.broadcast %jit3A_279 : f32 to vector<16xf32>
          %select_n3A_281 = arith.select %eq3A_278, %broadcast_in_dim3A_280, %get3A_232 : vector<16xi1>, vector<16xf32>
          %mul3A_282 = arith.constant 16 : i32
          %mul3A_283 = arith.muli %squeeze3A_226, %mul3A_282 : i32
          %swap3A_284 = arith.index_cast %scan3A_114 : i32 to index
          %swap3A_285 = arith.index_cast %mul3A_283 : i32 to index
          %swap3A_286 = tpu.vector_load %arg7[%swap3A_284, %swap3A_285] {strides = array<i32>} : memref<8x1024xf32, #tpu.memory_space<vmem>>, vector<1x16xf32>,
          %swap3A_287 = vector.shape_cast %swap3A_286 : vector<1x16xf32> to vector<16xf32>
          %swap3A_288 = vector.shape_cast %select_n3A_281 : vector<16xf32> to vector<1x16xf32>
          tpu.vector_store %arg7[%swap3A_284, %swap3A_285], %swap3A_288 {strides = array<i32>} : memref<8x1024xf32, #tpu.memory_space<vmem>>, vector<1x16xf32>,
          %shift_right_arithmetic3A_289 = arith.constant 4 : i32
          %shift_right_arithmetic3A_290 = arith.shrsi %squeeze3A_226, %shift_right_arithmetic3A_289 : i32
          %shift_left3A_291 = arith.constant 4 : i32
          %shift_left3A_292 = arith.shli %shift_right_arithmetic3A_290, %shift_left3A_291 : i32
          %get3A_293 = arith.index_cast %scan3A_114 : i32 to index
          %get3A_294 = arith.index_cast %shift_left3A_292 : i32 to index
          %get3A_295 = tpu.vector_load %arg8[%get3A_293, %get3A_294] {strides = array<i32>} : memref<8x128xf32, #tpu.memory_space<vmem>>, vector<1x16xf32>,
          %get3A_296 = vector.shape_cast %get3A_295 : vector<1x16xf32> to vector<16xf32>
          %sub3A_297 = arith.subi %squeeze3A_226, %shift_left3A_292 : i32
          %eq3A_298 = vector.broadcast %sub3A_297 : i32 to vector<16xi32>
          %eq3A_299 = arith.cmpi eq, %iota3A, %eq3A_298 : vector<16xi32>
          %broadcast_in_dim3A_300 = vector.shape_cast %xor3A_22 : vector<16xi32> to vector<16x1xi32>
          %gather3A_301 = vector.shape_cast %broadcast_in_dim3A_300 : vector<16x1xi32> to vector<16xi32>
          %gather3A_302 = tpu.dynamic_gather %select_n3A_281[%gather3A_301] in [0] : vector<16xf32>, vector<16xi32> -> vector<16xf32>
          %min3A_303 = arith.minimumf %select_n3A_281, %gather3A_302 : vector<16xf32>
          %broadcast_in_dim3A_304 = vector.shape_cast %xor3A_25 : vector<16xi32> to vector<16x1xi32>
          %gather3A_305 = vector.shape_cast %broadcast_in_dim3A_304 : vector<16x1xi32> to vector<16xi32>
          %gather3A_306 = tpu.dynamic_gather %min3A_303[%gather3A_305] in [0] : vector<16xf32>, vector<16xi32> -> vector<16xf32>
          %min3A_307 = arith.minimumf %min3A_303, %gather3A_306 : vector<16xf32>
          %broadcast_in_dim3A_308 = vector.shape_cast %xor3A_28 : vector<16xi32> to vector<16x1xi32>
          %gather3A_309 = vector.shape_cast %broadcast_in_dim3A_308 : vector<16x1xi32> to vector<16xi32>
          %gather3A_310 = tpu.dynamic_gather %min3A_307[%gather3A_309] in [0] : vector<16xf32>, vector<16xi32> -> vector<16xf32>
          %min3A_311 = arith.minimumf %min3A_307, %gather3A_310 : vector<16xf32>
          %broadcast_in_dim3A_312 = vector.shape_cast %xor3A_31 : vector<16xi32> to vector<16x1xi32>
          %gather3A_313 = vector.shape_cast %broadcast_in_dim3A_312 : vector<16x1xi32> to vector<16xi32>
          %gather3A_314 = tpu.dynamic_gather %min3A_311[%gather3A_313] in [0] : vector<16xf32>, vector<16xi32> -> vector<16xf32>
          %min3A_315 = arith.minimumf %min3A_311, %gather3A_314 : vector<16xf32>
          %slice3A_316 = vector.extract_strided_slice %min3A_315 {offsets = [0], sizes = [1], strides = [1]} : vector<16xf32> to vector<1xf32>
          %squeeze3A_317 = vector.extract %slice3A_316[0] : f32 from vector<1xf32>
          %broadcast_in_dim3A_318 = vector.broadcast %squeeze3A_317 : f32 to vector<16xf32>
          %select_n3A_319 = arith.select %eq3A_299, %broadcast_in_dim3A_318, %get3A_296 : vector<16xi1>, vector<16xf32>
          %swap3A_320 = arith.index_cast %scan3A_114 : i32 to index
          %swap3A_321 = arith.index_cast %shift_left3A_292 : i32 to index
          %swap3A_322 = tpu.vector_load %arg8[%swap3A_320, %swap3A_321] {strides = array<i32>} : memref<8x128xf32, #tpu.memory_space<vmem>>, vector<1x16xf32>,
          %swap3A_323 = vector.shape_cast %swap3A_322 : vector<1x16xf32> to vector<16xf32>
          %swap3A_324 = vector.shape_cast %select_n3A_319 : vector<16xf32> to vector<1x16xf32>
          tpu.vector_store %arg8[%swap3A_320, %swap3A_321], %swap3A_324 {strides = array<i32>} : memref<8x128xf32, #tpu.memory_space<vmem>>, vector<1x16xf32>,
          %scan3A_325 = arith.constant 0 : i32
          scf.yield %scan3A_325 : i32
        }
        %scan3A_122 = arith.constant 33 : i32
        %mul3A_123 = arith.constant 40 : i32
        %mul3A_124 = arith.muli %scan3A_114, %mul3A_123 : i32
        %get3A = arith.index_cast %mul3A_124 : i32 to index
        %get3A_125 = tpu.vector_load %arg10[%get3A] {strides = array<i32>} : memref<320xi32, #tpu.memory_space<vmem>>, vector<16xi32>,
        %get3A_126 = vector.shape_cast %get3A_125 : vector<16xi32> to vector<16xi32>
        %slice3A = vector.extract_strided_slice %get3A_126 {offsets = [0], sizes = [1], strides = [1]} : vector<16xi32> to vector<1xi32>
        %squeeze3A = vector.extract %slice3A[0] : i32 from vector<1xi32>
        %mul3A_127 = arith.constant 40 : i32
        %mul3A_128 = arith.muli %scan3A_114, %mul3A_127 : i32
        %add3A_129 = arith.constant 24 : i32
        %add3A_130 = arith.addi %mul3A_128, %add3A_129 : i32
        %get3A_131 = arith.index_cast %add3A_130 : i32 to index
        %get3A_132 = tpu.vector_load %arg10[%get3A_131] {strides = array<i32>} : memref<320xi32, #tpu.memory_space<vmem>>, vector<16xi32>,
        %get3A_133 = vector.shape_cast %get3A_132 : vector<16xi32> to vector<16xi32>
        %ge3A = arith.constant 9 : i32
        %ge3A_134 = vector.broadcast %ge3A : i32 to vector<16xi32>
        %ge3A_135 = arith.cmpi sge, %iota3A, %ge3A_134 : vector<16xi32>
        %broadcast_in_dim3A = vector.broadcast %squeeze3A : i32 to vector<16xi32>
        %select_n3A_136 = arith.select %ge3A_135, %broadcast_in_dim3A, %get3A_133 : vector<16xi1>, vector<16xi32>
        %swap3A = arith.index_cast %add3A_130 : i32 to index
        %swap3A_137 = tpu.vector_load %arg10[%swap3A] {strides = array<i32>} : memref<320xi32, #tpu.memory_space<vmem>>, vector<16xi32>,
        %swap3A_138 = vector.shape_cast %swap3A_137 : vector<16xi32> to vector<16xi32>
        %swap3A_139 = vector.shape_cast %select_n3A_136 : vector<16xi32> to vector<16xi32>
        tpu.vector_store %arg10[%swap3A], %swap3A_139 {strides = array<i32>} : memref<320xi32, #tpu.memory_space<vmem>>, vector<16xi32>,
        %scan3A_140 = arith.constant 0 : i32
        scf.yield %scan3A_140 : i32
      }
      %scan3A_102 = arith.constant 8 : i32
      %mul3A_103 = arith.constant 40 : i32
      %mul3A_104 = arith.muli %add3A_95, %mul3A_103 : i32
      "tpu.region"() ({
        %run_scoped3A = tpu.sem_alloc : memref<!tpu.dma_semaphore, #tpu.memory_space<semaphore_mem>>
        %dma_start3A_114 = tpu.memref_slice %arg5[%mul3A_104] : memref<163840xi32, #tpu.memory_space<hbm>> -> memref<320xi32, #tpu.memory_space<hbm>>
        %dma_start3A_115 = tpu.memref_slice %arg5[%mul3A_104] : memref<163840xi32, #tpu.memory_space<hbm>> -> memref<320xi32, #tpu.memory_space<hbm>>
        tpu.enqueue_dma source(%arg10 : memref<320xi32, #tpu.memory_space<vmem>>) target(%dma_start3A_115 : memref<320xi32, #tpu.memory_space<hbm>>) target_semaphore(%run_scoped3A : memref<!tpu.dma_semaphore, #tpu.memory_space<semaphore_mem>>)
        %dma_wait3A_116 = tpu.memref_slice %arg5[%mul3A_104] : memref<163840xi32, #tpu.memory_space<hbm>> -> memref<320xi32, #tpu.memory_space<hbm>>
        %dma_wait3A_117 = tpu.memref_slice %arg5[%mul3A_104] : memref<163840xi32, #tpu.memory_space<hbm>> -> memref<320xi32, #tpu.memory_space<hbm>>
        tpu.wait_dma2 semaphore(%run_scoped3A : memref<!tpu.dma_semaphore, #tpu.memory_space<semaphore_mem>>) src(%arg10 : memref<320xi32, #tpu.memory_space<vmem>>) dst(%dma_wait3A_117 : memref<320xi32, #tpu.memory_space<hbm>>)
        tpu.yield
      }) : () -> ()
      %gt3A_105 = arith.constant 0 : i32
      %gt3A_106 = arith.cmpi sgt, %scan3A_57, %gt3A_105 : i32
      %convert_element_type3A_107 = arith.extui %gt3A_106 : i1 to i32
      %cond3A_108 = arith.constant 0 : i32
      %cond3A_109 = arith.cmpi ne, %convert_element_type3A_107, %cond3A_108 : i32
      scf.if %cond3A_109 {
        %dma_wait3A_114 = arith.constant 0 : i32
        %dma_wait3A_115 = arith.constant 0 : i32
        %dma_wait3A_116 = tpu.memref_slice %arg6[%dma_wait3A_114, %dma_wait3A_115] : memref<163840x128xf32, #tpu.memory_space<hbm>> -> memref<320x128xf32, #tpu.memory_space<hbm>>
        %dma_wait3A_117 = arith.constant 0 : i32
        %dma_wait3A_118 = arith.constant 0 : i32
        %dma_wait3A_119 = tpu.memref_slice %arg6[%dma_wait3A_117, %dma_wait3A_118] : memref<163840x128xf32, #tpu.memory_space<hbm>> -> memref<320x128xf32, #tpu.memory_space<hbm>>
        tpu.wait_dma2 semaphore(%arg16 : memref<!tpu.dma_semaphore, #tpu.memory_space<semaphore_mem>>) src(%arg12 : memref<320x128xf32, #tpu.memory_space<vmem>>) dst(%dma_wait3A_119 : memref<320x128xf32, #tpu.memory_space<hbm>>)
      } else {
      }
      %dma_start3A_110 = arith.constant 0 : i32
      %dma_start3A_111 = arith.constant 0 : i32
      %dma_start3A_112 = tpu.memref_slice %arg4[%dma_start3A_110, %dma_start3A_111] : memref<4096x128xf32, #tpu.memory_space<hbm>> -> memref<4096x128xf32, #tpu.memory_space<hbm>>
      tpu.enqueue_indirect_dma source(%dma_start3A_112 : memref<4096x128xf32, #tpu.memory_space<hbm>>) target(%arg12 : memref<320x128xf32, #tpu.memory_space<vmem>>) offsets(%arg10 : memref<320xi32, #tpu.memory_space<vmem>>) semaphore(%arg14 : memref<!tpu.dma_semaphore, #tpu.memory_space<semaphore_mem>>)
      %scan3A_113 = arith.constant 0 : i32
      scf.yield %scan3A_113 : i32
    }
    %scan3A_37 = arith.constant 8 : i32
    %add3A_38 = arith.constant 112 : i32
    %add3A_39 = arith.addi %mul3A_2, %add3A_38 : i32
    %mul3A_40 = arith.constant 40 : i32
    %mul3A_41 = arith.muli %add3A_39, %mul3A_40 : i32
    %dma_wait3A = arith.constant 0 : i32
    %dma_wait3A_42 = arith.constant 0 : i32
    %dma_wait3A_43 = tpu.memref_slice %arg4[%dma_wait3A, %dma_wait3A_42] : memref<4096x128xf32, #tpu.memory_space<hbm>> -> memref<320x128xf32, #tpu.memory_space<hbm>>
    %dma_wait3A_44 = arith.constant 0 : i32
    %dma_wait3A_45 = arith.constant 0 : i32
    %dma_wait3A_46 = tpu.memref_slice %arg4[%dma_wait3A_44, %dma_wait3A_45] : memref<4096x128xf32, #tpu.memory_space<hbm>> -> memref<320x128xf32, #tpu.memory_space<hbm>>
    tpu.wait_dma2 semaphore(%arg13 : memref<!tpu.dma_semaphore, #tpu.memory_space<semaphore_mem>>) src(%dma_wait3A_46 : memref<320x128xf32, #tpu.memory_space<hbm>>) dst(%arg11 : memref<320x128xf32, #tpu.memory_space<vmem>>)
    "tpu.region"() ({
      %run_scoped3A = tpu.sem_alloc : memref<!tpu.dma_semaphore, #tpu.memory_space<semaphore_mem>>
      %dma_start3A = arith.constant 0 : i32
      %dma_start3A_57 = tpu.memref_slice %arg6[%mul3A_41, %dma_start3A] : memref<163840x128xf32, #tpu.memory_space<hbm>> -> memref<320x128xf32, #tpu.memory_space<hbm>>
      %dma_start3A_58 = arith.constant 0 : i32
      %dma_start3A_59 = tpu.memref_slice %arg6[%mul3A_41, %dma_start3A_58] : memref<163840x128xf32, #tpu.memory_space<hbm>> -> memref<320x128xf32, #tpu.memory_space<hbm>>
      tpu.enqueue_dma source(%arg11 : memref<320x128xf32, #tpu.memory_space<vmem>>) target(%dma_start3A_59 : memref<320x128xf32, #tpu.memory_space<hbm>>) target_semaphore(%run_scoped3A : memref<!tpu.dma_semaphore, #tpu.memory_space<semaphore_mem>>)
      %dma_wait3A_60 = arith.constant 0 : i32
      %dma_wait3A_61 = tpu.memref_slice %arg6[%mul3A_41, %dma_wait3A_60] : memref<163840x128xf32, #tpu.memory_space<hbm>> -> memref<320x128xf32, #tpu.memory_space<hbm>>
      %dma_wait3A_62 = arith.constant 0 : i32
      %dma_wait3A_63 = tpu.memref_slice %arg6[%mul3A_41, %dma_wait3A_62] : memref<163840x128xf32, #tpu.memory_space<hbm>> -> memref<320x128xf32, #tpu.memory_space<hbm>>
      tpu.wait_dma2 semaphore(%run_scoped3A : memref<!tpu.dma_semaphore, #tpu.memory_space<semaphore_mem>>) src(%arg11 : memref<320x128xf32, #tpu.memory_space<vmem>>) dst(%dma_wait3A_63 : memref<320x128xf32, #tpu.memory_space<hbm>>)
      tpu.yield
    }) : () -> ()
    %add3A_47 = arith.constant 120 : i32
    %add3A_48 = arith.addi %mul3A_2, %add3A_47 : i32
    %mul3A_49 = arith.constant 40 : i32
    %mul3A_50 = arith.muli %add3A_48, %mul3A_49 : i32
    %dma_wait3A_51 = arith.constant 0 : i32
    %dma_wait3A_52 = arith.constant 0 : i32
    %dma_wait3A_53 = tpu.memref_slice %arg4[%dma_wait3A_51, %dma_wait3A_52] : memref<4096x128xf32, #tpu.memory_space<hbm>> -> memref<320x128xf32, #tpu.memory_space<hbm>>
    %dma_wait3A_54 = arith.constant 0 : i32
    %dma_wait3A_55 = arith.constant 0 : i32
    %dma_wait3A_56 = tpu.memref_slice %arg4[%dma_wait3A_54, %dma_wait3A_55] : memref<4096x128xf32, #tpu.memory_space<hbm>> -> memref<320x128xf32, #tpu.memory_space<hbm>>
    tpu.wait_dma2 semaphore(%arg14 : memref<!tpu.dma_semaphore, #tpu.memory_space<semaphore_mem>>) src(%dma_wait3A_56 : memref<320x128xf32, #tpu.memory_space<hbm>>) dst(%arg12 : memref<320x128xf32, #tpu.memory_space<vmem>>)
    "tpu.region"() ({
      %run_scoped3A = tpu.sem_alloc : memref<!tpu.dma_semaphore, #tpu.memory_space<semaphore_mem>>
      %dma_start3A = arith.constant 0 : i32
      %dma_start3A_57 = tpu.memref_slice %arg6[%mul3A_50, %dma_start3A] : memref<163840x128xf32, #tpu.memory_space<hbm>> -> memref<320x128xf32, #tpu.memory_space<hbm>>
      %dma_start3A_58 = arith.constant 0 : i32
      %dma_start3A_59 = tpu.memref_slice %arg6[%mul3A_50, %dma_start3A_58] : memref<163840x128xf32, #tpu.memory_space<hbm>> -> memref<320x128xf32, #tpu.memory_space<hbm>>
      tpu.enqueue_dma source(%arg12 : memref<320x128xf32, #tpu.memory_space<vmem>>) target(%dma_start3A_59 : memref<320x128xf32, #tpu.memory_space<hbm>>) target_semaphore(%run_scoped3A : memref<!tpu.dma_semaphore, #tpu.memory_space<semaphore_mem>>)
      %dma_wait3A_60 = arith.constant 0 : i32
      %dma_wait3A_61 = tpu.memref_slice %arg6[%mul3A_50, %dma_wait3A_60] : memref<163840x128xf32, #tpu.memory_space<hbm>> -> memref<320x128xf32, #tpu.memory_space<hbm>>
      %dma_wait3A_62 = arith.constant 0 : i32
      %dma_wait3A_63 = tpu.memref_slice %arg6[%mul3A_50, %dma_wait3A_62] : memref<163840x128xf32, #tpu.memory_space<hbm>> -> memref<320x128xf32, #tpu.memory_space<hbm>>
      tpu.wait_dma2 semaphore(%run_scoped3A : memref<!tpu.dma_semaphore, #tpu.memory_space<semaphore_mem>>) src(%arg12 : memref<320x128xf32, #tpu.memory_space<vmem>>) dst(%dma_wait3A_63 : memref<320x128xf32, #tpu.memory_space<hbm>>)
      tpu.yield
    }) : () -> ()
    return
  }
}

#map = affine_map<(d0, d1) -> (0, 0)>
#map1 = affine_map<(d0, d1) -> (0)>
module attributes {stable_mosaic.version = 14 : i64} {
  func.func @run(%arg0: i32, %arg1: i32, %arg2: memref<4096x1024xf32, #tpu.memory_space<hbm>>, %arg3: memref<4096x128xf32, #tpu.memory_space<hbm>>, %arg4: memref<4096x128xf32, #tpu.memory_space<hbm>>, %arg5: memref<163840xi32, #tpu.memory_space<hbm>>, %arg6: memref<163840x128xf32, #tpu.memory_space<hbm>>, %arg7: memref<8x1024xf32, #tpu.memory_space<vmem>>, %arg8: memref<8x128xf32, #tpu.memory_space<vmem>>, %arg9: memref<320xi32, #tpu.memory_space<vmem>>, %arg10: memref<320xi32, #tpu.memory_space<vmem>>, %arg11: memref<320x128xf32, #tpu.memory_space<vmem>>, %arg12: memref<320x128xf32, #tpu.memory_space<vmem>>, %arg13: memref<!tpu.dma_semaphore, #tpu.memory_space<semaphore_mem>>, %arg14: memref<!tpu.dma_semaphore, #tpu.memory_space<semaphore_mem>>, %arg15: memref<!tpu.dma_semaphore, #tpu.memory_space<semaphore_mem>>, %arg16: memref<!tpu.dma_semaphore, #tpu.memory_space<semaphore_mem>>) attributes {dimension_semantics = [#tpu.dimension_semantics<core_parallel>, #tpu.dimension_semantics<subcore_parallel>], iteration_bounds = array<i64: 2, 16>, scalar_prefetch = 0 : i64, scratch_operands = 10 : i64, tpu.core_type = #tpu.core_type<sc_vector_subcore>, window_params = [{transform_indices = #map}, {transform_indices = #map}, {transform_indices = #map}, {transform_indices = #map1}, {transform_indices = #map}]} {
    %mul3A = arith.constant 2 : i32
    %mul3A_0 = arith.muli %arg1, %mul3A : i32
    %add3A = arith.addi %mul3A_0, %arg0 : i32
    %mul3A_1 = arith.constant 128 : i32
    %mul3A_2 = arith.muli %add3A, %mul3A_1 : i32
    %jit3A = arith.constant 1024 : i32
    %div3A = arith.divsi %mul3A_2, %jit3A : i32
    %sign3A = arith.constant 0 : i32
    %sign3A_3 = arith.cmpi sgt, %mul3A_2, %sign3A : i32
    %sign3A_4 = arith.extui %sign3A_3 : i1 to i32
    %sign3A_5 = arith.constant 0 : i32
    %sign3A_6 = arith.cmpi slt, %mul3A_2, %sign3A_5 : i32
    %sign3A_7 = arith.extui %sign3A_6 : i1 to i32
    %sign3A_8 = arith.subi %sign3A_4, %sign3A_7 : i32
    %sign3A_9 = arith.constant 0 : i32
    %sign3A_10 = arith.cmpi sgt, %jit3A, %sign3A_9 : i32
    %sign3A_11 = arith.extui %sign3A_10 : i1 to i32
    %sign3A_12 = arith.constant 0 : i32
    %sign3A_13 = arith.cmpi slt, %jit3A, %sign3A_12 : i32
    %sign3A_14 = arith.extui %sign3A_13 : i1 to i32
    %sign3A_15 = arith.subi %sign3A_11, %sign3A_14 : i32
    %ne3A = arith.cmpi ne, %sign3A_8, %sign3A_15 : i32
    %rem3A = arith.remsi %mul3A_2, %jit3A : i32
    %ne3A_16 = arith.constant 0 : i32
    %ne3A_17 = arith.cmpi ne, %rem3A, %ne3A_16 : i32
    %and3A = arith.andi %ne3A, %ne3A_17 : i1
    %sub3A = arith.constant 1 : i32
    %sub3A_18 = arith.subi %div3A, %sub3A : i32
    %select_n3A = arith.select %and3A, %sub3A_18, %div3A : i32
    %mul3A_19 = arith.constant 1024 : i32
    %mul3A_20 = arith.muli %select_n3A, %mul3A_19 : i32
    %iota3A = tpu.iota {dimensions = array<i32: 0>} : vector<16xi32>
    %xor3A = arith.constant 8 : i32
    %xor3A_21 = vector.broadcast %xor3A : i32 to vector<16xi32>
    %xor3A_22 = arith.xori %iota3A, %xor3A_21 : vector<16xi32>
    %xor3A_23 = arith.constant 4 : i32
    %xor3A_24 = vector.broadcast %xor3A_23 : i32 to vector<16xi32>
    %xor3A_25 = arith.xori %iota3A, %xor3A_24 : vector<16xi32>
    %xor3A_26 = arith.constant 2 : i32
    %xor3A_27 = vector.broadcast %xor3A_26 : i32 to vector<16xi32>
    %xor3A_28 = arith.xori %iota3A, %xor3A_27 : vector<16xi32>
    %xor3A_29 = arith.constant 1 : i32
    %xor3A_30 = vector.broadcast %xor3A_29 : i32 to vector<16xi32>
    %xor3A_31 = arith.xori %iota3A, %xor3A_30 : vector<16xi32>
    %scan3A = arith.constant 0 : i32
    %scan3A_32 = arith.constant 0 : i32
    %scan3A_33 = arith.constant 8 : i32
    %scan3A_34 = arith.addi %scan3A_32, %scan3A_33 : i32
    %scan3A_35 = arith.constant 1 : i32
    %scan3A_36 = scf.for %scan3A_57 = %scan3A_32 to %scan3A_34 step %scan3A_35 iter_args(%scan3A_58 = %scan3A) -> (i32)  : i32 {
      %mul3A_59 = arith.constant 2 : i32
      %mul3A_60 = arith.muli %scan3A_57, %mul3A_59 : i32
      %add3A_61 = arith.constant 0 : i32
      %add3A_62 = arith.addi %mul3A_60, %add3A_61 : i32
      %gt3A = arith.constant 0 : i32
      %gt3A_63 = arith.cmpi sgt, %scan3A_57, %gt3A : i32
      %convert_element_type3A = arith.extui %gt3A_63 : i1 to i32
      %cond3A = arith.constant 0 : i32
      %cond3A_64 = arith.cmpi ne, %convert_element_type3A, %cond3A : i32
      scf.if %cond3A_64 {
        %sub3A_114 = arith.constant 2 : i32
        %sub3A_115 = arith.subi %add3A_62, %sub3A_114 : i32
        %mul3A_116 = arith.constant 8 : i32
        %mul3A_117 = arith.muli %sub3A_115, %mul3A_116 : i32
        %add3A_118 = arith.addi %mul3A_2, %mul3A_117 : i32
        %mul3A_119 = arith.constant 40 : i32
        %mul3A_120 = arith.muli %add3A_118, %mul3A_119 : i32
        %dma_wait3A_121 = arith.constant 0 : i32
        %dma_wait3A_122 = arith.constant 0 : i32
        %dma_wait3A_123 = tpu.memref_slice %arg4[%dma_wait3A_121, %dma_wait3A_122] : memref<4096x128xf32, #tpu.memory_space<hbm>> -> memref<320x128xf32, #tpu.memory_space<hbm>>
        %dma_wait3A_124 = arith.constant 0 : i32
        %dma_wait3A_125 = arith.constant 0 : i32
        %dma_wait3A_126 = tpu.memref_slice %arg4[%dma_wait3A_124, %dma_wait3A_125] : memref<4096x128xf32, #tpu.memory_space<hbm>> -> memref<320x128xf32, #tpu.memory_space<hbm>>
        tpu.wait_dma2 semaphore(%arg13 : memref<!tpu.dma_semaphore, #tpu.memory_space<semaphore_mem>>) src(%dma_wait3A_126 : memref<320x128xf32, #tpu.memory_space<hbm>>) dst(%arg11 : memref<320x128xf32, #tpu.memory_space<vmem>>)
        %dma_start3A_127 = arith.constant 0 : i32
        %dma_start3A_128 = tpu.memref_slice %arg6[%mul3A_120, %dma_start3A_127] : memref<163840x128xf32, #tpu.memory_space<hbm>> -> memref<320x128xf32, #tpu.memory_space<hbm>>
        %dma_start3A_129 = arith.constant 0 : i32
        %dma_start3A_130 = tpu.memref_slice %arg6[%mul3A_120, %dma_start3A_129] : memref<163840x128xf32, #tpu.memory_space<hbm>> -> memref<320x128xf32, #tpu.memory_space<hbm>>
        tpu.enqueue_dma source(%arg11 : memref<320x128xf32, #tpu.memory_space<vmem>>) target(%dma_start3A_130 : memref<320x128xf32, #tpu.memory_space<hbm>>) target_semaphore(%arg15 : memref<!tpu.dma_semaphore, #tpu.memory_space<semaphore_mem>>)
      } else {
      }
      %mul3A_65 = arith.constant 8 : i32
      %mul3A_66 = arith.muli %add3A_62, %mul3A_65 : i32
      %add3A_67 = arith.addi %mul3A_2, %mul3A_66 : i32
      "tpu.region"() ({
        %run_scoped3A = tpu.sem_alloc : memref<!tpu.dma_semaphore, #tpu.memory_space<semaphore_mem>>
        %dma_start3A_114 = arith.constant 0 : i32
        %dma_start3A_115 = tpu.memref_slice %arg2[%add3A_67, %dma_start3A_114] : memref<4096x1024xf32, #tpu.memory_space<hbm>> -> memref<8x1024xf32, #tpu.memory_space<hbm>>
        %dma_start3A_116 = arith.constant 0 : i32
        %dma_start3A_117 = tpu.memref_slice %arg2[%add3A_67, %dma_start3A_116] : memref<4096x1024xf32, #tpu.memory_space<hbm>> -> memref<8x1024xf32, #tpu.memory_space<hbm>>
        tpu.enqueue_dma source(%dma_start3A_117 : memref<8x1024xf32, #tpu.memory_space<hbm>>) target(%arg7 : memref<8x1024xf32, #tpu.memory_space<vmem>>) target_semaphore(%run_scoped3A : memref<!tpu.dma_semaphore, #tpu.memory_space<semaphore_mem>>)
        %dma_wait3A_118 = arith.constant 0 : i32
        %dma_wait3A_119 = tpu.memref_slice %arg2[%add3A_67, %dma_wait3A_118] : memref<4096x1024xf32, #tpu.memory_space<hbm>> -> memref<8x1024xf32, #tpu.memory_space<hbm>>
        %dma_wait3A_120 = arith.constant 0 : i32
        %dma_wait3A_121 = tpu.memref_slice %arg2[%add3A_67, %dma_wait3A_120] : memref<4096x1024xf32, #tpu.memory_space<hbm>> -> memref<8x1024xf32, #tpu.memory_space<hbm>>
        tpu.wait_dma2 semaphore(%run_scoped3A : memref<!tpu.dma_semaphore, #tpu.memory_space<semaphore_mem>>) src(%dma_wait3A_121 : memref<8x1024xf32, #tpu.memory_space<hbm>>) dst(%arg7 : memref<8x1024xf32, #tpu.memory_space<vmem>>)
        tpu.yield
      }) : () -> ()
      "tpu.region"() ({
        %run_scoped3A = tpu.sem_alloc : memref<!tpu.dma_semaphore, #tpu.memory_space<semaphore_mem>>
        %dma_start3A_114 = arith.constant 0 : i32
        %dma_start3A_115 = tpu.memref_slice %arg3[%add3A_67, %dma_start3A_114] : memref<4096x128xf32, #tpu.memory_space<hbm>> -> memref<8x128xf32, #tpu.memory_space<hbm>>
        %dma_start3A_116 = arith.constant 0 : i32
        %dma_start3A_117 = tpu.memref_slice %arg3[%add3A_67, %dma_start3A_116] : memref<4096x128xf32, #tpu.memory_space<hbm>> -> memref<8x128xf32, #tpu.memory_space<hbm>>
        tpu.enqueue_dma source(%dma_start3A_117 : memref<8x128xf32, #tpu.memory_space<hbm>>) target(%arg8 : memref<8x128xf32, #tpu.memory_space<vmem>>) target_semaphore(%run_scoped3A : memref<!tpu.dma_semaphore, #tpu.memory_space<semaphore_mem>>)
        %dma_wait3A_118 = arith.constant 0 : i32
        %dma_wait3A_119 = tpu.memref_slice %arg3[%add3A_67, %dma_wait3A_118] : memref<4096x128xf32, #tpu.memory_space<hbm>> -> memref<8x128xf32, #tpu.memory_space<hbm>>
        %dma_wait3A_120 = arith.constant 0 : i32
        %dma_wait3A_121 = tpu.memref_slice %arg3[%add3A_67, %dma_wait3A_120] : memref<4096x128xf32, #tpu.memory_space<hbm>> -> memref<8x128xf32, #tpu.memory_space<hbm>>
        tpu.wait_dma2 semaphore(%run_scoped3A : memref<!tpu.dma_semaphore, #tpu.memory_space<semaphore_mem>>) src(%dma_wait3A_121 : memref<8x128xf32, #tpu.memory_space<hbm>>) dst(%arg8 : memref<8x128xf32, #tpu.memory_space<vmem>>)
        tpu.yield
      }) : () -> ()
      %scan3A_68 = arith.constant 0 : i32
      %scan3A_69 = arith.constant 0 : i32
      %scan3A_70 = arith.constant 8 : i32
      %scan3A_71 = arith.addi %scan3A_69, %scan3A_70 : i32
      %scan3A_72 = arith.constant 1 : i32
      %scan3A_73 = scf.for %scan3A_114 = %scan3A_69 to %scan3A_71 step %scan3A_72 iter_args(%scan3A_115 = %scan3A_68) -> (i32)  : i32 {
        %scan3A_116 = arith.constant 0 : i32
        %scan3A_117 = arith.constant 0 : i32
        %scan3A_118 = arith.constant 33 : i32
        %scan3A_119 = arith.addi %scan3A_117, %scan3A_118 : i32
        %scan3A_120 = arith.constant 1 : i32
        %scan3A_121 = scf.for %scan3A_141 = %scan3A_117 to %scan3A_119 step %scan3A_120 iter_args(%scan3A_142 = %scan3A_116) -> (i32)  : i32 {
          %get3A_143 = arith.index_cast %scan3A_114 : i32 to index
          %get3A_144 = arith.constant 0 : index
          %get3A_145 = tpu.vector_load %arg8[%get3A_143, %get3A_144] {strides = array<i32>} : memref<8x128xf32, #tpu.memory_space<vmem>>, vector<1x16xf32>,
          %get3A_146 = vector.shape_cast %get3A_145 : vector<1x16xf32> to vector<16xf32>
          %get3A_147 = arith.index_cast %scan3A_114 : i32 to index
          %get3A_148 = arith.constant 16 : index
          %get3A_149 = tpu.vector_load %arg8[%get3A_147, %get3A_148] {strides = array<i32>} : memref<8x128xf32, #tpu.memory_space<vmem>>, vector<1x16xf32>,
          %get3A_150 = vector.shape_cast %get3A_149 : vector<1x16xf32> to vector<16xf32>
          %get3A_151 = arith.index_cast %scan3A_114 : i32 to index
          %get3A_152 = arith.constant 32 : index
          %get3A_153 = tpu.vector_load %arg8[%get3A_151, %get3A_152] {strides = array<i32>} : memref<8x128xf32, #tpu.memory_space<vmem>>, vector<1x16xf32>,
          %get3A_154 = vector.shape_cast %get3A_153 : vector<1x16xf32> to vector<16xf32>
          %get3A_155 = arith.index_cast %scan3A_114 : i32 to index
          %get3A_156 = arith.constant 48 : index
          %get3A_157 = tpu.vector_load %arg8[%get3A_155, %get3A_156] {strides = array<i32>} : memref<8x128xf32, #tpu.memory_space<vmem>>, vector<1x16xf32>,
          %get3A_158 = vector.shape_cast %get3A_157 : vector<1x16xf32> to vector<16xf32>
          %min3A = arith.minimumf %get3A_146, %get3A_150 : vector<16xf32>
          %min3A_159 = arith.minimumf %get3A_154, %get3A_158 : vector<16xf32>
          %min3A_160 = arith.minimumf %min3A, %min3A_159 : vector<16xf32>
          %broadcast_in_dim3A_161 = vector.shape_cast %xor3A_22 : vector<16xi32> to vector<16x1xi32>
          %gather3A = vector.shape_cast %broadcast_in_dim3A_161 : vector<16x1xi32> to vector<16xi32>
          %gather3A_162 = tpu.dynamic_gather %min3A_160[%gather3A] in [0] : vector<16xf32>, vector<16xi32> -> vector<16xf32>
          %min3A_163 = arith.minimumf %min3A_160, %gather3A_162 : vector<16xf32>
          %broadcast_in_dim3A_164 = vector.shape_cast %xor3A_25 : vector<16xi32> to vector<16x1xi32>
          %gather3A_165 = vector.shape_cast %broadcast_in_dim3A_164 : vector<16x1xi32> to vector<16xi32>
          %gather3A_166 = tpu.dynamic_gather %min3A_163[%gather3A_165] in [0] : vector<16xf32>, vector<16xi32> -> vector<16xf32>
          %min3A_167 = arith.minimumf %min3A_163, %gather3A_166 : vector<16xf32>
          %broadcast_in_dim3A_168 = vector.shape_cast %xor3A_28 : vector<16xi32> to vector<16x1xi32>
          %gather3A_169 = vector.shape_cast %broadcast_in_dim3A_168 : vector<16x1xi32> to vector<16xi32>
          %gather3A_170 = tpu.dynamic_gather %min3A_167[%gather3A_169] in [0] : vector<16xf32>, vector<16xi32> -> vector<16xf32>
          %min3A_171 = arith.minimumf %min3A_167, %gather3A_170 : vector<16xf32>
          %broadcast_in_dim3A_172 = vector.shape_cast %xor3A_31 : vector<16xi32> to vector<16x1xi32>
          %gather3A_173 = vector.shape_cast %broadcast_in_dim3A_172 : vector<16x1xi32> to vector<16xi32>
          %gather3A_174 = tpu.dynamic_gather %min3A_171[%gather3A_173] in [0] : vector<16xf32>, vector<16xi32> -> vector<16xf32>
          %min3A_175 = arith.minimumf %min3A_171, %gather3A_174 : vector<16xf32>
          %slice3A_176 = vector.extract_strided_slice %min3A_175 {offsets = [0], sizes = [1], strides = [1]} : vector<16xf32> to vector<1xf32>
          %squeeze3A_177 = vector.extract %slice3A_176[0] : f32 from vector<1xf32>
          %eq3A = vector.broadcast %squeeze3A_177 : f32 to vector<16xf32>
          %eq3A_178 = arith.cmpf oeq, %get3A_146, %eq3A : vector<16xf32>
          %jit3A_179 = arith.constant 1073741824 : i32
          %broadcast_in_dim3A_180 = vector.broadcast %jit3A_179 : i32 to vector<16xi32>
          %select_n3A_181 = arith.select %eq3A_178, %iota3A, %broadcast_in_dim3A_180 : vector<16xi1>, vector<16xi32>
          %eq3A_182 = vector.broadcast %squeeze3A_177 : f32 to vector<16xf32>
          %eq3A_183 = arith.cmpf oeq, %get3A_150, %eq3A_182 : vector<16xf32>
          %add3A_184 = arith.constant 16 : i32
          %add3A_185 = vector.broadcast %add3A_184 : i32 to vector<16xi32>
          %add3A_186 = arith.addi %iota3A, %add3A_185 : vector<16xi32>
          %jit3A_187 = arith.constant 1073741824 : i32
          %broadcast_in_dim3A_188 = vector.broadcast %jit3A_187 : i32 to vector<16xi32>
          %select_n3A_189 = arith.select %eq3A_183, %add3A_186, %broadcast_in_dim3A_188 : vector<16xi1>, vector<16xi32>
          %min3A_190 = arith.minsi %select_n3A_181, %select_n3A_189 : vector<16xi32>
          %eq3A_191 = vector.broadcast %squeeze3A_177 : f32 to vector<16xf32>
          %eq3A_192 = arith.cmpf oeq, %get3A_154, %eq3A_191 : vector<16xf32>
          %add3A_193 = arith.constant 32 : i32
          %add3A_194 = vector.broadcast %add3A_193 : i32 to vector<16xi32>
          %add3A_195 = arith.addi %iota3A, %add3A_194 : vector<16xi32>
          %jit3A_196 = arith.constant 1073741824 : i32
          %broadcast_in_dim3A_197 = vector.broadcast %jit3A_196 : i32 to vector<16xi32>
          %select_n3A_198 = arith.select %eq3A_192, %add3A_195, %broadcast_in_dim3A_197 : vector<16xi1>, vector<16xi32>
          %eq3A_199 = vector.broadcast %squeeze3A_177 : f32 to vector<16xf32>
          %eq3A_200 = arith.cmpf oeq, %get3A_158, %eq3A_199 : vector<16xf32>
          %add3A_201 = arith.constant 48 : i32
          %add3A_202 = vector.broadcast %add3A_201 : i32 to vector<16xi32>
          %add3A_203 = arith.addi %iota3A, %add3A_202 : vector<16xi32>
          %jit3A_204 = arith.constant 1073741824 : i32
          %broadcast_in_dim3A_205 = vector.broadcast %jit3A_204 : i32 to vector<16xi32>
          %select_n3A_206 = arith.select %eq3A_200, %add3A_203, %broadcast_in_dim3A_205 : vector<16xi1>, vector<16xi32>
          %min3A_207 = arith.minsi %select_n3A_198, %select_n3A_206 : vector<16xi32>
          %min3A_208 = arith.minsi %min3A_190, %min3A_207 : vector<16xi32>
          %broadcast_in_dim3A_209 = vector.shape_cast %xor3A_22 : vector<16xi32> to vector<16x1xi32>
          %gather3A_210 = vector.shape_cast %broadcast_in_dim3A_209 : vector<16x1xi32> to vector<16xi32>
          %gather3A_211 = tpu.dynamic_gather %min3A_208[%gather3A_210] in [0] : vector<16xi32>, vector<16xi32> -> vector<16xi32>
          %min3A_212 = arith.minsi %min3A_208, %gather3A_211 : vector<16xi32>
          %broadcast_in_dim3A_213 = vector.shape_cast %xor3A_25 : vector<16xi32> to vector<16x1xi32>
          %gather3A_214 = vector.shape_cast %broadcast_in_dim3A_213 : vector<16x1xi32> to vector<16xi32>
          %gather3A_215 = tpu.dynamic_gather %min3A_212[%gather3A_214] in [0] : vector<16xi32>, vector<16xi32> -> vector<16xi32>
          %min3A_216 = arith.minsi %min3A_212, %gather3A_215 : vector<16xi32>
          %broadcast_in_dim3A_217 = vector.shape_cast %xor3A_28 : vector<16xi32> to vector<16x1xi32>
          %gather3A_218 = vector.shape_cast %broadcast_in_dim3A_217 : vector<16x1xi32> to vector<16xi32>
          %gather3A_219 = tpu.dynamic_gather %min3A_216[%gather3A_218] in [0] : vector<16xi32>, vector<16xi32> -> vector<16xi32>
          %min3A_220 = arith.minsi %min3A_216, %gather3A_219 : vector<16xi32>
          %broadcast_in_dim3A_221 = vector.shape_cast %xor3A_31 : vector<16xi32> to vector<16x1xi32>
          %gather3A_222 = vector.shape_cast %broadcast_in_dim3A_221 : vector<16x1xi32> to vector<16xi32>
          %gather3A_223 = tpu.dynamic_gather %min3A_220[%gather3A_222] in [0] : vector<16xi32>, vector<16xi32> -> vector<16xi32>
          %min3A_224 = arith.minsi %min3A_220, %gather3A_223 : vector<16xi32>
          %slice3A_225 = vector.extract_strided_slice %min3A_224 {offsets = [0], sizes = [1], strides = [1]} : vector<16xi32> to vector<1xi32>
          %squeeze3A_226 = vector.extract %slice3A_225[0] : i32 from vector<1xi32>
          %mul3A_227 = arith.constant 16 : i32
          %mul3A_228 = arith.muli %squeeze3A_226, %mul3A_227 : i32
          %get3A_229 = arith.index_cast %scan3A_114 : i32 to index
          %get3A_230 = arith.index_cast %mul3A_228 : i32 to index
          %get3A_231 = tpu.vector_load %arg7[%get3A_229, %get3A_230] {strides = array<i32>} : memref<8x1024xf32, #tpu.memory_space<vmem>>, vector<1x16xf32>,
          %get3A_232 = vector.shape_cast %get3A_231 : vector<1x16xf32> to vector<16xf32>
          %eq3A_233 = vector.broadcast %squeeze3A_177 : f32 to vector<16xf32>
          %eq3A_234 = arith.cmpf oeq, %get3A_232, %eq3A_233 : vector<16xf32>
          %jit3A_235 = arith.constant 1073741824 : i32
          %broadcast_in_dim3A_236 = vector.broadcast %jit3A_235 : i32 to vector<16xi32>
          %select_n3A_237 = arith.select %eq3A_234, %iota3A, %broadcast_in_dim3A_236 : vector<16xi1>, vector<16xi32>
          %broadcast_in_dim3A_238 = vector.shape_cast %xor3A_22 : vector<16xi32> to vector<16x1xi32>
          %gather3A_239 = vector.shape_cast %broadcast_in_dim3A_238 : vector<16x1xi32> to vector<16xi32>
          %gather3A_240 = tpu.dynamic_gather %select_n3A_237[%gather3A_239] in [0] : vector<16xi32>, vector<16xi32> -> vector<16xi32>
          %min3A_241 = arith.minsi %select_n3A_237, %gather3A_240 : vector<16xi32>
          %broadcast_in_dim3A_242 = vector.shape_cast %xor3A_25 : vector<16xi32> to vector<16x1xi32>
          %gather3A_243 = vector.shape_cast %broadcast_in_dim3A_242 : vector<16x1xi32> to vector<16xi32>
          %gather3A_244 = tpu.dynamic_gather %min3A_241[%gather3A_243] in [0] : vector<16xi32>, vector<16xi32> -> vector<16xi32>
          %min3A_245 = arith.minsi %min3A_241, %gather3A_244 : vector<16xi32>
          %broadcast_in_dim3A_246 = vector.shape_cast %xor3A_28 : vector<16xi32> to vector<16x1xi32>
          %gather3A_247 = vector.shape_cast %broadcast_in_dim3A_246 : vector<16x1xi32> to vector<16xi32>
          %gather3A_248 = tpu.dynamic_gather %min3A_245[%gather3A_247] in [0] : vector<16xi32>, vector<16xi32> -> vector<16xi32>
          %min3A_249 = arith.minsi %min3A_245, %gather3A_248 : vector<16xi32>
          %broadcast_in_dim3A_250 = vector.shape_cast %xor3A_31 : vector<16xi32> to vector<16x1xi32>
          %gather3A_251 = vector.shape_cast %broadcast_in_dim3A_250 : vector<16x1xi32> to vector<16xi32>
          %gather3A_252 = tpu.dynamic_gather %min3A_249[%gather3A_251] in [0] : vector<16xi32>, vector<16xi32> -> vector<16xi32>
          %min3A_253 = arith.minsi %min3A_249, %gather3A_252 : vector<16xi32>
          %slice3A_254 = vector.extract_strided_slice %min3A_253 {offsets = [0], sizes = [1], strides = [1]} : vector<16xi32> to vector<1xi32>
          %squeeze3A_255 = vector.extract %slice3A_254[0] : i32 from vector<1xi32>
          %mul3A_256 = arith.constant 16 : i32
          %mul3A_257 = arith.muli %squeeze3A_226, %mul3A_256 : i32
          %add3A_258 = arith.addi %mul3A_257, %squeeze3A_255 : i32
          %mul3A_259 = arith.constant 40 : i32
          %mul3A_260 = arith.muli %scan3A_114, %mul3A_259 : i32
          %add3A_261 = arith.addi %mul3A_260, %scan3A_141 : i32
          %shift_right_arithmetic3A = arith.constant 3 : i32
          %shift_right_arithmetic3A_262 = arith.shrsi %add3A_261, %shift_right_arithmetic3A : i32
          %shift_left3A = arith.constant 3 : i32
          %shift_left3A_263 = arith.shli %shift_right_arithmetic3A_262, %shift_left3A : i32
          %get3A_264 = arith.index_cast %shift_left3A_263 : i32 to index
          %get3A_265 = tpu.vector_load %arg9[%get3A_264] {strides = array<i32>} : memref<320xi32, #tpu.memory_space<vmem>>, vector<16xi32>,
          %get3A_266 = vector.shape_cast %get3A_265 : vector<16xi32> to vector<16xi32>
          %sub3A_267 = arith.subi %add3A_261, %shift_left3A_263 : i32
          %eq3A_268 = vector.broadcast %sub3A_267 : i32 to vector<16xi32>
          %eq3A_269 = arith.cmpi eq, %iota3A, %eq3A_268 : vector<16xi32>
          %add3A_270 = arith.addi %add3A_258, %mul3A_20 : i32
          %broadcast_in_dim3A_271 = vector.broadcast %add3A_270 : i32 to vector<16xi32>
          %select_n3A_272 = arith.select %eq3A_269, %broadcast_in_dim3A_271, %get3A_266 : vector<16xi1>, vector<16xi32>
          %swap3A_273 = arith.index_cast %shift_left3A_263 : i32 to index
          %swap3A_274 = tpu.vector_load %arg9[%swap3A_273] {strides = array<i32>} : memref<320xi32, #tpu.memory_space<vmem>>, vector<16xi32>,
          %swap3A_275 = vector.shape_cast %swap3A_274 : vector<16xi32> to vector<16xi32>
          %swap3A_276 = vector.shape_cast %select_n3A_272 : vector<16xi32> to vector<16xi32>
          tpu.vector_store %arg9[%swap3A_273], %swap3A_276 {strides = array<i32>} : memref<320xi32, #tpu.memory_space<vmem>>, vector<16xi32>,
          %eq3A_277 = vector.broadcast %squeeze3A_255 : i32 to vector<16xi32>
          %eq3A_278 = arith.cmpi eq, %iota3A, %eq3A_277 : vector<16xi32>
          %jit3A_279 = arith.constant 0x7F800000 : f32
          %broadcast_in_dim3A_280 = vector.broadcast %jit3A_279 : f32 to vector<16xf32>
          %select_n3A_281 = arith.select %eq3A_278, %broadcast_in_dim3A_280, %get3A_232 : vector<16xi1>, vector<16xf32>
          %mul3A_282 = arith.constant 16 : i32
          %mul3A_283 = arith.muli %squeeze3A_226, %mul3A_282 : i32
          %swap3A_284 = arith.index_cast %scan3A_114 : i32 to index
          %swap3A_285 = arith.index_cast %mul3A_283 : i32 to index
          %swap3A_286 = tpu.vector_load %arg7[%swap3A_284, %swap3A_285] {strides = array<i32>} : memref<8x1024xf32, #tpu.memory_space<vmem>>, vector<1x16xf32>,
          %swap3A_287 = vector.shape_cast %swap3A_286 : vector<1x16xf32> to vector<16xf32>
          %swap3A_288 = vector.shape_cast %select_n3A_281 : vector<16xf32> to vector<1x16xf32>
          tpu.vector_store %arg7[%swap3A_284, %swap3A_285], %swap3A_288 {strides = array<i32>} : memref<8x1024xf32, #tpu.memory_space<vmem>>, vector<1x16xf32>,
          %shift_right_arithmetic3A_289 = arith.constant 4 : i32
          %shift_right_arithmetic3A_290 = arith.shrsi %squeeze3A_226, %shift_right_arithmetic3A_289 : i32
          %shift_left3A_291 = arith.constant 4 : i32
          %shift_left3A_292 = arith.shli %shift_right_arithmetic3A_290, %shift_left3A_291 : i32
          %get3A_293 = arith.index_cast %scan3A_114 : i32 to index
          %get3A_294 = arith.index_cast %shift_left3A_292 : i32 to index
          %get3A_295 = tpu.vector_load %arg8[%get3A_293, %get3A_294] {strides = array<i32>} : memref<8x128xf32, #tpu.memory_space<vmem>>, vector<1x16xf32>,
          %get3A_296 = vector.shape_cast %get3A_295 : vector<1x16xf32> to vector<16xf32>
          %sub3A_297 = arith.subi %squeeze3A_226, %shift_left3A_292 : i32
          %eq3A_298 = vector.broadcast %sub3A_297 : i32 to vector<16xi32>
          %eq3A_299 = arith.cmpi eq, %iota3A, %eq3A_298 : vector<16xi32>
          %broadcast_in_dim3A_300 = vector.shape_cast %xor3A_22 : vector<16xi32> to vector<16x1xi32>
          %gather3A_301 = vector.shape_cast %broadcast_in_dim3A_300 : vector<16x1xi32> to vector<16xi32>
          %gather3A_302 = tpu.dynamic_gather %select_n3A_281[%gather3A_301] in [0] : vector<16xf32>, vector<16xi32> -> vector<16xf32>
          %min3A_303 = arith.minimumf %select_n3A_281, %gather3A_302 : vector<16xf32>
          %broadcast_in_dim3A_304 = vector.shape_cast %xor3A_25 : vector<16xi32> to vector<16x1xi32>
          %gather3A_305 = vector.shape_cast %broadcast_in_dim3A_304 : vector<16x1xi32> to vector<16xi32>
          %gather3A_306 = tpu.dynamic_gather %min3A_303[%gather3A_305] in [0] : vector<16xf32>, vector<16xi32> -> vector<16xf32>
          %min3A_307 = arith.minimumf %min3A_303, %gather3A_306 : vector<16xf32>
          %broadcast_in_dim3A_308 = vector.shape_cast %xor3A_28 : vector<16xi32> to vector<16x1xi32>
          %gather3A_309 = vector.shape_cast %broadcast_in_dim3A_308 : vector<16x1xi32> to vector<16xi32>
          %gather3A_310 = tpu.dynamic_gather %min3A_307[%gather3A_309] in [0] : vector<16xf32>, vector<16xi32> -> vector<16xf32>
          %min3A_311 = arith.minimumf %min3A_307, %gather3A_310 : vector<16xf32>
          %broadcast_in_dim3A_312 = vector.shape_cast %xor3A_31 : vector<16xi32> to vector<16x1xi32>
          %gather3A_313 = vector.shape_cast %broadcast_in_dim3A_312 : vector<16x1xi32> to vector<16xi32>
          %gather3A_314 = tpu.dynamic_gather %min3A_311[%gather3A_313] in [0] : vector<16xf32>, vector<16xi32> -> vector<16xf32>
          %min3A_315 = arith.minimumf %min3A_311, %gather3A_314 : vector<16xf32>
          %slice3A_316 = vector.extract_strided_slice %min3A_315 {offsets = [0], sizes = [1], strides = [1]} : vector<16xf32> to vector<1xf32>
          %squeeze3A_317 = vector.extract %slice3A_316[0] : f32 from vector<1xf32>
          %broadcast_in_dim3A_318 = vector.broadcast %squeeze3A_317 : f32 to vector<16xf32>
          %select_n3A_319 = arith.select %eq3A_299, %broadcast_in_dim3A_318, %get3A_296 : vector<16xi1>, vector<16xf32>
          %swap3A_320 = arith.index_cast %scan3A_114 : i32 to index
          %swap3A_321 = arith.index_cast %shift_left3A_292 : i32 to index
          %swap3A_322 = tpu.vector_load %arg8[%swap3A_320, %swap3A_321] {strides = array<i32>} : memref<8x128xf32, #tpu.memory_space<vmem>>, vector<1x16xf32>,
          %swap3A_323 = vector.shape_cast %swap3A_322 : vector<1x16xf32> to vector<16xf32>
          %swap3A_324 = vector.shape_cast %select_n3A_319 : vector<16xf32> to vector<1x16xf32>
          tpu.vector_store %arg8[%swap3A_320, %swap3A_321], %swap3A_324 {strides = array<i32>} : memref<8x128xf32, #tpu.memory_space<vmem>>, vector<1x16xf32>,
          %scan3A_325 = arith.constant 0 : i32
          scf.yield %scan3A_325 : i32
        }
        %scan3A_122 = arith.constant 33 : i32
        %mul3A_123 = arith.constant 40 : i32
        %mul3A_124 = arith.muli %scan3A_114, %mul3A_123 : i32
        %get3A = arith.index_cast %mul3A_124 : i32 to index
        %get3A_125 = tpu.vector_load %arg9[%get3A] {strides = array<i32>} : memref<320xi32, #tpu.memory_space<vmem>>, vector<16xi32>,
        %get3A_126 = vector.shape_cast %get3A_125 : vector<16xi32> to vector<16xi32>
        %slice3A = vector.extract_strided_slice %get3A_126 {offsets = [0], sizes = [1], strides = [1]} : vector<16xi32> to vector<1xi32>
        %squeeze3A = vector.extract %slice3A[0] : i32 from vector<1xi32>
        %mul3A_127 = arith.constant 40 : i32
        %mul3A_128 = arith.muli %scan3A_114, %mul3A_127 : i32
        %add3A_129 = arith.constant 24 : i32
        %add3A_130 = arith.addi %mul3A_128, %add3A_129 : i32
        %get3A_131 = arith.index_cast %add3A_130 : i32 to index
        %get3A_132 = tpu.vector_load %arg9[%get3A_131] {strides = array<i32>} : memref<320xi32, #tpu.memory_space<vmem>>, vector<16xi32>,
        %get3A_133 = vector.shape_cast %get3A_132 : vector<16xi32> to vector<16xi32>
        %ge3A = arith.constant 9 : i32
        %ge3A_134 = vector.broadcast %ge3A : i32 to vector<16xi32>
        %ge3A_135 = arith.cmpi sge, %iota3A, %ge3A_134 : vector<16xi32>
        %broadcast_in_dim3A = vector.broadcast %squeeze3A : i32 to vector<16xi32>
        %select_n3A_136 = arith.select %ge3A_135, %broadcast_in_dim3A, %get3A_133 : vector<16xi1>, vector<16xi32>
        %swap3A = arith.index_cast %add3A_130 : i32 to index
        %swap3A_137 = tpu.vector_load %arg9[%swap3A] {strides = array<i32>} : memref<320xi32, #tpu.memory_space<vmem>>, vector<16xi32>,
        %swap3A_138 = vector.shape_cast %swap3A_137 : vector<16xi32> to vector<16xi32>
        %swap3A_139 = vector.shape_cast %select_n3A_136 : vector<16xi32> to vector<16xi32>
        tpu.vector_store %arg9[%swap3A], %swap3A_139 {strides = array<i32>} : memref<320xi32, #tpu.memory_space<vmem>>, vector<16xi32>,
        %scan3A_140 = arith.constant 0 : i32
        scf.yield %scan3A_140 : i32
      }
      %scan3A_74 = arith.constant 8 : i32
      %mul3A_75 = arith.constant 40 : i32
      %mul3A_76 = arith.muli %add3A_67, %mul3A_75 : i32
      "tpu.region"() ({
        %run_scoped3A = tpu.sem_alloc : memref<!tpu.dma_semaphore, #tpu.memory_space<semaphore_mem>>
        %dma_start3A_114 = tpu.memref_slice %arg5[%mul3A_76] : memref<163840xi32, #tpu.memory_space<hbm>> -> memref<320xi32, #tpu.memory_space<hbm>>
        %dma_start3A_115 = tpu.memref_slice %arg5[%mul3A_76] : memref<163840xi32, #tpu.memory_space<hbm>> -> memref<320xi32, #tpu.memory_space<hbm>>
        tpu.enqueue_dma source(%arg9 : memref<320xi32, #tpu.memory_space<vmem>>) target(%dma_start3A_115 : memref<320xi32, #tpu.memory_space<hbm>>) target_semaphore(%run_scoped3A : memref<!tpu.dma_semaphore, #tpu.memory_space<semaphore_mem>>)
        %dma_wait3A_116 = tpu.memref_slice %arg5[%mul3A_76] : memref<163840xi32, #tpu.memory_space<hbm>> -> memref<320xi32, #tpu.memory_space<hbm>>
        %dma_wait3A_117 = tpu.memref_slice %arg5[%mul3A_76] : memref<163840xi32, #tpu.memory_space<hbm>> -> memref<320xi32, #tpu.memory_space<hbm>>
        tpu.wait_dma2 semaphore(%run_scoped3A : memref<!tpu.dma_semaphore, #tpu.memory_space<semaphore_mem>>) src(%arg9 : memref<320xi32, #tpu.memory_space<vmem>>) dst(%dma_wait3A_117 : memref<320xi32, #tpu.memory_space<hbm>>)
        tpu.yield
      }) : () -> ()
      %gt3A_77 = arith.constant 0 : i32
      %gt3A_78 = arith.cmpi sgt, %scan3A_57, %gt3A_77 : i32
      %convert_element_type3A_79 = arith.extui %gt3A_78 : i1 to i32
      %cond3A_80 = arith.constant 0 : i32
      %cond3A_81 = arith.cmpi ne, %convert_element_type3A_79, %cond3A_80 : i32
      scf.if %cond3A_81 {
        %dma_wait3A_114 = arith.constant 0 : i32
        %dma_wait3A_115 = arith.constant 0 : i32
        %dma_wait3A_116 = tpu.memref_slice %arg6[%dma_wait3A_114, %dma_wait3A_115] : memref<163840x128xf32, #tpu.memory_space<hbm>> -> memref<320x128xf32, #tpu.memory_space<hbm>>
        %dma_wait3A_117 = arith.constant 0 : i32
        %dma_wait3A_118 = arith.constant 0 : i32
        %dma_wait3A_119 = tpu.memref_slice %arg6[%dma_wait3A_117, %dma_wait3A_118] : memref<163840x128xf32, #tpu.memory_space<hbm>> -> memref<320x128xf32, #tpu.memory_space<hbm>>
        tpu.wait_dma2 semaphore(%arg15 : memref<!tpu.dma_semaphore, #tpu.memory_space<semaphore_mem>>) src(%arg11 : memref<320x128xf32, #tpu.memory_space<vmem>>) dst(%dma_wait3A_119 : memref<320x128xf32, #tpu.memory_space<hbm>>)
      } else {
      }
      %dma_start3A = arith.constant 0 : i32
      %dma_start3A_82 = arith.constant 0 : i32
      %dma_start3A_83 = tpu.memref_slice %arg4[%dma_start3A, %dma_start3A_82] : memref<4096x128xf32, #tpu.memory_space<hbm>> -> memref<4096x128xf32, #tpu.memory_space<hbm>>
      tpu.enqueue_indirect_dma source(%dma_start3A_83 : memref<4096x128xf32, #tpu.memory_space<hbm>>) target(%arg11 : memref<320x128xf32, #tpu.memory_space<vmem>>) offsets(%arg9 : memref<320xi32, #tpu.memory_space<vmem>>) semaphore(%arg13 : memref<!tpu.dma_semaphore, #tpu.memory_space<semaphore_mem>>)
      %mul3A_84 = arith.constant 2 : i32
      %mul3A_85 = arith.muli %scan3A_57, %mul3A_84 : i32
      %add3A_86 = arith.constant 1 : i32
      %add3A_87 = arith.addi %mul3A_85, %add3A_86 : i32
      %gt3A_88 = arith.constant 0 : i32
      %gt3A_89 = arith.cmpi sgt, %scan3A_57, %gt3A_88 : i32
      %convert_element_type3A_90 = arith.extui %gt3A_89 : i1 to i32
      %cond3A_91 = arith.constant 0 : i32
      %cond3A_92 = arith.cmpi ne, %convert_element_type3A_90, %cond3A_91 : i32
      scf.if %cond3A_92 {
        %sub3A_114 = arith.constant 2 : i32
        %sub3A_115 = arith.subi %add3A_87, %sub3A_114 : i32
        %mul3A_116 = arith.constant 8 : i32
        %mul3A_117 = arith.muli %sub3A_115, %mul3A_116 : i32
        %add3A_118 = arith.addi %mul3A_2, %mul3A_117 : i32
        %mul3A_119 = arith.constant 40 : i32
        %mul3A_120 = arith.muli %add3A_118, %mul3A_119 : i32
        %dma_wait3A_121 = arith.constant 0 : i32
        %dma_wait3A_122 = arith.constant 0 : i32
        %dma_wait3A_123 = tpu.memref_slice %arg4[%dma_wait3A_121, %dma_wait3A_122] : memref<4096x128xf32, #tpu.memory_space<hbm>> -> memref<320x128xf32, #tpu.memory_space<hbm>>
        %dma_wait3A_124 = arith.constant 0 : i32
        %dma_wait3A_125 = arith.constant 0 : i32
        %dma_wait3A_126 = tpu.memref_slice %arg4[%dma_wait3A_124, %dma_wait3A_125] : memref<4096x128xf32, #tpu.memory_space<hbm>> -> memref<320x128xf32, #tpu.memory_space<hbm>>
        tpu.wait_dma2 semaphore(%arg14 : memref<!tpu.dma_semaphore, #tpu.memory_space<semaphore_mem>>) src(%dma_wait3A_126 : memref<320x128xf32, #tpu.memory_space<hbm>>) dst(%arg12 : memref<320x128xf32, #tpu.memory_space<vmem>>)
        %dma_start3A_127 = arith.constant 0 : i32
        %dma_start3A_128 = tpu.memref_slice %arg6[%mul3A_120, %dma_start3A_127] : memref<163840x128xf32, #tpu.memory_space<hbm>> -> memref<320x128xf32, #tpu.memory_space<hbm>>
        %dma_start3A_129 = arith.constant 0 : i32
        %dma_start3A_130 = tpu.memref_slice %arg6[%mul3A_120, %dma_start3A_129] : memref<163840x128xf32, #tpu.memory_space<hbm>> -> memref<320x128xf32, #tpu.memory_space<hbm>>
        tpu.enqueue_dma source(%arg12 : memref<320x128xf32, #tpu.memory_space<vmem>>) target(%dma_start3A_130 : memref<320x128xf32, #tpu.memory_space<hbm>>) target_semaphore(%arg16 : memref<!tpu.dma_semaphore, #tpu.memory_space<semaphore_mem>>)
      } else {
      }
      %mul3A_93 = arith.constant 8 : i32
      %mul3A_94 = arith.muli %add3A_87, %mul3A_93 : i32
      %add3A_95 = arith.addi %mul3A_2, %mul3A_94 : i32
      "tpu.region"() ({
        %run_scoped3A = tpu.sem_alloc : memref<!tpu.dma_semaphore, #tpu.memory_space<semaphore_mem>>
        %dma_start3A_114 = arith.constant 0 : i32
        %dma_start3A_115 = tpu.memref_slice %arg2[%add3A_95, %dma_start3A_114] : memref<4096x1024xf32, #tpu.memory_space<hbm>> -> memref<8x1024xf32, #tpu.memory_space<hbm>>
        %dma_start3A_116 = arith.constant 0 : i32
        %dma_start3A_117 = tpu.memref_slice %arg2[%add3A_95, %dma_start3A_116] : memref<4096x1024xf32, #tpu.memory_space<hbm>> -> memref<8x1024xf32, #tpu.memory_space<hbm>>
        tpu.enqueue_dma source(%dma_start3A_117 : memref<8x1024xf32, #tpu.memory_space<hbm>>) target(%arg7 : memref<8x1024xf32, #tpu.memory_space<vmem>>) target_semaphore(%run_scoped3A : memref<!tpu.dma_semaphore, #tpu.memory_space<semaphore_mem>>)
        %dma_wait3A_118 = arith.constant 0 : i32
        %dma_wait3A_119 = tpu.memref_slice %arg2[%add3A_95, %dma_wait3A_118] : memref<4096x1024xf32, #tpu.memory_space<hbm>> -> memref<8x1024xf32, #tpu.memory_space<hbm>>
        %dma_wait3A_120 = arith.constant 0 : i32
        %dma_wait3A_121 = tpu.memref_slice %arg2[%add3A_95, %dma_wait3A_120] : memref<4096x1024xf32, #tpu.memory_space<hbm>> -> memref<8x1024xf32, #tpu.memory_space<hbm>>
        tpu.wait_dma2 semaphore(%run_scoped3A : memref<!tpu.dma_semaphore, #tpu.memory_space<semaphore_mem>>) src(%dma_wait3A_121 : memref<8x1024xf32, #tpu.memory_space<hbm>>) dst(%arg7 : memref<8x1024xf32, #tpu.memory_space<vmem>>)
        tpu.yield
      }) : () -> ()
      "tpu.region"() ({
        %run_scoped3A = tpu.sem_alloc : memref<!tpu.dma_semaphore, #tpu.memory_space<semaphore_mem>>
        %dma_start3A_114 = arith.constant 0 : i32
        %dma_start3A_115 = tpu.memref_slice %arg3[%add3A_95, %dma_start3A_114] : memref<4096x128xf32, #tpu.memory_space<hbm>> -> memref<8x128xf32, #tpu.memory_space<hbm>>
        %dma_start3A_116 = arith.constant 0 : i32
        %dma_start3A_117 = tpu.memref_slice %arg3[%add3A_95, %dma_start3A_116] : memref<4096x128xf32, #tpu.memory_space<hbm>> -> memref<8x128xf32, #tpu.memory_space<hbm>>
        tpu.enqueue_dma source(%dma_start3A_117 : memref<8x128xf32, #tpu.memory_space<hbm>>) target(%arg8 : memref<8x128xf32, #tpu.memory_space<vmem>>) target_semaphore(%run_scoped3A : memref<!tpu.dma_semaphore, #tpu.memory_space<semaphore_mem>>)
        %dma_wait3A_118 = arith.constant 0 : i32
        %dma_wait3A_119 = tpu.memref_slice %arg3[%add3A_95, %dma_wait3A_118] : memref<4096x128xf32, #tpu.memory_space<hbm>> -> memref<8x128xf32, #tpu.memory_space<hbm>>
        %dma_wait3A_120 = arith.constant 0 : i32
        %dma_wait3A_121 = tpu.memref_slice %arg3[%add3A_95, %dma_wait3A_120] : memref<4096x128xf32, #tpu.memory_space<hbm>> -> memref<8x128xf32, #tpu.memory_space<hbm>>
        tpu.wait_dma2 semaphore(%run_scoped3A : memref<!tpu.dma_semaphore, #tpu.memory_space<semaphore_mem>>) src(%dma_wait3A_121 : memref<8x128xf32, #tpu.memory_space<hbm>>) dst(%arg8 : memref<8x128xf32, #tpu.memory_space<vmem>>)
        tpu.yield
      }) : () -> ()
      %scan3A_96 = arith.constant 0 : i32
      %scan3A_97 = arith.constant 0 : i32
      %scan3A_98 = arith.constant 8 : i32
      %scan3A_99 = arith.addi %scan3A_97, %scan3A_98 : i32
      %scan3A_100 = arith.constant 1 : i32
      %scan3A_101 = scf.for %scan3A_114 = %scan3A_97 to %scan3A_99 step %scan3A_100 iter_args(%scan3A_115 = %scan3A_96) -> (i32)  : i32 {
        %scan3A_116 = arith.constant 0 : i32
        %scan3A_117 = arith.constant 0 : i32
        %scan3A_118 = arith.constant 33 : i32
        %scan3A_119 = arith.addi %scan3A_117, %scan3A_118 : i32
        %scan3A_120 = arith.constant 1 : i32
        %scan3A_121 = scf.for %scan3A_141 = %scan3A_117 to %scan3A_119 step %scan3A_120 iter_args(%scan3A_142 = %scan3A_116) -> (i32)  : i32 {
          %get3A_143 = arith.index_cast %scan3A_114 : i32 to index
          %get3A_144 = arith.constant 0 : index
          %get3A_145 = tpu.vector_load %arg8[%get3A_143, %get3A_144] {strides = array<i32>} : memref<8x128xf32, #tpu.memory_space<vmem>>, vector<1x16xf32>,
          %get3A_146 = vector.shape_cast %get3A_145 : vector<1x16xf32> to vector<16xf32>
          %get3A_147 = arith.index_cast %scan3A_114 : i32 to index
          %get3A_148 = arith.constant 16 : index
          %get3A_149 = tpu.vector_load %arg8[%get3A_147, %get3A_148] {strides = array<i32>} : memref<8x128xf32, #tpu.memory_space<vmem>>, vector<1x16xf32>,
          %get3A_150 = vector.shape_cast %get3A_149 : vector<1x16xf32> to vector<16xf32>
          %get3A_151 = arith.index_cast %scan3A_114 : i32 to index
          %get3A_152 = arith.constant 32 : index
          %get3A_153 = tpu.vector_load %arg8[%get3A_151, %get3A_152] {strides = array<i32>} : memref<8x128xf32, #tpu.memory_space<vmem>>, vector<1x16xf32>,
          %get3A_154 = vector.shape_cast %get3A_153 : vector<1x16xf32> to vector<16xf32>
          %get3A_155 = arith.index_cast %scan3A_114 : i32 to index
          %get3A_156 = arith.constant 48 : index
          %get3A_157 = tpu.vector_load %arg8[%get3A_155, %get3A_156] {strides = array<i32>} : memref<8x128xf32, #tpu.memory_space<vmem>>, vector<1x16xf32>,
          %get3A_158 = vector.shape_cast %get3A_157 : vector<1x16xf32> to vector<16xf32>
          %min3A = arith.minimumf %get3A_146, %get3A_150 : vector<16xf32>
          %min3A_159 = arith.minimumf %get3A_154, %get3A_158 : vector<16xf32>
          %min3A_160 = arith.minimumf %min3A, %min3A_159 : vector<16xf32>
          %broadcast_in_dim3A_161 = vector.shape_cast %xor3A_22 : vector<16xi32> to vector<16x1xi32>
          %gather3A = vector.shape_cast %broadcast_in_dim3A_161 : vector<16x1xi32> to vector<16xi32>
          %gather3A_162 = tpu.dynamic_gather %min3A_160[%gather3A] in [0] : vector<16xf32>, vector<16xi32> -> vector<16xf32>
          %min3A_163 = arith.minimumf %min3A_160, %gather3A_162 : vector<16xf32>
          %broadcast_in_dim3A_164 = vector.shape_cast %xor3A_25 : vector<16xi32> to vector<16x1xi32>
          %gather3A_165 = vector.shape_cast %broadcast_in_dim3A_164 : vector<16x1xi32> to vector<16xi32>
          %gather3A_166 = tpu.dynamic_gather %min3A_163[%gather3A_165] in [0] : vector<16xf32>, vector<16xi32> -> vector<16xf32>
          %min3A_167 = arith.minimumf %min3A_163, %gather3A_166 : vector<16xf32>
          %broadcast_in_dim3A_168 = vector.shape_cast %xor3A_28 : vector<16xi32> to vector<16x1xi32>
          %gather3A_169 = vector.shape_cast %broadcast_in_dim3A_168 : vector<16x1xi32> to vector<16xi32>
          %gather3A_170 = tpu.dynamic_gather %min3A_167[%gather3A_169] in [0] : vector<16xf32>, vector<16xi32> -> vector<16xf32>
          %min3A_171 = arith.minimumf %min3A_167, %gather3A_170 : vector<16xf32>
          %broadcast_in_dim3A_172 = vector.shape_cast %xor3A_31 : vector<16xi32> to vector<16x1xi32>
          %gather3A_173 = vector.shape_cast %broadcast_in_dim3A_172 : vector<16x1xi32> to vector<16xi32>
          %gather3A_174 = tpu.dynamic_gather %min3A_171[%gather3A_173] in [0] : vector<16xf32>, vector<16xi32> -> vector<16xf32>
          %min3A_175 = arith.minimumf %min3A_171, %gather3A_174 : vector<16xf32>
          %slice3A_176 = vector.extract_strided_slice %min3A_175 {offsets = [0], sizes = [1], strides = [1]} : vector<16xf32> to vector<1xf32>
          %squeeze3A_177 = vector.extract %slice3A_176[0] : f32 from vector<1xf32>
          %eq3A = vector.broadcast %squeeze3A_177 : f32 to vector<16xf32>
          %eq3A_178 = arith.cmpf oeq, %get3A_146, %eq3A : vector<16xf32>
          %jit3A_179 = arith.constant 1073741824 : i32
          %broadcast_in_dim3A_180 = vector.broadcast %jit3A_179 : i32 to vector<16xi32>
          %select_n3A_181 = arith.select %eq3A_178, %iota3A, %broadcast_in_dim3A_180 : vector<16xi1>, vector<16xi32>
          %eq3A_182 = vector.broadcast %squeeze3A_177 : f32 to vector<16xf32>
          %eq3A_183 = arith.cmpf oeq, %get3A_150, %eq3A_182 : vector<16xf32>
          %add3A_184 = arith.constant 16 : i32
          %add3A_185 = vector.broadcast %add3A_184 : i32 to vector<16xi32>
          %add3A_186 = arith.addi %iota3A, %add3A_185 : vector<16xi32>
          %jit3A_187 = arith.constant 1073741824 : i32
          %broadcast_in_dim3A_188 = vector.broadcast %jit3A_187 : i32 to vector<16xi32>
          %select_n3A_189 = arith.select %eq3A_183, %add3A_186, %broadcast_in_dim3A_188 : vector<16xi1>, vector<16xi32>
          %min3A_190 = arith.minsi %select_n3A_181, %select_n3A_189 : vector<16xi32>
          %eq3A_191 = vector.broadcast %squeeze3A_177 : f32 to vector<16xf32>
          %eq3A_192 = arith.cmpf oeq, %get3A_154, %eq3A_191 : vector<16xf32>
          %add3A_193 = arith.constant 32 : i32
          %add3A_194 = vector.broadcast %add3A_193 : i32 to vector<16xi32>
          %add3A_195 = arith.addi %iota3A, %add3A_194 : vector<16xi32>
          %jit3A_196 = arith.constant 1073741824 : i32
          %broadcast_in_dim3A_197 = vector.broadcast %jit3A_196 : i32 to vector<16xi32>
          %select_n3A_198 = arith.select %eq3A_192, %add3A_195, %broadcast_in_dim3A_197 : vector<16xi1>, vector<16xi32>
          %eq3A_199 = vector.broadcast %squeeze3A_177 : f32 to vector<16xf32>
          %eq3A_200 = arith.cmpf oeq, %get3A_158, %eq3A_199 : vector<16xf32>
          %add3A_201 = arith.constant 48 : i32
          %add3A_202 = vector.broadcast %add3A_201 : i32 to vector<16xi32>
          %add3A_203 = arith.addi %iota3A, %add3A_202 : vector<16xi32>
          %jit3A_204 = arith.constant 1073741824 : i32
          %broadcast_in_dim3A_205 = vector.broadcast %jit3A_204 : i32 to vector<16xi32>
          %select_n3A_206 = arith.select %eq3A_200, %add3A_203, %broadcast_in_dim3A_205 : vector<16xi1>, vector<16xi32>
          %min3A_207 = arith.minsi %select_n3A_198, %select_n3A_206 : vector<16xi32>
          %min3A_208 = arith.minsi %min3A_190, %min3A_207 : vector<16xi32>
          %broadcast_in_dim3A_209 = vector.shape_cast %xor3A_22 : vector<16xi32> to vector<16x1xi32>
          %gather3A_210 = vector.shape_cast %broadcast_in_dim3A_209 : vector<16x1xi32> to vector<16xi32>
          %gather3A_211 = tpu.dynamic_gather %min3A_208[%gather3A_210] in [0] : vector<16xi32>, vector<16xi32> -> vector<16xi32>
          %min3A_212 = arith.minsi %min3A_208, %gather3A_211 : vector<16xi32>
          %broadcast_in_dim3A_213 = vector.shape_cast %xor3A_25 : vector<16xi32> to vector<16x1xi32>
          %gather3A_214 = vector.shape_cast %broadcast_in_dim3A_213 : vector<16x1xi32> to vector<16xi32>
          %gather3A_215 = tpu.dynamic_gather %min3A_212[%gather3A_214] in [0] : vector<16xi32>, vector<16xi32> -> vector<16xi32>
          %min3A_216 = arith.minsi %min3A_212, %gather3A_215 : vector<16xi32>
          %broadcast_in_dim3A_217 = vector.shape_cast %xor3A_28 : vector<16xi32> to vector<16x1xi32>
          %gather3A_218 = vector.shape_cast %broadcast_in_dim3A_217 : vector<16x1xi32> to vector<16xi32>
          %gather3A_219 = tpu.dynamic_gather %min3A_216[%gather3A_218] in [0] : vector<16xi32>, vector<16xi32> -> vector<16xi32>
          %min3A_220 = arith.minsi %min3A_216, %gather3A_219 : vector<16xi32>
          %broadcast_in_dim3A_221 = vector.shape_cast %xor3A_31 : vector<16xi32> to vector<16x1xi32>
          %gather3A_222 = vector.shape_cast %broadcast_in_dim3A_221 : vector<16x1xi32> to vector<16xi32>
          %gather3A_223 = tpu.dynamic_gather %min3A_220[%gather3A_222] in [0] : vector<16xi32>, vector<16xi32> -> vector<16xi32>
          %min3A_224 = arith.minsi %min3A_220, %gather3A_223 : vector<16xi32>
          %slice3A_225 = vector.extract_strided_slice %min3A_224 {offsets = [0], sizes = [1], strides = [1]} : vector<16xi32> to vector<1xi32>
          %squeeze3A_226 = vector.extract %slice3A_225[0] : i32 from vector<1xi32>
          %mul3A_227 = arith.constant 16 : i32
          %mul3A_228 = arith.muli %squeeze3A_226, %mul3A_227 : i32
          %get3A_229 = arith.index_cast %scan3A_114 : i32 to index
          %get3A_230 = arith.index_cast %mul3A_228 : i32 to index
          %get3A_231 = tpu.vector_load %arg7[%get3A_229, %get3A_230] {strides = array<i32>} : memref<8x1024xf32, #tpu.memory_space<vmem>>, vector<1x16xf32>,
          %get3A_232 = vector.shape_cast %get3A_231 : vector<1x16xf32> to vector<16xf32>
          %eq3A_233 = vector.broadcast %squeeze3A_177 : f32 to vector<16xf32>
          %eq3A_234 = arith.cmpf oeq, %get3A_232, %eq3A_233 : vector<16xf32>
          %jit3A_235 = arith.constant 1073741824 : i32
          %broadcast_in_dim3A_236 = vector.broadcast %jit3A_235 : i32 to vector<16xi32>
          %select_n3A_237 = arith.select %eq3A_234, %iota3A, %broadcast_in_dim3A_236 : vector<16xi1>, vector<16xi32>
          %broadcast_in_dim3A_238 = vector.shape_cast %xor3A_22 : vector<16xi32> to vector<16x1xi32>
          %gather3A_239 = vector.shape_cast %broadcast_in_dim3A_238 : vector<16x1xi32> to vector<16xi32>
          %gather3A_240 = tpu.dynamic_gather %select_n3A_237[%gather3A_239] in [0] : vector<16xi32>, vector<16xi32> -> vector<16xi32>
          %min3A_241 = arith.minsi %select_n3A_237, %gather3A_240 : vector<16xi32>
          %broadcast_in_dim3A_242 = vector.shape_cast %xor3A_25 : vector<16xi32> to vector<16x1xi32>
          %gather3A_243 = vector.shape_cast %broadcast_in_dim3A_242 : vector<16x1xi32> to vector<16xi32>
          %gather3A_244 = tpu.dynamic_gather %min3A_241[%gather3A_243] in [0] : vector<16xi32>, vector<16xi32> -> vector<16xi32>
          %min3A_245 = arith.minsi %min3A_241, %gather3A_244 : vector<16xi32>
          %broadcast_in_dim3A_246 = vector.shape_cast %xor3A_28 : vector<16xi32> to vector<16x1xi32>
          %gather3A_247 = vector.shape_cast %broadcast_in_dim3A_246 : vector<16x1xi32> to vector<16xi32>
          %gather3A_248 = tpu.dynamic_gather %min3A_245[%gather3A_247] in [0] : vector<16xi32>, vector<16xi32> -> vector<16xi32>
          %min3A_249 = arith.minsi %min3A_245, %gather3A_248 : vector<16xi32>
          %broadcast_in_dim3A_250 = vector.shape_cast %xor3A_31 : vector<16xi32> to vector<16x1xi32>
          %gather3A_251 = vector.shape_cast %broadcast_in_dim3A_250 : vector<16x1xi32> to vector<16xi32>
          %gather3A_252 = tpu.dynamic_gather %min3A_249[%gather3A_251] in [0] : vector<16xi32>, vector<16xi32> -> vector<16xi32>
          %min3A_253 = arith.minsi %min3A_249, %gather3A_252 : vector<16xi32>
          %slice3A_254 = vector.extract_strided_slice %min3A_253 {offsets = [0], sizes = [1], strides = [1]} : vector<16xi32> to vector<1xi32>
          %squeeze3A_255 = vector.extract %slice3A_254[0] : i32 from vector<1xi32>
          %mul3A_256 = arith.constant 16 : i32
          %mul3A_257 = arith.muli %squeeze3A_226, %mul3A_256 : i32
          %add3A_258 = arith.addi %mul3A_257, %squeeze3A_255 : i32
          %mul3A_259 = arith.constant 40 : i32
          %mul3A_260 = arith.muli %scan3A_114, %mul3A_259 : i32
          %add3A_261 = arith.addi %mul3A_260, %scan3A_141 : i32
          %shift_right_arithmetic3A = arith.constant 3 : i32
          %shift_right_arithmetic3A_262 = arith.shrsi %add3A_261, %shift_right_arithmetic3A : i32
          %shift_left3A = arith.constant 3 : i32
          %shift_left3A_263 = arith.shli %shift_right_arithmetic3A_262, %shift_left3A : i32
          %get3A_264 = arith.index_cast %shift_left3A_263 : i32 to index
          %get3A_265 = tpu.vector_load %arg10[%get3A_264] {strides = array<i32>} : memref<320xi32, #tpu.memory_space<vmem>>, vector<16xi32>,
          %get3A_266 = vector.shape_cast %get3A_265 : vector<16xi32> to vector<16xi32>
          %sub3A_267 = arith.subi %add3A_261, %shift_left3A_263 : i32
          %eq3A_268 = vector.broadcast %sub3A_267 : i32 to vector<16xi32>
          %eq3A_269 = arith.cmpi eq, %iota3A, %eq3A_268 : vector<16xi32>
          %add3A_270 = arith.addi %add3A_258, %mul3A_20 : i32
          %broadcast_in_dim3A_271 = vector.broadcast %add3A_270 : i32 to vector<16xi32>
          %select_n3A_272 = arith.select %eq3A_269, %broadcast_in_dim3A_271, %get3A_266 : vector<16xi1>, vector<16xi32>
          %swap3A_273 = arith.index_cast %shift_left3A_263 : i32 to index
          %swap3A_274 = tpu.vector_load %arg10[%swap3A_273] {strides = array<i32>} : memref<320xi32, #tpu.memory_space<vmem>>, vector<16xi32>,
          %swap3A_275 = vector.shape_cast %swap3A_274 : vector<16xi32> to vector<16xi32>
          %swap3A_276 = vector.shape_cast %select_n3A_272 : vector<16xi32> to vector<16xi32>
          tpu.vector_store %arg10[%swap3A_273], %swap3A_276 {strides = array<i32>} : memref<320xi32, #tpu.memory_space<vmem>>, vector<16xi32>,
          %eq3A_277 = vector.broadcast %squeeze3A_255 : i32 to vector<16xi32>
          %eq3A_278 = arith.cmpi eq, %iota3A, %eq3A_277 : vector<16xi32>
          %jit3A_279 = arith.constant 0x7F800000 : f32
          %broadcast_in_dim3A_280 = vector.broadcast %jit3A_279 : f32 to vector<16xf32>
          %select_n3A_281 = arith.select %eq3A_278, %broadcast_in_dim3A_280, %get3A_232 : vector<16xi1>, vector<16xf32>
          %mul3A_282 = arith.constant 16 : i32
          %mul3A_283 = arith.muli %squeeze3A_226, %mul3A_282 : i32
          %swap3A_284 = arith.index_cast %scan3A_114 : i32 to index
          %swap3A_285 = arith.index_cast %mul3A_283 : i32 to index
          %swap3A_286 = tpu.vector_load %arg7[%swap3A_284, %swap3A_285] {strides = array<i32>} : memref<8x1024xf32, #tpu.memory_space<vmem>>, vector<1x16xf32>,
          %swap3A_287 = vector.shape_cast %swap3A_286 : vector<1x16xf32> to vector<16xf32>
          %swap3A_288 = vector.shape_cast %select_n3A_281 : vector<16xf32> to vector<1x16xf32>
          tpu.vector_store %arg7[%swap3A_284, %swap3A_285], %swap3A_288 {strides = array<i32>} : memref<8x1024xf32, #tpu.memory_space<vmem>>, vector<1x16xf32>,
          %shift_right_arithmetic3A_289 = arith.constant 4 : i32
          %shift_right_arithmetic3A_290 = arith.shrsi %squeeze3A_226, %shift_right_arithmetic3A_289 : i32
          %shift_left3A_291 = arith.constant 4 : i32
          %shift_left3A_292 = arith.shli %shift_right_arithmetic3A_290, %shift_left3A_291 : i32
          %get3A_293 = arith.index_cast %scan3A_114 : i32 to index
          %get3A_294 = arith.index_cast %shift_left3A_292 : i32 to index
          %get3A_295 = tpu.vector_load %arg8[%get3A_293, %get3A_294] {strides = array<i32>} : memref<8x128xf32, #tpu.memory_space<vmem>>, vector<1x16xf32>,
          %get3A_296 = vector.shape_cast %get3A_295 : vector<1x16xf32> to vector<16xf32>
          %sub3A_297 = arith.subi %squeeze3A_226, %shift_left3A_292 : i32
          %eq3A_298 = vector.broadcast %sub3A_297 : i32 to vector<16xi32>
          %eq3A_299 = arith.cmpi eq, %iota3A, %eq3A_298 : vector<16xi32>
          %broadcast_in_dim3A_300 = vector.shape_cast %xor3A_22 : vector<16xi32> to vector<16x1xi32>
          %gather3A_301 = vector.shape_cast %broadcast_in_dim3A_300 : vector<16x1xi32> to vector<16xi32>
          %gather3A_302 = tpu.dynamic_gather %select_n3A_281[%gather3A_301] in [0] : vector<16xf32>, vector<16xi32> -> vector<16xf32>
          %min3A_303 = arith.minimumf %select_n3A_281, %gather3A_302 : vector<16xf32>
          %broadcast_in_dim3A_304 = vector.shape_cast %xor3A_25 : vector<16xi32> to vector<16x1xi32>
          %gather3A_305 = vector.shape_cast %broadcast_in_dim3A_304 : vector<16x1xi32> to vector<16xi32>
          %gather3A_306 = tpu.dynamic_gather %min3A_303[%gather3A_305] in [0] : vector<16xf32>, vector<16xi32> -> vector<16xf32>
          %min3A_307 = arith.minimumf %min3A_303, %gather3A_306 : vector<16xf32>
          %broadcast_in_dim3A_308 = vector.shape_cast %xor3A_28 : vector<16xi32> to vector<16x1xi32>
          %gather3A_309 = vector.shape_cast %broadcast_in_dim3A_308 : vector<16x1xi32> to vector<16xi32>
          %gather3A_310 = tpu.dynamic_gather %min3A_307[%gather3A_309] in [0] : vector<16xf32>, vector<16xi32> -> vector<16xf32>
          %min3A_311 = arith.minimumf %min3A_307, %gather3A_310 : vector<16xf32>
          %broadcast_in_dim3A_312 = vector.shape_cast %xor3A_31 : vector<16xi32> to vector<16x1xi32>
          %gather3A_313 = vector.shape_cast %broadcast_in_dim3A_312 : vector<16x1xi32> to vector<16xi32>
          %gather3A_314 = tpu.dynamic_gather %min3A_311[%gather3A_313] in [0] : vector<16xf32>, vector<16xi32> -> vector<16xf32>
          %min3A_315 = arith.minimumf %min3A_311, %gather3A_314 : vector<16xf32>
          %slice3A_316 = vector.extract_strided_slice %min3A_315 {offsets = [0], sizes = [1], strides = [1]} : vector<16xf32> to vector<1xf32>
          %squeeze3A_317 = vector.extract %slice3A_316[0] : f32 from vector<1xf32>
          %broadcast_in_dim3A_318 = vector.broadcast %squeeze3A_317 : f32 to vector<16xf32>
          %select_n3A_319 = arith.select %eq3A_299, %broadcast_in_dim3A_318, %get3A_296 : vector<16xi1>, vector<16xf32>
          %swap3A_320 = arith.index_cast %scan3A_114 : i32 to index
          %swap3A_321 = arith.index_cast %shift_left3A_292 : i32 to index
          %swap3A_322 = tpu.vector_load %arg8[%swap3A_320, %swap3A_321] {strides = array<i32>} : memref<8x128xf32, #tpu.memory_space<vmem>>, vector<1x16xf32>,
          %swap3A_323 = vector.shape_cast %swap3A_322 : vector<1x16xf32> to vector<16xf32>
          %swap3A_324 = vector.shape_cast %select_n3A_319 : vector<16xf32> to vector<1x16xf32>
          tpu.vector_store %arg8[%swap3A_320, %swap3A_321], %swap3A_324 {strides = array<i32>} : memref<8x128xf32, #tpu.memory_space<vmem>>, vector<1x16xf32>,
          %scan3A_325 = arith.constant 0 : i32
          scf.yield %scan3A_325 : i32
        }
        %scan3A_122 = arith.constant 33 : i32
        %mul3A_123 = arith.constant 40 : i32
        %mul3A_124 = arith.muli %scan3A_114, %mul3A_123 : i32
        %get3A = arith.index_cast %mul3A_124 : i32 to index
        %get3A_125 = tpu.vector_load %arg10[%get3A] {strides = array<i32>} : memref<320xi32, #tpu.memory_space<vmem>>, vector<16xi32>,
        %get3A_126 = vector.shape_cast %get3A_125 : vector<16xi32> to vector<16xi32>
        %slice3A = vector.extract_strided_slice %get3A_126 {offsets = [0], sizes = [1], strides = [1]} : vector<16xi32> to vector<1xi32>
        %squeeze3A = vector.extract %slice3A[0] : i32 from vector<1xi32>
        %mul3A_127 = arith.constant 40 : i32
        %mul3A_128 = arith.muli %scan3A_114, %mul3A_127 : i32
        %add3A_129 = arith.constant 24 : i32
        %add3A_130 = arith.addi %mul3A_128, %add3A_129 : i32
        %get3A_131 = arith.index_cast %add3A_130 : i32 to index
        %get3A_132 = tpu.vector_load %arg10[%get3A_131] {strides = array<i32>} : memref<320xi32, #tpu.memory_space<vmem>>, vector<16xi32>,
        %get3A_133 = vector.shape_cast %get3A_132 : vector<16xi32> to vector<16xi32>
        %ge3A = arith.constant 9 : i32
        %ge3A_134 = vector.broadcast %ge3A : i32 to vector<16xi32>
        %ge3A_135 = arith.cmpi sge, %iota3A, %ge3A_134 : vector<16xi32>
        %broadcast_in_dim3A = vector.broadcast %squeeze3A : i32 to vector<16xi32>
        %select_n3A_136 = arith.select %ge3A_135, %broadcast_in_dim3A, %get3A_133 : vector<16xi1>, vector<16xi32>
        %swap3A = arith.index_cast %add3A_130 : i32 to index
        %swap3A_137 = tpu.vector_load %arg10[%swap3A] {strides = array<i32>} : memref<320xi32, #tpu.memory_space<vmem>>, vector<16xi32>,
        %swap3A_138 = vector.shape_cast %swap3A_137 : vector<16xi32> to vector<16xi32>
        %swap3A_139 = vector.shape_cast %select_n3A_136 : vector<16xi32> to vector<16xi32>
        tpu.vector_store %arg10[%swap3A], %swap3A_139 {strides = array<i32>} : memref<320xi32, #tpu.memory_space<vmem>>, vector<16xi32>,
        %scan3A_140 = arith.constant 0 : i32
        scf.yield %scan3A_140 : i32
      }
      %scan3A_102 = arith.constant 8 : i32
      %mul3A_103 = arith.constant 40 : i32
      %mul3A_104 = arith.muli %add3A_95, %mul3A_103 : i32
      "tpu.region"() ({
        %run_scoped3A = tpu.sem_alloc : memref<!tpu.dma_semaphore, #tpu.memory_space<semaphore_mem>>
        %dma_start3A_114 = tpu.memref_slice %arg5[%mul3A_104] : memref<163840xi32, #tpu.memory_space<hbm>> -> memref<320xi32, #tpu.memory_space<hbm>>
        %dma_start3A_115 = tpu.memref_slice %arg5[%mul3A_104] : memref<163840xi32, #tpu.memory_space<hbm>> -> memref<320xi32, #tpu.memory_space<hbm>>
        tpu.enqueue_dma source(%arg10 : memref<320xi32, #tpu.memory_space<vmem>>) target(%dma_start3A_115 : memref<320xi32, #tpu.memory_space<hbm>>) target_semaphore(%run_scoped3A : memref<!tpu.dma_semaphore, #tpu.memory_space<semaphore_mem>>)
        %dma_wait3A_116 = tpu.memref_slice %arg5[%mul3A_104] : memref<163840xi32, #tpu.memory_space<hbm>> -> memref<320xi32, #tpu.memory_space<hbm>>
        %dma_wait3A_117 = tpu.memref_slice %arg5[%mul3A_104] : memref<163840xi32, #tpu.memory_space<hbm>> -> memref<320xi32, #tpu.memory_space<hbm>>
        tpu.wait_dma2 semaphore(%run_scoped3A : memref<!tpu.dma_semaphore, #tpu.memory_space<semaphore_mem>>) src(%arg10 : memref<320xi32, #tpu.memory_space<vmem>>) dst(%dma_wait3A_117 : memref<320xi32, #tpu.memory_space<hbm>>)
        tpu.yield
      }) : () -> ()
      %gt3A_105 = arith.constant 0 : i32
      %gt3A_106 = arith.cmpi sgt, %scan3A_57, %gt3A_105 : i32
      %convert_element_type3A_107 = arith.extui %gt3A_106 : i1 to i32
      %cond3A_108 = arith.constant 0 : i32
      %cond3A_109 = arith.cmpi ne, %convert_element_type3A_107, %cond3A_108 : i32
      scf.if %cond3A_109 {
        %dma_wait3A_114 = arith.constant 0 : i32
        %dma_wait3A_115 = arith.constant 0 : i32
        %dma_wait3A_116 = tpu.memref_slice %arg6[%dma_wait3A_114, %dma_wait3A_115] : memref<163840x128xf32, #tpu.memory_space<hbm>> -> memref<320x128xf32, #tpu.memory_space<hbm>>
        %dma_wait3A_117 = arith.constant 0 : i32
        %dma_wait3A_118 = arith.constant 0 : i32
        %dma_wait3A_119 = tpu.memref_slice %arg6[%dma_wait3A_117, %dma_wait3A_118] : memref<163840x128xf32, #tpu.memory_space<hbm>> -> memref<320x128xf32, #tpu.memory_space<hbm>>
        tpu.wait_dma2 semaphore(%arg16 : memref<!tpu.dma_semaphore, #tpu.memory_space<semaphore_mem>>) src(%arg12 : memref<320x128xf32, #tpu.memory_space<vmem>>) dst(%dma_wait3A_119 : memref<320x128xf32, #tpu.memory_space<hbm>>)
      } else {
      }
      %dma_start3A_110 = arith.constant 0 : i32
      %dma_start3A_111 = arith.constant 0 : i32
      %dma_start3A_112 = tpu.memref_slice %arg4[%dma_start3A_110, %dma_start3A_111] : memref<4096x128xf32, #tpu.memory_space<hbm>> -> memref<4096x128xf32, #tpu.memory_space<hbm>>
      tpu.enqueue_indirect_dma source(%dma_start3A_112 : memref<4096x128xf32, #tpu.memory_space<hbm>>) target(%arg12 : memref<320x128xf32, #tpu.memory_space<vmem>>) offsets(%arg10 : memref<320xi32, #tpu.memory_space<vmem>>) semaphore(%arg14 : memref<!tpu.dma_semaphore, #tpu.memory_space<semaphore_mem>>)
      %scan3A_113 = arith.constant 0 : i32
      scf.yield %scan3A_113 : i32
    }
    %scan3A_37 = arith.constant 8 : i32
    %add3A_38 = arith.constant 112 : i32
    %add3A_39 = arith.addi %mul3A_2, %add3A_38 : i32
    %mul3A_40 = arith.constant 40 : i32
    %mul3A_41 = arith.muli %add3A_39, %mul3A_40 : i32
    %dma_wait3A = arith.constant 0 : i32
    %dma_wait3A_42 = arith.constant 0 : i32
    %dma_wait3A_43 = tpu.memref_slice %arg4[%dma_wait3A, %dma_wait3A_42] : memref<4096x128xf32, #tpu.memory_space<hbm>> -> memref<320x128xf32, #tpu.memory_space<hbm>>
    %dma_wait3A_44 = arith.constant 0 : i32
    %dma_wait3A_45 = arith.constant 0 : i32
    %dma_wait3A_46 = tpu.memref_slice %arg4[%dma_wait3A_44, %dma_wait3A_45] : memref<4096x128xf32, #tpu.memory_space<hbm>> -> memref<320x128xf32, #tpu.memory_space<hbm>>
    tpu.wait_dma2 semaphore(%arg13 : memref<!tpu.dma_semaphore, #tpu.memory_space<semaphore_mem>>) src(%dma_wait3A_46 : memref<320x128xf32, #tpu.memory_space<hbm>>) dst(%arg11 : memref<320x128xf32, #tpu.memory_space<vmem>>)
    "tpu.region"() ({
      %run_scoped3A = tpu.sem_alloc : memref<!tpu.dma_semaphore, #tpu.memory_space<semaphore_mem>>
      %dma_start3A = arith.constant 0 : i32
      %dma_start3A_57 = tpu.memref_slice %arg6[%mul3A_41, %dma_start3A] : memref<163840x128xf32, #tpu.memory_space<hbm>> -> memref<320x128xf32, #tpu.memory_space<hbm>>
      %dma_start3A_58 = arith.constant 0 : i32
      %dma_start3A_59 = tpu.memref_slice %arg6[%mul3A_41, %dma_start3A_58] : memref<163840x128xf32, #tpu.memory_space<hbm>> -> memref<320x128xf32, #tpu.memory_space<hbm>>
      tpu.enqueue_dma source(%arg11 : memref<320x128xf32, #tpu.memory_space<vmem>>) target(%dma_start3A_59 : memref<320x128xf32, #tpu.memory_space<hbm>>) target_semaphore(%run_scoped3A : memref<!tpu.dma_semaphore, #tpu.memory_space<semaphore_mem>>)
      %dma_wait3A_60 = arith.constant 0 : i32
      %dma_wait3A_61 = tpu.memref_slice %arg6[%mul3A_41, %dma_wait3A_60] : memref<163840x128xf32, #tpu.memory_space<hbm>> -> memref<320x128xf32, #tpu.memory_space<hbm>>
      %dma_wait3A_62 = arith.constant 0 : i32
      %dma_wait3A_63 = tpu.memref_slice %arg6[%mul3A_41, %dma_wait3A_62] : memref<163840x128xf32, #tpu.memory_space<hbm>> -> memref<320x128xf32, #tpu.memory_space<hbm>>
      tpu.wait_dma2 semaphore(%run_scoped3A : memref<!tpu.dma_semaphore, #tpu.memory_space<semaphore_mem>>) src(%arg11 : memref<320x128xf32, #tpu.memory_space<vmem>>) dst(%dma_wait3A_63 : memref<320x128xf32, #tpu.memory_space<hbm>>)
      tpu.yield
    }) : () -> ()
    %add3A_47 = arith.constant 120 : i32
    %add3A_48 = arith.addi %mul3A_2, %add3A_47 : i32
    %mul3A_49 = arith.constant 40 : i32
    %mul3A_50 = arith.muli %add3A_48, %mul3A_49 : i32
    %dma_wait3A_51 = arith.constant 0 : i32
    %dma_wait3A_52 = arith.constant 0 : i32
    %dma_wait3A_53 = tpu.memref_slice %arg4[%dma_wait3A_51, %dma_wait3A_52] : memref<4096x128xf32, #tpu.memory_space<hbm>> -> memref<320x128xf32, #tpu.memory_space<hbm>>
    %dma_wait3A_54 = arith.constant 0 : i32
    %dma_wait3A_55 = arith.constant 0 : i32
    %dma_wait3A_56 = tpu.memref_slice %arg4[%dma_wait3A_54, %dma_wait3A_55] : memref<4096x128xf32, #tpu.memory_space<hbm>> -> memref<320x128xf32, #tpu.memory_space<hbm>>
    tpu.wait_dma2 semaphore(%arg14 : memref<!tpu.dma_semaphore, #tpu.memory_space<semaphore_mem>>) src(%dma_wait3A_56 : memref<320x128xf32, #tpu.memory_space<hbm>>) dst(%arg12 : memref<320x128xf32, #tpu.memory_space<vmem>>)
    "tpu.region"() ({
      %run_scoped3A = tpu.sem_alloc : memref<!tpu.dma_semaphore, #tpu.memory_space<semaphore_mem>>
      %dma_start3A = arith.constant 0 : i32
      %dma_start3A_57 = tpu.memref_slice %arg6[%mul3A_50, %dma_start3A] : memref<163840x128xf32, #tpu.memory_space<hbm>> -> memref<320x128xf32, #tpu.memory_space<hbm>>
      %dma_start3A_58 = arith.constant 0 : i32
      %dma_start3A_59 = tpu.memref_slice %arg6[%mul3A_50, %dma_start3A_58] : memref<163840x128xf32, #tpu.memory_space<hbm>> -> memref<320x128xf32, #tpu.memory_space<hbm>>
      tpu.enqueue_dma source(%arg12 : memref<320x128xf32, #tpu.memory_space<vmem>>) target(%dma_start3A_59 : memref<320x128xf32, #tpu.memory_space<hbm>>) target_semaphore(%run_scoped3A : memref<!tpu.dma_semaphore, #tpu.memory_space<semaphore_mem>>)
      %dma_wait3A_60 = arith.constant 0 : i32
      %dma_wait3A_61 = tpu.memref_slice %arg6[%mul3A_50, %dma_wait3A_60] : memref<163840x128xf32, #tpu.memory_space<hbm>> -> memref<320x128xf32, #tpu.memory_space<hbm>>
      %dma_wait3A_62 = arith.constant 0 : i32
      %dma_wait3A_63 = tpu.memref_slice %arg6[%mul3A_50, %dma_wait3A_62] : memref<163840x128xf32, #tpu.memory_space<hbm>> -> memref<320x128xf32, #tpu.memory_space<hbm>>
      tpu.wait_dma2 semaphore(%run_scoped3A : memref<!tpu.dma_semaphore, #tpu.memory_space<semaphore_mem>>) src(%arg12 : memref<320x128xf32, #tpu.memory_space<vmem>>) dst(%dma_wait3A_63 : memref<320x128xf32, #tpu.memory_space<hbm>>)
      tpu.yield
    }) : () -> ()
    return
  }
}

#map = affine_map<(d0, d1) -> (0, 0)>
#map1 = affine_map<(d0, d1) -> (0)>
module attributes {stable_mosaic.version = 14 : i64} {
  func.func @run(%arg0: i32, %arg1: i32, %arg2: memref<4096x1024xf32, #tpu.memory_space<hbm>>, %arg3: memref<4096x128xf32, #tpu.memory_space<hbm>>, %arg4: memref<4096x128xf32, #tpu.memory_space<hbm>>, %arg5: memref<163840xi32, #tpu.memory_space<hbm>>, %arg6: memref<163840x128xf32, #tpu.memory_space<hbm>>, %arg7: memref<8x1024xf32, #tpu.memory_space<vmem>>, %arg8: memref<8x128xf32, #tpu.memory_space<vmem>>, %arg9: memref<320xi32, #tpu.memory_space<vmem>>, %arg10: memref<320xi32, #tpu.memory_space<vmem>>, %arg11: memref<320x128xf32, #tpu.memory_space<vmem>>, %arg12: memref<320x128xf32, #tpu.memory_space<vmem>>, %arg13: memref<!tpu.dma_semaphore, #tpu.memory_space<semaphore_mem>>, %arg14: memref<!tpu.dma_semaphore, #tpu.memory_space<semaphore_mem>>, %arg15: memref<!tpu.dma_semaphore, #tpu.memory_space<semaphore_mem>>, %arg16: memref<!tpu.dma_semaphore, #tpu.memory_space<semaphore_mem>>) attributes {dimension_semantics = [#tpu.dimension_semantics<core_parallel>, #tpu.dimension_semantics<subcore_parallel>], iteration_bounds = array<i64: 2, 16>, scalar_prefetch = 0 : i64, scratch_operands = 10 : i64, tpu.core_type = #tpu.core_type<sc_vector_subcore>, window_params = [{transform_indices = #map}, {transform_indices = #map}, {transform_indices = #map}, {transform_indices = #map1}, {transform_indices = #map}]} {
    %mul3A = arith.constant 2 : i32
    %mul3A_0 = arith.muli %arg1, %mul3A : i32
    %add3A = arith.addi %mul3A_0, %arg0 : i32
    %mul3A_1 = arith.constant 128 : i32
    %mul3A_2 = arith.muli %add3A, %mul3A_1 : i32
    %jit3A = arith.constant 1024 : i32
    %div3A = arith.divsi %mul3A_2, %jit3A : i32
    %sign3A = arith.constant 0 : i32
    %sign3A_3 = arith.cmpi sgt, %mul3A_2, %sign3A : i32
    %sign3A_4 = arith.extui %sign3A_3 : i1 to i32
    %sign3A_5 = arith.constant 0 : i32
    %sign3A_6 = arith.cmpi slt, %mul3A_2, %sign3A_5 : i32
    %sign3A_7 = arith.extui %sign3A_6 : i1 to i32
    %sign3A_8 = arith.subi %sign3A_4, %sign3A_7 : i32
    %sign3A_9 = arith.constant 0 : i32
    %sign3A_10 = arith.cmpi sgt, %jit3A, %sign3A_9 : i32
    %sign3A_11 = arith.extui %sign3A_10 : i1 to i32
    %sign3A_12 = arith.constant 0 : i32
    %sign3A_13 = arith.cmpi slt, %jit3A, %sign3A_12 : i32
    %sign3A_14 = arith.extui %sign3A_13 : i1 to i32
    %sign3A_15 = arith.subi %sign3A_11, %sign3A_14 : i32
    %ne3A = arith.cmpi ne, %sign3A_8, %sign3A_15 : i32
    %rem3A = arith.remsi %mul3A_2, %jit3A : i32
    %ne3A_16 = arith.constant 0 : i32
    %ne3A_17 = arith.cmpi ne, %rem3A, %ne3A_16 : i32
    %and3A = arith.andi %ne3A, %ne3A_17 : i1
    %sub3A = arith.constant 1 : i32
    %sub3A_18 = arith.subi %div3A, %sub3A : i32
    %select_n3A = arith.select %and3A, %sub3A_18, %div3A : i32
    %mul3A_19 = arith.constant 1024 : i32
    %mul3A_20 = arith.muli %select_n3A, %mul3A_19 : i32
    %iota3A = tpu.iota {dimensions = array<i32: 0>} : vector<16xi32>
    %xor3A = arith.constant 8 : i32
    %xor3A_21 = vector.broadcast %xor3A : i32 to vector<16xi32>
    %xor3A_22 = arith.xori %iota3A, %xor3A_21 : vector<16xi32>
    %xor3A_23 = arith.constant 4 : i32
    %xor3A_24 = vector.broadcast %xor3A_23 : i32 to vector<16xi32>
    %xor3A_25 = arith.xori %iota3A, %xor3A_24 : vector<16xi32>
    %xor3A_26 = arith.constant 2 : i32
    %xor3A_27 = vector.broadcast %xor3A_26 : i32 to vector<16xi32>
    %xor3A_28 = arith.xori %iota3A, %xor3A_27 : vector<16xi32>
    %xor3A_29 = arith.constant 1 : i32
    %xor3A_30 = vector.broadcast %xor3A_29 : i32 to vector<16xi32>
    %xor3A_31 = arith.xori %iota3A, %xor3A_30 : vector<16xi32>
    %scan3A = arith.constant 0 : i32
    %scan3A_32 = arith.constant 0 : i32
    %scan3A_33 = arith.constant 8 : i32
    %scan3A_34 = arith.addi %scan3A_32, %scan3A_33 : i32
    %scan3A_35 = arith.constant 1 : i32
    %scan3A_36 = scf.for %scan3A_57 = %scan3A_32 to %scan3A_34 step %scan3A_35 iter_args(%scan3A_58 = %scan3A) -> (i32)  : i32 {
      %mul3A_59 = arith.constant 2 : i32
      %mul3A_60 = arith.muli %scan3A_57, %mul3A_59 : i32
      %add3A_61 = arith.constant 0 : i32
      %add3A_62 = arith.addi %mul3A_60, %add3A_61 : i32
      %gt3A = arith.constant 0 : i32
      %gt3A_63 = arith.cmpi sgt, %scan3A_57, %gt3A : i32
      %convert_element_type3A = arith.extui %gt3A_63 : i1 to i32
      %cond3A = arith.constant 0 : i32
      %cond3A_64 = arith.cmpi ne, %convert_element_type3A, %cond3A : i32
      scf.if %cond3A_64 {
        %sub3A_114 = arith.constant 2 : i32
        %sub3A_115 = arith.subi %add3A_62, %sub3A_114 : i32
        %mul3A_116 = arith.constant 8 : i32
        %mul3A_117 = arith.muli %sub3A_115, %mul3A_116 : i32
        %add3A_118 = arith.addi %mul3A_2, %mul3A_117 : i32
        %mul3A_119 = arith.constant 40 : i32
        %mul3A_120 = arith.muli %add3A_118, %mul3A_119 : i32
        %dma_wait3A_121 = arith.constant 0 : i32
        %dma_wait3A_122 = arith.constant 0 : i32
        %dma_wait3A_123 = tpu.memref_slice %arg4[%dma_wait3A_121, %dma_wait3A_122] : memref<4096x128xf32, #tpu.memory_space<hbm>> -> memref<320x128xf32, #tpu.memory_space<hbm>>
        %dma_wait3A_124 = arith.constant 0 : i32
        %dma_wait3A_125 = arith.constant 0 : i32
        %dma_wait3A_126 = tpu.memref_slice %arg4[%dma_wait3A_124, %dma_wait3A_125] : memref<4096x128xf32, #tpu.memory_space<hbm>> -> memref<320x128xf32, #tpu.memory_space<hbm>>
        tpu.wait_dma2 semaphore(%arg13 : memref<!tpu.dma_semaphore, #tpu.memory_space<semaphore_mem>>) src(%dma_wait3A_126 : memref<320x128xf32, #tpu.memory_space<hbm>>) dst(%arg11 : memref<320x128xf32, #tpu.memory_space<vmem>>)
        %dma_start3A_127 = arith.constant 0 : i32
        %dma_start3A_128 = tpu.memref_slice %arg6[%mul3A_120, %dma_start3A_127] : memref<163840x128xf32, #tpu.memory_space<hbm>> -> memref<320x128xf32, #tpu.memory_space<hbm>>
        %dma_start3A_129 = arith.constant 0 : i32
        %dma_start3A_130 = tpu.memref_slice %arg6[%mul3A_120, %dma_start3A_129] : memref<163840x128xf32, #tpu.memory_space<hbm>> -> memref<320x128xf32, #tpu.memory_space<hbm>>
        tpu.enqueue_dma source(%arg11 : memref<320x128xf32, #tpu.memory_space<vmem>>) target(%dma_start3A_130 : memref<320x128xf32, #tpu.memory_space<hbm>>) target_semaphore(%arg15 : memref<!tpu.dma_semaphore, #tpu.memory_space<semaphore_mem>>)
      } else {
      }
      %mul3A_65 = arith.constant 8 : i32
      %mul3A_66 = arith.muli %add3A_62, %mul3A_65 : i32
      %add3A_67 = arith.addi %mul3A_2, %mul3A_66 : i32
      "tpu.region"() ({
        %run_scoped3A = tpu.sem_alloc : memref<!tpu.dma_semaphore, #tpu.memory_space<semaphore_mem>>
        %dma_start3A_114 = arith.constant 0 : i32
        %dma_start3A_115 = tpu.memref_slice %arg2[%add3A_67, %dma_start3A_114] : memref<4096x1024xf32, #tpu.memory_space<hbm>> -> memref<8x1024xf32, #tpu.memory_space<hbm>>
        %dma_start3A_116 = arith.constant 0 : i32
        %dma_start3A_117 = tpu.memref_slice %arg2[%add3A_67, %dma_start3A_116] : memref<4096x1024xf32, #tpu.memory_space<hbm>> -> memref<8x1024xf32, #tpu.memory_space<hbm>>
        tpu.enqueue_dma source(%dma_start3A_117 : memref<8x1024xf32, #tpu.memory_space<hbm>>) target(%arg7 : memref<8x1024xf32, #tpu.memory_space<vmem>>) target_semaphore(%run_scoped3A : memref<!tpu.dma_semaphore, #tpu.memory_space<semaphore_mem>>)
        %dma_wait3A_118 = arith.constant 0 : i32
        %dma_wait3A_119 = tpu.memref_slice %arg2[%add3A_67, %dma_wait3A_118] : memref<4096x1024xf32, #tpu.memory_space<hbm>> -> memref<8x1024xf32, #tpu.memory_space<hbm>>
        %dma_wait3A_120 = arith.constant 0 : i32
        %dma_wait3A_121 = tpu.memref_slice %arg2[%add3A_67, %dma_wait3A_120] : memref<4096x1024xf32, #tpu.memory_space<hbm>> -> memref<8x1024xf32, #tpu.memory_space<hbm>>
        tpu.wait_dma2 semaphore(%run_scoped3A : memref<!tpu.dma_semaphore, #tpu.memory_space<semaphore_mem>>) src(%dma_wait3A_121 : memref<8x1024xf32, #tpu.memory_space<hbm>>) dst(%arg7 : memref<8x1024xf32, #tpu.memory_space<vmem>>)
        tpu.yield
      }) : () -> ()
      "tpu.region"() ({
        %run_scoped3A = tpu.sem_alloc : memref<!tpu.dma_semaphore, #tpu.memory_space<semaphore_mem>>
        %dma_start3A_114 = arith.constant 0 : i32
        %dma_start3A_115 = tpu.memref_slice %arg3[%add3A_67, %dma_start3A_114] : memref<4096x128xf32, #tpu.memory_space<hbm>> -> memref<8x128xf32, #tpu.memory_space<hbm>>
        %dma_start3A_116 = arith.constant 0 : i32
        %dma_start3A_117 = tpu.memref_slice %arg3[%add3A_67, %dma_start3A_116] : memref<4096x128xf32, #tpu.memory_space<hbm>> -> memref<8x128xf32, #tpu.memory_space<hbm>>
        tpu.enqueue_dma source(%dma_start3A_117 : memref<8x128xf32, #tpu.memory_space<hbm>>) target(%arg8 : memref<8x128xf32, #tpu.memory_space<vmem>>) target_semaphore(%run_scoped3A : memref<!tpu.dma_semaphore, #tpu.memory_space<semaphore_mem>>)
        %dma_wait3A_118 = arith.constant 0 : i32
        %dma_wait3A_119 = tpu.memref_slice %arg3[%add3A_67, %dma_wait3A_118] : memref<4096x128xf32, #tpu.memory_space<hbm>> -> memref<8x128xf32, #tpu.memory_space<hbm>>
        %dma_wait3A_120 = arith.constant 0 : i32
        %dma_wait3A_121 = tpu.memref_slice %arg3[%add3A_67, %dma_wait3A_120] : memref<4096x128xf32, #tpu.memory_space<hbm>> -> memref<8x128xf32, #tpu.memory_space<hbm>>
        tpu.wait_dma2 semaphore(%run_scoped3A : memref<!tpu.dma_semaphore, #tpu.memory_space<semaphore_mem>>) src(%dma_wait3A_121 : memref<8x128xf32, #tpu.memory_space<hbm>>) dst(%arg8 : memref<8x128xf32, #tpu.memory_space<vmem>>)
        tpu.yield
      }) : () -> ()
      %scan3A_68 = arith.constant 0 : i32
      %scan3A_69 = arith.constant 0 : i32
      %scan3A_70 = arith.constant 8 : i32
      %scan3A_71 = arith.addi %scan3A_69, %scan3A_70 : i32
      %scan3A_72 = arith.constant 1 : i32
      %scan3A_73 = scf.for %scan3A_114 = %scan3A_69 to %scan3A_71 step %scan3A_72 iter_args(%scan3A_115 = %scan3A_68) -> (i32)  : i32 {
        %scan3A_116 = arith.constant 0 : i32
        %scan3A_117 = arith.constant 0 : i32
        %scan3A_118 = arith.constant 33 : i32
        %scan3A_119 = arith.addi %scan3A_117, %scan3A_118 : i32
        %scan3A_120 = arith.constant 1 : i32
        %scan3A_121 = scf.for %scan3A_141 = %scan3A_117 to %scan3A_119 step %scan3A_120 iter_args(%scan3A_142 = %scan3A_116) -> (i32)  : i32 {
          %get3A_143 = arith.index_cast %scan3A_114 : i32 to index
          %get3A_144 = arith.constant 0 : index
          %get3A_145 = tpu.vector_load %arg8[%get3A_143, %get3A_144] {strides = array<i32>} : memref<8x128xf32, #tpu.memory_space<vmem>>, vector<1x16xf32>,
          %get3A_146 = vector.shape_cast %get3A_145 : vector<1x16xf32> to vector<16xf32>
          %get3A_147 = arith.index_cast %scan3A_114 : i32 to index
          %get3A_148 = arith.constant 16 : index
          %get3A_149 = tpu.vector_load %arg8[%get3A_147, %get3A_148] {strides = array<i32>} : memref<8x128xf32, #tpu.memory_space<vmem>>, vector<1x16xf32>,
          %get3A_150 = vector.shape_cast %get3A_149 : vector<1x16xf32> to vector<16xf32>
          %get3A_151 = arith.index_cast %scan3A_114 : i32 to index
          %get3A_152 = arith.constant 32 : index
          %get3A_153 = tpu.vector_load %arg8[%get3A_151, %get3A_152] {strides = array<i32>} : memref<8x128xf32, #tpu.memory_space<vmem>>, vector<1x16xf32>,
          %get3A_154 = vector.shape_cast %get3A_153 : vector<1x16xf32> to vector<16xf32>
          %get3A_155 = arith.index_cast %scan3A_114 : i32 to index
          %get3A_156 = arith.constant 48 : index
          %get3A_157 = tpu.vector_load %arg8[%get3A_155, %get3A_156] {strides = array<i32>} : memref<8x128xf32, #tpu.memory_space<vmem>>, vector<1x16xf32>,
          %get3A_158 = vector.shape_cast %get3A_157 : vector<1x16xf32> to vector<16xf32>
          %min3A = arith.minimumf %get3A_146, %get3A_150 : vector<16xf32>
          %min3A_159 = arith.minimumf %get3A_154, %get3A_158 : vector<16xf32>
          %min3A_160 = arith.minimumf %min3A, %min3A_159 : vector<16xf32>
          %broadcast_in_dim3A_161 = vector.shape_cast %xor3A_22 : vector<16xi32> to vector<16x1xi32>
          %gather3A = vector.shape_cast %broadcast_in_dim3A_161 : vector<16x1xi32> to vector<16xi32>
          %gather3A_162 = tpu.dynamic_gather %min3A_160[%gather3A] in [0] : vector<16xf32>, vector<16xi32> -> vector<16xf32>
          %min3A_163 = arith.minimumf %min3A_160, %gather3A_162 : vector<16xf32>
          %broadcast_in_dim3A_164 = vector.shape_cast %xor3A_25 : vector<16xi32> to vector<16x1xi32>
          %gather3A_165 = vector.shape_cast %broadcast_in_dim3A_164 : vector<16x1xi32> to vector<16xi32>
          %gather3A_166 = tpu.dynamic_gather %min3A_163[%gather3A_165] in [0] : vector<16xf32>, vector<16xi32> -> vector<16xf32>
          %min3A_167 = arith.minimumf %min3A_163, %gather3A_166 : vector<16xf32>
          %broadcast_in_dim3A_168 = vector.shape_cast %xor3A_28 : vector<16xi32> to vector<16x1xi32>
          %gather3A_169 = vector.shape_cast %broadcast_in_dim3A_168 : vector<16x1xi32> to vector<16xi32>
          %gather3A_170 = tpu.dynamic_gather %min3A_167[%gather3A_169] in [0] : vector<16xf32>, vector<16xi32> -> vector<16xf32>
          %min3A_171 = arith.minimumf %min3A_167, %gather3A_170 : vector<16xf32>
          %broadcast_in_dim3A_172 = vector.shape_cast %xor3A_31 : vector<16xi32> to vector<16x1xi32>
          %gather3A_173 = vector.shape_cast %broadcast_in_dim3A_172 : vector<16x1xi32> to vector<16xi32>
          %gather3A_174 = tpu.dynamic_gather %min3A_171[%gather3A_173] in [0] : vector<16xf32>, vector<16xi32> -> vector<16xf32>
          %min3A_175 = arith.minimumf %min3A_171, %gather3A_174 : vector<16xf32>
          %slice3A_176 = vector.extract_strided_slice %min3A_175 {offsets = [0], sizes = [1], strides = [1]} : vector<16xf32> to vector<1xf32>
          %squeeze3A_177 = vector.extract %slice3A_176[0] : f32 from vector<1xf32>
          %eq3A = vector.broadcast %squeeze3A_177 : f32 to vector<16xf32>
          %eq3A_178 = arith.cmpf oeq, %get3A_146, %eq3A : vector<16xf32>
          %jit3A_179 = arith.constant 1073741824 : i32
          %broadcast_in_dim3A_180 = vector.broadcast %jit3A_179 : i32 to vector<16xi32>
          %select_n3A_181 = arith.select %eq3A_178, %iota3A, %broadcast_in_dim3A_180 : vector<16xi1>, vector<16xi32>
          %eq3A_182 = vector.broadcast %squeeze3A_177 : f32 to vector<16xf32>
          %eq3A_183 = arith.cmpf oeq, %get3A_150, %eq3A_182 : vector<16xf32>
          %add3A_184 = arith.constant 16 : i32
          %add3A_185 = vector.broadcast %add3A_184 : i32 to vector<16xi32>
          %add3A_186 = arith.addi %iota3A, %add3A_185 : vector<16xi32>
          %jit3A_187 = arith.constant 1073741824 : i32
          %broadcast_in_dim3A_188 = vector.broadcast %jit3A_187 : i32 to vector<16xi32>
          %select_n3A_189 = arith.select %eq3A_183, %add3A_186, %broadcast_in_dim3A_188 : vector<16xi1>, vector<16xi32>
          %min3A_190 = arith.minsi %select_n3A_181, %select_n3A_189 : vector<16xi32>
          %eq3A_191 = vector.broadcast %squeeze3A_177 : f32 to vector<16xf32>
          %eq3A_192 = arith.cmpf oeq, %get3A_154, %eq3A_191 : vector<16xf32>
          %add3A_193 = arith.constant 32 : i32
          %add3A_194 = vector.broadcast %add3A_193 : i32 to vector<16xi32>
          %add3A_195 = arith.addi %iota3A, %add3A_194 : vector<16xi32>
          %jit3A_196 = arith.constant 1073741824 : i32
          %broadcast_in_dim3A_197 = vector.broadcast %jit3A_196 : i32 to vector<16xi32>
          %select_n3A_198 = arith.select %eq3A_192, %add3A_195, %broadcast_in_dim3A_197 : vector<16xi1>, vector<16xi32>
          %eq3A_199 = vector.broadcast %squeeze3A_177 : f32 to vector<16xf32>
          %eq3A_200 = arith.cmpf oeq, %get3A_158, %eq3A_199 : vector<16xf32>
          %add3A_201 = arith.constant 48 : i32
          %add3A_202 = vector.broadcast %add3A_201 : i32 to vector<16xi32>
          %add3A_203 = arith.addi %iota3A, %add3A_202 : vector<16xi32>
          %jit3A_204 = arith.constant 1073741824 : i32
          %broadcast_in_dim3A_205 = vector.broadcast %jit3A_204 : i32 to vector<16xi32>
          %select_n3A_206 = arith.select %eq3A_200, %add3A_203, %broadcast_in_dim3A_205 : vector<16xi1>, vector<16xi32>
          %min3A_207 = arith.minsi %select_n3A_198, %select_n3A_206 : vector<16xi32>
          %min3A_208 = arith.minsi %min3A_190, %min3A_207 : vector<16xi32>
          %broadcast_in_dim3A_209 = vector.shape_cast %xor3A_22 : vector<16xi32> to vector<16x1xi32>
          %gather3A_210 = vector.shape_cast %broadcast_in_dim3A_209 : vector<16x1xi32> to vector<16xi32>
          %gather3A_211 = tpu.dynamic_gather %min3A_208[%gather3A_210] in [0] : vector<16xi32>, vector<16xi32> -> vector<16xi32>
          %min3A_212 = arith.minsi %min3A_208, %gather3A_211 : vector<16xi32>
          %broadcast_in_dim3A_213 = vector.shape_cast %xor3A_25 : vector<16xi32> to vector<16x1xi32>
          %gather3A_214 = vector.shape_cast %broadcast_in_dim3A_213 : vector<16x1xi32> to vector<16xi32>
          %gather3A_215 = tpu.dynamic_gather %min3A_212[%gather3A_214] in [0] : vector<16xi32>, vector<16xi32> -> vector<16xi32>
          %min3A_216 = arith.minsi %min3A_212, %gather3A_215 : vector<16xi32>
          %broadcast_in_dim3A_217 = vector.shape_cast %xor3A_28 : vector<16xi32> to vector<16x1xi32>
          %gather3A_218 = vector.shape_cast %broadcast_in_dim3A_217 : vector<16x1xi32> to vector<16xi32>
          %gather3A_219 = tpu.dynamic_gather %min3A_216[%gather3A_218] in [0] : vector<16xi32>, vector<16xi32> -> vector<16xi32>
          %min3A_220 = arith.minsi %min3A_216, %gather3A_219 : vector<16xi32>
          %broadcast_in_dim3A_221 = vector.shape_cast %xor3A_31 : vector<16xi32> to vector<16x1xi32>
          %gather3A_222 = vector.shape_cast %broadcast_in_dim3A_221 : vector<16x1xi32> to vector<16xi32>
          %gather3A_223 = tpu.dynamic_gather %min3A_220[%gather3A_222] in [0] : vector<16xi32>, vector<16xi32> -> vector<16xi32>
          %min3A_224 = arith.minsi %min3A_220, %gather3A_223 : vector<16xi32>
          %slice3A_225 = vector.extract_strided_slice %min3A_224 {offsets = [0], sizes = [1], strides = [1]} : vector<16xi32> to vector<1xi32>
          %squeeze3A_226 = vector.extract %slice3A_225[0] : i32 from vector<1xi32>
          %mul3A_227 = arith.constant 16 : i32
          %mul3A_228 = arith.muli %squeeze3A_226, %mul3A_227 : i32
          %get3A_229 = arith.index_cast %scan3A_114 : i32 to index
          %get3A_230 = arith.index_cast %mul3A_228 : i32 to index
          %get3A_231 = tpu.vector_load %arg7[%get3A_229, %get3A_230] {strides = array<i32>} : memref<8x1024xf32, #tpu.memory_space<vmem>>, vector<1x16xf32>,
          %get3A_232 = vector.shape_cast %get3A_231 : vector<1x16xf32> to vector<16xf32>
          %eq3A_233 = vector.broadcast %squeeze3A_177 : f32 to vector<16xf32>
          %eq3A_234 = arith.cmpf oeq, %get3A_232, %eq3A_233 : vector<16xf32>
          %jit3A_235 = arith.constant 1073741824 : i32
          %broadcast_in_dim3A_236 = vector.broadcast %jit3A_235 : i32 to vector<16xi32>
          %select_n3A_237 = arith.select %eq3A_234, %iota3A, %broadcast_in_dim3A_236 : vector<16xi1>, vector<16xi32>
          %broadcast_in_dim3A_238 = vector.shape_cast %xor3A_22 : vector<16xi32> to vector<16x1xi32>
          %gather3A_239 = vector.shape_cast %broadcast_in_dim3A_238 : vector<16x1xi32> to vector<16xi32>
          %gather3A_240 = tpu.dynamic_gather %select_n3A_237[%gather3A_239] in [0] : vector<16xi32>, vector<16xi32> -> vector<16xi32>
          %min3A_241 = arith.minsi %select_n3A_237, %gather3A_240 : vector<16xi32>
          %broadcast_in_dim3A_242 = vector.shape_cast %xor3A_25 : vector<16xi32> to vector<16x1xi32>
          %gather3A_243 = vector.shape_cast %broadcast_in_dim3A_242 : vector<16x1xi32> to vector<16xi32>
          %gather3A_244 = tpu.dynamic_gather %min3A_241[%gather3A_243] in [0] : vector<16xi32>, vector<16xi32> -> vector<16xi32>
          %min3A_245 = arith.minsi %min3A_241, %gather3A_244 : vector<16xi32>
          %broadcast_in_dim3A_246 = vector.shape_cast %xor3A_28 : vector<16xi32> to vector<16x1xi32>
          %gather3A_247 = vector.shape_cast %broadcast_in_dim3A_246 : vector<16x1xi32> to vector<16xi32>
          %gather3A_248 = tpu.dynamic_gather %min3A_245[%gather3A_247] in [0] : vector<16xi32>, vector<16xi32> -> vector<16xi32>
          %min3A_249 = arith.minsi %min3A_245, %gather3A_248 : vector<16xi32>
          %broadcast_in_dim3A_250 = vector.shape_cast %xor3A_31 : vector<16xi32> to vector<16x1xi32>
          %gather3A_251 = vector.shape_cast %broadcast_in_dim3A_250 : vector<16x1xi32> to vector<16xi32>
          %gather3A_252 = tpu.dynamic_gather %min3A_249[%gather3A_251] in [0] : vector<16xi32>, vector<16xi32> -> vector<16xi32>
          %min3A_253 = arith.minsi %min3A_249, %gather3A_252 : vector<16xi32>
          %slice3A_254 = vector.extract_strided_slice %min3A_253 {offsets = [0], sizes = [1], strides = [1]} : vector<16xi32> to vector<1xi32>
          %squeeze3A_255 = vector.extract %slice3A_254[0] : i32 from vector<1xi32>
          %mul3A_256 = arith.constant 16 : i32
          %mul3A_257 = arith.muli %squeeze3A_226, %mul3A_256 : i32
          %add3A_258 = arith.addi %mul3A_257, %squeeze3A_255 : i32
          %mul3A_259 = arith.constant 40 : i32
          %mul3A_260 = arith.muli %scan3A_114, %mul3A_259 : i32
          %add3A_261 = arith.addi %mul3A_260, %scan3A_141 : i32
          %shift_right_arithmetic3A = arith.constant 3 : i32
          %shift_right_arithmetic3A_262 = arith.shrsi %add3A_261, %shift_right_arithmetic3A : i32
          %shift_left3A = arith.constant 3 : i32
          %shift_left3A_263 = arith.shli %shift_right_arithmetic3A_262, %shift_left3A : i32
          %get3A_264 = arith.index_cast %shift_left3A_263 : i32 to index
          %get3A_265 = tpu.vector_load %arg9[%get3A_264] {strides = array<i32>} : memref<320xi32, #tpu.memory_space<vmem>>, vector<16xi32>,
          %get3A_266 = vector.shape_cast %get3A_265 : vector<16xi32> to vector<16xi32>
          %sub3A_267 = arith.subi %add3A_261, %shift_left3A_263 : i32
          %eq3A_268 = vector.broadcast %sub3A_267 : i32 to vector<16xi32>
          %eq3A_269 = arith.cmpi eq, %iota3A, %eq3A_268 : vector<16xi32>
          %add3A_270 = arith.addi %add3A_258, %mul3A_20 : i32
          %broadcast_in_dim3A_271 = vector.broadcast %add3A_270 : i32 to vector<16xi32>
          %select_n3A_272 = arith.select %eq3A_269, %broadcast_in_dim3A_271, %get3A_266 : vector<16xi1>, vector<16xi32>
          %swap3A_273 = arith.index_cast %shift_left3A_263 : i32 to index
          %swap3A_274 = tpu.vector_load %arg9[%swap3A_273] {strides = array<i32>} : memref<320xi32, #tpu.memory_space<vmem>>, vector<16xi32>,
          %swap3A_275 = vector.shape_cast %swap3A_274 : vector<16xi32> to vector<16xi32>
          %swap3A_276 = vector.shape_cast %select_n3A_272 : vector<16xi32> to vector<16xi32>
          tpu.vector_store %arg9[%swap3A_273], %swap3A_276 {strides = array<i32>} : memref<320xi32, #tpu.memory_space<vmem>>, vector<16xi32>,
          %eq3A_277 = vector.broadcast %squeeze3A_255 : i32 to vector<16xi32>
          %eq3A_278 = arith.cmpi eq, %iota3A, %eq3A_277 : vector<16xi32>
          %jit3A_279 = arith.constant 0x7F800000 : f32
          %broadcast_in_dim3A_280 = vector.broadcast %jit3A_279 : f32 to vector<16xf32>
          %select_n3A_281 = arith.select %eq3A_278, %broadcast_in_dim3A_280, %get3A_232 : vector<16xi1>, vector<16xf32>
          %mul3A_282 = arith.constant 16 : i32
          %mul3A_283 = arith.muli %squeeze3A_226, %mul3A_282 : i32
          %swap3A_284 = arith.index_cast %scan3A_114 : i32 to index
          %swap3A_285 = arith.index_cast %mul3A_283 : i32 to index
          %swap3A_286 = tpu.vector_load %arg7[%swap3A_284, %swap3A_285] {strides = array<i32>} : memref<8x1024xf32, #tpu.memory_space<vmem>>, vector<1x16xf32>,
          %swap3A_287 = vector.shape_cast %swap3A_286 : vector<1x16xf32> to vector<16xf32>
          %swap3A_288 = vector.shape_cast %select_n3A_281 : vector<16xf32> to vector<1x16xf32>
          tpu.vector_store %arg7[%swap3A_284, %swap3A_285], %swap3A_288 {strides = array<i32>} : memref<8x1024xf32, #tpu.memory_space<vmem>>, vector<1x16xf32>,
          %shift_right_arithmetic3A_289 = arith.constant 4 : i32
          %shift_right_arithmetic3A_290 = arith.shrsi %squeeze3A_226, %shift_right_arithmetic3A_289 : i32
          %shift_left3A_291 = arith.constant 4 : i32
          %shift_left3A_292 = arith.shli %shift_right_arithmetic3A_290, %shift_left3A_291 : i32
          %get3A_293 = arith.index_cast %scan3A_114 : i32 to index
          %get3A_294 = arith.index_cast %shift_left3A_292 : i32 to index
          %get3A_295 = tpu.vector_load %arg8[%get3A_293, %get3A_294] {strides = array<i32>} : memref<8x128xf32, #tpu.memory_space<vmem>>, vector<1x16xf32>,
          %get3A_296 = vector.shape_cast %get3A_295 : vector<1x16xf32> to vector<16xf32>
          %sub3A_297 = arith.subi %squeeze3A_226, %shift_left3A_292 : i32
          %eq3A_298 = vector.broadcast %sub3A_297 : i32 to vector<16xi32>
          %eq3A_299 = arith.cmpi eq, %iota3A, %eq3A_298 : vector<16xi32>
          %broadcast_in_dim3A_300 = vector.shape_cast %xor3A_22 : vector<16xi32> to vector<16x1xi32>
          %gather3A_301 = vector.shape_cast %broadcast_in_dim3A_300 : vector<16x1xi32> to vector<16xi32>
          %gather3A_302 = tpu.dynamic_gather %select_n3A_281[%gather3A_301] in [0] : vector<16xf32>, vector<16xi32> -> vector<16xf32>
          %min3A_303 = arith.minimumf %select_n3A_281, %gather3A_302 : vector<16xf32>
          %broadcast_in_dim3A_304 = vector.shape_cast %xor3A_25 : vector<16xi32> to vector<16x1xi32>
          %gather3A_305 = vector.shape_cast %broadcast_in_dim3A_304 : vector<16x1xi32> to vector<16xi32>
          %gather3A_306 = tpu.dynamic_gather %min3A_303[%gather3A_305] in [0] : vector<16xf32>, vector<16xi32> -> vector<16xf32>
          %min3A_307 = arith.minimumf %min3A_303, %gather3A_306 : vector<16xf32>
          %broadcast_in_dim3A_308 = vector.shape_cast %xor3A_28 : vector<16xi32> to vector<16x1xi32>
          %gather3A_309 = vector.shape_cast %broadcast_in_dim3A_308 : vector<16x1xi32> to vector<16xi32>
          %gather3A_310 = tpu.dynamic_gather %min3A_307[%gather3A_309] in [0] : vector<16xf32>, vector<16xi32> -> vector<16xf32>
          %min3A_311 = arith.minimumf %min3A_307, %gather3A_310 : vector<16xf32>
          %broadcast_in_dim3A_312 = vector.shape_cast %xor3A_31 : vector<16xi32> to vector<16x1xi32>
          %gather3A_313 = vector.shape_cast %broadcast_in_dim3A_312 : vector<16x1xi32> to vector<16xi32>
          %gather3A_314 = tpu.dynamic_gather %min3A_311[%gather3A_313] in [0] : vector<16xf32>, vector<16xi32> -> vector<16xf32>
          %min3A_315 = arith.minimumf %min3A_311, %gather3A_314 : vector<16xf32>
          %slice3A_316 = vector.extract_strided_slice %min3A_315 {offsets = [0], sizes = [1], strides = [1]} : vector<16xf32> to vector<1xf32>
          %squeeze3A_317 = vector.extract %slice3A_316[0] : f32 from vector<1xf32>
          %broadcast_in_dim3A_318 = vector.broadcast %squeeze3A_317 : f32 to vector<16xf32>
          %select_n3A_319 = arith.select %eq3A_299, %broadcast_in_dim3A_318, %get3A_296 : vector<16xi1>, vector<16xf32>
          %swap3A_320 = arith.index_cast %scan3A_114 : i32 to index
          %swap3A_321 = arith.index_cast %shift_left3A_292 : i32 to index
          %swap3A_322 = tpu.vector_load %arg8[%swap3A_320, %swap3A_321] {strides = array<i32>} : memref<8x128xf32, #tpu.memory_space<vmem>>, vector<1x16xf32>,
          %swap3A_323 = vector.shape_cast %swap3A_322 : vector<1x16xf32> to vector<16xf32>
          %swap3A_324 = vector.shape_cast %select_n3A_319 : vector<16xf32> to vector<1x16xf32>
          tpu.vector_store %arg8[%swap3A_320, %swap3A_321], %swap3A_324 {strides = array<i32>} : memref<8x128xf32, #tpu.memory_space<vmem>>, vector<1x16xf32>,
          %scan3A_325 = arith.constant 0 : i32
          scf.yield %scan3A_325 : i32
        }
        %scan3A_122 = arith.constant 33 : i32
        %mul3A_123 = arith.constant 40 : i32
        %mul3A_124 = arith.muli %scan3A_114, %mul3A_123 : i32
        %get3A = arith.index_cast %mul3A_124 : i32 to index
        %get3A_125 = tpu.vector_load %arg9[%get3A] {strides = array<i32>} : memref<320xi32, #tpu.memory_space<vmem>>, vector<16xi32>,
        %get3A_126 = vector.shape_cast %get3A_125 : vector<16xi32> to vector<16xi32>
        %slice3A = vector.extract_strided_slice %get3A_126 {offsets = [0], sizes = [1], strides = [1]} : vector<16xi32> to vector<1xi32>
        %squeeze3A = vector.extract %slice3A[0] : i32 from vector<1xi32>
        %mul3A_127 = arith.constant 40 : i32
        %mul3A_128 = arith.muli %scan3A_114, %mul3A_127 : i32
        %add3A_129 = arith.constant 24 : i32
        %add3A_130 = arith.addi %mul3A_128, %add3A_129 : i32
        %get3A_131 = arith.index_cast %add3A_130 : i32 to index
        %get3A_132 = tpu.vector_load %arg9[%get3A_131] {strides = array<i32>} : memref<320xi32, #tpu.memory_space<vmem>>, vector<16xi32>,
        %get3A_133 = vector.shape_cast %get3A_132 : vector<16xi32> to vector<16xi32>
        %ge3A = arith.constant 9 : i32
        %ge3A_134 = vector.broadcast %ge3A : i32 to vector<16xi32>
        %ge3A_135 = arith.cmpi sge, %iota3A, %ge3A_134 : vector<16xi32>
        %broadcast_in_dim3A = vector.broadcast %squeeze3A : i32 to vector<16xi32>
        %select_n3A_136 = arith.select %ge3A_135, %broadcast_in_dim3A, %get3A_133 : vector<16xi1>, vector<16xi32>
        %swap3A = arith.index_cast %add3A_130 : i32 to index
        %swap3A_137 = tpu.vector_load %arg9[%swap3A] {strides = array<i32>} : memref<320xi32, #tpu.memory_space<vmem>>, vector<16xi32>,
        %swap3A_138 = vector.shape_cast %swap3A_137 : vector<16xi32> to vector<16xi32>
        %swap3A_139 = vector.shape_cast %select_n3A_136 : vector<16xi32> to vector<16xi32>
        tpu.vector_store %arg9[%swap3A], %swap3A_139 {strides = array<i32>} : memref<320xi32, #tpu.memory_space<vmem>>, vector<16xi32>,
        %scan3A_140 = arith.constant 0 : i32
        scf.yield %scan3A_140 : i32
      }
      %scan3A_74 = arith.constant 8 : i32
      %mul3A_75 = arith.constant 40 : i32
      %mul3A_76 = arith.muli %add3A_67, %mul3A_75 : i32
      "tpu.region"() ({
        %run_scoped3A = tpu.sem_alloc : memref<!tpu.dma_semaphore, #tpu.memory_space<semaphore_mem>>
        %dma_start3A_114 = tpu.memref_slice %arg5[%mul3A_76] : memref<163840xi32, #tpu.memory_space<hbm>> -> memref<320xi32, #tpu.memory_space<hbm>>
        %dma_start3A_115 = tpu.memref_slice %arg5[%mul3A_76] : memref<163840xi32, #tpu.memory_space<hbm>> -> memref<320xi32, #tpu.memory_space<hbm>>
        tpu.enqueue_dma source(%arg9 : memref<320xi32, #tpu.memory_space<vmem>>) target(%dma_start3A_115 : memref<320xi32, #tpu.memory_space<hbm>>) target_semaphore(%run_scoped3A : memref<!tpu.dma_semaphore, #tpu.memory_space<semaphore_mem>>)
        %dma_wait3A_116 = tpu.memref_slice %arg5[%mul3A_76] : memref<163840xi32, #tpu.memory_space<hbm>> -> memref<320xi32, #tpu.memory_space<hbm>>
        %dma_wait3A_117 = tpu.memref_slice %arg5[%mul3A_76] : memref<163840xi32, #tpu.memory_space<hbm>> -> memref<320xi32, #tpu.memory_space<hbm>>
        tpu.wait_dma2 semaphore(%run_scoped3A : memref<!tpu.dma_semaphore, #tpu.memory_space<semaphore_mem>>) src(%arg9 : memref<320xi32, #tpu.memory_space<vmem>>) dst(%dma_wait3A_117 : memref<320xi32, #tpu.memory_space<hbm>>)
        tpu.yield
      }) : () -> ()
      %gt3A_77 = arith.constant 0 : i32
      %gt3A_78 = arith.cmpi sgt, %scan3A_57, %gt3A_77 : i32
      %convert_element_type3A_79 = arith.extui %gt3A_78 : i1 to i32
      %cond3A_80 = arith.constant 0 : i32
      %cond3A_81 = arith.cmpi ne, %convert_element_type3A_79, %cond3A_80 : i32
      scf.if %cond3A_81 {
        %dma_wait3A_114 = arith.constant 0 : i32
        %dma_wait3A_115 = arith.constant 0 : i32
        %dma_wait3A_116 = tpu.memref_slice %arg6[%dma_wait3A_114, %dma_wait3A_115] : memref<163840x128xf32, #tpu.memory_space<hbm>> -> memref<320x128xf32, #tpu.memory_space<hbm>>
        %dma_wait3A_117 = arith.constant 0 : i32
        %dma_wait3A_118 = arith.constant 0 : i32
        %dma_wait3A_119 = tpu.memref_slice %arg6[%dma_wait3A_117, %dma_wait3A_118] : memref<163840x128xf32, #tpu.memory_space<hbm>> -> memref<320x128xf32, #tpu.memory_space<hbm>>
        tpu.wait_dma2 semaphore(%arg15 : memref<!tpu.dma_semaphore, #tpu.memory_space<semaphore_mem>>) src(%arg11 : memref<320x128xf32, #tpu.memory_space<vmem>>) dst(%dma_wait3A_119 : memref<320x128xf32, #tpu.memory_space<hbm>>)
      } else {
      }
      %dma_start3A = arith.constant 0 : i32
      %dma_start3A_82 = arith.constant 0 : i32
      %dma_start3A_83 = tpu.memref_slice %arg4[%dma_start3A, %dma_start3A_82] : memref<4096x128xf32, #tpu.memory_space<hbm>> -> memref<4096x128xf32, #tpu.memory_space<hbm>>
      tpu.enqueue_indirect_dma source(%dma_start3A_83 : memref<4096x128xf32, #tpu.memory_space<hbm>>) target(%arg11 : memref<320x128xf32, #tpu.memory_space<vmem>>) offsets(%arg9 : memref<320xi32, #tpu.memory_space<vmem>>) semaphore(%arg13 : memref<!tpu.dma_semaphore, #tpu.memory_space<semaphore_mem>>)
      %mul3A_84 = arith.constant 2 : i32
      %mul3A_85 = arith.muli %scan3A_57, %mul3A_84 : i32
      %add3A_86 = arith.constant 1 : i32
      %add3A_87 = arith.addi %mul3A_85, %add3A_86 : i32
      %gt3A_88 = arith.constant 0 : i32
      %gt3A_89 = arith.cmpi sgt, %scan3A_57, %gt3A_88 : i32
      %convert_element_type3A_90 = arith.extui %gt3A_89 : i1 to i32
      %cond3A_91 = arith.constant 0 : i32
      %cond3A_92 = arith.cmpi ne, %convert_element_type3A_90, %cond3A_91 : i32
      scf.if %cond3A_92 {
        %sub3A_114 = arith.constant 2 : i32
        %sub3A_115 = arith.subi %add3A_87, %sub3A_114 : i32
        %mul3A_116 = arith.constant 8 : i32
        %mul3A_117 = arith.muli %sub3A_115, %mul3A_116 : i32
        %add3A_118 = arith.addi %mul3A_2, %mul3A_117 : i32
        %mul3A_119 = arith.constant 40 : i32
        %mul3A_120 = arith.muli %add3A_118, %mul3A_119 : i32
        %dma_wait3A_121 = arith.constant 0 : i32
        %dma_wait3A_122 = arith.constant 0 : i32
        %dma_wait3A_123 = tpu.memref_slice %arg4[%dma_wait3A_121, %dma_wait3A_122] : memref<4096x128xf32, #tpu.memory_space<hbm>> -> memref<320x128xf32, #tpu.memory_space<hbm>>
        %dma_wait3A_124 = arith.constant 0 : i32
        %dma_wait3A_125 = arith.constant 0 : i32
        %dma_wait3A_126 = tpu.memref_slice %arg4[%dma_wait3A_124, %dma_wait3A_125] : memref<4096x128xf32, #tpu.memory_space<hbm>> -> memref<320x128xf32, #tpu.memory_space<hbm>>
        tpu.wait_dma2 semaphore(%arg14 : memref<!tpu.dma_semaphore, #tpu.memory_space<semaphore_mem>>) src(%dma_wait3A_126 : memref<320x128xf32, #tpu.memory_space<hbm>>) dst(%arg12 : memref<320x128xf32, #tpu.memory_space<vmem>>)
        %dma_start3A_127 = arith.constant 0 : i32
        %dma_start3A_128 = tpu.memref_slice %arg6[%mul3A_120, %dma_start3A_127] : memref<163840x128xf32, #tpu.memory_space<hbm>> -> memref<320x128xf32, #tpu.memory_space<hbm>>
        %dma_start3A_129 = arith.constant 0 : i32
        %dma_start3A_130 = tpu.memref_slice %arg6[%mul3A_120, %dma_start3A_129] : memref<163840x128xf32, #tpu.memory_space<hbm>> -> memref<320x128xf32, #tpu.memory_space<hbm>>
        tpu.enqueue_dma source(%arg12 : memref<320x128xf32, #tpu.memory_space<vmem>>) target(%dma_start3A_130 : memref<320x128xf32, #tpu.memory_space<hbm>>) target_semaphore(%arg16 : memref<!tpu.dma_semaphore, #tpu.memory_space<semaphore_mem>>)
      } else {
      }
      %mul3A_93 = arith.constant 8 : i32
      %mul3A_94 = arith.muli %add3A_87, %mul3A_93 : i32
      %add3A_95 = arith.addi %mul3A_2, %mul3A_94 : i32
      "tpu.region"() ({
        %run_scoped3A = tpu.sem_alloc : memref<!tpu.dma_semaphore, #tpu.memory_space<semaphore_mem>>
        %dma_start3A_114 = arith.constant 0 : i32
        %dma_start3A_115 = tpu.memref_slice %arg2[%add3A_95, %dma_start3A_114] : memref<4096x1024xf32, #tpu.memory_space<hbm>> -> memref<8x1024xf32, #tpu.memory_space<hbm>>
        %dma_start3A_116 = arith.constant 0 : i32
        %dma_start3A_117 = tpu.memref_slice %arg2[%add3A_95, %dma_start3A_116] : memref<4096x1024xf32, #tpu.memory_space<hbm>> -> memref<8x1024xf32, #tpu.memory_space<hbm>>
        tpu.enqueue_dma source(%dma_start3A_117 : memref<8x1024xf32, #tpu.memory_space<hbm>>) target(%arg7 : memref<8x1024xf32, #tpu.memory_space<vmem>>) target_semaphore(%run_scoped3A : memref<!tpu.dma_semaphore, #tpu.memory_space<semaphore_mem>>)
        %dma_wait3A_118 = arith.constant 0 : i32
        %dma_wait3A_119 = tpu.memref_slice %arg2[%add3A_95, %dma_wait3A_118] : memref<4096x1024xf32, #tpu.memory_space<hbm>> -> memref<8x1024xf32, #tpu.memory_space<hbm>>
        %dma_wait3A_120 = arith.constant 0 : i32
        %dma_wait3A_121 = tpu.memref_slice %arg2[%add3A_95, %dma_wait3A_120] : memref<4096x1024xf32, #tpu.memory_space<hbm>> -> memref<8x1024xf32, #tpu.memory_space<hbm>>
        tpu.wait_dma2 semaphore(%run_scoped3A : memref<!tpu.dma_semaphore, #tpu.memory_space<semaphore_mem>>) src(%dma_wait3A_121 : memref<8x1024xf32, #tpu.memory_space<hbm>>) dst(%arg7 : memref<8x1024xf32, #tpu.memory_space<vmem>>)
        tpu.yield
      }) : () -> ()
      "tpu.region"() ({
        %run_scoped3A = tpu.sem_alloc : memref<!tpu.dma_semaphore, #tpu.memory_space<semaphore_mem>>
        %dma_start3A_114 = arith.constant 0 : i32
        %dma_start3A_115 = tpu.memref_slice %arg3[%add3A_95, %dma_start3A_114] : memref<4096x128xf32, #tpu.memory_space<hbm>> -> memref<8x128xf32, #tpu.memory_space<hbm>>
        %dma_start3A_116 = arith.constant 0 : i32
        %dma_start3A_117 = tpu.memref_slice %arg3[%add3A_95, %dma_start3A_116] : memref<4096x128xf32, #tpu.memory_space<hbm>> -> memref<8x128xf32, #tpu.memory_space<hbm>>
        tpu.enqueue_dma source(%dma_start3A_117 : memref<8x128xf32, #tpu.memory_space<hbm>>) target(%arg8 : memref<8x128xf32, #tpu.memory_space<vmem>>) target_semaphore(%run_scoped3A : memref<!tpu.dma_semaphore, #tpu.memory_space<semaphore_mem>>)
        %dma_wait3A_118 = arith.constant 0 : i32
        %dma_wait3A_119 = tpu.memref_slice %arg3[%add3A_95, %dma_wait3A_118] : memref<4096x128xf32, #tpu.memory_space<hbm>> -> memref<8x128xf32, #tpu.memory_space<hbm>>
        %dma_wait3A_120 = arith.constant 0 : i32
        %dma_wait3A_121 = tpu.memref_slice %arg3[%add3A_95, %dma_wait3A_120] : memref<4096x128xf32, #tpu.memory_space<hbm>> -> memref<8x128xf32, #tpu.memory_space<hbm>>
        tpu.wait_dma2 semaphore(%run_scoped3A : memref<!tpu.dma_semaphore, #tpu.memory_space<semaphore_mem>>) src(%dma_wait3A_121 : memref<8x128xf32, #tpu.memory_space<hbm>>) dst(%arg8 : memref<8x128xf32, #tpu.memory_space<vmem>>)
        tpu.yield
      }) : () -> ()
      %scan3A_96 = arith.constant 0 : i32
      %scan3A_97 = arith.constant 0 : i32
      %scan3A_98 = arith.constant 8 : i32
      %scan3A_99 = arith.addi %scan3A_97, %scan3A_98 : i32
      %scan3A_100 = arith.constant 1 : i32
      %scan3A_101 = scf.for %scan3A_114 = %scan3A_97 to %scan3A_99 step %scan3A_100 iter_args(%scan3A_115 = %scan3A_96) -> (i32)  : i32 {
        %scan3A_116 = arith.constant 0 : i32
        %scan3A_117 = arith.constant 0 : i32
        %scan3A_118 = arith.constant 33 : i32
        %scan3A_119 = arith.addi %scan3A_117, %scan3A_118 : i32
        %scan3A_120 = arith.constant 1 : i32
        %scan3A_121 = scf.for %scan3A_141 = %scan3A_117 to %scan3A_119 step %scan3A_120 iter_args(%scan3A_142 = %scan3A_116) -> (i32)  : i32 {
          %get3A_143 = arith.index_cast %scan3A_114 : i32 to index
          %get3A_144 = arith.constant 0 : index
          %get3A_145 = tpu.vector_load %arg8[%get3A_143, %get3A_144] {strides = array<i32>} : memref<8x128xf32, #tpu.memory_space<vmem>>, vector<1x16xf32>,
          %get3A_146 = vector.shape_cast %get3A_145 : vector<1x16xf32> to vector<16xf32>
          %get3A_147 = arith.index_cast %scan3A_114 : i32 to index
          %get3A_148 = arith.constant 16 : index
          %get3A_149 = tpu.vector_load %arg8[%get3A_147, %get3A_148] {strides = array<i32>} : memref<8x128xf32, #tpu.memory_space<vmem>>, vector<1x16xf32>,
          %get3A_150 = vector.shape_cast %get3A_149 : vector<1x16xf32> to vector<16xf32>
          %get3A_151 = arith.index_cast %scan3A_114 : i32 to index
          %get3A_152 = arith.constant 32 : index
          %get3A_153 = tpu.vector_load %arg8[%get3A_151, %get3A_152] {strides = array<i32>} : memref<8x128xf32, #tpu.memory_space<vmem>>, vector<1x16xf32>,
          %get3A_154 = vector.shape_cast %get3A_153 : vector<1x16xf32> to vector<16xf32>
          %get3A_155 = arith.index_cast %scan3A_114 : i32 to index
          %get3A_156 = arith.constant 48 : index
          %get3A_157 = tpu.vector_load %arg8[%get3A_155, %get3A_156] {strides = array<i32>} : memref<8x128xf32, #tpu.memory_space<vmem>>, vector<1x16xf32>,
          %get3A_158 = vector.shape_cast %get3A_157 : vector<1x16xf32> to vector<16xf32>
          %min3A = arith.minimumf %get3A_146, %get3A_150 : vector<16xf32>
          %min3A_159 = arith.minimumf %get3A_154, %get3A_158 : vector<16xf32>
          %min3A_160 = arith.minimumf %min3A, %min3A_159 : vector<16xf32>
          %broadcast_in_dim3A_161 = vector.shape_cast %xor3A_22 : vector<16xi32> to vector<16x1xi32>
          %gather3A = vector.shape_cast %broadcast_in_dim3A_161 : vector<16x1xi32> to vector<16xi32>
          %gather3A_162 = tpu.dynamic_gather %min3A_160[%gather3A] in [0] : vector<16xf32>, vector<16xi32> -> vector<16xf32>
          %min3A_163 = arith.minimumf %min3A_160, %gather3A_162 : vector<16xf32>
          %broadcast_in_dim3A_164 = vector.shape_cast %xor3A_25 : vector<16xi32> to vector<16x1xi32>
          %gather3A_165 = vector.shape_cast %broadcast_in_dim3A_164 : vector<16x1xi32> to vector<16xi32>
          %gather3A_166 = tpu.dynamic_gather %min3A_163[%gather3A_165] in [0] : vector<16xf32>, vector<16xi32> -> vector<16xf32>
          %min3A_167 = arith.minimumf %min3A_163, %gather3A_166 : vector<16xf32>
          %broadcast_in_dim3A_168 = vector.shape_cast %xor3A_28 : vector<16xi32> to vector<16x1xi32>
          %gather3A_169 = vector.shape_cast %broadcast_in_dim3A_168 : vector<16x1xi32> to vector<16xi32>
          %gather3A_170 = tpu.dynamic_gather %min3A_167[%gather3A_169] in [0] : vector<16xf32>, vector<16xi32> -> vector<16xf32>
          %min3A_171 = arith.minimumf %min3A_167, %gather3A_170 : vector<16xf32>
          %broadcast_in_dim3A_172 = vector.shape_cast %xor3A_31 : vector<16xi32> to vector<16x1xi32>
          %gather3A_173 = vector.shape_cast %broadcast_in_dim3A_172 : vector<16x1xi32> to vector<16xi32>
          %gather3A_174 = tpu.dynamic_gather %min3A_171[%gather3A_173] in [0] : vector<16xf32>, vector<16xi32> -> vector<16xf32>
          %min3A_175 = arith.minimumf %min3A_171, %gather3A_174 : vector<16xf32>
          %slice3A_176 = vector.extract_strided_slice %min3A_175 {offsets = [0], sizes = [1], strides = [1]} : vector<16xf32> to vector<1xf32>
          %squeeze3A_177 = vector.extract %slice3A_176[0] : f32 from vector<1xf32>
          %eq3A = vector.broadcast %squeeze3A_177 : f32 to vector<16xf32>
          %eq3A_178 = arith.cmpf oeq, %get3A_146, %eq3A : vector<16xf32>
          %jit3A_179 = arith.constant 1073741824 : i32
          %broadcast_in_dim3A_180 = vector.broadcast %jit3A_179 : i32 to vector<16xi32>
          %select_n3A_181 = arith.select %eq3A_178, %iota3A, %broadcast_in_dim3A_180 : vector<16xi1>, vector<16xi32>
          %eq3A_182 = vector.broadcast %squeeze3A_177 : f32 to vector<16xf32>
          %eq3A_183 = arith.cmpf oeq, %get3A_150, %eq3A_182 : vector<16xf32>
          %add3A_184 = arith.constant 16 : i32
          %add3A_185 = vector.broadcast %add3A_184 : i32 to vector<16xi32>
          %add3A_186 = arith.addi %iota3A, %add3A_185 : vector<16xi32>
          %jit3A_187 = arith.constant 1073741824 : i32
          %broadcast_in_dim3A_188 = vector.broadcast %jit3A_187 : i32 to vector<16xi32>
          %select_n3A_189 = arith.select %eq3A_183, %add3A_186, %broadcast_in_dim3A_188 : vector<16xi1>, vector<16xi32>
          %min3A_190 = arith.minsi %select_n3A_181, %select_n3A_189 : vector<16xi32>
          %eq3A_191 = vector.broadcast %squeeze3A_177 : f32 to vector<16xf32>
          %eq3A_192 = arith.cmpf oeq, %get3A_154, %eq3A_191 : vector<16xf32>
          %add3A_193 = arith.constant 32 : i32
          %add3A_194 = vector.broadcast %add3A_193 : i32 to vector<16xi32>
          %add3A_195 = arith.addi %iota3A, %add3A_194 : vector<16xi32>
          %jit3A_196 = arith.constant 1073741824 : i32
          %broadcast_in_dim3A_197 = vector.broadcast %jit3A_196 : i32 to vector<16xi32>
          %select_n3A_198 = arith.select %eq3A_192, %add3A_195, %broadcast_in_dim3A_197 : vector<16xi1>, vector<16xi32>
          %eq3A_199 = vector.broadcast %squeeze3A_177 : f32 to vector<16xf32>
          %eq3A_200 = arith.cmpf oeq, %get3A_158, %eq3A_199 : vector<16xf32>
          %add3A_201 = arith.constant 48 : i32
          %add3A_202 = vector.broadcast %add3A_201 : i32 to vector<16xi32>
          %add3A_203 = arith.addi %iota3A, %add3A_202 : vector<16xi32>
          %jit3A_204 = arith.constant 1073741824 : i32
          %broadcast_in_dim3A_205 = vector.broadcast %jit3A_204 : i32 to vector<16xi32>
          %select_n3A_206 = arith.select %eq3A_200, %add3A_203, %broadcast_in_dim3A_205 : vector<16xi1>, vector<16xi32>
          %min3A_207 = arith.minsi %select_n3A_198, %select_n3A_206 : vector<16xi32>
          %min3A_208 = arith.minsi %min3A_190, %min3A_207 : vector<16xi32>
          %broadcast_in_dim3A_209 = vector.shape_cast %xor3A_22 : vector<16xi32> to vector<16x1xi32>
          %gather3A_210 = vector.shape_cast %broadcast_in_dim3A_209 : vector<16x1xi32> to vector<16xi32>
          %gather3A_211 = tpu.dynamic_gather %min3A_208[%gather3A_210] in [0] : vector<16xi32>, vector<16xi32> -> vector<16xi32>
          %min3A_212 = arith.minsi %min3A_208, %gather3A_211 : vector<16xi32>
          %broadcast_in_dim3A_213 = vector.shape_cast %xor3A_25 : vector<16xi32> to vector<16x1xi32>
          %gather3A_214 = vector.shape_cast %broadcast_in_dim3A_213 : vector<16x1xi32> to vector<16xi32>
          %gather3A_215 = tpu.dynamic_gather %min3A_212[%gather3A_214] in [0] : vector<16xi32>, vector<16xi32> -> vector<16xi32>
          %min3A_216 = arith.minsi %min3A_212, %gather3A_215 : vector<16xi32>
          %broadcast_in_dim3A_217 = vector.shape_cast %xor3A_28 : vector<16xi32> to vector<16x1xi32>
          %gather3A_218 = vector.shape_cast %broadcast_in_dim3A_217 : vector<16x1xi32> to vector<16xi32>
          %gather3A_219 = tpu.dynamic_gather %min3A_216[%gather3A_218] in [0] : vector<16xi32>, vector<16xi32> -> vector<16xi32>
          %min3A_220 = arith.minsi %min3A_216, %gather3A_219 : vector<16xi32>
          %broadcast_in_dim3A_221 = vector.shape_cast %xor3A_31 : vector<16xi32> to vector<16x1xi32>
          %gather3A_222 = vector.shape_cast %broadcast_in_dim3A_221 : vector<16x1xi32> to vector<16xi32>
          %gather3A_223 = tpu.dynamic_gather %min3A_220[%gather3A_222] in [0] : vector<16xi32>, vector<16xi32> -> vector<16xi32>
          %min3A_224 = arith.minsi %min3A_220, %gather3A_223 : vector<16xi32>
          %slice3A_225 = vector.extract_strided_slice %min3A_224 {offsets = [0], sizes = [1], strides = [1]} : vector<16xi32> to vector<1xi32>
          %squeeze3A_226 = vector.extract %slice3A_225[0] : i32 from vector<1xi32>
          %mul3A_227 = arith.constant 16 : i32
          %mul3A_228 = arith.muli %squeeze3A_226, %mul3A_227 : i32
          %get3A_229 = arith.index_cast %scan3A_114 : i32 to index
          %get3A_230 = arith.index_cast %mul3A_228 : i32 to index
          %get3A_231 = tpu.vector_load %arg7[%get3A_229, %get3A_230] {strides = array<i32>} : memref<8x1024xf32, #tpu.memory_space<vmem>>, vector<1x16xf32>,
          %get3A_232 = vector.shape_cast %get3A_231 : vector<1x16xf32> to vector<16xf32>
          %eq3A_233 = vector.broadcast %squeeze3A_177 : f32 to vector<16xf32>
          %eq3A_234 = arith.cmpf oeq, %get3A_232, %eq3A_233 : vector<16xf32>
          %jit3A_235 = arith.constant 1073741824 : i32
          %broadcast_in_dim3A_236 = vector.broadcast %jit3A_235 : i32 to vector<16xi32>
          %select_n3A_237 = arith.select %eq3A_234, %iota3A, %broadcast_in_dim3A_236 : vector<16xi1>, vector<16xi32>
          %broadcast_in_dim3A_238 = vector.shape_cast %xor3A_22 : vector<16xi32> to vector<16x1xi32>
          %gather3A_239 = vector.shape_cast %broadcast_in_dim3A_238 : vector<16x1xi32> to vector<16xi32>
          %gather3A_240 = tpu.dynamic_gather %select_n3A_237[%gather3A_239] in [0] : vector<16xi32>, vector<16xi32> -> vector<16xi32>
          %min3A_241 = arith.minsi %select_n3A_237, %gather3A_240 : vector<16xi32>
          %broadcast_in_dim3A_242 = vector.shape_cast %xor3A_25 : vector<16xi32> to vector<16x1xi32>
          %gather3A_243 = vector.shape_cast %broadcast_in_dim3A_242 : vector<16x1xi32> to vector<16xi32>
          %gather3A_244 = tpu.dynamic_gather %min3A_241[%gather3A_243] in [0] : vector<16xi32>, vector<16xi32> -> vector<16xi32>
          %min3A_245 = arith.minsi %min3A_241, %gather3A_244 : vector<16xi32>
          %broadcast_in_dim3A_246 = vector.shape_cast %xor3A_28 : vector<16xi32> to vector<16x1xi32>
          %gather3A_247 = vector.shape_cast %broadcast_in_dim3A_246 : vector<16x1xi32> to vector<16xi32>
          %gather3A_248 = tpu.dynamic_gather %min3A_245[%gather3A_247] in [0] : vector<16xi32>, vector<16xi32> -> vector<16xi32>
          %min3A_249 = arith.minsi %min3A_245, %gather3A_248 : vector<16xi32>
          %broadcast_in_dim3A_250 = vector.shape_cast %xor3A_31 : vector<16xi32> to vector<16x1xi32>
          %gather3A_251 = vector.shape_cast %broadcast_in_dim3A_250 : vector<16x1xi32> to vector<16xi32>
          %gather3A_252 = tpu.dynamic_gather %min3A_249[%gather3A_251] in [0] : vector<16xi32>, vector<16xi32> -> vector<16xi32>
          %min3A_253 = arith.minsi %min3A_249, %gather3A_252 : vector<16xi32>
          %slice3A_254 = vector.extract_strided_slice %min3A_253 {offsets = [0], sizes = [1], strides = [1]} : vector<16xi32> to vector<1xi32>
          %squeeze3A_255 = vector.extract %slice3A_254[0] : i32 from vector<1xi32>
          %mul3A_256 = arith.constant 16 : i32
          %mul3A_257 = arith.muli %squeeze3A_226, %mul3A_256 : i32
          %add3A_258 = arith.addi %mul3A_257, %squeeze3A_255 : i32
          %mul3A_259 = arith.constant 40 : i32
          %mul3A_260 = arith.muli %scan3A_114, %mul3A_259 : i32
          %add3A_261 = arith.addi %mul3A_260, %scan3A_141 : i32
          %shift_right_arithmetic3A = arith.constant 3 : i32
          %shift_right_arithmetic3A_262 = arith.shrsi %add3A_261, %shift_right_arithmetic3A : i32
          %shift_left3A = arith.constant 3 : i32
          %shift_left3A_263 = arith.shli %shift_right_arithmetic3A_262, %shift_left3A : i32
          %get3A_264 = arith.index_cast %shift_left3A_263 : i32 to index
          %get3A_265 = tpu.vector_load %arg10[%get3A_264] {strides = array<i32>} : memref<320xi32, #tpu.memory_space<vmem>>, vector<16xi32>,
          %get3A_266 = vector.shape_cast %get3A_265 : vector<16xi32> to vector<16xi32>
          %sub3A_267 = arith.subi %add3A_261, %shift_left3A_263 : i32
          %eq3A_268 = vector.broadcast %sub3A_267 : i32 to vector<16xi32>
          %eq3A_269 = arith.cmpi eq, %iota3A, %eq3A_268 : vector<16xi32>
          %add3A_270 = arith.addi %add3A_258, %mul3A_20 : i32
          %broadcast_in_dim3A_271 = vector.broadcast %add3A_270 : i32 to vector<16xi32>
          %select_n3A_272 = arith.select %eq3A_269, %broadcast_in_dim3A_271, %get3A_266 : vector<16xi1>, vector<16xi32>
          %swap3A_273 = arith.index_cast %shift_left3A_263 : i32 to index
          %swap3A_274 = tpu.vector_load %arg10[%swap3A_273] {strides = array<i32>} : memref<320xi32, #tpu.memory_space<vmem>>, vector<16xi32>,
          %swap3A_275 = vector.shape_cast %swap3A_274 : vector<16xi32> to vector<16xi32>
          %swap3A_276 = vector.shape_cast %select_n3A_272 : vector<16xi32> to vector<16xi32>
          tpu.vector_store %arg10[%swap3A_273], %swap3A_276 {strides = array<i32>} : memref<320xi32, #tpu.memory_space<vmem>>, vector<16xi32>,
          %eq3A_277 = vector.broadcast %squeeze3A_255 : i32 to vector<16xi32>
          %eq3A_278 = arith.cmpi eq, %iota3A, %eq3A_277 : vector<16xi32>
          %jit3A_279 = arith.constant 0x7F800000 : f32
          %broadcast_in_dim3A_280 = vector.broadcast %jit3A_279 : f32 to vector<16xf32>
          %select_n3A_281 = arith.select %eq3A_278, %broadcast_in_dim3A_280, %get3A_232 : vector<16xi1>, vector<16xf32>
          %mul3A_282 = arith.constant 16 : i32
          %mul3A_283 = arith.muli %squeeze3A_226, %mul3A_282 : i32
          %swap3A_284 = arith.index_cast %scan3A_114 : i32 to index
          %swap3A_285 = arith.index_cast %mul3A_283 : i32 to index
          %swap3A_286 = tpu.vector_load %arg7[%swap3A_284, %swap3A_285] {strides = array<i32>} : memref<8x1024xf32, #tpu.memory_space<vmem>>, vector<1x16xf32>,
          %swap3A_287 = vector.shape_cast %swap3A_286 : vector<1x16xf32> to vector<16xf32>
          %swap3A_288 = vector.shape_cast %select_n3A_281 : vector<16xf32> to vector<1x16xf32>
          tpu.vector_store %arg7[%swap3A_284, %swap3A_285], %swap3A_288 {strides = array<i32>} : memref<8x1024xf32, #tpu.memory_space<vmem>>, vector<1x16xf32>,
          %shift_right_arithmetic3A_289 = arith.constant 4 : i32
          %shift_right_arithmetic3A_290 = arith.shrsi %squeeze3A_226, %shift_right_arithmetic3A_289 : i32
          %shift_left3A_291 = arith.constant 4 : i32
          %shift_left3A_292 = arith.shli %shift_right_arithmetic3A_290, %shift_left3A_291 : i32
          %get3A_293 = arith.index_cast %scan3A_114 : i32 to index
          %get3A_294 = arith.index_cast %shift_left3A_292 : i32 to index
          %get3A_295 = tpu.vector_load %arg8[%get3A_293, %get3A_294] {strides = array<i32>} : memref<8x128xf32, #tpu.memory_space<vmem>>, vector<1x16xf32>,
          %get3A_296 = vector.shape_cast %get3A_295 : vector<1x16xf32> to vector<16xf32>
          %sub3A_297 = arith.subi %squeeze3A_226, %shift_left3A_292 : i32
          %eq3A_298 = vector.broadcast %sub3A_297 : i32 to vector<16xi32>
          %eq3A_299 = arith.cmpi eq, %iota3A, %eq3A_298 : vector<16xi32>
          %broadcast_in_dim3A_300 = vector.shape_cast %xor3A_22 : vector<16xi32> to vector<16x1xi32>
          %gather3A_301 = vector.shape_cast %broadcast_in_dim3A_300 : vector<16x1xi32> to vector<16xi32>
          %gather3A_302 = tpu.dynamic_gather %select_n3A_281[%gather3A_301] in [0] : vector<16xf32>, vector<16xi32> -> vector<16xf32>
          %min3A_303 = arith.minimumf %select_n3A_281, %gather3A_302 : vector<16xf32>
          %broadcast_in_dim3A_304 = vector.shape_cast %xor3A_25 : vector<16xi32> to vector<16x1xi32>
          %gather3A_305 = vector.shape_cast %broadcast_in_dim3A_304 : vector<16x1xi32> to vector<16xi32>
          %gather3A_306 = tpu.dynamic_gather %min3A_303[%gather3A_305] in [0] : vector<16xf32>, vector<16xi32> -> vector<16xf32>
          %min3A_307 = arith.minimumf %min3A_303, %gather3A_306 : vector<16xf32>
          %broadcast_in_dim3A_308 = vector.shape_cast %xor3A_28 : vector<16xi32> to vector<16x1xi32>
          %gather3A_309 = vector.shape_cast %broadcast_in_dim3A_308 : vector<16x1xi32> to vector<16xi32>
          %gather3A_310 = tpu.dynamic_gather %min3A_307[%gather3A_309] in [0] : vector<16xf32>, vector<16xi32> -> vector<16xf32>
          %min3A_311 = arith.minimumf %min3A_307, %gather3A_310 : vector<16xf32>
          %broadcast_in_dim3A_312 = vector.shape_cast %xor3A_31 : vector<16xi32> to vector<16x1xi32>
          %gather3A_313 = vector.shape_cast %broadcast_in_dim3A_312 : vector<16x1xi32> to vector<16xi32>
          %gather3A_314 = tpu.dynamic_gather %min3A_311[%gather3A_313] in [0] : vector<16xf32>, vector<16xi32> -> vector<16xf32>
          %min3A_315 = arith.minimumf %min3A_311, %gather3A_314 : vector<16xf32>
          %slice3A_316 = vector.extract_strided_slice %min3A_315 {offsets = [0], sizes = [1], strides = [1]} : vector<16xf32> to vector<1xf32>
          %squeeze3A_317 = vector.extract %slice3A_316[0] : f32 from vector<1xf32>
          %broadcast_in_dim3A_318 = vector.broadcast %squeeze3A_317 : f32 to vector<16xf32>
          %select_n3A_319 = arith.select %eq3A_299, %broadcast_in_dim3A_318, %get3A_296 : vector<16xi1>, vector<16xf32>
          %swap3A_320 = arith.index_cast %scan3A_114 : i32 to index
          %swap3A_321 = arith.index_cast %shift_left3A_292 : i32 to index
          %swap3A_322 = tpu.vector_load %arg8[%swap3A_320, %swap3A_321] {strides = array<i32>} : memref<8x128xf32, #tpu.memory_space<vmem>>, vector<1x16xf32>,
          %swap3A_323 = vector.shape_cast %swap3A_322 : vector<1x16xf32> to vector<16xf32>
          %swap3A_324 = vector.shape_cast %select_n3A_319 : vector<16xf32> to vector<1x16xf32>
          tpu.vector_store %arg8[%swap3A_320, %swap3A_321], %swap3A_324 {strides = array<i32>} : memref<8x128xf32, #tpu.memory_space<vmem>>, vector<1x16xf32>,
          %scan3A_325 = arith.constant 0 : i32
          scf.yield %scan3A_325 : i32
        }
        %scan3A_122 = arith.constant 33 : i32
        %mul3A_123 = arith.constant 40 : i32
        %mul3A_124 = arith.muli %scan3A_114, %mul3A_123 : i32
        %get3A = arith.index_cast %mul3A_124 : i32 to index
        %get3A_125 = tpu.vector_load %arg10[%get3A] {strides = array<i32>} : memref<320xi32, #tpu.memory_space<vmem>>, vector<16xi32>,
        %get3A_126 = vector.shape_cast %get3A_125 : vector<16xi32> to vector<16xi32>
        %slice3A = vector.extract_strided_slice %get3A_126 {offsets = [0], sizes = [1], strides = [1]} : vector<16xi32> to vector<1xi32>
        %squeeze3A = vector.extract %slice3A[0] : i32 from vector<1xi32>
        %mul3A_127 = arith.constant 40 : i32
        %mul3A_128 = arith.muli %scan3A_114, %mul3A_127 : i32
        %add3A_129 = arith.constant 24 : i32
        %add3A_130 = arith.addi %mul3A_128, %add3A_129 : i32
        %get3A_131 = arith.index_cast %add3A_130 : i32 to index
        %get3A_132 = tpu.vector_load %arg10[%get3A_131] {strides = array<i32>} : memref<320xi32, #tpu.memory_space<vmem>>, vector<16xi32>,
        %get3A_133 = vector.shape_cast %get3A_132 : vector<16xi32> to vector<16xi32>
        %ge3A = arith.constant 9 : i32
        %ge3A_134 = vector.broadcast %ge3A : i32 to vector<16xi32>
        %ge3A_135 = arith.cmpi sge, %iota3A, %ge3A_134 : vector<16xi32>
        %broadcast_in_dim3A = vector.broadcast %squeeze3A : i32 to vector<16xi32>
        %select_n3A_136 = arith.select %ge3A_135, %broadcast_in_dim3A, %get3A_133 : vector<16xi1>, vector<16xi32>
        %swap3A = arith.index_cast %add3A_130 : i32 to index
        %swap3A_137 = tpu.vector_load %arg10[%swap3A] {strides = array<i32>} : memref<320xi32, #tpu.memory_space<vmem>>, vector<16xi32>,
        %swap3A_138 = vector.shape_cast %swap3A_137 : vector<16xi32> to vector<16xi32>
        %swap3A_139 = vector.shape_cast %select_n3A_136 : vector<16xi32> to vector<16xi32>
        tpu.vector_store %arg10[%swap3A], %swap3A_139 {strides = array<i32>} : memref<320xi32, #tpu.memory_space<vmem>>, vector<16xi32>,
        %scan3A_140 = arith.constant 0 : i32
        scf.yield %scan3A_140 : i32
      }
      %scan3A_102 = arith.constant 8 : i32
      %mul3A_103 = arith.constant 40 : i32
      %mul3A_104 = arith.muli %add3A_95, %mul3A_103 : i32
      "tpu.region"() ({
        %run_scoped3A = tpu.sem_alloc : memref<!tpu.dma_semaphore, #tpu.memory_space<semaphore_mem>>
        %dma_start3A_114 = tpu.memref_slice %arg5[%mul3A_104] : memref<163840xi32, #tpu.memory_space<hbm>> -> memref<320xi32, #tpu.memory_space<hbm>>
        %dma_start3A_115 = tpu.memref_slice %arg5[%mul3A_104] : memref<163840xi32, #tpu.memory_space<hbm>> -> memref<320xi32, #tpu.memory_space<hbm>>
        tpu.enqueue_dma source(%arg10 : memref<320xi32, #tpu.memory_space<vmem>>) target(%dma_start3A_115 : memref<320xi32, #tpu.memory_space<hbm>>) target_semaphore(%run_scoped3A : memref<!tpu.dma_semaphore, #tpu.memory_space<semaphore_mem>>)
        %dma_wait3A_116 = tpu.memref_slice %arg5[%mul3A_104] : memref<163840xi32, #tpu.memory_space<hbm>> -> memref<320xi32, #tpu.memory_space<hbm>>
        %dma_wait3A_117 = tpu.memref_slice %arg5[%mul3A_104] : memref<163840xi32, #tpu.memory_space<hbm>> -> memref<320xi32, #tpu.memory_space<hbm>>
        tpu.wait_dma2 semaphore(%run_scoped3A : memref<!tpu.dma_semaphore, #tpu.memory_space<semaphore_mem>>) src(%arg10 : memref<320xi32, #tpu.memory_space<vmem>>) dst(%dma_wait3A_117 : memref<320xi32, #tpu.memory_space<hbm>>)
        tpu.yield
      }) : () -> ()
      %gt3A_105 = arith.constant 0 : i32
      %gt3A_106 = arith.cmpi sgt, %scan3A_57, %gt3A_105 : i32
      %convert_element_type3A_107 = arith.extui %gt3A_106 : i1 to i32
      %cond3A_108 = arith.constant 0 : i32
      %cond3A_109 = arith.cmpi ne, %convert_element_type3A_107, %cond3A_108 : i32
      scf.if %cond3A_109 {
        %dma_wait3A_114 = arith.constant 0 : i32
        %dma_wait3A_115 = arith.constant 0 : i32
        %dma_wait3A_116 = tpu.memref_slice %arg6[%dma_wait3A_114, %dma_wait3A_115] : memref<163840x128xf32, #tpu.memory_space<hbm>> -> memref<320x128xf32, #tpu.memory_space<hbm>>
        %dma_wait3A_117 = arith.constant 0 : i32
        %dma_wait3A_118 = arith.constant 0 : i32
        %dma_wait3A_119 = tpu.memref_slice %arg6[%dma_wait3A_117, %dma_wait3A_118] : memref<163840x128xf32, #tpu.memory_space<hbm>> -> memref<320x128xf32, #tpu.memory_space<hbm>>
        tpu.wait_dma2 semaphore(%arg16 : memref<!tpu.dma_semaphore, #tpu.memory_space<semaphore_mem>>) src(%arg12 : memref<320x128xf32, #tpu.memory_space<vmem>>) dst(%dma_wait3A_119 : memref<320x128xf32, #tpu.memory_space<hbm>>)
      } else {
      }
      %dma_start3A_110 = arith.constant 0 : i32
      %dma_start3A_111 = arith.constant 0 : i32
      %dma_start3A_112 = tpu.memref_slice %arg4[%dma_start3A_110, %dma_start3A_111] : memref<4096x128xf32, #tpu.memory_space<hbm>> -> memref<4096x128xf32, #tpu.memory_space<hbm>>
      tpu.enqueue_indirect_dma source(%dma_start3A_112 : memref<4096x128xf32, #tpu.memory_space<hbm>>) target(%arg12 : memref<320x128xf32, #tpu.memory_space<vmem>>) offsets(%arg10 : memref<320xi32, #tpu.memory_space<vmem>>) semaphore(%arg14 : memref<!tpu.dma_semaphore, #tpu.memory_space<semaphore_mem>>)
      %scan3A_113 = arith.constant 0 : i32
      scf.yield %scan3A_113 : i32
    }
    %scan3A_37 = arith.constant 8 : i32
    %add3A_38 = arith.constant 112 : i32
    %add3A_39 = arith.addi %mul3A_2, %add3A_38 : i32
    %mul3A_40 = arith.constant 40 : i32
    %mul3A_41 = arith.muli %add3A_39, %mul3A_40 : i32
    %dma_wait3A = arith.constant 0 : i32
    %dma_wait3A_42 = arith.constant 0 : i32
    %dma_wait3A_43 = tpu.memref_slice %arg4[%dma_wait3A, %dma_wait3A_42] : memref<4096x128xf32, #tpu.memory_space<hbm>> -> memref<320x128xf32, #tpu.memory_space<hbm>>
    %dma_wait3A_44 = arith.constant 0 : i32
    %dma_wait3A_45 = arith.constant 0 : i32
    %dma_wait3A_46 = tpu.memref_slice %arg4[%dma_wait3A_44, %dma_wait3A_45] : memref<4096x128xf32, #tpu.memory_space<hbm>> -> memref<320x128xf32, #tpu.memory_space<hbm>>
    tpu.wait_dma2 semaphore(%arg13 : memref<!tpu.dma_semaphore, #tpu.memory_space<semaphore_mem>>) src(%dma_wait3A_46 : memref<320x128xf32, #tpu.memory_space<hbm>>) dst(%arg11 : memref<320x128xf32, #tpu.memory_space<vmem>>)
    "tpu.region"() ({
      %run_scoped3A = tpu.sem_alloc : memref<!tpu.dma_semaphore, #tpu.memory_space<semaphore_mem>>
      %dma_start3A = arith.constant 0 : i32
      %dma_start3A_57 = tpu.memref_slice %arg6[%mul3A_41, %dma_start3A] : memref<163840x128xf32, #tpu.memory_space<hbm>> -> memref<320x128xf32, #tpu.memory_space<hbm>>
      %dma_start3A_58 = arith.constant 0 : i32
      %dma_start3A_59 = tpu.memref_slice %arg6[%mul3A_41, %dma_start3A_58] : memref<163840x128xf32, #tpu.memory_space<hbm>> -> memref<320x128xf32, #tpu.memory_space<hbm>>
      tpu.enqueue_dma source(%arg11 : memref<320x128xf32, #tpu.memory_space<vmem>>) target(%dma_start3A_59 : memref<320x128xf32, #tpu.memory_space<hbm>>) target_semaphore(%run_scoped3A : memref<!tpu.dma_semaphore, #tpu.memory_space<semaphore_mem>>)
      %dma_wait3A_60 = arith.constant 0 : i32
      %dma_wait3A_61 = tpu.memref_slice %arg6[%mul3A_41, %dma_wait3A_60] : memref<163840x128xf32, #tpu.memory_space<hbm>> -> memref<320x128xf32, #tpu.memory_space<hbm>>
      %dma_wait3A_62 = arith.constant 0 : i32
      %dma_wait3A_63 = tpu.memref_slice %arg6[%mul3A_41, %dma_wait3A_62] : memref<163840x128xf32, #tpu.memory_space<hbm>> -> memref<320x128xf32, #tpu.memory_space<hbm>>
      tpu.wait_dma2 semaphore(%run_scoped3A : memref<!tpu.dma_semaphore, #tpu.memory_space<semaphore_mem>>) src(%arg11 : memref<320x128xf32, #tpu.memory_space<vmem>>) dst(%dma_wait3A_63 : memref<320x128xf32, #tpu.memory_space<hbm>>)
      tpu.yield
    }) : () -> ()
    %add3A_47 = arith.constant 120 : i32
    %add3A_48 = arith.addi %mul3A_2, %add3A_47 : i32
    %mul3A_49 = arith.constant 40 : i32
    %mul3A_50 = arith.muli %add3A_48, %mul3A_49 : i32
    %dma_wait3A_51 = arith.constant 0 : i32
    %dma_wait3A_52 = arith.constant 0 : i32
    %dma_wait3A_53 = tpu.memref_slice %arg4[%dma_wait3A_51, %dma_wait3A_52] : memref<4096x128xf32, #tpu.memory_space<hbm>> -> memref<320x128xf32, #tpu.memory_space<hbm>>
    %dma_wait3A_54 = arith.constant 0 : i32
    %dma_wait3A_55 = arith.constant 0 : i32
    %dma_wait3A_56 = tpu.memref_slice %arg4[%dma_wait3A_54, %dma_wait3A_55] : memref<4096x128xf32, #tpu.memory_space<hbm>> -> memref<320x128xf32, #tpu.memory_space<hbm>>
    tpu.wait_dma2 semaphore(%arg14 : memref<!tpu.dma_semaphore, #tpu.memory_space<semaphore_mem>>) src(%dma_wait3A_56 : memref<320x128xf32, #tpu.memory_space<hbm>>) dst(%arg12 : memref<320x128xf32, #tpu.memory_space<vmem>>)
    "tpu.region"() ({
      %run_scoped3A = tpu.sem_alloc : memref<!tpu.dma_semaphore, #tpu.memory_space<semaphore_mem>>
      %dma_start3A = arith.constant 0 : i32
      %dma_start3A_57 = tpu.memref_slice %arg6[%mul3A_50, %dma_start3A] : memref<163840x128xf32, #tpu.memory_space<hbm>> -> memref<320x128xf32, #tpu.memory_space<hbm>>
      %dma_start3A_58 = arith.constant 0 : i32
      %dma_start3A_59 = tpu.memref_slice %arg6[%mul3A_50, %dma_start3A_58] : memref<163840x128xf32, #tpu.memory_space<hbm>> -> memref<320x128xf32, #tpu.memory_space<hbm>>
      tpu.enqueue_dma source(%arg12 : memref<320x128xf32, #tpu.memory_space<vmem>>) target(%dma_start3A_59 : memref<320x128xf32, #tpu.memory_space<hbm>>) target_semaphore(%run_scoped3A : memref<!tpu.dma_semaphore, #tpu.memory_space<semaphore_mem>>)
      %dma_wait3A_60 = arith.constant 0 : i32
      %dma_wait3A_61 = tpu.memref_slice %arg6[%mul3A_50, %dma_wait3A_60] : memref<163840x128xf32, #tpu.memory_space<hbm>> -> memref<320x128xf32, #tpu.memory_space<hbm>>
      %dma_wait3A_62 = arith.constant 0 : i32
      %dma_wait3A_63 = tpu.memref_slice %arg6[%mul3A_50, %dma_wait3A_62] : memref<163840x128xf32, #tpu.memory_space<hbm>> -> memref<320x128xf32, #tpu.memory_space<hbm>>
      tpu.wait_dma2 semaphore(%run_scoped3A : memref<!tpu.dma_semaphore, #tpu.memory_space<semaphore_mem>>) src(%arg12 : memref<320x128xf32, #tpu.memory_space<vmem>>) dst(%dma_wait3A_63 : memref<320x128xf32, #tpu.memory_space<hbm>>)
      tpu.yield
    }) : () -> ()
    return
  }
}

module attributes {stable_mosaic.version = 14 : i64} {
  func.func @_d2_tc_body(%arg0: i32, %arg1: memref<1x1024x3xf32, #tpu.memory_space<vmem>>, %arg2: memref<1x1024x3xf32, #tpu.memory_space<vmem>>, %arg3: memref<256x1024xf32, #tpu.memory_space<vmem>>, %arg4: memref<256x128xf32, #tpu.memory_space<vmem>>) attributes {dimension_semantics = [#tpu.dimension_semantics<arbitrary>], iteration_bounds = array<i64: 16>, scalar_prefetch = 0 : i64, scratch_operands = 0 : i64, tpu.core_type = #tpu.core_type<tc>, window_params = [{transform_indices = @transform_0, window_bounds = array<i64: 1, 1024, 3>}, {transform_indices = @transform_1, window_bounds = array<i64: 1, 1024, 3>}, {transform_indices = @transform_2, window_bounds = array<i64: 256, 1024>}, {transform_indices = @transform_3, window_bounds = array<i64: 256, 128>}]} {
    %jit3A = arith.constant 4 : i32
    %eq3A = arith.constant 0 : i32
    %eq3A_0 = arith.cmpi eq, %jit3A, %eq3A : i32
    %jit3A_1 = arith.constant 1 : i32
    %select_n3A = arith.select %eq3A_0, %jit3A_1, %jit3A : i32
    %rem3A = arith.remsi %arg0, %select_n3A : i32
    %ne3A = arith.constant 0 : i32
    %ne3A_2 = arith.cmpi ne, %rem3A, %ne3A : i32
    %lt3A = arith.constant 0 : i32
    %lt3A_3 = arith.cmpi slt, %rem3A, %lt3A : i32
    %lt3A_4 = arith.constant 0 : i32
    %lt3A_5 = arith.cmpi slt, %select_n3A, %lt3A_4 : i32
    %ne3A_6 = arith.xori %lt3A_3, %lt3A_5 : i1
    %and3A = arith.andi %ne3A_6, %ne3A_2 : i1
    %add3A = arith.addi %rem3A, %select_n3A : i32
    %select_n3A_7 = arith.select %and3A, %add3A, %rem3A : i32
    %get3A = arith.constant 0 : index
    %get3A_8 = arith.constant 0 : index
    %get3A_9 = arith.constant 0 : index
    %get3A_10 = vector.load %arg1[%get3A, %get3A_8, %get3A_9] : memref<1x1024x3xf32, #tpu.memory_space<vmem>>, vector<1x1024x3xf32>
    %get3A_11 = vector.shape_cast %get3A_10 : vector<1x1024x3xf32> to vector<1024x3xf32>
    %get3A_12 = arith.constant 0 : index
    %get3A_13 = arith.constant 0 : index
    %get3A_14 = arith.constant 0 : index
    %get3A_15 = vector.load %arg2[%get3A_12, %get3A_13, %get3A_14] : memref<1x1024x3xf32, #tpu.memory_space<vmem>>, vector<1x1024x3xf32>
    %get3A_16 = vector.shape_cast %get3A_15 : vector<1x1024x3xf32> to vector<1024x3xf32>
    %mul3A = arith.constant 256 : i32
    %mul3A_17 = arith.muli %select_n3A_7, %mul3A : i32
    %get3A_18 = arith.constant 0 : index
    %get3A_19 = arith.index_cast %mul3A_17 : i32 to index
    %get3A_20 = arith.constant 0 : index
    %get3A_21 = vector.load %arg1[%get3A_18, %get3A_19, %get3A_20] : memref<1x1024x3xf32, #tpu.memory_space<vmem>>, vector<1x256x3xf32>
    %get3A_22 = vector.shape_cast %get3A_21 : vector<1x256x3xf32> to vector<256x3xf32>
    %mul3A_23 = arith.mulf %get3A_11, %get3A_11 : vector<1024x3xf32>
    %reduce_sum3A = arith.constant dense<0.000000e+00> : vector<1024xf32>
    %reduce_sum3A_24 = vector.multi_reduction <add>, %mul3A_23, %reduce_sum3A [1] : vector<1024x3xf32> to vector<1024xf32>
    %mul3A_25 = arith.mulf %get3A_22, %get3A_22 : vector<256x3xf32>
    %reduce_sum3A_26 = arith.constant dense<0.000000e+00> : vector<256xf32>
    %reduce_sum3A_27 = vector.multi_reduction <add>, %mul3A_25, %reduce_sum3A_26 [1] : vector<256x3xf32> to vector<256xf32>
    %convert_element_type3A = arith.truncf %get3A_22 : vector<256x3xf32> to vector<256x3xbf16>
    %convert_element_type3A_28 = arith.truncf %get3A_11 : vector<1024x3xf32> to vector<1024x3xbf16>
    %dot_general3A = arith.constant dense<0.000000e+00> : vector<256x1024xf32>
    %dot_general3A_29 = tpu.matmul %convert_element_type3A, %convert_element_type3A_28, %dot_general3A {dimension_numbers = #tpu.dot_dimension_numbers<[1], [1], [0], [0], [0, 0, 1, 0], [], []>, transpose_lhs_hint = false} : vector<256x3xbf16>, vector<1024x3xbf16>, vector<256x1024xf32> -> vector<256x1024xf32>
    %broadcast_in_dim3A = vector.shape_cast %reduce_sum3A_27 : vector<256xf32> to vector<256x1xf32>
    %broadcast_in_dim3A_30 = vector.shape_cast %reduce_sum3A_24 : vector<1024xf32> to vector<1x1024xf32>
    %add3A_31 = vector.broadcast %broadcast_in_dim3A : vector<256x1xf32> to vector<256x1024xf32>
    %add3A_32 = vector.broadcast %broadcast_in_dim3A_30 : vector<1x1024xf32> to vector<256x1024xf32>
    %add3A_33 = arith.addf %add3A_31, %add3A_32 : vector<256x1024xf32>
    %mul3A_34 = arith.constant 2.000000e+00 : f32
    %mul3A_35 = vector.broadcast %mul3A_34 : f32 to vector<256x1024xf32>
    %mul3A_36 = arith.mulf %mul3A_35, %dot_general3A_29 : vector<256x1024xf32>
    %sub3A = arith.subf %add3A_33, %mul3A_36 : vector<256x1024xf32>
    %swap3A = arith.constant 0 : index
    %swap3A_37 = arith.constant 0 : index
    %swap3A_38 = vector.load %arg3[%swap3A, %swap3A_37] : memref<256x1024xf32, #tpu.memory_space<vmem>>, vector<256x1024xf32>
    tpu.vector_store %arg3[%swap3A, %swap3A_37], %sub3A {strides = array<i32>} : memref<256x1024xf32, #tpu.memory_space<vmem>>, vector<256x1024xf32>,
    %mul3A_39 = arith.mulf %get3A_16, %get3A_16 : vector<1024x3xf32>
    %reduce_sum3A_40 = arith.constant dense<0.000000e+00> : vector<1024xf32>
    %reduce_sum3A_41 = vector.multi_reduction <add>, %mul3A_39, %reduce_sum3A_40 [1] : vector<1024x3xf32> to vector<1024xf32>
    %convert_element_type3A_42 = arith.truncf %get3A_22 : vector<256x3xf32> to vector<256x3xbf16>
    %convert_element_type3A_43 = arith.truncf %get3A_16 : vector<1024x3xf32> to vector<1024x3xbf16>
    %dot_general3A_44 = arith.constant dense<0.000000e+00> : vector<256x1024xf32>
    %dot_general3A_45 = tpu.matmul %convert_element_type3A_42, %convert_element_type3A_43, %dot_general3A_44 {dimension_numbers = #tpu.dot_dimension_numbers<[1], [1], [0], [0], [0, 0, 1, 0], [], []>, transpose_lhs_hint = false} : vector<256x3xbf16>, vector<1024x3xbf16>, vector<256x1024xf32> -> vector<256x1024xf32>
    %broadcast_in_dim3A_46 = vector.shape_cast %reduce_sum3A_27 : vector<256xf32> to vector<256x1xf32>
    %broadcast_in_dim3A_47 = vector.shape_cast %reduce_sum3A_41 : vector<1024xf32> to vector<1x1024xf32>
    %add3A_48 = vector.broadcast %broadcast_in_dim3A_46 : vector<256x1xf32> to vector<256x1024xf32>
    %add3A_49 = vector.broadcast %broadcast_in_dim3A_47 : vector<1x1024xf32> to vector<256x1024xf32>
    %add3A_50 = arith.addf %add3A_48, %add3A_49 : vector<256x1024xf32>
    %mul3A_51 = arith.constant 2.000000e+00 : f32
    %mul3A_52 = vector.broadcast %mul3A_51 : f32 to vector<256x1024xf32>
    %mul3A_53 = arith.mulf %mul3A_52, %dot_general3A_45 : vector<256x1024xf32>
    %sub3A_54 = arith.subf %add3A_50, %mul3A_53 : vector<256x1024xf32>
    %slice3A = vector.extract_strided_slice %sub3A_54 {offsets = [0, 0], sizes = [256, 512], strides = [1, 1]} : vector<256x1024xf32> to vector<256x512xf32>
    %slice3A_55 = vector.extract_strided_slice %sub3A_54 {offsets = [0, 512], sizes = [256, 512], strides = [1, 1]} : vector<256x1024xf32> to vector<256x512xf32>
    %min3A = arith.minimumf %slice3A, %slice3A_55 : vector<256x512xf32>
    %slice3A_56 = vector.extract_strided_slice %min3A {offsets = [0, 0], sizes = [256, 256], strides = [1, 1]} : vector<256x512xf32> to vector<256x256xf32>
    %slice3A_57 = vector.extract_strided_slice %min3A {offsets = [0, 256], sizes = [256, 256], strides = [1, 1]} : vector<256x512xf32> to vector<256x256xf32>
    %min3A_58 = arith.minimumf %slice3A_56, %slice3A_57 : vector<256x256xf32>
    %slice3A_59 = vector.extract_strided_slice %min3A_58 {offsets = [0, 0], sizes = [256, 128], strides = [1, 1]} : vector<256x256xf32> to vector<256x128xf32>
    %slice3A_60 = vector.extract_strided_slice %min3A_58 {offsets = [0, 128], sizes = [256, 128], strides = [1, 1]} : vector<256x256xf32> to vector<256x128xf32>
    %min3A_61 = arith.minimumf %slice3A_59, %slice3A_60 : vector<256x128xf32>
    %slice3A_62 = vector.extract_strided_slice %min3A_61 {offsets = [0, 0], sizes = [256, 64], strides = [1, 1]} : vector<256x128xf32> to vector<256x64xf32>
    %slice3A_63 = vector.extract_strided_slice %min3A_61 {offsets = [0, 64], sizes = [256, 64], strides = [1, 1]} : vector<256x128xf32> to vector<256x64xf32>
    %min3A_64 = arith.minimumf %slice3A_62, %slice3A_63 : vector<256x64xf32>
    %broadcast_in_dim3A_65 = arith.constant 0.000000e+00 : f32
    %broadcast_in_dim3A_66 = vector.broadcast %broadcast_in_dim3A_65 : f32 to vector<256x64xf32>
    %concatenate3A = tpu.concatenate %min3A_64, %broadcast_in_dim3A_66 in 1 : vector<256x64xf32>, vector<256x64xf32> -> vector<256x128xf32>
    %swap3A_67 = arith.constant 0 : index
    %swap3A_68 = arith.constant 0 : index
    %swap3A_69 = vector.load %arg4[%swap3A_67, %swap3A_68] : memref<256x128xf32, #tpu.memory_space<vmem>>, vector<256x128xf32>
    tpu.vector_store %arg4[%swap3A_67, %swap3A_68], %concatenate3A {strides = array<i32>} : memref<256x128xf32, #tpu.memory_space<vmem>>, vector<256x128xf32>,
    return
  }
  func.func @transform_0(%arg0: i32) -> (i32, i32, i32) {
    %jit3A = arith.constant 4 : i32
    %div3A = arith.divsi %arg0, %jit3A : i32
    %sign3A = arith.constant 0 : i32
    %sign3A_0 = arith.cmpi sgt, %arg0, %sign3A : i32
    %sign3A_1 = arith.extui %sign3A_0 : i1 to i32
    %sign3A_2 = arith.constant 0 : i32
    %sign3A_3 = arith.cmpi slt, %arg0, %sign3A_2 : i32
    %sign3A_4 = arith.extui %sign3A_3 : i1 to i32
    %sign3A_5 = arith.subi %sign3A_1, %sign3A_4 : i32
    %sign3A_6 = arith.constant 0 : i32
    %sign3A_7 = arith.cmpi sgt, %jit3A, %sign3A_6 : i32
    %sign3A_8 = arith.extui %sign3A_7 : i1 to i32
    %sign3A_9 = arith.constant 0 : i32
    %sign3A_10 = arith.cmpi slt, %jit3A, %sign3A_9 : i32
    %sign3A_11 = arith.extui %sign3A_10 : i1 to i32
    %sign3A_12 = arith.subi %sign3A_8, %sign3A_11 : i32
    %ne3A = arith.cmpi ne, %sign3A_5, %sign3A_12 : i32
    %rem3A = arith.remsi %arg0, %jit3A : i32
    %ne3A_13 = arith.constant 0 : i32
    %ne3A_14 = arith.cmpi ne, %rem3A, %ne3A_13 : i32
    %and3A = arith.andi %ne3A, %ne3A_14 : i1
    %sub3A = arith.constant 1 : i32
    %sub3A_15 = arith.subi %div3A, %sub3A : i32
    %select_n3A = arith.select %and3A, %sub3A_15, %div3A : i32
    %c0_i32 = arith.constant 0 : i32
    %c0_i32_16 = arith.constant 0 : i32
    %c0_i32_17 = arith.constant 0 : i32
    return %select_n3A, %c0_i32, %c0_i32_16 : i32, i32, i32
  }
  func.func @transform_1(%arg0: i32) -> (i32, i32, i32) {
    %jit3A = arith.constant 4 : i32
    %div3A = arith.divsi %arg0, %jit3A : i32
    %sign3A = arith.constant 0 : i32
    %sign3A_0 = arith.cmpi sgt, %arg0, %sign3A : i32
    %sign3A_1 = arith.extui %sign3A_0 : i1 to i32
    %sign3A_2 = arith.constant 0 : i32
    %sign3A_3 = arith.cmpi slt, %arg0, %sign3A_2 : i32
    %sign3A_4 = arith.extui %sign3A_3 : i1 to i32
    %sign3A_5 = arith.subi %sign3A_1, %sign3A_4 : i32
    %sign3A_6 = arith.constant 0 : i32
    %sign3A_7 = arith.cmpi sgt, %jit3A, %sign3A_6 : i32
    %sign3A_8 = arith.extui %sign3A_7 : i1 to i32
    %sign3A_9 = arith.constant 0 : i32
    %sign3A_10 = arith.cmpi slt, %jit3A, %sign3A_9 : i32
    %sign3A_11 = arith.extui %sign3A_10 : i1 to i32
    %sign3A_12 = arith.subi %sign3A_8, %sign3A_11 : i32
    %ne3A = arith.cmpi ne, %sign3A_5, %sign3A_12 : i32
    %rem3A = arith.remsi %arg0, %jit3A : i32
    %ne3A_13 = arith.constant 0 : i32
    %ne3A_14 = arith.cmpi ne, %rem3A, %ne3A_13 : i32
    %and3A = arith.andi %ne3A, %ne3A_14 : i1
    %sub3A = arith.constant 1 : i32
    %sub3A_15 = arith.subi %div3A, %sub3A : i32
    %select_n3A = arith.select %and3A, %sub3A_15, %div3A : i32
    %c0_i32 = arith.constant 0 : i32
    %c0_i32_16 = arith.constant 0 : i32
    %c0_i32_17 = arith.constant 0 : i32
    return %select_n3A, %c0_i32, %c0_i32_16 : i32, i32, i32
  }
  func.func @transform_2(%arg0: i32) -> (i32, i32) {
    %c0_i32 = arith.constant 0 : i32
    %c0_i32_0 = arith.constant 0 : i32
    return %arg0, %c0_i32 : i32, i32
  }
  func.func @transform_3(%arg0: i32) -> (i32, i32) {
    %c0_i32 = arith.constant 0 : i32
    %c0_i32_0 = arith.constant 0 : i32
    return %arg0, %c0_i32 : i32, i32
  }
}

module attributes {stable_mosaic.version = 14 : i64} {
  func.func @body(%arg0: i32, %arg1: memref<2560x128xf32, #tpu.memory_space<vmem>>, %arg2: memref<64x40xi32, #tpu.memory_space<vmem>>, %arg3: memref<64x128xf32, #tpu.memory_space<vmem>>, %arg4: memref<6x16xf32, #tpu.memory_space<vmem>>, %arg5: memref<16xf32, #tpu.memory_space<vmem>>, %arg6: memref<64x128xf32, #tpu.memory_space<vmem>>) attributes {dimension_semantics = [#tpu.dimension_semantics<arbitrary>], iteration_bounds = array<i64: 64>, scalar_prefetch = 0 : i64, scratch_operands = 0 : i64, tpu.core_type = #tpu.core_type<tc>, window_params = [{transform_indices = @transform_0, window_bounds = array<i64: 2560, 128>}, {transform_indices = @transform_1, window_bounds = array<i64: 64, 40>}, {transform_indices = @transform_2, window_bounds = array<i64: 64, 128>}, {pipeline_mode = #tpu.pipeline_mode<synchronous>, transform_indices = @transform_3, window_bounds = array<i64: 6, 16>}, {pipeline_mode = #tpu.pipeline_mode<synchronous>, transform_indices = @transform_4, window_bounds = array<i64: 16>}, {transform_indices = @transform_5, window_bounds = array<i64: 64, 128>}]} {
    %get3A = arith.constant 0 : index
    %get3A_0 = arith.constant 0 : index
    %get3A_1 = vector.load %arg1[%get3A, %get3A_0] : memref<2560x128xf32, #tpu.memory_space<vmem>>, vector<2560x128xf32>
    %slice3A = vector.extract_strided_slice %get3A_1 {offsets = [0, 0], sizes = [2560, 3], strides = [1, 1]} : vector<2560x128xf32> to vector<2560x3xf32>
    %get3A_2 = arith.constant 0 : index
    %get3A_3 = arith.constant 0 : index
    %get3A_4 = vector.load %arg3[%get3A_2, %get3A_3] : memref<64x128xf32, #tpu.memory_space<vmem>>, vector<64x128xf32>
    %slice3A_5 = vector.extract_strided_slice %get3A_4 {offsets = [0, 0], sizes = [64, 3], strides = [1, 1]} : vector<64x128xf32> to vector<64x3xf32>
    %reshape3A = vector.shape_cast %slice3A : vector<2560x3xf32> to vector<64x40x3xf32>
    %broadcast_in_dim3A = vector.shape_cast %slice3A_5 : vector<64x3xf32> to vector<64x1x3xf32>
    %sub3A = vector.broadcast %broadcast_in_dim3A : vector<64x1x3xf32> to vector<64x40x3xf32>
    %sub3A_6 = arith.subf %reshape3A, %sub3A : vector<64x40x3xf32>
    %broadcast_in_dim3A_7 = vector.shape_cast %slice3A_5 : vector<64x3xf32> to vector<64x1x3xf32>
    %broadcast_in_dim3A_8 = vector.shape_cast %broadcast_in_dim3A_7 : vector<64x1x3xf32> to vector<64x1x3xf32>
    %broadcast_in_dim3A_9 = vector.broadcast %broadcast_in_dim3A_8 : vector<64x1x3xf32> to vector<64x40x3xf32>
    %convert_element_type3A = arith.truncf %broadcast_in_dim3A_9 : vector<64x40x3xf32> to vector<64x40x3xbf16>
    %reshape3A_10 = vector.shape_cast %convert_element_type3A : vector<64x40x3xbf16> to vector<2560x3xbf16>
    %convert_element_type3A_11 = arith.truncf %sub3A_6 : vector<64x40x3xf32> to vector<64x40x3xbf16>
    %reshape3A_12 = vector.shape_cast %convert_element_type3A_11 : vector<64x40x3xbf16> to vector<2560x3xbf16>
    %concatenate3A = tpu.concatenate %reshape3A_10, %reshape3A_12 in 1 : vector<2560x3xbf16>, vector<2560x3xbf16> -> vector<2560x6xbf16>
    %get3A_13 = arith.constant 0 : index
    %get3A_14 = arith.constant 0 : index
    %get3A_15 = vector.load %arg4[%get3A_13, %get3A_14] : memref<6x16xf32, #tpu.memory_space<vmem>>, vector<6x16xf32>
    %convert_element_type3A_16 = arith.truncf %get3A_15 : vector<6x16xf32> to vector<6x16xbf16>
    %dot_general3A = arith.constant dense<0.000000e+00> : vector<2560x16xf32>
    %dot_general3A_17 = tpu.matmul %concatenate3A, %convert_element_type3A_16, %dot_general3A {dimension_numbers = #tpu.dot_dimension_numbers<[1], [0], [0], [1], [0, 0, 1, 1], [], []>, transpose_lhs_hint = false} : vector<2560x6xbf16>, vector<6x16xbf16>, vector<2560x16xf32> -> vector<2560x16xf32>
    %get3A_18 = arith.constant 0 : index
    %get3A_19 = vector.load %arg5[%get3A_18] : memref<16xf32, #tpu.memory_space<vmem>>, vector<16xf32>
    %broadcast_in_dim3A_20 = vector.shape_cast %get3A_19 : vector<16xf32> to vector<1x16xf32>
    %add3A = vector.broadcast %broadcast_in_dim3A_20 : vector<1x16xf32> to vector<2560x16xf32>
    %add3A_21 = arith.addf %dot_general3A_17, %add3A : vector<2560x16xf32>
    %max3A = arith.constant 0.000000e+00 : f32
    %max3A_22 = vector.broadcast %max3A : f32 to vector<2560x16xf32>
    %max3A_23 = arith.maximumf %add3A_21, %max3A_22 : vector<2560x16xf32>
    %mul3A = arith.constant 64 : i32
    %mul3A_24 = arith.muli %arg0, %mul3A : i32
    %iota3A = tpu.iota {dimensions = array<i32: 0>} : vector<64x40xi32>
    %add3A_25 = vector.broadcast %mul3A_24 : i32 to vector<64x40xi32>
    %add3A_26 = arith.addi %add3A_25, %iota3A : vector<64x40xi32>
    %get3A_27 = arith.constant 0 : index
    %get3A_28 = arith.constant 0 : index
    %get3A_29 = vector.load %arg2[%get3A_27, %get3A_28] : memref<64x40xi32, #tpu.memory_space<vmem>>, vector<64x40xi32>
    %eq3A = arith.cmpi eq, %get3A_29, %add3A_26 : vector<64x40xi32>
    %jit3A = arith.constant -1.000000e+30 : f32
    %jit3A_30 = arith.constant 0.000000e+00 : f32
    %broadcast_in_dim3A_31 = vector.broadcast %jit3A : f32 to vector<64x40xf32>
    %broadcast_in_dim3A_32 = vector.broadcast %jit3A_30 : f32 to vector<64x40xf32>
    %select_n3A = arith.select %eq3A, %broadcast_in_dim3A_31, %broadcast_in_dim3A_32 : vector<64x40xi1>, vector<64x40xf32>
    %reshape3A_33 = vector.shape_cast %max3A_23 : vector<2560x16xf32> to vector<64x40x16xf32>
    %broadcast_in_dim3A_34 = vector.shape_cast %select_n3A : vector<64x40xf32> to vector<64x40x1xf32>
    %add3A_35 = vector.broadcast %broadcast_in_dim3A_34 : vector<64x40x1xf32> to vector<64x40x16xf32>
    %add3A_36 = arith.addf %reshape3A_33, %add3A_35 : vector<64x40x16xf32>
    %reduce_max3A = arith.constant dense<0xFF800000> : vector<64x16xf32>
    %reduce_max3A_37 = vector.multi_reduction <maximumf>, %add3A_36, %reduce_max3A [1] : vector<64x40x16xf32> to vector<64x16xf32>
    %broadcast_in_dim3A_38 = arith.constant 0.000000e+00 : f32
    %broadcast_in_dim3A_39 = vector.broadcast %broadcast_in_dim3A_38 : f32 to vector<64x112xf32>
    %concatenate3A_40 = tpu.concatenate %reduce_max3A_37, %broadcast_in_dim3A_39 in 1 : vector<64x16xf32>, vector<64x112xf32> -> vector<64x128xf32>
    %swap3A = arith.constant 0 : index
    %swap3A_41 = arith.constant 0 : index
    %swap3A_42 = vector.load %arg6[%swap3A, %swap3A_41] : memref<64x128xf32, #tpu.memory_space<vmem>>, vector<64x128xf32>
    tpu.vector_store %arg6[%swap3A, %swap3A_41], %concatenate3A_40 {strides = array<i32>} : memref<64x128xf32, #tpu.memory_space<vmem>>, vector<64x128xf32>,
    return
  }
  func.func @transform_0(%arg0: i32) -> (i32, i32) {
    %c0_i32 = arith.constant 0 : i32
    %c0_i32_0 = arith.constant 0 : i32
    return %arg0, %c0_i32 : i32, i32
  }
  func.func @transform_1(%arg0: i32) -> (i32, i32) {
    %c0_i32 = arith.constant 0 : i32
    %c0_i32_0 = arith.constant 0 : i32
    return %arg0, %c0_i32 : i32, i32
  }
  func.func @transform_2(%arg0: i32) -> (i32, i32) {
    %c0_i32 = arith.constant 0 : i32
    %c0_i32_0 = arith.constant 0 : i32
    return %arg0, %c0_i32 : i32, i32
  }
  func.func @transform_3(%arg0: i32) -> (i32, i32) {
    %c0_i32 = arith.constant 0 : i32
    %c0_i32_0 = arith.constant 0 : i32
    %c0_i32_1 = arith.constant 0 : i32
    return %c0_i32, %c0_i32_0 : i32, i32
  }
  func.func @transform_4(%arg0: i32) -> i32 {
    %c0_i32 = arith.constant 0 : i32
    %c0_i32_0 = arith.constant 0 : i32
    return %c0_i32 : i32
  }
  func.func @transform_5(%arg0: i32) -> (i32, i32) {
    %c0_i32 = arith.constant 0 : i32
    %c0_i32_0 = arith.constant 0 : i32
    return %arg0, %c0_i32 : i32, i32
  }
}

module attributes {stable_mosaic.version = 14 : i64} {
  func.func @_d2_tc_body(%arg0: i32, %arg1: memref<1x1024x128xf32, #tpu.memory_space<vmem>>, %arg2: memref<1x1024x128xf32, #tpu.memory_space<vmem>>, %arg3: memref<256x1024xf32, #tpu.memory_space<vmem>>, %arg4: memref<256x128xf32, #tpu.memory_space<vmem>>) attributes {dimension_semantics = [#tpu.dimension_semantics<arbitrary>], iteration_bounds = array<i64: 16>, scalar_prefetch = 0 : i64, scratch_operands = 0 : i64, tpu.core_type = #tpu.core_type<tc>, window_params = [{transform_indices = @transform_0, window_bounds = array<i64: 1, 1024, 128>}, {transform_indices = @transform_1, window_bounds = array<i64: 1, 1024, 128>}, {transform_indices = @transform_2, window_bounds = array<i64: 256, 1024>}, {transform_indices = @transform_3, window_bounds = array<i64: 256, 128>}]} {
    %jit3A = arith.constant 4 : i32
    %eq3A = arith.constant 0 : i32
    %eq3A_0 = arith.cmpi eq, %jit3A, %eq3A : i32
    %jit3A_1 = arith.constant 1 : i32
    %select_n3A = arith.select %eq3A_0, %jit3A_1, %jit3A : i32
    %rem3A = arith.remsi %arg0, %select_n3A : i32
    %ne3A = arith.constant 0 : i32
    %ne3A_2 = arith.cmpi ne, %rem3A, %ne3A : i32
    %lt3A = arith.constant 0 : i32
    %lt3A_3 = arith.cmpi slt, %rem3A, %lt3A : i32
    %lt3A_4 = arith.constant 0 : i32
    %lt3A_5 = arith.cmpi slt, %select_n3A, %lt3A_4 : i32
    %ne3A_6 = arith.xori %lt3A_3, %lt3A_5 : i1
    %and3A = arith.andi %ne3A_6, %ne3A_2 : i1
    %add3A = arith.addi %rem3A, %select_n3A : i32
    %select_n3A_7 = arith.select %and3A, %add3A, %rem3A : i32
    %get3A = arith.constant 0 : index
    %get3A_8 = arith.constant 0 : index
    %get3A_9 = arith.constant 0 : index
    %get3A_10 = vector.load %arg1[%get3A, %get3A_8, %get3A_9] : memref<1x1024x128xf32, #tpu.memory_space<vmem>>, vector<1x1024x128xf32>
    %get3A_11 = vector.shape_cast %get3A_10 : vector<1x1024x128xf32> to vector<1024x128xf32>
    %get3A_12 = arith.constant 0 : index
    %get3A_13 = arith.constant 0 : index
    %get3A_14 = arith.constant 0 : index
    %get3A_15 = vector.load %arg2[%get3A_12, %get3A_13, %get3A_14] : memref<1x1024x128xf32, #tpu.memory_space<vmem>>, vector<1x1024x128xf32>
    %get3A_16 = vector.shape_cast %get3A_15 : vector<1x1024x128xf32> to vector<1024x128xf32>
    %mul3A = arith.constant 256 : i32
    %mul3A_17 = arith.muli %select_n3A_7, %mul3A : i32
    %get3A_18 = arith.constant 0 : index
    %get3A_19 = arith.index_cast %mul3A_17 : i32 to index
    %get3A_20 = arith.constant 0 : index
    %get3A_21 = vector.load %arg1[%get3A_18, %get3A_19, %get3A_20] : memref<1x1024x128xf32, #tpu.memory_space<vmem>>, vector<1x256x128xf32>
    %get3A_22 = vector.shape_cast %get3A_21 : vector<1x256x128xf32> to vector<256x128xf32>
    %mul3A_23 = arith.mulf %get3A_11, %get3A_11 : vector<1024x128xf32>
    %reduce_sum3A = arith.constant dense<0.000000e+00> : vector<1024xf32>
    %reduce_sum3A_24 = vector.multi_reduction <add>, %mul3A_23, %reduce_sum3A [1] : vector<1024x128xf32> to vector<1024xf32>
    %mul3A_25 = arith.mulf %get3A_22, %get3A_22 : vector<256x128xf32>
    %reduce_sum3A_26 = arith.constant dense<0.000000e+00> : vector<256xf32>
    %reduce_sum3A_27 = vector.multi_reduction <add>, %mul3A_25, %reduce_sum3A_26 [1] : vector<256x128xf32> to vector<256xf32>
    %convert_element_type3A = arith.truncf %get3A_22 : vector<256x128xf32> to vector<256x128xbf16>
    %convert_element_type3A_28 = arith.truncf %get3A_11 : vector<1024x128xf32> to vector<1024x128xbf16>
    %dot_general3A = arith.constant dense<0.000000e+00> : vector<256x1024xf32>
    %dot_general3A_29 = tpu.matmul %convert_element_type3A, %convert_element_type3A_28, %dot_general3A {dimension_numbers = #tpu.dot_dimension_numbers<[1], [1], [0], [0], [0, 0, 1, 0], [], []>, transpose_lhs_hint = false} : vector<256x128xbf16>, vector<1024x128xbf16>, vector<256x1024xf32> -> vector<256x1024xf32>
    %broadcast_in_dim3A = vector.shape_cast %reduce_sum3A_27 : vector<256xf32> to vector<256x1xf32>
    %broadcast_in_dim3A_30 = vector.shape_cast %reduce_sum3A_24 : vector<1024xf32> to vector<1x1024xf32>
    %add3A_31 = vector.broadcast %broadcast_in_dim3A : vector<256x1xf32> to vector<256x1024xf32>
    %add3A_32 = vector.broadcast %broadcast_in_dim3A_30 : vector<1x1024xf32> to vector<256x1024xf32>
    %add3A_33 = arith.addf %add3A_31, %add3A_32 : vector<256x1024xf32>
    %mul3A_34 = arith.constant 2.000000e+00 : f32
    %mul3A_35 = vector.broadcast %mul3A_34 : f32 to vector<256x1024xf32>
    %mul3A_36 = arith.mulf %mul3A_35, %dot_general3A_29 : vector<256x1024xf32>
    %sub3A = arith.subf %add3A_33, %mul3A_36 : vector<256x1024xf32>
    %swap3A = arith.constant 0 : index
    %swap3A_37 = arith.constant 0 : index
    %swap3A_38 = vector.load %arg3[%swap3A, %swap3A_37] : memref<256x1024xf32, #tpu.memory_space<vmem>>, vector<256x1024xf32>
    tpu.vector_store %arg3[%swap3A, %swap3A_37], %sub3A {strides = array<i32>} : memref<256x1024xf32, #tpu.memory_space<vmem>>, vector<256x1024xf32>,
    %mul3A_39 = arith.mulf %get3A_16, %get3A_16 : vector<1024x128xf32>
    %reduce_sum3A_40 = arith.constant dense<0.000000e+00> : vector<1024xf32>
    %reduce_sum3A_41 = vector.multi_reduction <add>, %mul3A_39, %reduce_sum3A_40 [1] : vector<1024x128xf32> to vector<1024xf32>
    %convert_element_type3A_42 = arith.truncf %get3A_22 : vector<256x128xf32> to vector<256x128xbf16>
    %convert_element_type3A_43 = arith.truncf %get3A_16 : vector<1024x128xf32> to vector<1024x128xbf16>
    %dot_general3A_44 = arith.constant dense<0.000000e+00> : vector<256x1024xf32>
    %dot_general3A_45 = tpu.matmul %convert_element_type3A_42, %convert_element_type3A_43, %dot_general3A_44 {dimension_numbers = #tpu.dot_dimension_numbers<[1], [1], [0], [0], [0, 0, 1, 0], [], []>, transpose_lhs_hint = false} : vector<256x128xbf16>, vector<1024x128xbf16>, vector<256x1024xf32> -> vector<256x1024xf32>
    %broadcast_in_dim3A_46 = vector.shape_cast %reduce_sum3A_27 : vector<256xf32> to vector<256x1xf32>
    %broadcast_in_dim3A_47 = vector.shape_cast %reduce_sum3A_41 : vector<1024xf32> to vector<1x1024xf32>
    %add3A_48 = vector.broadcast %broadcast_in_dim3A_46 : vector<256x1xf32> to vector<256x1024xf32>
    %add3A_49 = vector.broadcast %broadcast_in_dim3A_47 : vector<1x1024xf32> to vector<256x1024xf32>
    %add3A_50 = arith.addf %add3A_48, %add3A_49 : vector<256x1024xf32>
    %mul3A_51 = arith.constant 2.000000e+00 : f32
    %mul3A_52 = vector.broadcast %mul3A_51 : f32 to vector<256x1024xf32>
    %mul3A_53 = arith.mulf %mul3A_52, %dot_general3A_45 : vector<256x1024xf32>
    %sub3A_54 = arith.subf %add3A_50, %mul3A_53 : vector<256x1024xf32>
    %slice3A = vector.extract_strided_slice %sub3A_54 {offsets = [0, 0], sizes = [256, 512], strides = [1, 1]} : vector<256x1024xf32> to vector<256x512xf32>
    %slice3A_55 = vector.extract_strided_slice %sub3A_54 {offsets = [0, 512], sizes = [256, 512], strides = [1, 1]} : vector<256x1024xf32> to vector<256x512xf32>
    %min3A = arith.minimumf %slice3A, %slice3A_55 : vector<256x512xf32>
    %slice3A_56 = vector.extract_strided_slice %min3A {offsets = [0, 0], sizes = [256, 256], strides = [1, 1]} : vector<256x512xf32> to vector<256x256xf32>
    %slice3A_57 = vector.extract_strided_slice %min3A {offsets = [0, 256], sizes = [256, 256], strides = [1, 1]} : vector<256x512xf32> to vector<256x256xf32>
    %min3A_58 = arith.minimumf %slice3A_56, %slice3A_57 : vector<256x256xf32>
    %slice3A_59 = vector.extract_strided_slice %min3A_58 {offsets = [0, 0], sizes = [256, 128], strides = [1, 1]} : vector<256x256xf32> to vector<256x128xf32>
    %slice3A_60 = vector.extract_strided_slice %min3A_58 {offsets = [0, 128], sizes = [256, 128], strides = [1, 1]} : vector<256x256xf32> to vector<256x128xf32>
    %min3A_61 = arith.minimumf %slice3A_59, %slice3A_60 : vector<256x128xf32>
    %slice3A_62 = vector.extract_strided_slice %min3A_61 {offsets = [0, 0], sizes = [256, 64], strides = [1, 1]} : vector<256x128xf32> to vector<256x64xf32>
    %slice3A_63 = vector.extract_strided_slice %min3A_61 {offsets = [0, 64], sizes = [256, 64], strides = [1, 1]} : vector<256x128xf32> to vector<256x64xf32>
    %min3A_64 = arith.minimumf %slice3A_62, %slice3A_63 : vector<256x64xf32>
    %broadcast_in_dim3A_65 = arith.constant 0.000000e+00 : f32
    %broadcast_in_dim3A_66 = vector.broadcast %broadcast_in_dim3A_65 : f32 to vector<256x64xf32>
    %concatenate3A = tpu.concatenate %min3A_64, %broadcast_in_dim3A_66 in 1 : vector<256x64xf32>, vector<256x64xf32> -> vector<256x128xf32>
    %swap3A_67 = arith.constant 0 : index
    %swap3A_68 = arith.constant 0 : index
    %swap3A_69 = vector.load %arg4[%swap3A_67, %swap3A_68] : memref<256x128xf32, #tpu.memory_space<vmem>>, vector<256x128xf32>
    tpu.vector_store %arg4[%swap3A_67, %swap3A_68], %concatenate3A {strides = array<i32>} : memref<256x128xf32, #tpu.memory_space<vmem>>, vector<256x128xf32>,
    return
  }
  func.func @transform_0(%arg0: i32) -> (i32, i32, i32) {
    %jit3A = arith.constant 4 : i32
    %div3A = arith.divsi %arg0, %jit3A : i32
    %sign3A = arith.constant 0 : i32
    %sign3A_0 = arith.cmpi sgt, %arg0, %sign3A : i32
    %sign3A_1 = arith.extui %sign3A_0 : i1 to i32
    %sign3A_2 = arith.constant 0 : i32
    %sign3A_3 = arith.cmpi slt, %arg0, %sign3A_2 : i32
    %sign3A_4 = arith.extui %sign3A_3 : i1 to i32
    %sign3A_5 = arith.subi %sign3A_1, %sign3A_4 : i32
    %sign3A_6 = arith.constant 0 : i32
    %sign3A_7 = arith.cmpi sgt, %jit3A, %sign3A_6 : i32
    %sign3A_8 = arith.extui %sign3A_7 : i1 to i32
    %sign3A_9 = arith.constant 0 : i32
    %sign3A_10 = arith.cmpi slt, %jit3A, %sign3A_9 : i32
    %sign3A_11 = arith.extui %sign3A_10 : i1 to i32
    %sign3A_12 = arith.subi %sign3A_8, %sign3A_11 : i32
    %ne3A = arith.cmpi ne, %sign3A_5, %sign3A_12 : i32
    %rem3A = arith.remsi %arg0, %jit3A : i32
    %ne3A_13 = arith.constant 0 : i32
    %ne3A_14 = arith.cmpi ne, %rem3A, %ne3A_13 : i32
    %and3A = arith.andi %ne3A, %ne3A_14 : i1
    %sub3A = arith.constant 1 : i32
    %sub3A_15 = arith.subi %div3A, %sub3A : i32
    %select_n3A = arith.select %and3A, %sub3A_15, %div3A : i32
    %c0_i32 = arith.constant 0 : i32
    %c0_i32_16 = arith.constant 0 : i32
    %c0_i32_17 = arith.constant 0 : i32
    return %select_n3A, %c0_i32, %c0_i32_16 : i32, i32, i32
  }
  func.func @transform_1(%arg0: i32) -> (i32, i32, i32) {
    %jit3A = arith.constant 4 : i32
    %div3A = arith.divsi %arg0, %jit3A : i32
    %sign3A = arith.constant 0 : i32
    %sign3A_0 = arith.cmpi sgt, %arg0, %sign3A : i32
    %sign3A_1 = arith.extui %sign3A_0 : i1 to i32
    %sign3A_2 = arith.constant 0 : i32
    %sign3A_3 = arith.cmpi slt, %arg0, %sign3A_2 : i32
    %sign3A_4 = arith.extui %sign3A_3 : i1 to i32
    %sign3A_5 = arith.subi %sign3A_1, %sign3A_4 : i32
    %sign3A_6 = arith.constant 0 : i32
    %sign3A_7 = arith.cmpi sgt, %jit3A, %sign3A_6 : i32
    %sign3A_8 = arith.extui %sign3A_7 : i1 to i32
    %sign3A_9 = arith.constant 0 : i32
    %sign3A_10 = arith.cmpi slt, %jit3A, %sign3A_9 : i32
    %sign3A_11 = arith.extui %sign3A_10 : i1 to i32
    %sign3A_12 = arith.subi %sign3A_8, %sign3A_11 : i32
    %ne3A = arith.cmpi ne, %sign3A_5, %sign3A_12 : i32
    %rem3A = arith.remsi %arg0, %jit3A : i32
    %ne3A_13 = arith.constant 0 : i32
    %ne3A_14 = arith.cmpi ne, %rem3A, %ne3A_13 : i32
    %and3A = arith.andi %ne3A, %ne3A_14 : i1
    %sub3A = arith.constant 1 : i32
    %sub3A_15 = arith.subi %div3A, %sub3A : i32
    %select_n3A = arith.select %and3A, %sub3A_15, %div3A : i32
    %c0_i32 = arith.constant 0 : i32
    %c0_i32_16 = arith.constant 0 : i32
    %c0_i32_17 = arith.constant 0 : i32
    return %select_n3A, %c0_i32, %c0_i32_16 : i32, i32, i32
  }
  func.func @transform_2(%arg0: i32) -> (i32, i32) {
    %c0_i32 = arith.constant 0 : i32
    %c0_i32_0 = arith.constant 0 : i32
    return %arg0, %c0_i32 : i32, i32
  }
  func.func @transform_3(%arg0: i32) -> (i32, i32) {
    %c0_i32 = arith.constant 0 : i32
    %c0_i32_0 = arith.constant 0 : i32
    return %arg0, %c0_i32 : i32, i32
  }
}

module attributes {stable_mosaic.version = 14 : i64} {
  func.func @body(%arg0: i32, %arg1: memref<2560x128xf32, #tpu.memory_space<vmem>>, %arg2: memref<64x40xi32, #tpu.memory_space<vmem>>, %arg3: memref<64x128xf32, #tpu.memory_space<vmem>>, %arg4: memref<32x48xf32, #tpu.memory_space<vmem>>, %arg5: memref<48xf32, #tpu.memory_space<vmem>>, %arg6: memref<64x128xf32, #tpu.memory_space<vmem>>) attributes {dimension_semantics = [#tpu.dimension_semantics<arbitrary>], iteration_bounds = array<i64: 64>, scalar_prefetch = 0 : i64, scratch_operands = 0 : i64, tpu.core_type = #tpu.core_type<tc>, window_params = [{transform_indices = @transform_0, window_bounds = array<i64: 2560, 128>}, {transform_indices = @transform_1, window_bounds = array<i64: 64, 40>}, {transform_indices = @transform_2, window_bounds = array<i64: 64, 128>}, {pipeline_mode = #tpu.pipeline_mode<synchronous>, transform_indices = @transform_3, window_bounds = array<i64: 32, 48>}, {pipeline_mode = #tpu.pipeline_mode<synchronous>, transform_indices = @transform_4, window_bounds = array<i64: 48>}, {transform_indices = @transform_5, window_bounds = array<i64: 64, 128>}]} {
    %get3A = arith.constant 0 : index
    %get3A_0 = arith.constant 0 : index
    %get3A_1 = vector.load %arg1[%get3A, %get3A_0] : memref<2560x128xf32, #tpu.memory_space<vmem>>, vector<2560x128xf32>
    %slice3A = vector.extract_strided_slice %get3A_1 {offsets = [0, 0], sizes = [2560, 16], strides = [1, 1]} : vector<2560x128xf32> to vector<2560x16xf32>
    %get3A_2 = arith.constant 0 : index
    %get3A_3 = arith.constant 0 : index
    %get3A_4 = vector.load %arg3[%get3A_2, %get3A_3] : memref<64x128xf32, #tpu.memory_space<vmem>>, vector<64x128xf32>
    %slice3A_5 = vector.extract_strided_slice %get3A_4 {offsets = [0, 0], sizes = [64, 16], strides = [1, 1]} : vector<64x128xf32> to vector<64x16xf32>
    %reshape3A = vector.shape_cast %slice3A : vector<2560x16xf32> to vector<64x40x16xf32>
    %broadcast_in_dim3A = vector.shape_cast %slice3A_5 : vector<64x16xf32> to vector<64x1x16xf32>
    %sub3A = vector.broadcast %broadcast_in_dim3A : vector<64x1x16xf32> to vector<64x40x16xf32>
    %sub3A_6 = arith.subf %reshape3A, %sub3A : vector<64x40x16xf32>
    %broadcast_in_dim3A_7 = vector.shape_cast %slice3A_5 : vector<64x16xf32> to vector<64x1x16xf32>
    %broadcast_in_dim3A_8 = vector.shape_cast %broadcast_in_dim3A_7 : vector<64x1x16xf32> to vector<64x1x16xf32>
    %broadcast_in_dim3A_9 = vector.broadcast %broadcast_in_dim3A_8 : vector<64x1x16xf32> to vector<64x40x16xf32>
    %convert_element_type3A = arith.truncf %broadcast_in_dim3A_9 : vector<64x40x16xf32> to vector<64x40x16xbf16>
    %reshape3A_10 = vector.shape_cast %convert_element_type3A : vector<64x40x16xbf16> to vector<2560x16xbf16>
    %convert_element_type3A_11 = arith.truncf %sub3A_6 : vector<64x40x16xf32> to vector<64x40x16xbf16>
    %reshape3A_12 = vector.shape_cast %convert_element_type3A_11 : vector<64x40x16xbf16> to vector<2560x16xbf16>
    %concatenate3A = tpu.concatenate %reshape3A_10, %reshape3A_12 in 1 : vector<2560x16xbf16>, vector<2560x16xbf16> -> vector<2560x32xbf16>
    %get3A_13 = arith.constant 0 : index
    %get3A_14 = arith.constant 0 : index
    %get3A_15 = vector.load %arg4[%get3A_13, %get3A_14] : memref<32x48xf32, #tpu.memory_space<vmem>>, vector<32x48xf32>
    %convert_element_type3A_16 = arith.truncf %get3A_15 : vector<32x48xf32> to vector<32x48xbf16>
    %dot_general3A = arith.constant dense<0.000000e+00> : vector<2560x48xf32>
    %dot_general3A_17 = tpu.matmul %concatenate3A, %convert_element_type3A_16, %dot_general3A {dimension_numbers = #tpu.dot_dimension_numbers<[1], [0], [0], [1], [0, 0, 1, 1], [], []>, transpose_lhs_hint = false} : vector<2560x32xbf16>, vector<32x48xbf16>, vector<2560x48xf32> -> vector<2560x48xf32>
    %get3A_18 = arith.constant 0 : index
    %get3A_19 = vector.load %arg5[%get3A_18] : memref<48xf32, #tpu.memory_space<vmem>>, vector<48xf32>
    %broadcast_in_dim3A_20 = vector.shape_cast %get3A_19 : vector<48xf32> to vector<1x48xf32>
    %add3A = vector.broadcast %broadcast_in_dim3A_20 : vector<1x48xf32> to vector<2560x48xf32>
    %add3A_21 = arith.addf %dot_general3A_17, %add3A : vector<2560x48xf32>
    %max3A = arith.constant 0.000000e+00 : f32
    %max3A_22 = vector.broadcast %max3A : f32 to vector<2560x48xf32>
    %max3A_23 = arith.maximumf %add3A_21, %max3A_22 : vector<2560x48xf32>
    %mul3A = arith.constant 64 : i32
    %mul3A_24 = arith.muli %arg0, %mul3A : i32
    %iota3A = tpu.iota {dimensions = array<i32: 0>} : vector<64x40xi32>
    %add3A_25 = vector.broadcast %mul3A_24 : i32 to vector<64x40xi32>
    %add3A_26 = arith.addi %add3A_25, %iota3A : vector<64x40xi32>
    %get3A_27 = arith.constant 0 : index
    %get3A_28 = arith.constant 0 : index
    %get3A_29 = vector.load %arg2[%get3A_27, %get3A_28] : memref<64x40xi32, #tpu.memory_space<vmem>>, vector<64x40xi32>
    %eq3A = arith.cmpi eq, %get3A_29, %add3A_26 : vector<64x40xi32>
    %jit3A = arith.constant -1.000000e+30 : f32
    %jit3A_30 = arith.constant 0.000000e+00 : f32
    %broadcast_in_dim3A_31 = vector.broadcast %jit3A : f32 to vector<64x40xf32>
    %broadcast_in_dim3A_32 = vector.broadcast %jit3A_30 : f32 to vector<64x40xf32>
    %select_n3A = arith.select %eq3A, %broadcast_in_dim3A_31, %broadcast_in_dim3A_32 : vector<64x40xi1>, vector<64x40xf32>
    %reshape3A_33 = vector.shape_cast %max3A_23 : vector<2560x48xf32> to vector<64x40x48xf32>
    %broadcast_in_dim3A_34 = vector.shape_cast %select_n3A : vector<64x40xf32> to vector<64x40x1xf32>
    %add3A_35 = vector.broadcast %broadcast_in_dim3A_34 : vector<64x40x1xf32> to vector<64x40x48xf32>
    %add3A_36 = arith.addf %reshape3A_33, %add3A_35 : vector<64x40x48xf32>
    %reduce_max3A = arith.constant dense<0xFF800000> : vector<64x48xf32>
    %reduce_max3A_37 = vector.multi_reduction <maximumf>, %add3A_36, %reduce_max3A [1] : vector<64x40x48xf32> to vector<64x48xf32>
    %broadcast_in_dim3A_38 = arith.constant 0.000000e+00 : f32
    %broadcast_in_dim3A_39 = vector.broadcast %broadcast_in_dim3A_38 : f32 to vector<64x80xf32>
    %concatenate3A_40 = tpu.concatenate %reduce_max3A_37, %broadcast_in_dim3A_39 in 1 : vector<64x48xf32>, vector<64x80xf32> -> vector<64x128xf32>
    %swap3A = arith.constant 0 : index
    %swap3A_41 = arith.constant 0 : index
    %swap3A_42 = vector.load %arg6[%swap3A, %swap3A_41] : memref<64x128xf32, #tpu.memory_space<vmem>>, vector<64x128xf32>
    tpu.vector_store %arg6[%swap3A, %swap3A_41], %concatenate3A_40 {strides = array<i32>} : memref<64x128xf32, #tpu.memory_space<vmem>>, vector<64x128xf32>,
    return
  }
  func.func @transform_0(%arg0: i32) -> (i32, i32) {
    %c0_i32 = arith.constant 0 : i32
    %c0_i32_0 = arith.constant 0 : i32
    return %arg0, %c0_i32 : i32, i32
  }
  func.func @transform_1(%arg0: i32) -> (i32, i32) {
    %c0_i32 = arith.constant 0 : i32
    %c0_i32_0 = arith.constant 0 : i32
    return %arg0, %c0_i32 : i32, i32
  }
  func.func @transform_2(%arg0: i32) -> (i32, i32) {
    %c0_i32 = arith.constant 0 : i32
    %c0_i32_0 = arith.constant 0 : i32
    return %arg0, %c0_i32 : i32, i32
  }
  func.func @transform_3(%arg0: i32) -> (i32, i32) {
    %c0_i32 = arith.constant 0 : i32
    %c0_i32_0 = arith.constant 0 : i32
    %c0_i32_1 = arith.constant 0 : i32
    return %c0_i32, %c0_i32_0 : i32, i32
  }
  func.func @transform_4(%arg0: i32) -> i32 {
    %c0_i32 = arith.constant 0 : i32
    %c0_i32_0 = arith.constant 0 : i32
    return %c0_i32 : i32
  }
  func.func @transform_5(%arg0: i32) -> (i32, i32) {
    %c0_i32 = arith.constant 0 : i32
    %c0_i32_0 = arith.constant 0 : i32
    return %arg0, %c0_i32 : i32, i32
  }
}

module attributes {stable_mosaic.version = 14 : i64} {
  func.func @body(%arg0: i32, %arg1: memref<2560x128xf32, #tpu.memory_space<vmem>>, %arg2: memref<64x40xi32, #tpu.memory_space<vmem>>, %arg3: memref<64x128xf32, #tpu.memory_space<vmem>>, %arg4: memref<96x144xf32, #tpu.memory_space<vmem>>, %arg5: memref<144xf32, #tpu.memory_space<vmem>>, %arg6: memref<64x144xf32, #tpu.memory_space<vmem>>) attributes {dimension_semantics = [#tpu.dimension_semantics<arbitrary>], iteration_bounds = array<i64: 64>, scalar_prefetch = 0 : i64, scratch_operands = 0 : i64, tpu.core_type = #tpu.core_type<tc>, window_params = [{transform_indices = @transform_0, window_bounds = array<i64: 2560, 128>}, {transform_indices = @transform_1, window_bounds = array<i64: 64, 40>}, {transform_indices = @transform_2, window_bounds = array<i64: 64, 128>}, {pipeline_mode = #tpu.pipeline_mode<synchronous>, transform_indices = @transform_3, window_bounds = array<i64: 96, 144>}, {pipeline_mode = #tpu.pipeline_mode<synchronous>, transform_indices = @transform_4, window_bounds = array<i64: 144>}, {transform_indices = @transform_5, window_bounds = array<i64: 64, 144>}]} {
    %get3A = arith.constant 0 : index
    %get3A_0 = arith.constant 0 : index
    %get3A_1 = vector.load %arg1[%get3A, %get3A_0] : memref<2560x128xf32, #tpu.memory_space<vmem>>, vector<2560x128xf32>
    %slice3A = vector.extract_strided_slice %get3A_1 {offsets = [0, 0], sizes = [2560, 48], strides = [1, 1]} : vector<2560x128xf32> to vector<2560x48xf32>
    %get3A_2 = arith.constant 0 : index
    %get3A_3 = arith.constant 0 : index
    %get3A_4 = vector.load %arg3[%get3A_2, %get3A_3] : memref<64x128xf32, #tpu.memory_space<vmem>>, vector<64x128xf32>
    %slice3A_5 = vector.extract_strided_slice %get3A_4 {offsets = [0, 0], sizes = [64, 48], strides = [1, 1]} : vector<64x128xf32> to vector<64x48xf32>
    %reshape3A = vector.shape_cast %slice3A : vector<2560x48xf32> to vector<64x40x48xf32>
    %broadcast_in_dim3A = vector.shape_cast %slice3A_5 : vector<64x48xf32> to vector<64x1x48xf32>
    %sub3A = vector.broadcast %broadcast_in_dim3A : vector<64x1x48xf32> to vector<64x40x48xf32>
    %sub3A_6 = arith.subf %reshape3A, %sub3A : vector<64x40x48xf32>
    %broadcast_in_dim3A_7 = vector.shape_cast %slice3A_5 : vector<64x48xf32> to vector<64x1x48xf32>
    %broadcast_in_dim3A_8 = vector.shape_cast %broadcast_in_dim3A_7 : vector<64x1x48xf32> to vector<64x1x48xf32>
    %broadcast_in_dim3A_9 = vector.broadcast %broadcast_in_dim3A_8 : vector<64x1x48xf32> to vector<64x40x48xf32>
    %convert_element_type3A = arith.truncf %broadcast_in_dim3A_9 : vector<64x40x48xf32> to vector<64x40x48xbf16>
    %reshape3A_10 = vector.shape_cast %convert_element_type3A : vector<64x40x48xbf16> to vector<2560x48xbf16>
    %convert_element_type3A_11 = arith.truncf %sub3A_6 : vector<64x40x48xf32> to vector<64x40x48xbf16>
    %reshape3A_12 = vector.shape_cast %convert_element_type3A_11 : vector<64x40x48xbf16> to vector<2560x48xbf16>
    %concatenate3A = tpu.concatenate %reshape3A_10, %reshape3A_12 in 1 : vector<2560x48xbf16>, vector<2560x48xbf16> -> vector<2560x96xbf16>
    %get3A_13 = arith.constant 0 : index
    %get3A_14 = arith.constant 0 : index
    %get3A_15 = vector.load %arg4[%get3A_13, %get3A_14] : memref<96x144xf32, #tpu.memory_space<vmem>>, vector<96x144xf32>
    %convert_element_type3A_16 = arith.truncf %get3A_15 : vector<96x144xf32> to vector<96x144xbf16>
    %dot_general3A = arith.constant dense<0.000000e+00> : vector<2560x144xf32>
    %dot_general3A_17 = tpu.matmul %concatenate3A, %convert_element_type3A_16, %dot_general3A {dimension_numbers = #tpu.dot_dimension_numbers<[1], [0], [0], [1], [0, 0, 1, 1], [], []>, transpose_lhs_hint = false} : vector<2560x96xbf16>, vector<96x144xbf16>, vector<2560x144xf32> -> vector<2560x144xf32>
    %get3A_18 = arith.constant 0 : index
    %get3A_19 = vector.load %arg5[%get3A_18] : memref<144xf32, #tpu.memory_space<vmem>>, vector<144xf32>
    %broadcast_in_dim3A_20 = vector.shape_cast %get3A_19 : vector<144xf32> to vector<1x144xf32>
    %add3A = vector.broadcast %broadcast_in_dim3A_20 : vector<1x144xf32> to vector<2560x144xf32>
    %add3A_21 = arith.addf %dot_general3A_17, %add3A : vector<2560x144xf32>
    %max3A = arith.constant 0.000000e+00 : f32
    %max3A_22 = vector.broadcast %max3A : f32 to vector<2560x144xf32>
    %max3A_23 = arith.maximumf %add3A_21, %max3A_22 : vector<2560x144xf32>
    %mul3A = arith.constant 64 : i32
    %mul3A_24 = arith.muli %arg0, %mul3A : i32
    %iota3A = tpu.iota {dimensions = array<i32: 0>} : vector<64x40xi32>
    %add3A_25 = vector.broadcast %mul3A_24 : i32 to vector<64x40xi32>
    %add3A_26 = arith.addi %add3A_25, %iota3A : vector<64x40xi32>
    %get3A_27 = arith.constant 0 : index
    %get3A_28 = arith.constant 0 : index
    %get3A_29 = vector.load %arg2[%get3A_27, %get3A_28] : memref<64x40xi32, #tpu.memory_space<vmem>>, vector<64x40xi32>
    %eq3A = arith.cmpi eq, %get3A_29, %add3A_26 : vector<64x40xi32>
    %jit3A = arith.constant -1.000000e+30 : f32
    %jit3A_30 = arith.constant 0.000000e+00 : f32
    %broadcast_in_dim3A_31 = vector.broadcast %jit3A : f32 to vector<64x40xf32>
    %broadcast_in_dim3A_32 = vector.broadcast %jit3A_30 : f32 to vector<64x40xf32>
    %select_n3A = arith.select %eq3A, %broadcast_in_dim3A_31, %broadcast_in_dim3A_32 : vector<64x40xi1>, vector<64x40xf32>
    %reshape3A_33 = vector.shape_cast %max3A_23 : vector<2560x144xf32> to vector<64x40x144xf32>
    %broadcast_in_dim3A_34 = vector.shape_cast %select_n3A : vector<64x40xf32> to vector<64x40x1xf32>
    %add3A_35 = vector.broadcast %broadcast_in_dim3A_34 : vector<64x40x1xf32> to vector<64x40x144xf32>
    %add3A_36 = arith.addf %reshape3A_33, %add3A_35 : vector<64x40x144xf32>
    %reduce_max3A = arith.constant dense<0xFF800000> : vector<64x144xf32>
    %reduce_max3A_37 = vector.multi_reduction <maximumf>, %add3A_36, %reduce_max3A [1] : vector<64x40x144xf32> to vector<64x144xf32>
    %swap3A = arith.constant 0 : index
    %swap3A_38 = arith.constant 0 : index
    %swap3A_39 = vector.load %arg6[%swap3A, %swap3A_38] : memref<64x144xf32, #tpu.memory_space<vmem>>, vector<64x144xf32>
    tpu.vector_store %arg6[%swap3A, %swap3A_38], %reduce_max3A_37 {strides = array<i32>} : memref<64x144xf32, #tpu.memory_space<vmem>>, vector<64x144xf32>,
    return
  }
  func.func @transform_0(%arg0: i32) -> (i32, i32) {
    %c0_i32 = arith.constant 0 : i32
    %c0_i32_0 = arith.constant 0 : i32
    return %arg0, %c0_i32 : i32, i32
  }
  func.func @transform_1(%arg0: i32) -> (i32, i32) {
    %c0_i32 = arith.constant 0 : i32
    %c0_i32_0 = arith.constant 0 : i32
    return %arg0, %c0_i32 : i32, i32
  }
  func.func @transform_2(%arg0: i32) -> (i32, i32) {
    %c0_i32 = arith.constant 0 : i32
    %c0_i32_0 = arith.constant 0 : i32
    return %arg0, %c0_i32 : i32, i32
  }
  func.func @transform_3(%arg0: i32) -> (i32, i32) {
    %c0_i32 = arith.constant 0 : i32
    %c0_i32_0 = arith.constant 0 : i32
    %c0_i32_1 = arith.constant 0 : i32
    return %c0_i32, %c0_i32_0 : i32, i32
  }
  func.func @transform_4(%arg0: i32) -> i32 {
    %c0_i32 = arith.constant 0 : i32
    %c0_i32_0 = arith.constant 0 : i32
    return %c0_i32 : i32
  }
  func.func @transform_5(%arg0: i32) -> (i32, i32) {
    %c0_i32 = arith.constant 0 : i32
    %c0_i32_0 = arith.constant 0 : i32
    return %arg0, %c0_i32 : i32, i32
  }
}

module attributes {stable_mosaic.version = 14 : i64} {
  func.func @_d2_tc_body(%arg0: i32, %arg1: memref<1x1024x144xf32, #tpu.memory_space<vmem>>, %arg2: memref<1x1024x144xf32, #tpu.memory_space<vmem>>, %arg3: memref<256x1024xf32, #tpu.memory_space<vmem>>, %arg4: memref<256x128xf32, #tpu.memory_space<vmem>>) attributes {dimension_semantics = [#tpu.dimension_semantics<arbitrary>], iteration_bounds = array<i64: 16>, scalar_prefetch = 0 : i64, scratch_operands = 0 : i64, tpu.core_type = #tpu.core_type<tc>, window_params = [{transform_indices = @transform_0, window_bounds = array<i64: 1, 1024, 144>}, {transform_indices = @transform_1, window_bounds = array<i64: 1, 1024, 144>}, {transform_indices = @transform_2, window_bounds = array<i64: 256, 1024>}, {transform_indices = @transform_3, window_bounds = array<i64: 256, 128>}]} {
    %jit3A = arith.constant 4 : i32
    %eq3A = arith.constant 0 : i32
    %eq3A_0 = arith.cmpi eq, %jit3A, %eq3A : i32
    %jit3A_1 = arith.constant 1 : i32
    %select_n3A = arith.select %eq3A_0, %jit3A_1, %jit3A : i32
    %rem3A = arith.remsi %arg0, %select_n3A : i32
    %ne3A = arith.constant 0 : i32
    %ne3A_2 = arith.cmpi ne, %rem3A, %ne3A : i32
    %lt3A = arith.constant 0 : i32
    %lt3A_3 = arith.cmpi slt, %rem3A, %lt3A : i32
    %lt3A_4 = arith.constant 0 : i32
    %lt3A_5 = arith.cmpi slt, %select_n3A, %lt3A_4 : i32
    %ne3A_6 = arith.xori %lt3A_3, %lt3A_5 : i1
    %and3A = arith.andi %ne3A_6, %ne3A_2 : i1
    %add3A = arith.addi %rem3A, %select_n3A : i32
    %select_n3A_7 = arith.select %and3A, %add3A, %rem3A : i32
    %get3A = arith.constant 0 : index
    %get3A_8 = arith.constant 0 : index
    %get3A_9 = arith.constant 0 : index
    %get3A_10 = vector.load %arg1[%get3A, %get3A_8, %get3A_9] : memref<1x1024x144xf32, #tpu.memory_space<vmem>>, vector<1x1024x144xf32>
    %get3A_11 = vector.shape_cast %get3A_10 : vector<1x1024x144xf32> to vector<1024x144xf32>
    %get3A_12 = arith.constant 0 : index
    %get3A_13 = arith.constant 0 : index
    %get3A_14 = arith.constant 0 : index
    %get3A_15 = vector.load %arg2[%get3A_12, %get3A_13, %get3A_14] : memref<1x1024x144xf32, #tpu.memory_space<vmem>>, vector<1x1024x144xf32>
    %get3A_16 = vector.shape_cast %get3A_15 : vector<1x1024x144xf32> to vector<1024x144xf32>
    %mul3A = arith.constant 256 : i32
    %mul3A_17 = arith.muli %select_n3A_7, %mul3A : i32
    %get3A_18 = arith.constant 0 : index
    %get3A_19 = arith.index_cast %mul3A_17 : i32 to index
    %get3A_20 = arith.constant 0 : index
    %get3A_21 = vector.load %arg1[%get3A_18, %get3A_19, %get3A_20] : memref<1x1024x144xf32, #tpu.memory_space<vmem>>, vector<1x256x144xf32>
    %get3A_22 = vector.shape_cast %get3A_21 : vector<1x256x144xf32> to vector<256x144xf32>
    %mul3A_23 = arith.mulf %get3A_11, %get3A_11 : vector<1024x144xf32>
    %reduce_sum3A = arith.constant dense<0.000000e+00> : vector<1024xf32>
    %reduce_sum3A_24 = vector.multi_reduction <add>, %mul3A_23, %reduce_sum3A [1] : vector<1024x144xf32> to vector<1024xf32>
    %mul3A_25 = arith.mulf %get3A_22, %get3A_22 : vector<256x144xf32>
    %reduce_sum3A_26 = arith.constant dense<0.000000e+00> : vector<256xf32>
    %reduce_sum3A_27 = vector.multi_reduction <add>, %mul3A_25, %reduce_sum3A_26 [1] : vector<256x144xf32> to vector<256xf32>
    %convert_element_type3A = arith.truncf %get3A_22 : vector<256x144xf32> to vector<256x144xbf16>
    %convert_element_type3A_28 = arith.truncf %get3A_11 : vector<1024x144xf32> to vector<1024x144xbf16>
    %dot_general3A = arith.constant dense<0.000000e+00> : vector<256x1024xf32>
    %dot_general3A_29 = tpu.matmul %convert_element_type3A, %convert_element_type3A_28, %dot_general3A {dimension_numbers = #tpu.dot_dimension_numbers<[1], [1], [0], [0], [0, 0, 1, 0], [], []>, transpose_lhs_hint = false} : vector<256x144xbf16>, vector<1024x144xbf16>, vector<256x1024xf32> -> vector<256x1024xf32>
    %broadcast_in_dim3A = vector.shape_cast %reduce_sum3A_27 : vector<256xf32> to vector<256x1xf32>
    %broadcast_in_dim3A_30 = vector.shape_cast %reduce_sum3A_24 : vector<1024xf32> to vector<1x1024xf32>
    %add3A_31 = vector.broadcast %broadcast_in_dim3A : vector<256x1xf32> to vector<256x1024xf32>
    %add3A_32 = vector.broadcast %broadcast_in_dim3A_30 : vector<1x1024xf32> to vector<256x1024xf32>
    %add3A_33 = arith.addf %add3A_31, %add3A_32 : vector<256x1024xf32>
    %mul3A_34 = arith.constant 2.000000e+00 : f32
    %mul3A_35 = vector.broadcast %mul3A_34 : f32 to vector<256x1024xf32>
    %mul3A_36 = arith.mulf %mul3A_35, %dot_general3A_29 : vector<256x1024xf32>
    %sub3A = arith.subf %add3A_33, %mul3A_36 : vector<256x1024xf32>
    %swap3A = arith.constant 0 : index
    %swap3A_37 = arith.constant 0 : index
    %swap3A_38 = vector.load %arg3[%swap3A, %swap3A_37] : memref<256x1024xf32, #tpu.memory_space<vmem>>, vector<256x1024xf32>
    tpu.vector_store %arg3[%swap3A, %swap3A_37], %sub3A {strides = array<i32>} : memref<256x1024xf32, #tpu.memory_space<vmem>>, vector<256x1024xf32>,
    %mul3A_39 = arith.mulf %get3A_16, %get3A_16 : vector<1024x144xf32>
    %reduce_sum3A_40 = arith.constant dense<0.000000e+00> : vector<1024xf32>
    %reduce_sum3A_41 = vector.multi_reduction <add>, %mul3A_39, %reduce_sum3A_40 [1] : vector<1024x144xf32> to vector<1024xf32>
    %convert_element_type3A_42 = arith.truncf %get3A_22 : vector<256x144xf32> to vector<256x144xbf16>
    %convert_element_type3A_43 = arith.truncf %get3A_16 : vector<1024x144xf32> to vector<1024x144xbf16>
    %dot_general3A_44 = arith.constant dense<0.000000e+00> : vector<256x1024xf32>
    %dot_general3A_45 = tpu.matmul %convert_element_type3A_42, %convert_element_type3A_43, %dot_general3A_44 {dimension_numbers = #tpu.dot_dimension_numbers<[1], [1], [0], [0], [0, 0, 1, 0], [], []>, transpose_lhs_hint = false} : vector<256x144xbf16>, vector<1024x144xbf16>, vector<256x1024xf32> -> vector<256x1024xf32>
    %broadcast_in_dim3A_46 = vector.shape_cast %reduce_sum3A_27 : vector<256xf32> to vector<256x1xf32>
    %broadcast_in_dim3A_47 = vector.shape_cast %reduce_sum3A_41 : vector<1024xf32> to vector<1x1024xf32>
    %add3A_48 = vector.broadcast %broadcast_in_dim3A_46 : vector<256x1xf32> to vector<256x1024xf32>
    %add3A_49 = vector.broadcast %broadcast_in_dim3A_47 : vector<1x1024xf32> to vector<256x1024xf32>
    %add3A_50 = arith.addf %add3A_48, %add3A_49 : vector<256x1024xf32>
    %mul3A_51 = arith.constant 2.000000e+00 : f32
    %mul3A_52 = vector.broadcast %mul3A_51 : f32 to vector<256x1024xf32>
    %mul3A_53 = arith.mulf %mul3A_52, %dot_general3A_45 : vector<256x1024xf32>
    %sub3A_54 = arith.subf %add3A_50, %mul3A_53 : vector<256x1024xf32>
    %slice3A = vector.extract_strided_slice %sub3A_54 {offsets = [0, 0], sizes = [256, 512], strides = [1, 1]} : vector<256x1024xf32> to vector<256x512xf32>
    %slice3A_55 = vector.extract_strided_slice %sub3A_54 {offsets = [0, 512], sizes = [256, 512], strides = [1, 1]} : vector<256x1024xf32> to vector<256x512xf32>
    %min3A = arith.minimumf %slice3A, %slice3A_55 : vector<256x512xf32>
    %slice3A_56 = vector.extract_strided_slice %min3A {offsets = [0, 0], sizes = [256, 256], strides = [1, 1]} : vector<256x512xf32> to vector<256x256xf32>
    %slice3A_57 = vector.extract_strided_slice %min3A {offsets = [0, 256], sizes = [256, 256], strides = [1, 1]} : vector<256x512xf32> to vector<256x256xf32>
    %min3A_58 = arith.minimumf %slice3A_56, %slice3A_57 : vector<256x256xf32>
    %slice3A_59 = vector.extract_strided_slice %min3A_58 {offsets = [0, 0], sizes = [256, 128], strides = [1, 1]} : vector<256x256xf32> to vector<256x128xf32>
    %slice3A_60 = vector.extract_strided_slice %min3A_58 {offsets = [0, 128], sizes = [256, 128], strides = [1, 1]} : vector<256x256xf32> to vector<256x128xf32>
    %min3A_61 = arith.minimumf %slice3A_59, %slice3A_60 : vector<256x128xf32>
    %slice3A_62 = vector.extract_strided_slice %min3A_61 {offsets = [0, 0], sizes = [256, 64], strides = [1, 1]} : vector<256x128xf32> to vector<256x64xf32>
    %slice3A_63 = vector.extract_strided_slice %min3A_61 {offsets = [0, 64], sizes = [256, 64], strides = [1, 1]} : vector<256x128xf32> to vector<256x64xf32>
    %min3A_64 = arith.minimumf %slice3A_62, %slice3A_63 : vector<256x64xf32>
    %broadcast_in_dim3A_65 = arith.constant 0.000000e+00 : f32
    %broadcast_in_dim3A_66 = vector.broadcast %broadcast_in_dim3A_65 : f32 to vector<256x64xf32>
    %concatenate3A = tpu.concatenate %min3A_64, %broadcast_in_dim3A_66 in 1 : vector<256x64xf32>, vector<256x64xf32> -> vector<256x128xf32>
    %swap3A_67 = arith.constant 0 : index
    %swap3A_68 = arith.constant 0 : index
    %swap3A_69 = vector.load %arg4[%swap3A_67, %swap3A_68] : memref<256x128xf32, #tpu.memory_space<vmem>>, vector<256x128xf32>
    tpu.vector_store %arg4[%swap3A_67, %swap3A_68], %concatenate3A {strides = array<i32>} : memref<256x128xf32, #tpu.memory_space<vmem>>, vector<256x128xf32>,
    return
  }
  func.func @transform_0(%arg0: i32) -> (i32, i32, i32) {
    %jit3A = arith.constant 4 : i32
    %div3A = arith.divsi %arg0, %jit3A : i32
    %sign3A = arith.constant 0 : i32
    %sign3A_0 = arith.cmpi sgt, %arg0, %sign3A : i32
    %sign3A_1 = arith.extui %sign3A_0 : i1 to i32
    %sign3A_2 = arith.constant 0 : i32
    %sign3A_3 = arith.cmpi slt, %arg0, %sign3A_2 : i32
    %sign3A_4 = arith.extui %sign3A_3 : i1 to i32
    %sign3A_5 = arith.subi %sign3A_1, %sign3A_4 : i32
    %sign3A_6 = arith.constant 0 : i32
    %sign3A_7 = arith.cmpi sgt, %jit3A, %sign3A_6 : i32
    %sign3A_8 = arith.extui %sign3A_7 : i1 to i32
    %sign3A_9 = arith.constant 0 : i32
    %sign3A_10 = arith.cmpi slt, %jit3A, %sign3A_9 : i32
    %sign3A_11 = arith.extui %sign3A_10 : i1 to i32
    %sign3A_12 = arith.subi %sign3A_8, %sign3A_11 : i32
    %ne3A = arith.cmpi ne, %sign3A_5, %sign3A_12 : i32
    %rem3A = arith.remsi %arg0, %jit3A : i32
    %ne3A_13 = arith.constant 0 : i32
    %ne3A_14 = arith.cmpi ne, %rem3A, %ne3A_13 : i32
    %and3A = arith.andi %ne3A, %ne3A_14 : i1
    %sub3A = arith.constant 1 : i32
    %sub3A_15 = arith.subi %div3A, %sub3A : i32
    %select_n3A = arith.select %and3A, %sub3A_15, %div3A : i32
    %c0_i32 = arith.constant 0 : i32
    %c0_i32_16 = arith.constant 0 : i32
    %c0_i32_17 = arith.constant 0 : i32
    return %select_n3A, %c0_i32, %c0_i32_16 : i32, i32, i32
  }
  func.func @transform_1(%arg0: i32) -> (i32, i32, i32) {
    %jit3A = arith.constant 4 : i32
    %div3A = arith.divsi %arg0, %jit3A : i32
    %sign3A = arith.constant 0 : i32
    %sign3A_0 = arith.cmpi sgt, %arg0, %sign3A : i32
    %sign3A_1 = arith.extui %sign3A_0 : i1 to i32
    %sign3A_2 = arith.constant 0 : i32
    %sign3A_3 = arith.cmpi slt, %arg0, %sign3A_2 : i32
    %sign3A_4 = arith.extui %sign3A_3 : i1 to i32
    %sign3A_5 = arith.subi %sign3A_1, %sign3A_4 : i32
    %sign3A_6 = arith.constant 0 : i32
    %sign3A_7 = arith.cmpi sgt, %jit3A, %sign3A_6 : i32
    %sign3A_8 = arith.extui %sign3A_7 : i1 to i32
    %sign3A_9 = arith.constant 0 : i32
    %sign3A_10 = arith.cmpi slt, %jit3A, %sign3A_9 : i32
    %sign3A_11 = arith.extui %sign3A_10 : i1 to i32
    %sign3A_12 = arith.subi %sign3A_8, %sign3A_11 : i32
    %ne3A = arith.cmpi ne, %sign3A_5, %sign3A_12 : i32
    %rem3A = arith.remsi %arg0, %jit3A : i32
    %ne3A_13 = arith.constant 0 : i32
    %ne3A_14 = arith.cmpi ne, %rem3A, %ne3A_13 : i32
    %and3A = arith.andi %ne3A, %ne3A_14 : i1
    %sub3A = arith.constant 1 : i32
    %sub3A_15 = arith.subi %div3A, %sub3A : i32
    %select_n3A = arith.select %and3A, %sub3A_15, %div3A : i32
    %c0_i32 = arith.constant 0 : i32
    %c0_i32_16 = arith.constant 0 : i32
    %c0_i32_17 = arith.constant 0 : i32
    return %select_n3A, %c0_i32, %c0_i32_16 : i32, i32, i32
  }
  func.func @transform_2(%arg0: i32) -> (i32, i32) {
    %c0_i32 = arith.constant 0 : i32
    %c0_i32_0 = arith.constant 0 : i32
    return %arg0, %c0_i32 : i32, i32
  }
  func.func @transform_3(%arg0: i32) -> (i32, i32) {
    %c0_i32 = arith.constant 0 : i32
    %c0_i32_0 = arith.constant 0 : i32
    return %arg0, %c0_i32 : i32, i32
  }
}

module attributes {stable_mosaic.version = 14 : i64} {
  func.func @body(%arg0: i32, %arg1: memref<2560x128xf32, #tpu.memory_space<vmem>>, %arg2: memref<2560x128xf32, #tpu.memory_space<vmem>>, %arg3: memref<64x40xi32, #tpu.memory_space<vmem>>, %arg4: memref<64x208xf32, #tpu.memory_space<vmem>>, %arg5: memref<416x512xf32, #tpu.memory_space<vmem>>, %arg6: memref<512xf32, #tpu.memory_space<vmem>>, %arg7: memref<64x512xf32, #tpu.memory_space<vmem>>) attributes {dimension_semantics = [#tpu.dimension_semantics<arbitrary>], iteration_bounds = array<i64: 64>, scalar_prefetch = 0 : i64, scratch_operands = 0 : i64, tpu.core_type = #tpu.core_type<tc>, window_params = [{transform_indices = @transform_0, window_bounds = array<i64: 2560, 128>}, {transform_indices = @transform_1, window_bounds = array<i64: 2560, 128>}, {transform_indices = @transform_2, window_bounds = array<i64: 64, 40>}, {transform_indices = @transform_3, window_bounds = array<i64: 64, 208>}, {pipeline_mode = #tpu.pipeline_mode<synchronous>, transform_indices = @transform_4, window_bounds = array<i64: 416, 512>}, {pipeline_mode = #tpu.pipeline_mode<synchronous>, transform_indices = @transform_5, window_bounds = array<i64: 512>}, {transform_indices = @transform_6, window_bounds = array<i64: 64, 512>}]} {
    %get3A = arith.constant 0 : index
    %get3A_0 = arith.constant 0 : index
    %get3A_1 = vector.load %arg1[%get3A, %get3A_0] : memref<2560x128xf32, #tpu.memory_space<vmem>>, vector<2560x128xf32>
    %get3A_2 = arith.constant 0 : index
    %get3A_3 = arith.constant 0 : index
    %get3A_4 = vector.load %arg2[%get3A_2, %get3A_3] : memref<2560x128xf32, #tpu.memory_space<vmem>>, vector<2560x128xf32>
    %slice3A = vector.extract_strided_slice %get3A_4 {offsets = [0, 0], sizes = [2560, 80], strides = [1, 1]} : vector<2560x128xf32> to vector<2560x80xf32>
    %concatenate3A = tpu.concatenate %get3A_1, %slice3A in 1 : vector<2560x128xf32>, vector<2560x80xf32> -> vector<2560x208xf32>
    %get3A_5 = arith.constant 0 : index
    %get3A_6 = arith.constant 0 : index
    %get3A_7 = vector.load %arg4[%get3A_5, %get3A_6] : memref<64x208xf32, #tpu.memory_space<vmem>>, vector<64x208xf32>
    %reshape3A = vector.shape_cast %concatenate3A : vector<2560x208xf32> to vector<64x40x208xf32>
    %broadcast_in_dim3A = vector.shape_cast %get3A_7 : vector<64x208xf32> to vector<64x1x208xf32>
    %sub3A = vector.broadcast %broadcast_in_dim3A : vector<64x1x208xf32> to vector<64x40x208xf32>
    %sub3A_8 = arith.subf %reshape3A, %sub3A : vector<64x40x208xf32>
    %broadcast_in_dim3A_9 = vector.shape_cast %get3A_7 : vector<64x208xf32> to vector<64x1x208xf32>
    %broadcast_in_dim3A_10 = vector.shape_cast %broadcast_in_dim3A_9 : vector<64x1x208xf32> to vector<64x1x208xf32>
    %broadcast_in_dim3A_11 = vector.broadcast %broadcast_in_dim3A_10 : vector<64x1x208xf32> to vector<64x40x208xf32>
    %convert_element_type3A = arith.truncf %broadcast_in_dim3A_11 : vector<64x40x208xf32> to vector<64x40x208xbf16>
    %reshape3A_12 = vector.shape_cast %convert_element_type3A : vector<64x40x208xbf16> to vector<2560x208xbf16>
    %convert_element_type3A_13 = arith.truncf %sub3A_8 : vector<64x40x208xf32> to vector<64x40x208xbf16>
    %reshape3A_14 = vector.shape_cast %convert_element_type3A_13 : vector<64x40x208xbf16> to vector<2560x208xbf16>
    %concatenate3A_15 = tpu.concatenate %reshape3A_12, %reshape3A_14 in 1 : vector<2560x208xbf16>, vector<2560x208xbf16> -> vector<2560x416xbf16>
    %get3A_16 = arith.constant 0 : index
    %get3A_17 = arith.constant 0 : index
    %get3A_18 = vector.load %arg5[%get3A_16, %get3A_17] : memref<416x512xf32, #tpu.memory_space<vmem>>, vector<416x512xf32>
    %convert_element_type3A_19 = arith.truncf %get3A_18 : vector<416x512xf32> to vector<416x512xbf16>
    %dot_general3A = arith.constant dense<0.000000e+00> : vector<2560x512xf32>
    %dot_general3A_20 = tpu.matmul %concatenate3A_15, %convert_element_type3A_19, %dot_general3A {dimension_numbers = #tpu.dot_dimension_numbers<[1], [0], [0], [1], [0, 0, 1, 1], [], []>, transpose_lhs_hint = false} : vector<2560x416xbf16>, vector<416x512xbf16>, vector<2560x512xf32> -> vector<2560x512xf32>
    %get3A_21 = arith.constant 0 : index
    %get3A_22 = vector.load %arg6[%get3A_21] : memref<512xf32, #tpu.memory_space<vmem>>, vector<512xf32>
    %broadcast_in_dim3A_23 = vector.shape_cast %get3A_22 : vector<512xf32> to vector<1x512xf32>
    %add3A = vector.broadcast %broadcast_in_dim3A_23 : vector<1x512xf32> to vector<2560x512xf32>
    %add3A_24 = arith.addf %dot_general3A_20, %add3A : vector<2560x512xf32>
    %max3A = arith.constant 0.000000e+00 : f32
    %max3A_25 = vector.broadcast %max3A : f32 to vector<2560x512xf32>
    %max3A_26 = arith.maximumf %add3A_24, %max3A_25 : vector<2560x512xf32>
    %mul3A = arith.constant 64 : i32
    %mul3A_27 = arith.muli %arg0, %mul3A : i32
    %iota3A = tpu.iota {dimensions = array<i32: 0>} : vector<64x40xi32>
    %add3A_28 = vector.broadcast %mul3A_27 : i32 to vector<64x40xi32>
    %add3A_29 = arith.addi %add3A_28, %iota3A : vector<64x40xi32>
    %get3A_30 = arith.constant 0 : index
    %get3A_31 = arith.constant 0 : index
    %get3A_32 = vector.load %arg3[%get3A_30, %get3A_31] : memref<64x40xi32, #tpu.memory_space<vmem>>, vector<64x40xi32>
    %eq3A = arith.cmpi eq, %get3A_32, %add3A_29 : vector<64x40xi32>
    %jit3A = arith.constant -1.000000e+30 : f32
    %jit3A_33 = arith.constant 0.000000e+00 : f32
    %broadcast_in_dim3A_34 = vector.broadcast %jit3A : f32 to vector<64x40xf32>
    %broadcast_in_dim3A_35 = vector.broadcast %jit3A_33 : f32 to vector<64x40xf32>
    %select_n3A = arith.select %eq3A, %broadcast_in_dim3A_34, %broadcast_in_dim3A_35 : vector<64x40xi1>, vector<64x40xf32>
    %reshape3A_36 = vector.shape_cast %max3A_26 : vector<2560x512xf32> to vector<64x40x512xf32>
    %broadcast_in_dim3A_37 = vector.shape_cast %select_n3A : vector<64x40xf32> to vector<64x40x1xf32>
    %add3A_38 = vector.broadcast %broadcast_in_dim3A_37 : vector<64x40x1xf32> to vector<64x40x512xf32>
    %add3A_39 = arith.addf %reshape3A_36, %add3A_38 : vector<64x40x512xf32>
    %reduce_max3A = arith.constant dense<0xFF800000> : vector<64x512xf32>
    %reduce_max3A_40 = vector.multi_reduction <maximumf>, %add3A_39, %reduce_max3A [1] : vector<64x40x512xf32> to vector<64x512xf32>
    %swap3A = arith.constant 0 : index
    %swap3A_41 = arith.constant 0 : index
    %swap3A_42 = vector.load %arg7[%swap3A, %swap3A_41] : memref<64x512xf32, #tpu.memory_space<vmem>>, vector<64x512xf32>
    tpu.vector_store %arg7[%swap3A, %swap3A_41], %reduce_max3A_40 {strides = array<i32>} : memref<64x512xf32, #tpu.memory_space<vmem>>, vector<64x512xf32>,
    return
  }
  func.func @transform_0(%arg0: i32) -> (i32, i32) {
    %c0_i32 = arith.constant 0 : i32
    %c0_i32_0 = arith.constant 0 : i32
    return %arg0, %c0_i32 : i32, i32
  }
  func.func @transform_1(%arg0: i32) -> (i32, i32) {
    %c0_i32 = arith.constant 0 : i32
    %c0_i32_0 = arith.constant 0 : i32
    return %arg0, %c0_i32 : i32, i32
  }
  func.func @transform_2(%arg0: i32) -> (i32, i32) {
    %c0_i32 = arith.constant 0 : i32
    %c0_i32_0 = arith.constant 0 : i32
    return %arg0, %c0_i32 : i32, i32
  }
  func.func @transform_3(%arg0: i32) -> (i32, i32) {
    %c0_i32 = arith.constant 0 : i32
    %c0_i32_0 = arith.constant 0 : i32
    return %arg0, %c0_i32 : i32, i32
  }
  func.func @transform_4(%arg0: i32) -> (i32, i32) {
    %c0_i32 = arith.constant 0 : i32
    %c0_i32_0 = arith.constant 0 : i32
    %c0_i32_1 = arith.constant 0 : i32
    return %c0_i32, %c0_i32_0 : i32, i32
  }
  func.func @transform_5(%arg0: i32) -> i32 {
    %c0_i32 = arith.constant 0 : i32
    %c0_i32_0 = arith.constant 0 : i32
    return %c0_i32 : i32
  }
  func.func @transform_6(%arg0: i32) -> (i32, i32) {
    %c0_i32 = arith.constant 0 : i32
    %c0_i32_0 = arith.constant 0 : i32
    return %arg0, %c0_i32 : i32, i32
  }
}

module attributes {stable_mosaic.version = 14 : i64} {
  func.func @_mlp_body(%arg0: i32, %arg1: memref<256x512xf32, #tpu.memory_space<vmem>>, %arg2: memref<512x256xf32, #tpu.memory_space<vmem>>, %arg3: memref<256x128xf32, #tpu.memory_space<vmem>>, %arg4: memref<128xf32, #tpu.memory_space<vmem>>, %arg5: memref<128x3xf32, #tpu.memory_space<vmem>>, %arg6: memref<3xf32, #tpu.memory_space<vmem>>, %arg7: memref<256x3xf32, #tpu.memory_space<vmem>>) attributes {dimension_semantics = [#tpu.dimension_semantics<arbitrary>], iteration_bounds = array<i64: 16>, scalar_prefetch = 0 : i64, scratch_operands = 0 : i64, tpu.core_type = #tpu.core_type<tc>, window_params = [{transform_indices = @transform_0, window_bounds = array<i64: 256, 512>}, {pipeline_mode = #tpu.pipeline_mode<synchronous>, transform_indices = @transform_1, window_bounds = array<i64: 512, 256>}, {pipeline_mode = #tpu.pipeline_mode<synchronous>, transform_indices = @transform_2, window_bounds = array<i64: 256, 128>}, {pipeline_mode = #tpu.pipeline_mode<synchronous>, transform_indices = @transform_3, window_bounds = array<i64: 128>}, {pipeline_mode = #tpu.pipeline_mode<synchronous>, transform_indices = @transform_4, window_bounds = array<i64: 128, 3>}, {pipeline_mode = #tpu.pipeline_mode<synchronous>, transform_indices = @transform_5, window_bounds = array<i64: 3>}, {transform_indices = @transform_6, window_bounds = array<i64: 256, 3>}]} {
    %get3A = arith.constant 0 : index
    %get3A_0 = arith.constant 0 : index
    %get3A_1 = vector.load %arg1[%get3A, %get3A_0] : memref<256x512xf32, #tpu.memory_space<vmem>>, vector<256x512xf32>
    %convert_element_type3A = arith.truncf %get3A_1 : vector<256x512xf32> to vector<256x512xbf16>
    %get3A_2 = arith.constant 0 : index
    %get3A_3 = arith.constant 0 : index
    %get3A_4 = vector.load %arg2[%get3A_2, %get3A_3] : memref<512x256xf32, #tpu.memory_space<vmem>>, vector<512x256xf32>
    %convert_element_type3A_5 = arith.truncf %get3A_4 : vector<512x256xf32> to vector<512x256xbf16>
    %dot_general3A = arith.constant dense<0.000000e+00> : vector<256x256xf32>
    %dot_general3A_6 = tpu.matmul %convert_element_type3A, %convert_element_type3A_5, %dot_general3A {dimension_numbers = #tpu.dot_dimension_numbers<[1], [0], [0], [1], [0, 0, 1, 1], [], []>, transpose_lhs_hint = false} : vector<256x512xbf16>, vector<512x256xbf16>, vector<256x256xf32> -> vector<256x256xf32>
    %max3A = arith.constant 0.000000e+00 : f32
    %max3A_7 = vector.broadcast %max3A : f32 to vector<256x256xf32>
    %max3A_8 = arith.maximumf %dot_general3A_6, %max3A_7 : vector<256x256xf32>
    %convert_element_type3A_9 = arith.truncf %max3A_8 : vector<256x256xf32> to vector<256x256xbf16>
    %get3A_10 = arith.constant 0 : index
    %get3A_11 = arith.constant 0 : index
    %get3A_12 = vector.load %arg3[%get3A_10, %get3A_11] : memref<256x128xf32, #tpu.memory_space<vmem>>, vector<256x128xf32>
    %convert_element_type3A_13 = arith.truncf %get3A_12 : vector<256x128xf32> to vector<256x128xbf16>
    %dot_general3A_14 = arith.constant dense<0.000000e+00> : vector<256x128xf32>
    %dot_general3A_15 = tpu.matmul %convert_element_type3A_9, %convert_element_type3A_13, %dot_general3A_14 {dimension_numbers = #tpu.dot_dimension_numbers<[1], [0], [0], [1], [0, 0, 1, 1], [], []>, transpose_lhs_hint = false} : vector<256x256xbf16>, vector<256x128xbf16>, vector<256x128xf32> -> vector<256x128xf32>
    %get3A_16 = arith.constant 0 : index
    %get3A_17 = vector.load %arg4[%get3A_16] : memref<128xf32, #tpu.memory_space<vmem>>, vector<128xf32>
    %broadcast_in_dim3A = vector.shape_cast %get3A_17 : vector<128xf32> to vector<1x128xf32>
    %add3A = vector.broadcast %broadcast_in_dim3A : vector<1x128xf32> to vector<256x128xf32>
    %add3A_18 = arith.addf %dot_general3A_15, %add3A : vector<256x128xf32>
    %max3A_19 = arith.constant 0.000000e+00 : f32
    %max3A_20 = vector.broadcast %max3A_19 : f32 to vector<256x128xf32>
    %max3A_21 = arith.maximumf %add3A_18, %max3A_20 : vector<256x128xf32>
    %convert_element_type3A_22 = arith.truncf %max3A_21 : vector<256x128xf32> to vector<256x128xbf16>
    %get3A_23 = arith.constant 0 : index
    %get3A_24 = arith.constant 0 : index
    %get3A_25 = vector.load %arg5[%get3A_23, %get3A_24] : memref<128x3xf32, #tpu.memory_space<vmem>>, vector<128x3xf32>
    %convert_element_type3A_26 = arith.truncf %get3A_25 : vector<128x3xf32> to vector<128x3xbf16>
    %dot_general3A_27 = arith.constant dense<0.000000e+00> : vector<256x3xf32>
    %dot_general3A_28 = tpu.matmul %convert_element_type3A_22, %convert_element_type3A_26, %dot_general3A_27 {dimension_numbers = #tpu.dot_dimension_numbers<[1], [0], [0], [1], [0, 0, 1, 1], [], []>, transpose_lhs_hint = false} : vector<256x128xbf16>, vector<128x3xbf16>, vector<256x3xf32> -> vector<256x3xf32>
    %get3A_29 = arith.constant 0 : index
    %get3A_30 = vector.load %arg6[%get3A_29] : memref<3xf32, #tpu.memory_space<vmem>>, vector<3xf32>
    %broadcast_in_dim3A_31 = vector.shape_cast %get3A_30 : vector<3xf32> to vector<1x3xf32>
    %add3A_32 = vector.broadcast %broadcast_in_dim3A_31 : vector<1x3xf32> to vector<256x3xf32>
    %add3A_33 = arith.addf %dot_general3A_28, %add3A_32 : vector<256x3xf32>
    %tanh3A = math.tanh %add3A_33 : vector<256x3xf32>
    %swap3A = arith.constant 0 : index
    %swap3A_34 = arith.constant 0 : index
    %swap3A_35 = vector.load %arg7[%swap3A, %swap3A_34] : memref<256x3xf32, #tpu.memory_space<vmem>>, vector<256x3xf32>
    tpu.vector_store %arg7[%swap3A, %swap3A_34], %tanh3A {strides = array<i32>} : memref<256x3xf32, #tpu.memory_space<vmem>>, vector<256x3xf32>,
    return
  }
  func.func @transform_0(%arg0: i32) -> (i32, i32) {
    %c0_i32 = arith.constant 0 : i32
    %c0_i32_0 = arith.constant 0 : i32
    return %arg0, %c0_i32 : i32, i32
  }
  func.func @transform_1(%arg0: i32) -> (i32, i32) {
    %c0_i32 = arith.constant 0 : i32
    %c0_i32_0 = arith.constant 0 : i32
    %c0_i32_1 = arith.constant 0 : i32
    return %c0_i32, %c0_i32_0 : i32, i32
  }
  func.func @transform_2(%arg0: i32) -> (i32, i32) {
    %c0_i32 = arith.constant 0 : i32
    %c0_i32_0 = arith.constant 0 : i32
    %c0_i32_1 = arith.constant 0 : i32
    return %c0_i32, %c0_i32_0 : i32, i32
  }
  func.func @transform_3(%arg0: i32) -> i32 {
    %c0_i32 = arith.constant 0 : i32
    %c0_i32_0 = arith.constant 0 : i32
    return %c0_i32 : i32
  }
  func.func @transform_4(%arg0: i32) -> (i32, i32) {
    %c0_i32 = arith.constant 0 : i32
    %c0_i32_0 = arith.constant 0 : i32
    %c0_i32_1 = arith.constant 0 : i32
    return %c0_i32, %c0_i32_0 : i32, i32
  }
  func.func @transform_5(%arg0: i32) -> i32 {
    %c0_i32 = arith.constant 0 : i32
    %c0_i32_0 = arith.constant 0 : i32
    return %c0_i32 : i32
  }
  func.func @transform_6(%arg0: i32) -> (i32, i32) {
    %c0_i32 = arith.constant 0 : i32
    %c0_i32_0 = arith.constant 0 : i32
    return %arg0, %c0_i32 : i32, i32
  }
}

</mosaic_0001>

<sc_bundles>
// kernel: kernel.15.cloned.1.call-start
scs
__scs_entry_jumppad:
0x0: {  	(pc) =	sbr.rel $0x88, $3  }
0x1: {  	(tag) =	ssettag $0x0;
	lr =	simm.s32 $0x1  }
0x2: {  	[smem:$0x3F93] =	sst lr;
	_ =	strace $0xD0000000  }
0x3: {  	_ = 	snop  }
0x4: {  	_ = 	snop  }
0x5: {  	_ = 	snop  }
0x6: {  	_ = 	snop  }
0x7: {  	_ = 	snop  }
__scs_overlays_trampoline_lowered:
0x8: {  	[smem:$0x3FA2] =	sst s0  }
0x9: {  	[smem:$0x3FA3] =	sst s1  }
0xa: {  	[smem:$0x3FA4] =	sst s2  }
0xb: {  	[smem:$0x3FA5] =	sst s3  }
0xc: {  	[smem:$0x3FA6] =	sst s4  }
0xd: {  	[smem:$0x3FA7] =	sst s5  }
0xe: {  	[smem:$0x3FA8] =	sst s6  }
0xf: {  	[smem:$0x3FA9] =	sst s7  }
0x10: {  	[smem:$0x3FAA] =	sst s8  }
0x11: {  	[smem:$0x3FAB] =	sst s9;
	s0 =	simm.s32 @!p0 $0x0  }
0x12: {  	s1 =	sld [smem:$0x3F91];
	s0 =	simm.s32 @p0 $0x1  }
0x13: {  	[smem:$0x3FAC] =	sst s0;
	s0 =	simm.s32 @!p1 $0x0  }
0x14: {  	s2 =	sld [smem:$0x3F90];
	s0 =	simm.s32 @p1 $0x1  }
0x15: {  	[smem:$0x3FAD] =	sst s0;
	s0 =	simm.s32 @!p2 $0x0  }
0x16: {  	s3 =	sld [smem:$0x3FDB];
	s0 =	simm.s32 @p2 $0x1  }
0x17: {  	s4 =	simm.s32 $0x1BF5;
	[smem:$0x3FAF] =	sst s0  }
0x18: {  	s0 =	sld [smem:$0x3F92];
	_ =	swait.ge [sflag:s4], $0x0  }
0x19: {  	s7 =	sld [smem:$0x3F93]  }
0x1a: {  	s8 =	sadd.s32 $0xFFFFE003, lr  }
0x1b: {  	s9 =	sadd.s32 $0xFFFFFEF7, lr;
	s5 =	simm.s32 $0xFFFFFFFF;
	p2 =	slt.u32 s8, $0xFFFFF086  }
0x1c: {  	p1 =	slt.u32 s9, $0xF7A;
	s5 =	simm.s32 @!p2 $0x0  }
0x1d: {  	s5 =	simm.s32 @p1 $0x1;
	p0 =	seq.s32 s7, s2  }
0x1e: {  	s7 =	smul.u32 @!p0 $0xF7A, s2;
	p2 =	seq.s32 @!p0 s5, $0x0  }
0x1f: {  	s9 =	smul.u32 $0xF7A, s1;
	s8 =	simm.s32 @!p0 $0x1BF5;
	p2 =	por !p2, p0  }
0x20: {  	[sflag:s8] =	ssyncset.s32 @!p0 $0xFFFFF086;
	s6 =	sadd.s32 @!p0 s3, s7;
	s7 =	simm.s32 @!p0 $0x108  }
0x21: {  	s3 =	sadd.s32 s3, s9;
	s6 =	sadd.s32 @!p0 $0x88, s6;
	s7 =	simm.s32 @p2 $0x1082  }
0x22: {  	[simem:s7], [sflag:s8] =	dma.local @!p0 [hbm:s6], $0xF7A  }
0x23: {  	s9 =	sor.u32 $0xD0000000, s2;
	s6 =	simm.s32 $0x108;
	_ =	swait.ge @!p0 [sflag:s8], $0x0  }
0x24: {  	s3 =	sadd.s32 $0x88, s3;
	s6 =	simm.s32 @!p1 $0x1082;
	[sflag:s4] =	ssyncset.s32 $0xFFFFF086  }
0x25: {  	[simem:s6], [sflag:s4] =	dma.local [hbm:s3], $0xF7A  }
0x26: {  	[smem:$0x3F93] =	sst s1;
	(tag) =	ssettag s2;
	_ =	strace s9  }
0x27: {  	s1 =	sld [smem:$0x3FA3]  }
0x28: {  	s2 =	sld [smem:$0x3FA4]  }
0x29: {  	s4 =	sld [smem:$0x3FA6]  }
0x2a: {  	p0 =	seq.s32 s5, $0x0;
	s5 =	sld [smem:$0x3FA7]  }
0x2b: {  	s6 =	sld [smem:$0x3FA8]  }
0x2c: {  	s7 =	sld [smem:$0x3FA9]  }
0x2d: {  	s3 =	simm.s32 $0x108;
	s8 =	sld [smem:$0x3FAA]  }
0x2e: {  	s3 =	simm.s32 @!p0 $0x1082;
	s9 =	sld [smem:$0x3FAB]  }
0x2f: {  	lr =	sadd.s32 s0, s3;
	s0 =	sld [smem:$0x3FA2]  }
0x30: {  	s3 =	sld [smem:$0x3FA5]  }
0x31: {  	[smem:$0x3FAE] =	sst s10  }
0x32: {  	s10 =	sld [smem:$0x3FAC];
	_ =	sdelay $0x3  }
0x33: {  	p0 =	seq.s32 s10, $0x1;
	s10 =	sld [smem:$0x3FAE];
	_ =	sdelay $0x3  }
0x34: {  	[smem:$0x3FAE] =	sst s10  }
0x35: {  	s10 =	sld [smem:$0x3FAD];
	_ =	sdelay $0x3  }
0x36: {  	p1 =	seq.s32 s10, $0x1;
	s10 =	sld [smem:$0x3FAE];
	_ =	sdelay $0x3  }
0x37: {  	[smem:$0x3FAE] =	sst s10  }
0x38: {  	s10 =	sld [smem:$0x3FAF]  }
0x39: {  	_ = 	snop;
	(pc) =	sbr.ind lr, $3  }
0x3a: {  	_ = 	snop  }
0x3b: {  	_ = 	snop  }
0x3c: {  	p2 =	seq.s32 s10, $0x1;
	s10 =	sld [smem:$0x3FAE]  }
0x3d: {  	_ =	shalt  }
0x3e: {  	_ =	shalt  }
0x3f: {  	_ =	shalt  }
0x40: {  	_ =	shalt  }
0x41: {  	_ =	shalt  }
0x42: {  	_ =	shalt  }
0x43: {  	_ =	shalt  }
0x44: {  	_ =	shalt  }
0x45: {  	_ =	shalt  }
0x46: {  	_ =	shalt  }
0x47: {  	_ =	shalt  }
0x48: {  	_ =	shalt  }
0x49: {  	_ =	shalt  }
0x4a: {  	_ =	shalt  }
0x4b: {  	_ =	shalt  }
0x4c: {  	_ =	shalt  }
0x4d: {  	_ =	shalt  }
0x4e: {  	_ =	shalt  }
0x4f: {  	_ =	shalt  }
0x50: {  	_ =	shalt  }
0x51: {  	_ =	shalt  }
0x52: {  	_ =	shalt  }
0x53: {  	_ =	shalt  }
0x54: {  	_ =	shalt  }
0x55: {  	_ =	shalt  }
0x56: {  	_ =	shalt  }
0x57: {  	_ =	shalt  }
0x58: {  	_ =	shalt  }
0x59: {  	_ =	shalt  }
0x5a: {  	_ =	shalt  }
0x5b: {  	_ =	shalt  }
0x5c: {  	_ =	shalt  }
0x5d: {  	_ =	shalt  }
0x5e: {  	_ =	shalt  }
0x5f: {  	_ =	shalt  }
0x60: {  	_ =	shalt  }
0x61: {  	_ =	shalt  }
0x62: {  	_ =	shalt  }
0x63: {  	_ =	shalt  }
0x64: {  	_ =	shalt  }
0x65: {  	_ =	shalt  }
0x66: {  	_ =	shalt  }
0x67: {  	_ =	shalt  }
0x68: {  	_ =	shalt  }
0x69: {  	_ =	shalt  }
0x6a: {  	_ =	shalt  }
0x6b: {  	_ =	shalt  }
0x6c: {  	_ =	shalt  }
0x6d: {  	_ =	shalt  }
0x6e: {  	_ =	shalt  }
0x6f: {  	_ =	shalt  }
0x70: {  	_ =	shalt  }
0x71: {  	_ =	shalt  }
0x72: {  	_ =	shalt  }
0x73: {  	_ =	shalt  }
0x74: {  	_ =	shalt  }
0x75: {  	_ =	shalt  }
0x76: {  	_ =	shalt  }
0x77: {  	_ =	shalt  }
0x78: {  	_ =	shalt  }
0x79: {  	_ =	shalt  }
0x7a: {  	_ =	shalt  }
0x7b: {  	_ =	shalt  }
0x7c: {  	_ =	shalt  }
0x7d: {  	_ =	shalt  }
0x7e: {  	_ =	shalt  }
0x7f: {  	_ =	shalt  }
0x80: {  	_ =	shalt  }
0x81: {  	_ =	shalt  }
0x82: {  	_ =	shalt  }
0x83: {  	_ =	shalt  }
0x84: {  	_ =	shalt  }
0x85: {  	_ =	shalt  }
0x86: {  	_ =	shalt  }
0x87: {  	_ =	shalt  }
.Lfunc_end0:
.L_simem_size_0:
called_computation_lowered:
.L_overlay_start_0:
0x88: {  	s2 =	sld [smem:$0x3FD9]  }
0x89: {  	s3 =	sld [smem:$0x3FFE];
	_ =	sdelay $0x1  }
0x8a: {  	s1 =	srdreg.scid  }
0x8b: {  	s0 =	sand.u32 $0x1, s1  }
0x8c: {  	s16 =	sshll.u32 s0, $0xA;
	s2 =	sadd.s32 s3, s2  }
0x8d: {  	s2 =	sadd.s32 s2, s16  }
0x8e: {  	[smem:$0x3FBA] =	sst s2  }
0x8f: {  	_ = 	snop  }
0x90: {  	(tm) =	ssettm $0x1  }
0x91: {  	s17 =	sld [smem:$0x3FFB];
	_ =	sdelay $0x3  }
0x92: {  	_ =	strace s17  }
0x93: {  	s2 =	sld [smem:$0x3FFC];
	_ =	sdelay $0x3  }
0x94: {  	_ =	strace s2  }
0x95: {  	s2 =	sld [smem:$0x3FFD];
	_ =	sdelay $0x3  }
0x96: {  	_ =	strace s2  }
0x97: {  	_ =	strace $0x8FFFFFFF  }
0x98: {  	s18 =	sld [smem:$0x3FDB];
	_ =	sdelay $0x1  }
0x99: {  	s19 =	simm.s32 $_scs_section_size  }
0x9a: {  	s4 =	simm.s32 $_size__tile_overlayer_lowered;
	s5 =	simm.s32 $_tile_overlayer_lowered  }
0x9b: {  	s22 =	simm.s32 $0x1BFF;
	s21 =	sshll.u32 s5, $0x1;
	s2 =	sadd.s32 s19, s18  }
0x9c: {  	s6 =	simm.s32 $0x0;
	s20 =	sshll.u32 s4, $0x1;
	s4 =	sadd.s32 s21, s2  }
0x9d: {  	[timem:s6], [sflag:s22] =	dma.local [hbm:s4], s20  }
0x9e: {  	_ =	swait.ge [sflag:s22], s20  }
0x9f: {  	s3 =	ssub.s32 $0x0, s20;
	[sflag:s22] =	ssyncset.done $0x0  }
0xa0: {  	[sflag:s22] =	ssyncadd.s32 s3;
	_ =	sdelay $0x1  }
0xa1: {  	s23 =	simm.s32 $0x1B8B  }
0xa2: {  	_ =	swait.ge [sflag:s23], $0x1  }
0xa3: {  	[sflag:s23] =	ssyncset.done $0x0  }
0xa4: {  	s25 =	simm.s32 $0x1B8E;
	s24 =	sld [smem:$0x3FFE];
	[sflag:s23] =	ssyncadd.s32 $0xFFFFFFFF  }
0xa5: {  	s26 =	simm.s32 $execute0_lowered;
	[smem:$0x3FD2] =	sst s25  }
0xa6: {  	s4 =	sshll.u32 s26, $0x1;
	_ =	strace $0x80000046;
	[dreg:$0x1] =	wrdreg $0xFFFFFFFF  }
0xa7: {  	s28 =	simm.s32 $_size_execute0_lowered;
	s2 =	sadd.s32 s2, s4;
	[dreg:$0x0] =	wrdreg $0x0  }
0xa8: {  	s4 =	sshll.u32 s28, $0x1;
	[dreg:$0x2] =	wrdreg s2  }
0xa9: {  	[dreg:$0x3] =	wrdreg s4  }
0xaa: {  	[dreg:$0x4] =	wrdreg $0xC0  }
0xab: {  	_ =	task [dreg:s6], $0x5FFFF  }
0xac: {  	[dreg:$0x1] =	wrdreg $0xFFFFFFFF  }
0xad: {  	[dreg:$0x0] =	wrdreg $0x60  }
0xae: {  	[dreg:$0x2] =	wrdreg s24  }
0xaf: {  	[dreg:$0x3] =	wrdreg $0x9  }
0xb0: {  	_ =	task.clear_ibuf [dreg:s6], $0x4FFFF;
	_ =	strace $0x90000046  }
0xb1: {  	s29 =	simm.s32 $0x9;
	_ =	strace $0x80000048  }
0xb2: {  	_ =	swait.ge [sflag:s29], $0x1  }
0xb3: {  	[sflag:s29] =	ssyncadd.s32 $0xFFFFFFFF  }
0xb4: {  	_ =	strace $0x90000048  }
0xb5: {  	_ =	sfence  }
0xb6: {  	s30 =	sld [smem:$0x0];
	_ =	sdelay $0x2  }
0xb7: {  	s31 =	sshll.u32 s1, $0xD;
	s1 =	sshrl.u32 s1, $0x2  }
0xb8: {  	s3 =	sand.u32 $0x4000, s31;
	s1 =	sadd.s32 s1, s30  }
0xb9: {  	s0 =	sor.u32 s3, s0;
	s1 =	sshll.u32 s1, $0x11  }
0xba: {  	s0 =	sor.u32 s1, s0  }
0xbb: {  	s0 =	sadd.s32 $0x8F2B, s0  }
0xbc: {  	[sflag:s0] =	ssyncadd.remote.s32 $0x1  }
0xbd: {  	_ =	sfence.sel $0xFFFF  }
0xbe: {  	[dreg:$0x0] =	wrdreg $0xFFFFFFFF;
	(pc) =	sbr.abs _section_cstart, $3  }
0xbf: {  	[dreg:$0x1] =	wrdreg $0xFFFFFFFF  }
0xc0: {  	_ =	task.clear_ibuf [dreg:s6], $0x2FFFF;
	_ =	strace $0x9FFFFFFF  }
0xc1: {  	(tm) =	ssettm $0x7FFFFFFF  }
tec
execute0_lowered:
.L_overlay_start_1:
0x0: {  	(tag) =	ssettag $0x1  }
0x1: {  	v0 =	vimm.s32 $0xFEDCBA98;
	v1 =	vimm.s32 $0x76543210;
	v2 =	vimm.s32 $0xBA98FEDC  }
0x2: {  	s0 =	rddreg [dreg:$0x0];
	s2 =	simm.s32 $0x0;
	s1 =	srdreg.scid;
	v3 =	vimm.s32 $0x32107654;
	v4 =	vimm.s32 $0xDCFE98BA;
	v5 =	vimm.s32 $0x54761032  }
0x3: {  	s3 =	stileid.u32;
	v6 =	vimm.s32 $0xEFCDAB89;
	v7 =	vimm.s32 $0x67452301;
	s15 =	simm.s32 $0x5;
	s16 =	simm.s32 $0x2000  }
0x4: {  	s18 =	simm.s32 $0x2580;
	s19 =	simm.s32 $0x140;
	v0 =	vunpack.c.l.s4.s8 v0;
	s1 =	sand.u32 $0x1, s1;
	v1 =	vunpack.c.l.s4.s8 v1;
	v2 =	vunpack.c.l.s4.s8 v2  }
0x5: {  	s20 =	simm.s32 $0xC700;
	s9 =	sshll.u32 s3, $0x8;
	v3 =	vunpack.c.l.s4.s8 v3;
	v4 =	vunpack.c.l.s4.s8 v4;
	v5 =	vunpack.c.l.s4.s8 v5;
	s29 =	sshll.u32 s1, $0x7  }
0x6: {  	[smem:$0x7FF] =	sst s2;
	s4 =	sadd.s32 $0x5800, s0;
	v6 =	vunpack.c.l.s4.s8 v6;
	v7 =	vunpack.c.l.s4.s8 v7;
	v0 =	vunpack.c.0.s8.s32 v0;
	s3 =	sor.u32 s29, s9  }
0x7: {  	s5 =	sadd.s32 $0x85800, s0;
	s1 =	ssub.s32 $0x2, s1;
	v2 =	vunpack.c.0.s8.s32 v2;
	v3 =	vunpack.c.0.s8.s32 v3;
	v4 =	vunpack.c.0.s8.s32 v4;
	s10 =	smul.u32 $0x1400, s3  }
0x8: {  	s6 =	sadd.s32 $0x95800, s0;
	s7 =	sadd.s32 $0xA5800, s0;
	s30 =	sshrl.u32 s1, $0x1;
	v5 =	vunpack.c.0.s8.s32 v5;
	v6 =	vunpack.c.0.s8.s32 v6;
	v7 =	vunpack.c.0.s8.s32 v7  }
0x9: {  	s8 =	sadd.s32 $0xAA800, s0;
	v1 =	vunpack.c.0.s8.s32 v1;
	s0 =	ssub.s32 s1, s30;
	v2 =	vcombine.low v3, v2;
	s10 =	sshrl.u32 s10, $0x3  }
0xa: {  	_ =	strace $0x80000047;
	s0 =	smax.u32 s0, $0x1;
	v0 =	vand.u32 $0xF, v0;
	v3 =	vcombine.low v5, v4;
	v4 =	vcombine.low v7, v6;
	s31 =	sadd.s32 s8, s10  }
0xb: {  	vm0 =	vcmask $0x3F24;
	s9 =	sand.u32 $0xC00, s9;
	[dreg:$0x4] =	wrdreg s0;
	v0 =	vcombine.low v0, v1;
	v1 =	vand.u32 $0xF, v2;
	s12 =	sadd.s32 $0x11800, s31  }
0xc: {  	s11 =	sadd.s32 $0xFFFFFFF8, s3;
	v2 =	vlaneseq.u32;
	v3 =	vand.u32 $0xF, v3;
	v4 =	vand.u32 $0xF, v4;
	s1 =	sadd.s32 $0x12C00, s31;
	[dreg:$0x2] =	wrdreg s12  }
0xd: {  	s10 =	sadd.s32 $0xFFFFFFF0, s3;
	v5 =	vor.u32 $0x30, v2;
	v6 =	vor.u32 $0x20, v2;
	v7 =	vor.u32 $0x10, v2;
	[dreg:$0x3] =	wrdreg s1;
	s1 =	simm.s32 $0x0  }
.LBB2_1:
0xe: {  	[dreg:$0x5] =	wrdreg s1;
	s25 =	simm.s32 $0x0  }
.LBB2_2:
0xf: {  	p0 =	seq.s32 s25, $0x0;
	s26 =	sshll.u32 s25, $0x4  }
0x10: {  	s0 =	simm.s32 @!p0 $0x1;
	s1 =	sadd.s32 @!p0 s26, s10  }
0x11: {  	s28 =	sor.u32 s3, s26;
	_ =	swait.ge @!p0 [sflag:s0], $0xA000;
	s1 =	smul.u32 @!p0 $0x280, s1  }
0x12: {  	s12 =	simm.s32 @!p0 $0x2700;
	s23 =	sshll.u32 s28, $0x7;
	[sflag:s0] =	ssyncset.done @!p0 $0x0  }
0x13: {  	[sflag:s0] =	ssyncadd.s32 @!p0 $0xFFFF6000;
	s0 =	sadd.s32 @!p0 s8, s1;
	s1 =	simm.s32 @!p0 $0x0  }
0x14: {  	[hbm4b:s0+s1] =	stream.linear.scatter @!p0 [tilespmem:s12], [sflag:$0x3], $0xA000, $0x38;
	[tilespmem:$0x16700] =	vst v63  }
0x15: {  	s29 =	simm.s32 $0x0;
	s0 =	sadd.s32 s4, s23  }
0x16: {  	[tilespmem:s29], [sflag:$0x5] =	stream.linear.gather [hbm4b:s0+s29], $0x2000, $0x38;
	[tilespmem:$0x16700] =	vst v63  }
0x17: {  	_ =	swait.ge [sflag:s15], $0x2000  }
0x18: {  	s24 =	sshll.u32 s28, $0x4;
	[sflag:s15] =	ssyncset.done $0x0  }
0x19: {  	s0 =	sadd.s32 s5, s24;
	[sflag:s15] =	ssyncadd.s32 $0xFFFFE000  }
0x1a: {  	[tilespmem:s16], [sflag:$0x5] =	stream.linear.gather [hbm4b:s0+s29], $0x400, $0x38;
	[tilespmem:$0x16700] =	vst v63  }
0x1b: {  	_ =	swait.ge [sflag:s15], $0x400  }
0x1c: {  	[sflag:s15] =	ssyncset.done $0x0  }
0x1d: {  	s30 =	simm.s32 $0x0;
	s31 =	simm.s32 $0x0;
	[sflag:s15] =	ssyncadd.s32 $0xFFFFFC00  }
.LBB2_3:
0x1e: {  	s0 =	sshll.u32 s31, $0x7  }
0x1f: {  	s0 =	sand.u32 $0x3FFFFF80, s0  }
0x20: {  	v8 =	vld [tilespmem:s0+$0x2020]  }
0x21: {  	v9 =	vld [tilespmem:s0+$0x2000]  }
0x22: {  	v10 =	vld [tilespmem:s0+$0x2030]  }
0x23: {  	v11 =	vld [tilespmem:s0+$0x2010];
	_ =	sdelay $0x4  }
0x24: {  	v12 =	vmin.f32 v8, v10;
	v13 =	vmin.f32 v9, v11  }
0x25: {  	v12 =	vmin.f32 v13, v12  }
0x26: {  	v13 =	vperm.xlane v12, v0;
	_ =	sdelay $0x1  }
0x27: {  	v12 =	vmin.f32 v12, v13  }
0x28: {  	v13 =	vperm.xlane v12, v1;
	_ =	sdelay $0x1  }
0x29: {  	v12 =	vmin.f32 v12, v13  }
0x2a: {  	v13 =	vperm.xlane v12, v3;
	_ =	sdelay $0x1  }
0x2b: {  	v12 =	vmin.f32 v12, v13  }
0x2c: {  	v13 =	vperm.xlane v12, v4;
	_ =	sdelay $0x1  }
0x2d: {  	v12 =	vmin.f32 v12, v13  }
0x2e: {  	v12 =	vbroadcast v12, $0x0;
	_ =	sdelay $0x1  }
0x2f: {  	vm1 =	veq.f32 v10, v12  }
0x30: {  	vm2 =	veq.f32 v8, v12;
	v8 =	vnsel vm1, $0x40000000, v5  }
0x31: {  	vm1 =	veq.f32 v11, v12;
	v8 =	vsel vm2, v6, v8  }
0x32: {  	vm2 =	veq.f32 v9, v12;
	v8 =	vsel vm1, v7, v8  }
0x33: {  	v8 =	vsel vm2, v2, v8  }
0x34: {  	v9 =	vperm.xlane v8, v0;
	_ =	sdelay $0x1  }
0x35: {  	vm1 =	vlt.s32 v8, v9  }
0x36: {  	v8 =	vsel vm1, v8, v9  }
0x37: {  	v9 =	vperm.xlane v8, v1;
	_ =	sdelay $0x1  }
0x38: {  	vm1 =	vlt.s32 v8, v9  }
0x39: {  	v8 =	vsel vm1, v8, v9  }
0x3a: {  	v9 =	vperm.xlane v8, v3;
	_ =	sdelay $0x1  }
0x3b: {  	vm1 =	vlt.s32 v8, v9  }
0x3c: {  	v8 =	vsel vm1, v8, v9  }
0x3d: {  	v9 =	vperm.xlane v8, v4;
	_ =	sdelay $0x1  }
0x3e: {  	vm1 =	vlt.s32 v8, v9  }
0x3f: {  	v8 =	vsel vm1, v8, v9  }
0x40: {  	(v2sf) =	vpush v8, $0x0;
	_ =	sdelay $0xe  }
0x41: {  	s13 =	spop (v2sf)  }
0x42: {  	s1 =	sshll.u32 s13, $0x7  }
0x43: {  	s12 =	sshll.u32 s13, $0x4;
	s1 =	sand.u32 $0xFFFFFC00, s1  }
0x44: {  	s14 =	sand.u32 $0x70, s12;
	s1 =	sadd.s32 s1, s0  }
0x45: {  	s14 =	sadd.s32 s14, s1  }
0x46: {  	v8 =	vld [tilespmem:s14+$0x0];
	_ =	sdelay $0x4  }
0x47: {  	vm1 =	veq.f32 v8, v12  }
0x48: {  	v9 =	vnsel vm1, $0x40000000, v2  }
0x49: {  	v10 =	vperm.xlane v9, v0;
	_ =	sdelay $0x1  }
0x4a: {  	vm1 =	vlt.s32 v9, v10  }
0x4b: {  	v9 =	vsel vm1, v9, v10  }
0x4c: {  	v10 =	vperm.xlane v9, v1;
	_ =	sdelay $0x1  }
0x4d: {  	vm1 =	vlt.s32 v9, v10  }
0x4e: {  	v9 =	vsel vm1, v9, v10  }
0x4f: {  	v10 =	vperm.xlane v9, v3;
	_ =	sdelay $0x1  }
0x50: {  	vm1 =	vlt.s32 v9, v10  }
0x51: {  	v9 =	vsel vm1, v9, v10  }
0x52: {  	v10 =	vperm.xlane v9, v4;
	_ =	sdelay $0x1  }
0x53: {  	vm1 =	vlt.s32 v9, v10  }
0x54: {  	v9 =	vsel vm1, v9, v10  }
0x55: {  	(v2sf) =	vpush v9, $0x0;
	_ =	sdelay $0x7  }
0x56: {  	v9 =	vbroadcast v9, $0x0;
	_ =	sdelay $0x1  }
0x57: {  	vm1 =	veq.s32 v9, v2  }
0x58: {  	s22 =	sadd.s32 $0x0, s30;
	v8 =	vsel vm1, $0x7F800000, v8  }
0x59: {  	s21 =	sand.u32 $0x3F8, s22;
	v9 =	vperm.xlane v8, v0  }
0x5a: {  	v10 =	vld [tilespmem:s21+$0x2400]  }
0x5b: {  	v9 =	vmin.f32 v8, v9  }
0x5c: {  	s23 =	sand.u32 $0x7, s29;
	v11 =	vperm.xlane v9, v1;
	s22 =	spop (v2sf)  }
0x5d: {  	v63 =	vmov s23;
	s24 =	sadd.s32 s9, s22  }
0x5e: {  	vm1 =	veq.s32 v63, v2;
	v9 =	vmin.f32 v9, v11;
	s12 =	sadd.s32 s12, s24  }
0x5f: {  	s17 =	sand.u32 $0xFFFFFF80, s13;
	s1 =	sadd.s32 $0x2000, s0;
	v11 =	vperm.xlane v9, v3;
	v10 =	vsel vm1, s12, v10  }
0x60: {  	s23 =	sadd.s32 s17, s1;
	s24 =	sand.u32 $0x70, s13;
	[tilespmem:s21+$0x2400] =	vst v10  }
0x61: {  	v9 =	vmin.f32 v9, v11;
	s12 =	sadd.s32 s24, s23;
	[tilespmem:s14+$0x0] =	vst v8  }
0x62: {  	v8 =	vperm.xlane v9, v4;
	v10 =	vld [tilespmem:s12+$0x0];
	_ =	sdelay $0x1  }
0x63: {  	s13 =	sand.u32 $0xF, s13;
	v8 =	vmin.f32 v9, v8  }
0x64: {  	v9 =	vmov s13;
	v8 =	vbroadcast v8, $0x0  }
0x65: {  	vm1 =	veq.s32 v9, v2  }
0x66: {  	s22 =	simm.s32 $0x1;
	v8 =	vsel vm1, v8, v10  }
.LBB2_4:
0x67: {  	p1 =	sne.s32 s22, $0x20;
	[tilespmem:s12+$0x0] =	vst v8;
	s12 =	smov.u32 s22;
	s22 =	sadd.s32 $0x1, s22  }
0x68: {  	v8 =	vld [tilespmem:s0+$0x2020]  }
0x69: {  	v9 =	vld [tilespmem:s0+$0x2000]  }
0x6a: {  	v10 =	vld [tilespmem:s0+$0x2030]  }
0x6b: {  	v11 =	vld [tilespmem:s0+$0x2010];
	_ =	sdelay $0x3  }
0x6c: {  	v12 =	vmin.f32 v8, v10  }
0x6d: {  	v13 =	vmin.f32 v9, v11  }
0x6e: {  	v12 =	vmin.f32 v13, v12  }
0x6f: {  	v13 =	vperm.xlane v12, v0;
	_ =	sdelay $0x1  }
0x70: {  	v12 =	vmin.f32 v12, v13  }
0x71: {  	v13 =	vperm.xlane v12, v1;
	_ =	sdelay $0x1  }
0x72: {  	v12 =	vmin.f32 v12, v13  }
0x73: {  	v13 =	vperm.xlane v12, v3;
	_ =	sdelay $0x1  }
0x74: {  	v12 =	vmin.f32 v12, v13  }
0x75: {  	v13 =	vperm.xlane v12, v4;
	_ =	sdelay $0x1  }
0x76: {  	v12 =	vmin.f32 v12, v13  }
0x77: {  	v12 =	vbroadcast v12, $0x0;
	_ =	sdelay $0x1  }
0x78: {  	vm1 =	veq.f32 v9, v12;
	vm2 =	veq.f32 v8, v12;
	vm3 =	veq.f32 v10, v12  }
0x79: {  	v8 =	vnsel vm3, $0x40000000, v5  }
0x7a: {  	vm3 =	veq.f32 v11, v12;
	v8 =	vsel vm2, v6, v8  }
0x7b: {  	v8 =	vsel vm3, v7, v8  }
0x7c: {  	v8 =	vsel vm1, v2, v8  }
0x7d: {  	v9 =	vperm.xlane v8, v0;
	_ =	sdelay $0x1  }
0x7e: {  	vm1 =	vlt.s32 v8, v9  }
0x7f: {  	v8 =	vsel vm1, v8, v9  }
0x80: {  	v9 =	vperm.xlane v8, v1;
	_ =	sdelay $0x1  }
0x81: {  	vm1 =	vlt.s32 v8, v9  }
0x82: {  	v8 =	vsel vm1, v8, v9  }
0x83: {  	v9 =	vperm.xlane v8, v3;
	_ =	sdelay $0x1  }
0x84: {  	vm1 =	vlt.s32 v8, v9  }
0x85: {  	v8 =	vsel vm1, v8, v9  }
0x86: {  	v9 =	vperm.xlane v8, v4;
	_ =	sdelay $0x1  }
0x87: {  	vm1 =	vlt.s32 v8, v9  }
0x88: {  	v8 =	vsel vm1, v8, v9  }
0x89: {  	(v2sf) =	vpush v8, $0x0;
	_ =	sdelay $0xe  }
0x8a: {  	s13 =	spop (v2sf)  }
0x8b: {  	s14 =	sshll.u32 s13, $0x7;
	s23 =	sand.u32 $0xFFFFFF80, s13;
	s24 =	sand.u32 $0xF, s13  }
0x8c: {  	s21 =	sshll.u32 s13, $0x4;
	s17 =	sand.u32 $0xFFFFFC00, s14;
	s14 =	sadd.s32 s23, s1;
	v8 =	vmov s24  }
0x8d: {  	s23 =	sand.u32 $0x70, s21;
	s17 =	sadd.s32 s17, s0  }
0x8e: {  	s23 =	sadd.s32 s23, s17  }
0x8f: {  	v9 =	vld [tilespmem:s23+$0x0];
	_ =	sdelay $0x4  }
0x90: {  	vm1 =	veq.f32 v9, v12  }
0x91: {  	v10 =	vnsel vm1, $0x40000000, v2  }
0x92: {  	v11 =	vperm.xlane v10, v0;
	_ =	sdelay $0x1  }
0x93: {  	vm1 =	vlt.s32 v10, v11  }
0x94: {  	v10 =	vsel vm1, v10, v11  }
0x95: {  	v11 =	vperm.xlane v10, v1;
	_ =	sdelay $0x1  }
0x96: {  	vm1 =	vlt.s32 v10, v11  }
0x97: {  	v10 =	vsel vm1, v10, v11  }
0x98: {  	v11 =	vperm.xlane v10, v3;
	_ =	sdelay $0x1  }
0x99: {  	vm1 =	vlt.s32 v10, v11  }
0x9a: {  	v10 =	vsel vm1, v10, v11  }
0x9b: {  	v11 =	vperm.xlane v10, v4;
	_ =	sdelay $0x1  }
0x9c: {  	vm1 =	vlt.s32 v10, v11  }
0x9d: {  	v10 =	vsel vm1, v10, v11  }
0x9e: {  	v11 =	vbroadcast v10, $0x0;
	(v2sf) =	vpush v10, $0x0;
	_ =	sdelay $0x1  }
0x9f: {  	vm1 =	veq.s32 v11, v2  }
0xa0: {  	v9 =	vsel vm1, $0x7F800000, v9  }
0xa1: {  	v10 =	vperm.xlane v9, v0;
	_ =	sdelay $0x1  }
0xa2: {  	v10 =	vmin.f32 v9, v10  }
0xa3: {  	v11 =	vperm.xlane v10, v1;
	_ =	sdelay $0x1  }
0xa4: {  	v10 =	vmin.f32 v10, v11  }
0xa5: {  	v11 =	vperm.xlane v10, v3  }
0xa6: {  	s17 =	sadd.s32 s12, s30  }
0xa7: {  	s17 =	sand.u32 $0x3F8, s17;
	v10 =	vmin.f32 v10, v11  }
0xa8: {  	v11 =	vld [tilespmem:s17+$0x2400];
	v12 =	vperm.xlane v10, v4;
	_ =	sdelay $0x1  }
0xa9: {  	s12 =	sand.u32 $0x7, s12;
	v10 =	vmin.f32 v10, v12;
	s24 =	spop (v2sf)  }
0xaa: {  	v12 =	vmov s12;
	s12 =	sadd.s32 s9, s24  }
0xab: {  	vm1 =	veq.s32 v12, v2;
	s12 =	sadd.s32 s21, s12  }
0xac: {  	v11 =	vsel vm1, s12, v11  }
0xad: {  	s12 =	sand.u32 $0x70, s13;
	[tilespmem:s17+$0x2400] =	vst v11  }
0xae: {  	s12 =	sadd.s32 s12, s14;
	[tilespmem:s23+$0x0] =	vst v9  }
0xaf: {  	v9 =	vld [tilespmem:s12+$0x0]  }
.Ltmp0:
0xb0: {  	(pc) =	sbr.rel @p1 .LBB2_4-.Ltmp0, $4  }
0xb1: {  	_ = 	snop  }
0xb2: {  	v10 =	vbroadcast v10, $0x0  }
0xb3: {  	vm1 =	veq.s32 v8, v2  }
0xb4: {  	v8 =	vsel vm1, v10, v9  }
0xb5: {  	s0 =	smul.u32 $0xA0, s31;
	_ =	sdelay $0x1  }
0xb6: {  	[tilespmem:s12+$0x0] =	vst v8;
	s0 =	sshra.s32 s0, $0x2  }
0xb7: {  	v8 =	vld [tilespmem:s0+$0x2418]  }
0xb8: {  	s31 =	sadd.s32 $0x1, s31;
	v9 =	vld.msk [tilespmem:s0+$0x2400 ss:$0x0], $0xffff  }
0xb9: {  	p1 =	sne.s32 s31, $0x8  }
.Ltmp1:
0xba: {  	_ = 	snop;
	(pc) =	sbr.rel @p1 .LBB2_3-.Ltmp1, $3  }
0xbb: {  	_ =	sdelay $0x1  }
0xbc: {  	v8 =	vsel vm0, v9, v8  }
0xbd: {  	s30 =	sadd.s32 $0x28, s30;
	[tilespmem:s0+$0x2418] =	vst v8  }
0xbe: {  	s0 =	smul.u32 $0x5, s28;
	_ =	sdelay $0x1  }
0xbf: {  	s1 =	simm.s32 $0x2400;
	s0 =	sadd.s32 s7, s0  }
0xc0: {  	[hbm4b:s0+s2] =	stream.linear.scatter [tilespmem:s1], [sflag:$0x5], $0x140, $0x38;
	[tilespmem:$0x16700] =	vst v63  }
0xc1: {  	_ =	swait.ge [sflag:s15], $0x140  }
0xc2: {  	p1 =	sne.s32 s25, $0x0;
	[sflag:s15] =	ssyncset.done $0x0  }
0xc3: {  	s0 =	simm.s32 @p1 $0x3;
	[sflag:s15] =	ssyncadd.s32 $0xFFFFFEC0  }
0xc4: {  	_ =	swait.ge @p1 [sflag:s0], $0xA000  }
0xc5: {  	s12 =	simm.s32 @p1 $0x2700;
	[sflag:s0] =	ssyncset.done @p1 $0x0  }
0xc6: {  	s1 =	simm.s32 @p1 $0x2400;
	[sflag:s0] =	ssyncadd.s32 @p1 $0xFFFF6000;
	s0 =	simm.s32 @p1 $0x140  }
0xc7: {  	[tilespmem:s12], [sflag:$0x1] =	stream.indirect.gather @p1 [hbm4b:s6+s0], $0x80, s1, s0, $0xb8;
	[tilespmem:$0x16700] =	vst v63  }
0xc8: {  	s0 =	simm.s32 @p1 $0x2  }
0xc9: {  	s1 =	sadd.s32 @p1 s26, s11;
	s12 =	sor.u32 @p1 $0x8, s26;
	_ =	swait.ge @p1 [sflag:s0], $0xA000  }
0xca: {  	s1 =	smul.u32 @p1 $0x280, s1;
	s12 =	simm.s32 @!p1 $0x8;
	[sflag:s0] =	ssyncset.done @p1 $0x0  }
0xcb: {  	s13 =	simm.s32 @p1 $0xC700;
	s26 =	sor.u32 s3, s12;
	[sflag:s0] =	ssyncadd.s32 @p1 $0xFFFF6000  }
0xcc: {  	s0 =	sadd.s32 @p1 s8, s1;
	s1 =	simm.s32 @p1 $0x0;
	s24 =	sshll.u32 s26, $0x7  }
0xcd: {  	[hbm4b:s0+s1] =	stream.linear.scatter @p1 [tilespmem:s13], [sflag:$0x4], $0xA000, $0x38;
	[tilespmem:$0x16700] =	vst v63  }
0xce: {  	s0 =	simm.s32 @!p1 $0x140;
	s1 =	simm.s32 @!p1 $0x2400;
	s13 =	simm.s32 @!p1 $0x2700  }
0xcf: {  	[tilespmem:s13], [sflag:$0x1] =	stream.indirect.gather @!p1 [hbm4b:s6+s0], $0x80, s1, s0, $0xb8;
	[tilespmem:$0x16700] =	vst v63  }
0xd0: {  	s28 =	simm.s32 $0x0;
	s0 =	sadd.s32 s4, s24  }
0xd1: {  	[tilespmem:s28], [sflag:$0x5] =	stream.linear.gather [hbm4b:s0+s28], $0x2000, $0x38;
	[tilespmem:$0x16700] =	vst v63  }
0xd2: {  	_ =	swait.ge [sflag:s15], $0x2000  }
0xd3: {  	s31 =	sshll.u32 s26, $0x4;
	[sflag:s15] =	ssyncset.done $0x0  }
0xd4: {  	s0 =	sadd.s32 s5, s31;
	[sflag:s15] =	ssyncadd.s32 $0xFFFFE000  }
0xd5: {  	[tilespmem:s16], [sflag:$0x5] =	stream.linear.gather [hbm4b:s0+s28], $0x400, $0x38;
	[tilespmem:$0x16700] =	vst v63  }
0xd6: {  	_ =	swait.ge [sflag:s15], $0x400  }
0xd7: {  	[sflag:s15] =	ssyncset.done $0x0  }
0xd8: {  	s29 =	simm.s32 $0x0;
	s30 =	simm.s32 $0x0;
	[sflag:s15] =	ssyncadd.s32 $0xFFFFFC00  }
.LBB2_7:
0xd9: {  	s0 =	sshll.u32 s30, $0x7  }
0xda: {  	s0 =	sand.u32 $0x3FFFFF80, s0  }
0xdb: {  	v8 =	vld [tilespmem:s0+$0x2020]  }
0xdc: {  	v9 =	vld [tilespmem:s0+$0x2000]  }
0xdd: {  	v10 =	vld [tilespmem:s0+$0x2030]  }
0xde: {  	v11 =	vld [tilespmem:s0+$0x2010];
	_ =	sdelay $0x4  }
0xdf: {  	v12 =	vmin.f32 v8, v10;
	v13 =	vmin.f32 v9, v11  }
0xe0: {  	v12 =	vmin.f32 v13, v12  }
0xe1: {  	v13 =	vperm.xlane v12, v0;
	_ =	sdelay $0x1  }
0xe2: {  	v12 =	vmin.f32 v12, v13  }
0xe3: {  	v13 =	vperm.xlane v12, v1;
	_ =	sdelay $0x1  }
0xe4: {  	v12 =	vmin.f32 v12, v13  }
0xe5: {  	v13 =	vperm.xlane v12, v3;
	_ =	sdelay $0x1  }
0xe6: {  	v12 =	vmin.f32 v12, v13  }
0xe7: {  	v13 =	vperm.xlane v12, v4;
	_ =	sdelay $0x1  }
0xe8: {  	v12 =	vmin.f32 v12, v13  }
0xe9: {  	v12 =	vbroadcast v12, $0x0;
	_ =	sdelay $0x1  }
0xea: {  	vm1 =	veq.f32 v10, v12  }
0xeb: {  	vm2 =	veq.f32 v8, v12;
	v8 =	vnsel vm1, $0x40000000, v5  }
0xec: {  	vm1 =	veq.f32 v11, v12;
	v8 =	vsel vm2, v6, v8  }
0xed: {  	vm2 =	veq.f32 v9, v12;
	v8 =	vsel vm1, v7, v8  }
0xee: {  	v8 =	vsel vm2, v2, v8  }
0xef: {  	v9 =	vperm.xlane v8, v0;
	_ =	sdelay $0x1  }
0xf0: {  	vm1 =	vlt.s32 v8, v9  }
0xf1: {  	v8 =	vsel vm1, v8, v9  }
0xf2: {  	v9 =	vperm.xlane v8, v1;
	_ =	sdelay $0x1  }
0xf3: {  	vm1 =	vlt.s32 v8, v9  }
0xf4: {  	v8 =	vsel vm1, v8, v9  }
0xf5: {  	v9 =	vperm.xlane v8, v3;
	_ =	sdelay $0x1  }
0xf6: {  	vm1 =	vlt.s32 v8, v9  }
0xf7: {  	v8 =	vsel vm1, v8, v9  }
0xf8: {  	v9 =	vperm.xlane v8, v4;
	_ =	sdelay $0x1  }
0xf9: {  	vm1 =	vlt.s32 v8, v9  }
0xfa: {  	v8 =	vsel vm1, v8, v9  }
0xfb: {  	(v2sf) =	vpush v8, $0x0;
	_ =	sdelay $0xe  }
0xfc: {  	s13 =	spop (v2sf)  }
0xfd: {  	s1 =	sshll.u32 s13, $0x7  }
0xfe: {  	s12 =	sshll.u32 s13, $0x4;
	s1 =	sand.u32 $0xFFFFFC00, s1  }
0xff: {  	s14 =	sand.u32 $0x70, s12;
	s1 =	sadd.s32 s1, s0  }
0x100: {  	s14 =	sadd.s32 s14, s1  }
0x101: {  	v8 =	vld [tilespmem:s14+$0x0];
	_ =	sdelay $0x4  }
0x102: {  	vm1 =	veq.f32 v8, v12  }
0x103: {  	v9 =	vnsel vm1, $0x40000000, v2  }
0x104: {  	v10 =	vperm.xlane v9, v0;
	_ =	sdelay $0x1  }
0x105: {  	vm1 =	vlt.s32 v9, v10  }
0x106: {  	v9 =	vsel vm1, v9, v10  }
0x107: {  	v10 =	vperm.xlane v9, v1;
	_ =	sdelay $0x1  }
0x108: {  	vm1 =	vlt.s32 v9, v10  }
0x109: {  	v9 =	vsel vm1, v9, v10  }
0x10a: {  	v10 =	vperm.xlane v9, v3;
	_ =	sdelay $0x1  }
0x10b: {  	vm1 =	vlt.s32 v9, v10  }
0x10c: {  	v9 =	vsel vm1, v9, v10  }
0x10d: {  	v10 =	vperm.xlane v9, v4;
	_ =	sdelay $0x1  }
0x10e: {  	vm1 =	vlt.s32 v9, v10  }
0x10f: {  	v9 =	vsel vm1, v9, v10  }
0x110: {  	(v2sf) =	vpush v9, $0x0;
	_ =	sdelay $0x7  }
0x111: {  	v9 =	vbroadcast v9, $0x0;
	_ =	sdelay $0x1  }
0x112: {  	vm1 =	veq.s32 v9, v2  }
0x113: {  	s24 =	sadd.s32 $0x0, s29;
	v8 =	vsel vm1, $0x7F800000, v8  }
0x114: {  	s17 =	sand.u32 $0x3F8, s24;
	v9 =	vperm.xlane v8, v0  }
0x115: {  	v10 =	vld [tilespmem:s17+$0x2580]  }
0x116: {  	v9 =	vmin.f32 v8, v9  }
0x117: {  	s31 =	sand.u32 $0x7, s28;
	v11 =	vperm.xlane v9, v1;
	s21 =	spop (v2sf)  }
0x118: {  	v63 =	vmov s31;
	s22 =	sadd.s32 s9, s21  }
0x119: {  	vm1 =	veq.s32 v63, v2;
	v9 =	vmin.f32 v9, v11;
	s12 =	sadd.s32 s12, s22  }
0x11a: {  	s23 =	sand.u32 $0xFFFFFF80, s13;
	s1 =	sadd.s32 $0x2000, s0;
	v11 =	vperm.xlane v9, v3;
	v10 =	vsel vm1, s12, v10  }
0x11b: {  	s31 =	sand.u32 $0x70, s13;
	s24 =	sadd.s32 s23, s1;
	[tilespmem:s17+$0x2580] =	vst v10  }
0x11c: {  	v9 =	vmin.f32 v9, v11;
	s12 =	sadd.s32 s31, s24;
	[tilespmem:s14+$0x0] =	vst v8  }
0x11d: {  	v8 =	vperm.xlane v9, v4;
	v10 =	vld [tilespmem:s12+$0x0];
	_ =	sdelay $0x1  }
0x11e: {  	s13 =	sand.u32 $0xF, s13;
	v8 =	vmin.f32 v9, v8  }
0x11f: {  	v9 =	vmov s13;
	v8 =	vbroadcast v8, $0x0  }
0x120: {  	vm1 =	veq.s32 v9, v2  }
0x121: {  	s22 =	simm.s32 $0x1;
	v8 =	vsel vm1, v8, v10  }
.LBB2_8:
0x122: {  	p1 =	sne.s32 s22, $0x20;
	[tilespmem:s12+$0x0] =	vst v8;
	s12 =	smov.u32 s22;
	s22 =	sadd.s32 $0x1, s22  }
0x123: {  	v8 =	vld [tilespmem:s0+$0x2020]  }
0x124: {  	v9 =	vld [tilespmem:s0+$0x2000]  }
0x125: {  	v10 =	vld [tilespmem:s0+$0x2030]  }
0x126: {  	v11 =	vld [tilespmem:s0+$0x2010];
	_ =	sdelay $0x3  }
0x127: {  	v12 =	vmin.f32 v8, v10  }
0x128: {  	v13 =	vmin.f32 v9, v11  }
0x129: {  	v12 =	vmin.f32 v13, v12  }
0x12a: {  	v13 =	vperm.xlane v12, v0;
	_ =	sdelay $0x1  }
0x12b: {  	v12 =	vmin.f32 v12, v13  }
0x12c: {  	v13 =	vperm.xlane v12, v1;
	_ =	sdelay $0x1  }
0x12d: {  	v12 =	vmin.f32 v12, v13  }
0x12e: {  	v13 =	vperm.xlane v12, v3;
	_ =	sdelay $0x1  }
0x12f: {  	v12 =	vmin.f32 v12, v13  }
0x130: {  	v13 =	vperm.xlane v12, v4;
	_ =	sdelay $0x1  }
0x131: {  	v12 =	vmin.f32 v12, v13  }
0x132: {  	v12 =	vbroadcast v12, $0x0;
	_ =	sdelay $0x1  }
0x133: {  	vm1 =	veq.f32 v9, v12;
	vm2 =	veq.f32 v8, v12;
	vm3 =	veq.f32 v10, v12  }
0x134: {  	v8 =	vnsel vm3, $0x40000000, v5  }
0x135: {  	vm3 =	veq.f32 v11, v12;
	v8 =	vsel vm2, v6, v8  }
0x136: {  	v8 =	vsel vm3, v7, v8  }
0x137: {  	v8 =	vsel vm1, v2, v8  }
0x138: {  	v9 =	vperm.xlane v8, v0;
	_ =	sdelay $0x1  }
0x139: {  	vm1 =	vlt.s32 v8, v9  }
0x13a: {  	v8 =	vsel vm1, v8, v9  }
0x13b: {  	v9 =	vperm.xlane v8, v1;
	_ =	sdelay $0x1  }
0x13c: {  	vm1 =	vlt.s32 v8, v9  }
0x13d: {  	v8 =	vsel vm1, v8, v9  }
0x13e: {  	v9 =	vperm.xlane v8, v3;
	_ =	sdelay $0x1  }
0x13f: {  	vm1 =	vlt.s32 v8, v9  }
0x140: {  	v8 =	vsel vm1, v8, v9  }
0x141: {  	v9 =	vperm.xlane v8, v4;
	_ =	sdelay $0x1  }
0x142: {  	vm1 =	vlt.s32 v8, v9  }
0x143: {  	v8 =	vsel vm1, v8, v9  }
0x144: {  	(v2sf) =	vpush v8, $0x0;
	_ =	sdelay $0xe  }
0x145: {  	s13 =	spop (v2sf)  }
0x146: {  	s14 =	sshll.u32 s13, $0x7;
	s17 =	sand.u32 $0xFFFFFF80, s13;
	s23 =	sand.u32 $0xF, s13  }
0x147: {  	s21 =	sshll.u32 s13, $0x4;
	s24 =	sand.u32 $0xFFFFFC00, s14;
	s14 =	sadd.s32 s17, s1;
	v8 =	vmov s23  }
0x148: {  	s17 =	sand.u32 $0x70, s21;
	s23 =	sadd.s32 s24, s0  }
0x149: {  	s23 =	sadd.s32 s17, s23  }
0x14a: {  	v9 =	vld [tilespmem:s23+$0x0];
	_ =	sdelay $0x4  }
0x14b: {  	vm1 =	veq.f32 v9, v12  }
0x14c: {  	v10 =	vnsel vm1, $0x40000000, v2  }
0x14d: {  	v11 =	vperm.xlane v10, v0;
	_ =	sdelay $0x1  }
0x14e: {  	vm1 =	vlt.s32 v10, v11  }
0x14f: {  	v10 =	vsel vm1, v10, v11  }
0x150: {  	v11 =	vperm.xlane v10, v1;
	_ =	sdelay $0x1  }
0x151: {  	vm1 =	vlt.s32 v10, v11  }
0x152: {  	v10 =	vsel vm1, v10, v11  }
0x153: {  	v11 =	vperm.xlane v10, v3;
	_ =	sdelay $0x1  }
0x154: {  	vm1 =	vlt.s32 v10, v11  }
0x155: {  	v10 =	vsel vm1, v10, v11  }
0x156: {  	v11 =	vperm.xlane v10, v4;
	_ =	sdelay $0x1  }
0x157: {  	vm1 =	vlt.s32 v10, v11  }
0x158: {  	v10 =	vsel vm1, v10, v11  }
0x159: {  	v11 =	vbroadcast v10, $0x0;
	(v2sf) =	vpush v10, $0x0;
	_ =	sdelay $0x1  }
0x15a: {  	vm1 =	veq.s32 v11, v2  }
0x15b: {  	v9 =	vsel vm1, $0x7F800000, v9  }
0x15c: {  	v10 =	vperm.xlane v9, v0;
	_ =	sdelay $0x1  }
0x15d: {  	v10 =	vmin.f32 v9, v10  }
0x15e: {  	v11 =	vperm.xlane v10, v1;
	_ =	sdelay $0x1  }
0x15f: {  	v10 =	vmin.f32 v10, v11  }
0x160: {  	v11 =	vperm.xlane v10, v3  }
0x161: {  	s17 =	sadd.s32 s12, s29  }
0x162: {  	s17 =	sand.u32 $0x3F8, s17;
	v10 =	vmin.f32 v10, v11  }
0x163: {  	v11 =	vld [tilespmem:s17+$0x2580];
	v12 =	vperm.xlane v10, v4;
	_ =	sdelay $0x1  }
0x164: {  	s12 =	sand.u32 $0x7, s12;
	v10 =	vmin.f32 v10, v12;
	s24 =	spop (v2sf)  }
0x165: {  	v12 =	vmov s12;
	s12 =	sadd.s32 s9, s24  }
0x166: {  	vm1 =	veq.s32 v12, v2;
	s12 =	sadd.s32 s21, s12  }
0x167: {  	v11 =	vsel vm1, s12, v11  }
0x168: {  	s12 =	sand.u32 $0x70, s13;
	[tilespmem:s17+$0x2580] =	vst v11  }
0x169: {  	s12 =	sadd.s32 s12, s14;
	[tilespmem:s23+$0x0] =	vst v9  }
0x16a: {  	v9 =	vld [tilespmem:s12+$0x0]  }
.Ltmp2:
0x16b: {  	(pc) =	sbr.rel @p1 .LBB2_8-.Ltmp2, $4  }
0x16c: {  	_ = 	snop  }
0x16d: {  	v10 =	vbroadcast v10, $0x0  }
0x16e: {  	vm1 =	veq.s32 v8, v2  }
0x16f: {  	v8 =	vsel vm1, v10, v9  }
0x170: {  	s0 =	smul.u32 $0xA0, s30;
	_ =	sdelay $0x1  }
0x171: {  	[tilespmem:s12+$0x0] =	vst v8;
	s0 =	sshra.s32 s0, $0x2  }
0x172: {  	v8 =	vld [tilespmem:s0+$0x2598]  }
0x173: {  	s30 =	sadd.s32 $0x1, s30;
	v9 =	vld.msk [tilespmem:s0+$0x2580 ss:$0x0], $0xffff  }
0x174: {  	p1 =	sne.s32 s30, $0x8  }
.Ltmp3:
0x175: {  	_ = 	snop;
	(pc) =	sbr.rel @p1 .LBB2_7-.Ltmp3, $3  }
0x176: {  	_ =	sdelay $0x1  }
0x177: {  	v8 =	vsel vm0, v9, v8  }
0x178: {  	s29 =	sadd.s32 $0x28, s29;
	[tilespmem:s0+$0x2598] =	vst v8  }
0x179: {  	s0 =	smul.u32 $0x5, s26;
	_ =	sdelay $0x1  }
0x17a: {  	s0 =	sadd.s32 s7, s0  }
0x17b: {  	[hbm4b:s0+s2] =	stream.linear.scatter [tilespmem:s18], [sflag:$0x5], $0x140, $0x38;
	[tilespmem:$0x16700] =	vst v63  }
0x17c: {  	_ =	swait.ge [sflag:s15], $0x140  }
0x17d: {  	[sflag:s15] =	ssyncset.done $0x0  }
0x17e: {  	s0 =	simm.s32 @!p0 $0x4;
	[sflag:s15] =	ssyncadd.s32 $0xFFFFFEC0  }
0x17f: {  	_ =	swait.ge @!p0 [sflag:s0], $0xA000  }
0x180: {  	s25 =	sadd.s32 $0x1, s25;
	[sflag:s0] =	ssyncset.done @!p0 $0x0  }
0x181: {  	[sflag:s0] =	ssyncadd.s32 @!p0 $0xFFFF6000;
	p0 =	sne.s32 s25, $0x8  }
.Ltmp4:
0x182: {  	_ = 	snop;
	(pc) =	sbr.rel @p0 .LBB2_2-.Ltmp4, $2  }
0x183: {  	_ =	sdelay $0x2  }
0x184: {  	[tilespmem:s20], [sflag:$0x2] =	stream.indirect.gather [hbm4b:s6+s19], $0x80, s18, s19, $0xb8;
	[tilespmem:$0x16700] =	vst v63  }
0x185: {  	s0 =	simm.s32 $0x1  }
0x186: {  	_ =	swait.ge [sflag:s0], $0xA000  }
0x187: {  	[sflag:s0] =	ssyncset.done $0x0  }
0x188: {  	s1 =	simm.s32 $0x2700;
	s26 =	rddreg [dreg:$0x2];
	[sflag:s0] =	ssyncadd.s32 $0xFFFF6000  }
0x189: {  	[hbm4b:s26+s2] =	stream.linear.scatter [tilespmem:s1], [sflag:$0x5], $0xA000, $0x38;
	[tilespmem:$0x16700] =	vst v63  }
0x18a: {  	_ =	swait.ge [sflag:s15], $0xA000  }
0x18b: {  	[sflag:s15] =	ssyncset.done $0x0  }
0x18c: {  	s28 =	simm.s32 $0x2;
	[sflag:s15] =	ssyncadd.s32 $0xFFFF6000  }
0x18d: {  	_ =	swait.ge [sflag:s28], $0xA000  }
0x18e: {  	[sflag:s28] =	ssyncset.done $0x0  }
0x18f: {  	s29 =	rddreg [dreg:$0x3];
	[sflag:s28] =	ssyncadd.s32 $0xFFFF6000  }
0x190: {  	[hbm4b:s29+s2] =	stream.linear.scatter [tilespmem:s20], [sflag:$0x5], $0xA000, $0x38;
	[tilespmem:$0x16700] =	vst v63  }
0x191: {  	_ =	swait.ge [sflag:s15], $0xA000  }
0x192: {  	s30 =	rddreg [dreg:$0x5]  }
0x193: {  	s31 =	rddreg [dreg:$0x4];
	s1 =	sadd.s32 $0x1, s30  }
0x194: {  	p0 =	sne.s32 s1, s31  }
.Ltmp5:
0x195: {  	_ = 	snop;
	(pc) =	sbr.rel @p0 .LBB2_1-.Ltmp5, $3  }
0x196: {  	_ =	sdelay $0x1  }
0x197: {  	[sflag:s15] =	ssyncset.done $0x0  }
0x198: {  	[sflag:s15] =	ssyncadd.s32 $0xFFFF6000  }
0x199: {  	_ =	sfence.sel $0x180000  }
0x19a: {  	[bflag:$0x0] =	sbarrier.arrive $0xFFFF  }
0x19b: {  	_ =	strace $0x90000047  }
0x19c: {  	s0 =	stileid.u32;
	[bflag:$0x2] =	sbarrier.arrive $0xFFFF  }
0x19d: {  	p0 =	sne.s32 s0, $0x0;
	s0 =	rddreg [dreg:$0x1]  }
0x19e: {  	s0 =	sadd.s32 @!p0 $0x100000, s0  }
0x19f: {  	[sflag:s0] =	ssyncadd.tile.s32 @!p0 $0x1;
	_ =	shalt  }
.Lfunc_end2:
_tile_overlayer_lowered:
.L_overlay_start_2:
0x1a0: {  	(tag) =	ssettag $0x2  }
0x1a1: {  	s0 =	rddreg [dreg:$0x0];
	s2 =	stileid.u32  }
0x1a2: {  	s1 =	rddreg [dreg:$0x1];
	p0 =	sne.s32 s2, $0x0  }
0x1a3: {  	s3 =	rddreg [dreg:$0x2];
	[bflag:$0x3] =	sbarrier.arrive $0xFFFF;
	s2 =	simm.s32 @!p0 $0x1C05  }
0x1a4: {  	[timem:s3], [sflag:s2] =	dma.local @!p0 [hbm:s0], s1  }
0x1a5: {  	s0 =	simm.s32 @!p0 $0x5  }
0x1a6: {  	_ =	swait.ge @!p0 [sflag:s0], s1  }
0x1a7: {  	s1 =	ssub.s32 @!p0 $0x0, s1;
	[sflag:s0] =	ssyncset.done @!p0 $0x0  }
0x1a8: {  	[sflag:s0] =	ssyncadd.s32 @!p0 s1  }
0x1a9: {  	[bflag:$0x3] =	sbarrier.arrive $0xFFFF  }
0x1aa: {  	_ =	shalt  }

// kernel: kernel.18.cloned.1.call-start
scs
__scs_entry_jumppad:
0x0: {  	(pc) =	sbr.rel $0x88, $3  }
0x1: {  	(tag) =	ssettag $0x0;
	lr =	simm.s32 $0x1  }
0x2: {  	[smem:$0x3F93] =	sst lr;
	_ =	strace $0xD0000000  }
0x3: {  	_ = 	snop  }
0x4: {  	_ = 	snop  }
0x5: {  	_ = 	snop  }
0x6: {  	_ = 	snop  }
0x7: {  	_ = 	snop  }
__scs_overlays_trampoline_lowered:
0x8: {  	[smem:$0x3FA2] =	sst s0  }
0x9: {  	[smem:$0x3FA3] =	sst s1  }
0xa: {  	[smem:$0x3FA4] =	sst s2  }
0xb: {  	[smem:$0x3FA5] =	sst s3  }
0xc: {  	[smem:$0x3FA6] =	sst s4  }
0xd: {  	[smem:$0x3FA7] =	sst s5  }
0xe: {  	[smem:$0x3FA8] =	sst s6  }
0xf: {  	[smem:$0x3FA9] =	sst s7  }
0x10: {  	[smem:$0x3FAA] =	sst s8  }
0x11: {  	[smem:$0x3FAB] =	sst s9;
	s0 =	simm.s32 @!p0 $0x0  }
0x12: {  	s1 =	sld [smem:$0x3F91];
	s0 =	simm.s32 @p0 $0x1  }
0x13: {  	[smem:$0x3FAC] =	sst s0;
	s0 =	simm.s32 @!p1 $0x0  }
0x14: {  	s2 =	sld [smem:$0x3F90];
	s0 =	simm.s32 @p1 $0x1  }
0x15: {  	[smem:$0x3FAD] =	sst s0;
	s0 =	simm.s32 @!p2 $0x0  }
0x16: {  	s3 =	sld [smem:$0x3FDB];
	s0 =	simm.s32 @p2 $0x1  }
0x17: {  	s4 =	simm.s32 $0x1BF5;
	[smem:$0x3FAF] =	sst s0  }
0x18: {  	s0 =	sld [smem:$0x3F92];
	_ =	swait.ge [sflag:s4], $0x0  }
0x19: {  	s7 =	sld [smem:$0x3F93]  }
0x1a: {  	s8 =	sadd.s32 $0xFFFFE003, lr  }
0x1b: {  	s9 =	sadd.s32 $0xFFFFFEF7, lr;
	s5 =	simm.s32 $0xFFFFFFFF;
	p2 =	slt.u32 s8, $0xFFFFF086  }
0x1c: {  	p1 =	slt.u32 s9, $0xF7A;
	s5 =	simm.s32 @!p2 $0x0  }
0x1d: {  	s5 =	simm.s32 @p1 $0x1;
	p0 =	seq.s32 s7, s2  }
0x1e: {  	s7 =	smul.u32 @!p0 $0xF7A, s2;
	p2 =	seq.s32 @!p0 s5, $0x0  }
0x1f: {  	s9 =	smul.u32 $0xF7A, s1;
	s8 =	simm.s32 @!p0 $0x1BF5;
	p2 =	por !p2, p0  }
0x20: {  	[sflag:s8] =	ssyncset.s32 @!p0 $0xFFFFF086;
	s6 =	sadd.s32 @!p0 s3, s7;
	s7 =	simm.s32 @!p0 $0x108  }
0x21: {  	s3 =	sadd.s32 s3, s9;
	s6 =	sadd.s32 @!p0 $0x88, s6;
	s7 =	simm.s32 @p2 $0x1082  }
0x22: {  	[simem:s7], [sflag:s8] =	dma.local @!p0 [hbm:s6], $0xF7A  }
0x23: {  	s9 =	sor.u32 $0xD0000000, s2;
	s6 =	simm.s32 $0x108;
	_ =	swait.ge @!p0 [sflag:s8], $0x0  }
0x24: {  	s3 =	sadd.s32 $0x88, s3;
	s6 =	simm.s32 @!p1 $0x1082;
	[sflag:s4] =	ssyncset.s32 $0xFFFFF086  }
0x25: {  	[simem:s6], [sflag:s4] =	dma.local [hbm:s3], $0xF7A  }
0x26: {  	[smem:$0x3F93] =	sst s1;
	(tag) =	ssettag s2;
	_ =	strace s9  }
0x27: {  	s1 =	sld [smem:$0x3FA3]  }
0x28: {  	s2 =	sld [smem:$0x3FA4]  }
0x29: {  	s4 =	sld [smem:$0x3FA6]  }
0x2a: {  	p0 =	seq.s32 s5, $0x0;
	s5 =	sld [smem:$0x3FA7]  }
0x2b: {  	s6 =	sld [smem:$0x3FA8]  }
0x2c: {  	s7 =	sld [smem:$0x3FA9]  }
0x2d: {  	s3 =	simm.s32 $0x108;
	s8 =	sld [smem:$0x3FAA]  }
0x2e: {  	s3 =	simm.s32 @!p0 $0x1082;
	s9 =	sld [smem:$0x3FAB]  }
0x2f: {  	lr =	sadd.s32 s0, s3;
	s0 =	sld [smem:$0x3FA2]  }
0x30: {  	s3 =	sld [smem:$0x3FA5]  }
0x31: {  	[smem:$0x3FAE] =	sst s10  }
0x32: {  	s10 =	sld [smem:$0x3FAC];
	_ =	sdelay $0x3  }
0x33: {  	p0 =	seq.s32 s10, $0x1;
	s10 =	sld [smem:$0x3FAE];
	_ =	sdelay $0x3  }
0x34: {  	[smem:$0x3FAE] =	sst s10  }
0x35: {  	s10 =	sld [smem:$0x3FAD];
	_ =	sdelay $0x3  }
0x36: {  	p1 =	seq.s32 s10, $0x1;
	s10 =	sld [smem:$0x3FAE];
	_ =	sdelay $0x3  }
0x37: {  	[smem:$0x3FAE] =	sst s10  }
0x38: {  	s10 =	sld [smem:$0x3FAF]  }
0x39: {  	_ = 	snop;
	(pc) =	sbr.ind lr, $3  }
0x3a: {  	_ = 	snop  }
0x3b: {  	_ = 	snop  }
0x3c: {  	p2 =	seq.s32 s10, $0x1;
	s10 =	sld [smem:$0x3FAE]  }
0x3d: {  	_ =	shalt  }
0x3e: {  	_ =	shalt  }
0x3f: {  	_ =	shalt  }
0x40: {  	_ =	shalt  }
0x41: {  	_ =	shalt  }
0x42: {  	_ =	shalt  }
0x43: {  	_ =	shalt  }
0x44: {  	_ =	shalt  }
0x45: {  	_ =	shalt  }
0x46: {  	_ =	shalt  }
0x47: {  	_ =	shalt  }
0x48: {  	_ =	shalt  }
0x49: {  	_ =	shalt  }
0x4a: {  	_ =	shalt  }
0x4b: {  	_ =	shalt  }
0x4c: {  	_ =	shalt  }
0x4d: {  	_ =	shalt  }
0x4e: {  	_ =	shalt  }
0x4f: {  	_ =	shalt  }
0x50: {  	_ =	shalt  }
0x51: {  	_ =	shalt  }
0x52: {  	_ =	shalt  }
0x53: {  	_ =	shalt  }
0x54: {  	_ =	shalt  }
0x55: {  	_ =	shalt  }
0x56: {  	_ =	shalt  }
0x57: {  	_ =	shalt  }
0x58: {  	_ =	shalt  }
0x59: {  	_ =	shalt  }
0x5a: {  	_ =	shalt  }
0x5b: {  	_ =	shalt  }
0x5c: {  	_ =	shalt  }
0x5d: {  	_ =	shalt  }
0x5e: {  	_ =	shalt  }
0x5f: {  	_ =	shalt  }
0x60: {  	_ =	shalt  }
0x61: {  	_ =	shalt  }
0x62: {  	_ =	shalt  }
0x63: {  	_ =	shalt  }
0x64: {  	_ =	shalt  }
0x65: {  	_ =	shalt  }
0x66: {  	_ =	shalt  }
0x67: {  	_ =	shalt  }
0x68: {  	_ =	shalt  }
0x69: {  	_ =	shalt  }
0x6a: {  	_ =	shalt  }
0x6b: {  	_ =	shalt  }
0x6c: {  	_ =	shalt  }
0x6d: {  	_ =	shalt  }
0x6e: {  	_ =	shalt  }
0x6f: {  	_ =	shalt  }
0x70: {  	_ =	shalt  }
0x71: {  	_ =	shalt  }
0x72: {  	_ =	shalt  }
0x73: {  	_ =	shalt  }
0x74: {  	_ =	shalt  }
0x75: {  	_ =	shalt  }
0x76: {  	_ =	shalt  }
0x77: {  	_ =	shalt  }
0x78: {  	_ =	shalt  }
0x79: {  	_ =	shalt  }
0x7a: {  	_ =	shalt  }
0x7b: {  	_ =	shalt  }
0x7c: {  	_ =	shalt  }
0x7d: {  	_ =	shalt  }
0x7e: {  	_ =	shalt  }
0x7f: {  	_ =	shalt  }
0x80: {  	_ =	shalt  }
0x81: {  	_ =	shalt  }
0x82: {  	_ =	shalt  }
0x83: {  	_ =	shalt  }
0x84: {  	_ =	shalt  }
0x85: {  	_ =	shalt  }
0x86: {  	_ =	shalt  }
0x87: {  	_ =	shalt  }
.Lfunc_end0:
.L_simem_size_0:
called_computation.1_lowered:
.L_overlay_start_0:
0x88: {  	s2 =	sld [smem:$0x3FD9]  }
0x89: {  	s3 =	sld [smem:$0x3FFE];
	_ =	sdelay $0x1  }
0x8a: {  	s1 =	srdreg.scid  }
0x8b: {  	s0 =	sand.u32 $0x1, s1  }
0x8c: {  	s16 =	sshll.u32 s0, $0xA;
	s2 =	sadd.s32 s3, s2  }
0x8d: {  	s2 =	sadd.s32 s2, s16  }
0x8e: {  	[smem:$0x3FBA] =	sst s2  }
0x8f: {  	_ = 	snop  }
0x90: {  	(tm) =	ssettm $0x1  }
0x91: {  	s17 =	sld [smem:$0x3FFB];
	_ =	sdelay $0x3  }
0x92: {  	_ =	strace s17  }
0x93: {  	s2 =	sld [smem:$0x3FFC];
	_ =	sdelay $0x3  }
0x94: {  	_ =	strace s2  }
0x95: {  	s2 =	sld [smem:$0x3FFD];
	_ =	sdelay $0x3  }
0x96: {  	_ =	strace s2  }
0x97: {  	_ =	strace $0x8FFFFFFF  }
0x98: {  	s18 =	sld [smem:$0x3FDB];
	_ =	sdelay $0x1  }
0x99: {  	s19 =	simm.s32 $_scs_section_size  }
0x9a: {  	s4 =	simm.s32 $_size__tile_overlayer_lowered;
	s5 =	simm.s32 $_tile_overlayer_lowered  }
0x9b: {  	s22 =	simm.s32 $0x1BFF;
	s21 =	sshll.u32 s5, $0x1;
	s2 =	sadd.s32 s19, s18  }
0x9c: {  	s6 =	simm.s32 $0x0;
	s20 =	sshll.u32 s4, $0x1;
	s4 =	sadd.s32 s21, s2  }
0x9d: {  	[timem:s6], [sflag:s22] =	dma.local [hbm:s4], s20  }
0x9e: {  	_ =	swait.ge [sflag:s22], s20  }
0x9f: {  	s3 =	ssub.s32 $0x0, s20;
	[sflag:s22] =	ssyncset.done $0x0  }
0xa0: {  	[sflag:s22] =	ssyncadd.s32 s3;
	_ =	sdelay $0x1  }
0xa1: {  	s23 =	simm.s32 $0x1B8B  }
0xa2: {  	_ =	swait.ge [sflag:s23], $0x1  }
0xa3: {  	[sflag:s23] =	ssyncset.done $0x0  }
0xa4: {  	s25 =	simm.s32 $0x1B8E;
	s24 =	sld [smem:$0x3FFE];
	[sflag:s23] =	ssyncadd.s32 $0xFFFFFFFF  }
0xa5: {  	s26 =	simm.s32 $execute0_lowered;
	[smem:$0x3FD2] =	sst s25  }
0xa6: {  	s4 =	sshll.u32 s26, $0x1;
	_ =	strace $0x80000049;
	[dreg:$0x1] =	wrdreg $0xFFFFFFFF  }
0xa7: {  	s28 =	simm.s32 $_size_execute0_lowered;
	s2 =	sadd.s32 s2, s4;
	[dreg:$0x0] =	wrdreg $0x0  }
0xa8: {  	s4 =	sshll.u32 s28, $0x1;
	[dreg:$0x2] =	wrdreg s2  }
0xa9: {  	[dreg:$0x3] =	wrdreg s4  }
0xaa: {  	[dreg:$0x4] =	wrdreg $0xC0  }
0xab: {  	_ =	task [dreg:s6], $0x5FFFF  }
0xac: {  	[dreg:$0x1] =	wrdreg $0xFFFFFFFF  }
0xad: {  	[dreg:$0x0] =	wrdreg $0x60  }
0xae: {  	[dreg:$0x2] =	wrdreg s24  }
0xaf: {  	[dreg:$0x3] =	wrdreg $0x9  }
0xb0: {  	_ =	task.clear_ibuf [dreg:s6], $0x4FFFF;
	_ =	strace $0x90000049  }
0xb1: {  	s29 =	simm.s32 $0x9;
	_ =	strace $0x8000004B  }
0xb2: {  	_ =	swait.ge [sflag:s29], $0x1  }
0xb3: {  	[sflag:s29] =	ssyncadd.s32 $0xFFFFFFFF  }
0xb4: {  	_ =	strace $0x9000004B  }
0xb5: {  	_ =	sfence  }
0xb6: {  	s30 =	sld [smem:$0x0];
	_ =	sdelay $0x2  }
0xb7: {  	s31 =	sshll.u32 s1, $0xD;
	s1 =	sshrl.u32 s1, $0x2  }
0xb8: {  	s3 =	sand.u32 $0x4000, s31;
	s1 =	sadd.s32 s1, s30  }
0xb9: {  	s0 =	sor.u32 s3, s0;
	s1 =	sshll.u32 s1, $0x11  }
0xba: {  	s0 =	sor.u32 s1, s0  }
0xbb: {  	s0 =	sadd.s32 $0x8F2B, s0  }
0xbc: {  	[sflag:s0] =	ssyncadd.remote.s32 $0x1  }
0xbd: {  	_ =	sfence.sel $0xFFFF  }
0xbe: {  	[dreg:$0x0] =	wrdreg $0xFFFFFFFF;
	(pc) =	sbr.abs _section_cstart, $3  }
0xbf: {  	[dreg:$0x1] =	wrdreg $0xFFFFFFFF  }
0xc0: {  	_ =	task.clear_ibuf [dreg:s6], $0x2FFFF;
	_ =	strace $0x9FFFFFFF  }
0xc1: {  	(tm) =	ssettm $0x7FFFFFFF  }
tec
execute0_lowered:
.L_overlay_start_1:
0x0: {  	(tag) =	ssettag $0x1  }
0x1: {  	v0 =	vimm.s32 $0xFEDCBA98;
	v1 =	vimm.s32 $0x76543210;
	v2 =	vimm.s32 $0xBA98FEDC  }
0x2: {  	s0 =	rddreg [dreg:$0x0];
	s2 =	simm.s32 $0x0;
	s1 =	srdreg.scid;
	v3 =	vimm.s32 $0x32107654;
	v4 =	vimm.s32 $0xDCFE98BA;
	v5 =	vimm.s32 $0x54761032  }
0x3: {  	s3 =	stileid.u32;
	v6 =	vimm.s32 $0xEFCDAB89;
	v7 =	vimm.s32 $0x67452301;
	s15 =	simm.s32 $0x5;
	s16 =	simm.s32 $0x2000  }
0x4: {  	s18 =	simm.s32 $0x2580;
	s19 =	simm.s32 $0x140;
	v0 =	vunpack.c.l.s4.s8 v0;
	s1 =	sand.u32 $0x1, s1;
	v1 =	vunpack.c.l.s4.s8 v1;
	v2 =	vunpack.c.l.s4.s8 v2  }
0x5: {  	s20 =	simm.s32 $0xC700;
	s9 =	sshll.u32 s3, $0x8;
	v3 =	vunpack.c.l.s4.s8 v3;
	v4 =	vunpack.c.l.s4.s8 v4;
	v5 =	vunpack.c.l.s4.s8 v5;
	s29 =	sshll.u32 s1, $0x7  }
0x6: {  	[smem:$0x7FF] =	sst s2;
	s4 =	sadd.s32 $0x15800, s0;
	v6 =	vunpack.c.l.s4.s8 v6;
	v7 =	vunpack.c.l.s4.s8 v7;
	v0 =	vunpack.c.0.s8.s32 v0;
	s3 =	sor.u32 s29, s9  }
0x7: {  	s5 =	sadd.s32 $0x95800, s0;
	s1 =	ssub.s32 $0x2, s1;
	v2 =	vunpack.c.0.s8.s32 v2;
	v3 =	vunpack.c.0.s8.s32 v3;
	v4 =	vunpack.c.0.s8.s32 v4;
	s10 =	smul.u32 $0x1400, s3  }
0x8: {  	s6 =	sadd.s32 $0x5800, s0;
	s7 =	sadd.s32 $0xA5800, s0;
	s30 =	sshrl.u32 s1, $0x1;
	v5 =	vunpack.c.0.s8.s32 v5;
	v6 =	vunpack.c.0.s8.s32 v6;
	v7 =	vunpack.c.0.s8.s32 v7  }
0x9: {  	s8 =	sadd.s32 $0xAA800, s0;
	v1 =	vunpack.c.0.s8.s32 v1;
	s0 =	ssub.s32 s1, s30;
	v2 =	vcombine.low v3, v2;
	s10 =	sshrl.u32 s10, $0x3  }
0xa: {  	_ =	strace $0x8000004A;
	s0 =	smax.u32 s0, $0x1;
	v0 =	vand.u32 $0xF, v0;
	v3 =	vcombine.low v5, v4;
	v4 =	vcombine.low v7, v6;
	s31 =	sadd.s32 s8, s10  }
0xb: {  	vm0 =	vcmask $0x3F24;
	s9 =	sand.u32 $0xC00, s9;
	[dreg:$0x4] =	wrdreg s0;
	v0 =	vcombine.low v0, v1;
	v1 =	vand.u32 $0xF, v2;
	s12 =	sadd.s32 $0x11800, s31  }
0xc: {  	s11 =	sadd.s32 $0xFFFFFFF8, s3;
	v2 =	vlaneseq.u32;
	v3 =	vand.u32 $0xF, v3;
	v4 =	vand.u32 $0xF, v4;
	s1 =	sadd.s32 $0x12C00, s31;
	[dreg:$0x2] =	wrdreg s12  }
0xd: {  	s10 =	sadd.s32 $0xFFFFFFF0, s3;
	v5 =	vor.u32 $0x30, v2;
	v6 =	vor.u32 $0x20, v2;
	v7 =	vor.u32 $0x10, v2;
	[dreg:$0x3] =	wrdreg s1;
	s1 =	simm.s32 $0x0  }
.LBB2_1:
0xe: {  	[dreg:$0x5] =	wrdreg s1;
	s25 =	simm.s32 $0x0  }
.LBB2_2:
0xf: {  	p0 =	seq.s32 s25, $0x0;
	s26 =	sshll.u32 s25, $0x4  }
0x10: {  	s0 =	simm.s32 @!p0 $0x1;
	s1 =	sadd.s32 @!p0 s26, s10  }
0x11: {  	s28 =	sor.u32 s3, s26;
	_ =	swait.ge @!p0 [sflag:s0], $0xA000;
	s1 =	smul.u32 @!p0 $0x280, s1  }
0x12: {  	s12 =	simm.s32 @!p0 $0x2700;
	s23 =	sshll.u32 s28, $0x7;
	[sflag:s0] =	ssyncset.done @!p0 $0x0  }
0x13: {  	[sflag:s0] =	ssyncadd.s32 @!p0 $0xFFFF6000;
	s0 =	sadd.s32 @!p0 s8, s1;
	s1 =	simm.s32 @!p0 $0x0  }
0x14: {  	[hbm4b:s0+s1] =	stream.linear.scatter @!p0 [tilespmem:s12], [sflag:$0x3], $0xA000, $0x38;
	[tilespmem:$0x16700] =	vst v63  }
0x15: {  	s29 =	simm.s32 $0x0;
	s0 =	sadd.s32 s4, s23  }
0x16: {  	[tilespmem:s29], [sflag:$0x5] =	stream.linear.gather [hbm4b:s0+s29], $0x2000, $0x38;
	[tilespmem:$0x16700] =	vst v63  }
0x17: {  	_ =	swait.ge [sflag:s15], $0x2000  }
0x18: {  	s24 =	sshll.u32 s28, $0x4;
	[sflag:s15] =	ssyncset.done $0x0  }
0x19: {  	s0 =	sadd.s32 s5, s24;
	[sflag:s15] =	ssyncadd.s32 $0xFFFFE000  }
0x1a: {  	[tilespmem:s16], [sflag:$0x5] =	stream.linear.gather [hbm4b:s0+s29], $0x400, $0x38;
	[tilespmem:$0x16700] =	vst v63  }
0x1b: {  	_ =	swait.ge [sflag:s15], $0x400  }
0x1c: {  	[sflag:s15] =	ssyncset.done $0x0  }
0x1d: {  	s30 =	simm.s32 $0x0;
	s31 =	simm.s32 $0x0;
	[sflag:s15] =	ssyncadd.s32 $0xFFFFFC00  }
.LBB2_3:
0x1e: {  	s0 =	sshll.u32 s31, $0x7  }
0x1f: {  	s0 =	sand.u32 $0x3FFFFF80, s0  }
0x20: {  	v8 =	vld [tilespmem:s0+$0x2020]  }
0x21: {  	v9 =	vld [tilespmem:s0+$0x2000]  }
0x22: {  	v10 =	vld [tilespmem:s0+$0x2030]  }
0x23: {  	v11 =	vld [tilespmem:s0+$0x2010];
	_ =	sdelay $0x4  }
0x24: {  	v12 =	vmin.f32 v8, v10;
	v13 =	vmin.f32 v9, v11  }
0x25: {  	v12 =	vmin.f32 v13, v12  }
0x26: {  	v13 =	vperm.xlane v12, v0;
	_ =	sdelay $0x1  }
0x27: {  	v12 =	vmin.f32 v12, v13  }
0x28: {  	v13 =	vperm.xlane v12, v1;
	_ =	sdelay $0x1  }
0x29: {  	v12 =	vmin.f32 v12, v13  }
0x2a: {  	v13 =	vperm.xlane v12, v3;
	_ =	sdelay $0x1  }
0x2b: {  	v12 =	vmin.f32 v12, v13  }
0x2c: {  	v13 =	vperm.xlane v12, v4;
	_ =	sdelay $0x1  }
0x2d: {  	v12 =	vmin.f32 v12, v13  }
0x2e: {  	v12 =	vbroadcast v12, $0x0;
	_ =	sdelay $0x1  }
0x2f: {  	vm1 =	veq.f32 v10, v12  }
0x30: {  	vm2 =	veq.f32 v8, v12;
	v8 =	vnsel vm1, $0x40000000, v5  }
0x31: {  	vm1 =	veq.f32 v11, v12;
	v8 =	vsel vm2, v6, v8  }
0x32: {  	vm2 =	veq.f32 v9, v12;
	v8 =	vsel vm1, v7, v8  }
0x33: {  	v8 =	vsel vm2, v2, v8  }
0x34: {  	v9 =	vperm.xlane v8, v0;
	_ =	sdelay $0x1  }
0x35: {  	vm1 =	vlt.s32 v8, v9  }
0x36: {  	v8 =	vsel vm1, v8, v9  }
0x37: {  	v9 =	vperm.xlane v8, v1;
	_ =	sdelay $0x1  }
0x38: {  	vm1 =	vlt.s32 v8, v9  }
0x39: {  	v8 =	vsel vm1, v8, v9  }
0x3a: {  	v9 =	vperm.xlane v8, v3;
	_ =	sdelay $0x1  }
0x3b: {  	vm1 =	vlt.s32 v8, v9  }
0x3c: {  	v8 =	vsel vm1, v8, v9  }
0x3d: {  	v9 =	vperm.xlane v8, v4;
	_ =	sdelay $0x1  }
0x3e: {  	vm1 =	vlt.s32 v8, v9  }
0x3f: {  	v8 =	vsel vm1, v8, v9  }
0x40: {  	(v2sf) =	vpush v8, $0x0;
	_ =	sdelay $0xe  }
0x41: {  	s13 =	spop (v2sf)  }
0x42: {  	s1 =	sshll.u32 s13, $0x7  }
0x43: {  	s12 =	sshll.u32 s13, $0x4;
	s1 =	sand.u32 $0xFFFFFC00, s1  }
0x44: {  	s14 =	sand.u32 $0x70, s12;
	s1 =	sadd.s32 s1, s0  }
0x45: {  	s14 =	sadd.s32 s14, s1  }
0x46: {  	v8 =	vld [tilespmem:s14+$0x0];
	_ =	sdelay $0x4  }
0x47: {  	vm1 =	veq.f32 v8, v12  }
0x48: {  	v9 =	vnsel vm1, $0x40000000, v2  }
0x49: {  	v10 =	vperm.xlane v9, v0;
	_ =	sdelay $0x1  }
0x4a: {  	vm1 =	vlt.s32 v9, v10  }
0x4b: {  	v9 =	vsel vm1, v9, v10  }
0x4c: {  	v10 =	vperm.xlane v9, v1;
	_ =	sdelay $0x1  }
0x4d: {  	vm1 =	vlt.s32 v9, v10  }
0x4e: {  	v9 =	vsel vm1, v9, v10  }
0x4f: {  	v10 =	vperm.xlane v9, v3;
	_ =	sdelay $0x1  }
0x50: {  	vm1 =	vlt.s32 v9, v10  }
0x51: {  	v9 =	vsel vm1, v9, v10  }
0x52: {  	v10 =	vperm.xlane v9, v4;
	_ =	sdelay $0x1  }
0x53: {  	vm1 =	vlt.s32 v9, v10  }
0x54: {  	v9 =	vsel vm1, v9, v10  }
0x55: {  	(v2sf) =	vpush v9, $0x0;
	_ =	sdelay $0x7  }
0x56: {  	v9 =	vbroadcast v9, $0x0;
	_ =	sdelay $0x1  }
0x57: {  	vm1 =	veq.s32 v9, v2  }
0x58: {  	s22 =	sadd.s32 $0x0, s30;
	v8 =	vsel vm1, $0x7F800000, v8  }
0x59: {  	s21 =	sand.u32 $0x3F8, s22;
	v9 =	vperm.xlane v8, v0  }
0x5a: {  	v10 =	vld [tilespmem:s21+$0x2400]  }
0x5b: {  	v9 =	vmin.f32 v8, v9  }
0x5c: {  	s23 =	sand.u32 $0x7, s29;
	v11 =	vperm.xlane v9, v1;
	s22 =	spop (v2sf)  }
0x5d: {  	v63 =	vmov s23;
	s24 =	sadd.s32 s9, s22  }
0x5e: {  	vm1 =	veq.s32 v63, v2;
	v9 =	vmin.f32 v9, v11;
	s12 =	sadd.s32 s12, s24  }
0x5f: {  	s17 =	sand.u32 $0xFFFFFF80, s13;
	s1 =	sadd.s32 $0x2000, s0;
	v11 =	vperm.xlane v9, v3;
	v10 =	vsel vm1, s12, v10  }
0x60: {  	s23 =	sadd.s32 s17, s1;
	s24 =	sand.u32 $0x70, s13;
	[tilespmem:s21+$0x2400] =	vst v10  }
0x61: {  	v9 =	vmin.f32 v9, v11;
	s12 =	sadd.s32 s24, s23;
	[tilespmem:s14+$0x0] =	vst v8  }
0x62: {  	v8 =	vperm.xlane v9, v4;
	v10 =	vld [tilespmem:s12+$0x0];
	_ =	sdelay $0x1  }
0x63: {  	s13 =	sand.u32 $0xF, s13;
	v8 =	vmin.f32 v9, v8  }
0x64: {  	v9 =	vmov s13;
	v8 =	vbroadcast v8, $0x0  }
0x65: {  	vm1 =	veq.s32 v9, v2  }
0x66: {  	s22 =	simm.s32 $0x1;
	v8 =	vsel vm1, v8, v10  }
.LBB2_4:
0x67: {  	p1 =	sne.s32 s22, $0x20;
	[tilespmem:s12+$0x0] =	vst v8;
	s12 =	smov.u32 s22;
	s22 =	sadd.s32 $0x1, s22  }
0x68: {  	v8 =	vld [tilespmem:s0+$0x2020]  }
0x69: {  	v9 =	vld [tilespmem:s0+$0x2000]  }
0x6a: {  	v10 =	vld [tilespmem:s0+$0x2030]  }
0x6b: {  	v11 =	vld [tilespmem:s0+$0x2010];
	_ =	sdelay $0x3  }
0x6c: {  	v12 =	vmin.f32 v8, v10  }
0x6d: {  	v13 =	vmin.f32 v9, v11  }
0x6e: {  	v12 =	vmin.f32 v13, v12  }
0x6f: {  	v13 =	vperm.xlane v12, v0;
	_ =	sdelay $0x1  }
0x70: {  	v12 =	vmin.f32 v12, v13  }
0x71: {  	v13 =	vperm.xlane v12, v1;
	_ =	sdelay $0x1  }
0x72: {  	v12 =	vmin.f32 v12, v13  }
0x73: {  	v13 =	vperm.xlane v12, v3;
	_ =	sdelay $0x1  }
0x74: {  	v12 =	vmin.f32 v12, v13  }
0x75: {  	v13 =	vperm.xlane v12, v4;
	_ =	sdelay $0x1  }
0x76: {  	v12 =	vmin.f32 v12, v13  }
0x77: {  	v12 =	vbroadcast v12, $0x0;
	_ =	sdelay $0x1  }
0x78: {  	vm1 =	veq.f32 v9, v12;
	vm2 =	veq.f32 v8, v12;
	vm3 =	veq.f32 v10, v12  }
0x79: {  	v8 =	vnsel vm3, $0x40000000, v5  }
0x7a: {  	vm3 =	veq.f32 v11, v12;
	v8 =	vsel vm2, v6, v8  }
0x7b: {  	v8 =	vsel vm3, v7, v8  }
0x7c: {  	v8 =	vsel vm1, v2, v8  }
0x7d: {  	v9 =	vperm.xlane v8, v0;
	_ =	sdelay $0x1  }
0x7e: {  	vm1 =	vlt.s32 v8, v9  }
0x7f: {  	v8 =	vsel vm1, v8, v9  }
0x80: {  	v9 =	vperm.xlane v8, v1;
	_ =	sdelay $0x1  }
0x81: {  	vm1 =	vlt.s32 v8, v9  }
0x82: {  	v8 =	vsel vm1, v8, v9  }
0x83: {  	v9 =	vperm.xlane v8, v3;
	_ =	sdelay $0x1  }
0x84: {  	vm1 =	vlt.s32 v8, v9  }
0x85: {  	v8 =	vsel vm1, v8, v9  }
0x86: {  	v9 =	vperm.xlane v8, v4;
	_ =	sdelay $0x1  }
0x87: {  	vm1 =	vlt.s32 v8, v9  }
0x88: {  	v8 =	vsel vm1, v8, v9  }
0x89: {  	(v2sf) =	vpush v8, $0x0;
	_ =	sdelay $0xe  }
0x8a: {  	s13 =	spop (v2sf)  }
0x8b: {  	s14 =	sshll.u32 s13, $0x7;
	s23 =	sand.u32 $0xFFFFFF80, s13;
	s24 =	sand.u32 $0xF, s13  }
0x8c: {  	s21 =	sshll.u32 s13, $0x4;
	s17 =	sand.u32 $0xFFFFFC00, s14;
	s14 =	sadd.s32 s23, s1;
	v8 =	vmov s24  }
0x8d: {  	s23 =	sand.u32 $0x70, s21;
	s17 =	sadd.s32 s17, s0  }
0x8e: {  	s23 =	sadd.s32 s23, s17  }
0x8f: {  	v9 =	vld [tilespmem:s23+$0x0];
	_ =	sdelay $0x4  }
0x90: {  	vm1 =	veq.f32 v9, v12  }
0x91: {  	v10 =	vnsel vm1, $0x40000000, v2  }
0x92: {  	v11 =	vperm.xlane v10, v0;
	_ =	sdelay $0x1  }
0x93: {  	vm1 =	vlt.s32 v10, v11  }
0x94: {  	v10 =	vsel vm1, v10, v11  }
0x95: {  	v11 =	vperm.xlane v10, v1;
	_ =	sdelay $0x1  }
0x96: {  	vm1 =	vlt.s32 v10, v11  }
0x97: {  	v10 =	vsel vm1, v10, v11  }
0x98: {  	v11 =	vperm.xlane v10, v3;
	_ =	sdelay $0x1  }
0x99: {  	vm1 =	vlt.s32 v10, v11  }
0x9a: {  	v10 =	vsel vm1, v10, v11  }
0x9b: {  	v11 =	vperm.xlane v10, v4;
	_ =	sdelay $0x1  }
0x9c: {  	vm1 =	vlt.s32 v10, v11  }
0x9d: {  	v10 =	vsel vm1, v10, v11  }
0x9e: {  	v11 =	vbroadcast v10, $0x0;
	(v2sf) =	vpush v10, $0x0;
	_ =	sdelay $0x1  }
0x9f: {  	vm1 =	veq.s32 v11, v2  }
0xa0: {  	v9 =	vsel vm1, $0x7F800000, v9  }
0xa1: {  	v10 =	vperm.xlane v9, v0;
	_ =	sdelay $0x1  }
0xa2: {  	v10 =	vmin.f32 v9, v10  }
0xa3: {  	v11 =	vperm.xlane v10, v1;
	_ =	sdelay $0x1  }
0xa4: {  	v10 =	vmin.f32 v10, v11  }
0xa5: {  	v11 =	vperm.xlane v10, v3  }
0xa6: {  	s17 =	sadd.s32 s12, s30  }
0xa7: {  	s17 =	sand.u32 $0x3F8, s17;
	v10 =	vmin.f32 v10, v11  }
0xa8: {  	v11 =	vld [tilespmem:s17+$0x2400];
	v12 =	vperm.xlane v10, v4;
	_ =	sdelay $0x1  }
0xa9: {  	s12 =	sand.u32 $0x7, s12;
	v10 =	vmin.f32 v10, v12;
	s24 =	spop (v2sf)  }
0xaa: {  	v12 =	vmov s12;
	s12 =	sadd.s32 s9, s24  }
0xab: {  	vm1 =	veq.s32 v12, v2;
	s12 =	sadd.s32 s21, s12  }
0xac: {  	v11 =	vsel vm1, s12, v11  }
0xad: {  	s12 =	sand.u32 $0x70, s13;
	[tilespmem:s17+$0x2400] =	vst v11  }
0xae: {  	s12 =	sadd.s32 s12, s14;
	[tilespmem:s23+$0x0] =	vst v9  }
0xaf: {  	v9 =	vld [tilespmem:s12+$0x0]  }
.Ltmp0:
0xb0: {  	(pc) =	sbr.rel @p1 .LBB2_4-.Ltmp0, $4  }
0xb1: {  	_ = 	snop  }
0xb2: {  	v10 =	vbroadcast v10, $0x0  }
0xb3: {  	vm1 =	veq.s32 v8, v2  }
0xb4: {  	v8 =	vsel vm1, v10, v9  }
0xb5: {  	s0 =	smul.u32 $0xA0, s31;
	_ =	sdelay $0x1  }
0xb6: {  	[tilespmem:s12+$0x0] =	vst v8;
	s0 =	sshra.s32 s0, $0x2  }
0xb7: {  	v8 =	vld [tilespmem:s0+$0x2418]  }
0xb8: {  	s31 =	sadd.s32 $0x1, s31;
	v9 =	vld.msk [tilespmem:s0+$0x2400 ss:$0x0], $0xffff  }
0xb9: {  	p1 =	sne.s32 s31, $0x8  }
.Ltmp1:
0xba: {  	_ = 	snop;
	(pc) =	sbr.rel @p1 .LBB2_3-.Ltmp1, $3  }
0xbb: {  	_ =	sdelay $0x1  }
0xbc: {  	v8 =	vsel vm0, v9, v8  }
0xbd: {  	s30 =	sadd.s32 $0x28, s30;
	[tilespmem:s0+$0x2418] =	vst v8  }
0xbe: {  	s0 =	smul.u32 $0x5, s28;
	_ =	sdelay $0x1  }
0xbf: {  	s1 =	simm.s32 $0x2400;
	s0 =	sadd.s32 s7, s0  }
0xc0: {  	[hbm4b:s0+s2] =	stream.linear.scatter [tilespmem:s1], [sflag:$0x5], $0x140, $0x38;
	[tilespmem:$0x16700] =	vst v63  }
0xc1: {  	_ =	swait.ge [sflag:s15], $0x140  }
0xc2: {  	p1 =	sne.s32 s25, $0x0;
	[sflag:s15] =	ssyncset.done $0x0  }
0xc3: {  	s0 =	simm.s32 @p1 $0x3;
	[sflag:s15] =	ssyncadd.s32 $0xFFFFFEC0  }
0xc4: {  	_ =	swait.ge @p1 [sflag:s0], $0xA000  }
0xc5: {  	s12 =	simm.s32 @p1 $0x2700;
	[sflag:s0] =	ssyncset.done @p1 $0x0  }
0xc6: {  	s1 =	simm.s32 @p1 $0x2400;
	[sflag:s0] =	ssyncadd.s32 @p1 $0xFFFF6000;
	s0 =	simm.s32 @p1 $0x140  }
0xc7: {  	[tilespmem:s12], [sflag:$0x1] =	stream.indirect.gather @p1 [hbm4b:s6+s0], $0x80, s1, s0, $0xb8;
	[tilespmem:$0x16700] =	vst v63  }
0xc8: {  	s0 =	simm.s32 @p1 $0x2  }
0xc9: {  	s1 =	sadd.s32 @p1 s26, s11;
	s12 =	sor.u32 @p1 $0x8, s26;
	_ =	swait.ge @p1 [sflag:s0], $0xA000  }
0xca: {  	s1 =	smul.u32 @p1 $0x280, s1;
	s12 =	simm.s32 @!p1 $0x8;
	[sflag:s0] =	ssyncset.done @p1 $0x0  }
0xcb: {  	s13 =	simm.s32 @p1 $0xC700;
	s26 =	sor.u32 s3, s12;
	[sflag:s0] =	ssyncadd.s32 @p1 $0xFFFF6000  }
0xcc: {  	s0 =	sadd.s32 @p1 s8, s1;
	s1 =	simm.s32 @p1 $0x0;
	s24 =	sshll.u32 s26, $0x7  }
0xcd: {  	[hbm4b:s0+s1] =	stream.linear.scatter @p1 [tilespmem:s13], [sflag:$0x4], $0xA000, $0x38;
	[tilespmem:$0x16700] =	vst v63  }
0xce: {  	s0 =	simm.s32 @!p1 $0x140;
	s1 =	simm.s32 @!p1 $0x2400;
	s13 =	simm.s32 @!p1 $0x2700  }
0xcf: {  	[tilespmem:s13], [sflag:$0x1] =	stream.indirect.gather @!p1 [hbm4b:s6+s0], $0x80, s1, s0, $0xb8;
	[tilespmem:$0x16700] =	vst v63  }
0xd0: {  	s28 =	simm.s32 $0x0;
	s0 =	sadd.s32 s4, s24  }
0xd1: {  	[tilespmem:s28], [sflag:$0x5] =	stream.linear.gather [hbm4b:s0+s28], $0x2000, $0x38;
	[tilespmem:$0x16700] =	vst v63  }
0xd2: {  	_ =	swait.ge [sflag:s15], $0x2000  }
0xd3: {  	s31 =	sshll.u32 s26, $0x4;
	[sflag:s15] =	ssyncset.done $0x0  }
0xd4: {  	s0 =	sadd.s32 s5, s31;
	[sflag:s15] =	ssyncadd.s32 $0xFFFFE000  }
0xd5: {  	[tilespmem:s16], [sflag:$0x5] =	stream.linear.gather [hbm4b:s0+s28], $0x400, $0x38;
	[tilespmem:$0x16700] =	vst v63  }
0xd6: {  	_ =	swait.ge [sflag:s15], $0x400  }
0xd7: {  	[sflag:s15] =	ssyncset.done $0x0  }
0xd8: {  	s29 =	simm.s32 $0x0;
	s30 =	simm.s32 $0x0;
	[sflag:s15] =	ssyncadd.s32 $0xFFFFFC00  }
.LBB2_7:
0xd9: {  	s0 =	sshll.u32 s30, $0x7  }
0xda: {  	s0 =	sand.u32 $0x3FFFFF80, s0  }
0xdb: {  	v8 =	vld [tilespmem:s0+$0x2020]  }
0xdc: {  	v9 =	vld [tilespmem:s0+$0x2000]  }
0xdd: {  	v10 =	vld [tilespmem:s0+$0x2030]  }
0xde: {  	v11 =	vld [tilespmem:s0+$0x2010];
	_ =	sdelay $0x4  }
0xdf: {  	v12 =	vmin.f32 v8, v10;
	v13 =	vmin.f32 v9, v11  }
0xe0: {  	v12 =	vmin.f32 v13, v12  }
0xe1: {  	v13 =	vperm.xlane v12, v0;
	_ =	sdelay $0x1  }
0xe2: {  	v12 =	vmin.f32 v12, v13  }
0xe3: {  	v13 =	vperm.xlane v12, v1;
	_ =	sdelay $0x1  }
0xe4: {  	v12 =	vmin.f32 v12, v13  }
0xe5: {  	v13 =	vperm.xlane v12, v3;
	_ =	sdelay $0x1  }
0xe6: {  	v12 =	vmin.f32 v12, v13  }
0xe7: {  	v13 =	vperm.xlane v12, v4;
	_ =	sdelay $0x1  }
0xe8: {  	v12 =	vmin.f32 v12, v13  }
0xe9: {  	v12 =	vbroadcast v12, $0x0;
	_ =	sdelay $0x1  }
0xea: {  	vm1 =	veq.f32 v10, v12  }
0xeb: {  	vm2 =	veq.f32 v8, v12;
	v8 =	vnsel vm1, $0x40000000, v5  }
0xec: {  	vm1 =	veq.f32 v11, v12;
	v8 =	vsel vm2, v6, v8  }
0xed: {  	vm2 =	veq.f32 v9, v12;
	v8 =	vsel vm1, v7, v8  }
0xee: {  	v8 =	vsel vm2, v2, v8  }
0xef: {  	v9 =	vperm.xlane v8, v0;
	_ =	sdelay $0x1  }
0xf0: {  	vm1 =	vlt.s32 v8, v9  }
0xf1: {  	v8 =	vsel vm1, v8, v9  }
0xf2: {  	v9 =	vperm.xlane v8, v1;
	_ =	sdelay $0x1  }
0xf3: {  	vm1 =	vlt.s32 v8, v9  }
0xf4: {  	v8 =	vsel vm1, v8, v9  }
0xf5: {  	v9 =	vperm.xlane v8, v3;
	_ =	sdelay $0x1  }
0xf6: {  	vm1 =	vlt.s32 v8, v9  }
0xf7: {  	v8 =	vsel vm1, v8, v9  }
0xf8: {  	v9 =	vperm.xlane v8, v4;
	_ =	sdelay $0x1  }
0xf9: {  	vm1 =	vlt.s32 v8, v9  }
0xfa: {  	v8 =	vsel vm1, v8, v9  }
0xfb: {  	(v2sf) =	vpush v8, $0x0;
	_ =	sdelay $0xe  }
0xfc: {  	s13 =	spop (v2sf)  }
0xfd: {  	s1 =	sshll.u32 s13, $0x7  }
0xfe: {  	s12 =	sshll.u32 s13, $0x4;
	s1 =	sand.u32 $0xFFFFFC00, s1  }
0xff: {  	s14 =	sand.u32 $0x70, s12;
	s1 =	sadd.s32 s1, s0  }
0x100: {  	s14 =	sadd.s32 s14, s1  }
0x101: {  	v8 =	vld [tilespmem:s14+$0x0];
	_ =	sdelay $0x4  }
0x102: {  	vm1 =	veq.f32 v8, v12  }
0x103: {  	v9 =	vnsel vm1, $0x40000000, v2  }
0x104: {  	v10 =	vperm.xlane v9, v0;
	_ =	sdelay $0x1  }
0x105: {  	vm1 =	vlt.s32 v9, v10  }
0x106: {  	v9 =	vsel vm1, v9, v10  }
0x107: {  	v10 =	vperm.xlane v9, v1;
	_ =	sdelay $0x1  }
0x108: {  	vm1 =	vlt.s32 v9, v10  }
0x109: {  	v9 =	vsel vm1, v9, v10  }
0x10a: {  	v10 =	vperm.xlane v9, v3;
	_ =	sdelay $0x1  }
0x10b: {  	vm1 =	vlt.s32 v9, v10  }
0x10c: {  	v9 =	vsel vm1, v9, v10  }
0x10d: {  	v10 =	vperm.xlane v9, v4;
	_ =	sdelay $0x1  }
0x10e: {  	vm1 =	vlt.s32 v9, v10  }
0x10f: {  	v9 =	vsel vm1, v9, v10  }
0x110: {  	(v2sf) =	vpush v9, $0x0;
	_ =	sdelay $0x7  }
0x111: {  	v9 =	vbroadcast v9, $0x0;
	_ =	sdelay $0x1  }
0x112: {  	vm1 =	veq.s32 v9, v2  }
0x113: {  	s24 =	sadd.s32 $0x0, s29;
	v8 =	vsel vm1, $0x7F800000, v8  }
0x114: {  	s17 =	sand.u32 $0x3F8, s24;
	v9 =	vperm.xlane v8, v0  }
0x115: {  	v10 =	vld [tilespmem:s17+$0x2580]  }
0x116: {  	v9 =	vmin.f32 v8, v9  }
0x117: {  	s31 =	sand.u32 $0x7, s28;
	v11 =	vperm.xlane v9, v1;
	s21 =	spop (v2sf)  }
0x118: {  	v63 =	vmov s31;
	s22 =	sadd.s32 s9, s21  }
0x119: {  	vm1 =	veq.s32 v63, v2;
	v9 =	vmin.f32 v9, v11;
	s12 =	sadd.s32 s12, s22  }
0x11a: {  	s23 =	sand.u32 $0xFFFFFF80, s13;
	s1 =	sadd.s32 $0x2000, s0;
	v11 =	vperm.xlane v9, v3;
	v10 =	vsel vm1, s12, v10  }
0x11b: {  	s31 =	sand.u32 $0x70, s13;
	s24 =	sadd.s32 s23, s1;
	[tilespmem:s17+$0x2580] =	vst v10  }
0x11c: {  	v9 =	vmin.f32 v9, v11;
	s12 =	sadd.s32 s31, s24;
	[tilespmem:s14+$0x0] =	vst v8  }
0x11d: {  	v8 =	vperm.xlane v9, v4;
	v10 =	vld [tilespmem:s12+$0x0];
	_ =	sdelay $0x1  }
0x11e: {  	s13 =	sand.u32 $0xF, s13;
	v8 =	vmin.f32 v9, v8  }
0x11f: {  	v9 =	vmov s13;
	v8 =	vbroadcast v8, $0x0  }
0x120: {  	vm1 =	veq.s32 v9, v2  }
0x121: {  	s22 =	simm.s32 $0x1;
	v8 =	vsel vm1, v8, v10  }
.LBB2_8:
0x122: {  	p1 =	sne.s32 s22, $0x20;
	[tilespmem:s12+$0x0] =	vst v8;
	s12 =	smov.u32 s22;
	s22 =	sadd.s32 $0x1, s22  }
0x123: {  	v8 =	vld [tilespmem:s0+$0x2020]  }
0x124: {  	v9 =	vld [tilespmem:s0+$0x2000]  }
0x125: {  	v10 =	vld [tilespmem:s0+$0x2030]  }
0x126: {  	v11 =	vld [tilespmem:s0+$0x2010];
	_ =	sdelay $0x3  }
0x127: {  	v12 =	vmin.f32 v8, v10  }
0x128: {  	v13 =	vmin.f32 v9, v11  }
0x129: {  	v12 =	vmin.f32 v13, v12  }
0x12a: {  	v13 =	vperm.xlane v12, v0;
	_ =	sdelay $0x1  }
0x12b: {  	v12 =	vmin.f32 v12, v13  }
0x12c: {  	v13 =	vperm.xlane v12, v1;
	_ =	sdelay $0x1  }
0x12d: {  	v12 =	vmin.f32 v12, v13  }
0x12e: {  	v13 =	vperm.xlane v12, v3;
	_ =	sdelay $0x1  }
0x12f: {  	v12 =	vmin.f32 v12, v13  }
0x130: {  	v13 =	vperm.xlane v12, v4;
	_ =	sdelay $0x1  }
0x131: {  	v12 =	vmin.f32 v12, v13  }
0x132: {  	v12 =	vbroadcast v12, $0x0;
	_ =	sdelay $0x1  }
0x133: {  	vm1 =	veq.f32 v9, v12;
	vm2 =	veq.f32 v8, v12;
	vm3 =	veq.f32 v10, v12  }
0x134: {  	v8 =	vnsel vm3, $0x40000000, v5  }
0x135: {  	vm3 =	veq.f32 v11, v12;
	v8 =	vsel vm2, v6, v8  }
0x136: {  	v8 =	vsel vm3, v7, v8  }
0x137: {  	v8 =	vsel vm1, v2, v8  }
0x138: {  	v9 =	vperm.xlane v8, v0;
	_ =	sdelay $0x1  }
0x139: {  	vm1 =	vlt.s32 v8, v9  }
0x13a: {  	v8 =	vsel vm1, v8, v9  }
0x13b: {  	v9 =	vperm.xlane v8, v1;
	_ =	sdelay $0x1  }
0x13c: {  	vm1 =	vlt.s32 v8, v9  }
0x13d: {  	v8 =	vsel vm1, v8, v9  }
0x13e: {  	v9 =	vperm.xlane v8, v3;
	_ =	sdelay $0x1  }
0x13f: {  	vm1 =	vlt.s32 v8, v9  }
0x140: {  	v8 =	vsel vm1, v8, v9  }
0x141: {  	v9 =	vperm.xlane v8, v4;
	_ =	sdelay $0x1  }
0x142: {  	vm1 =	vlt.s32 v8, v9  }
0x143: {  	v8 =	vsel vm1, v8, v9  }
0x144: {  	(v2sf) =	vpush v8, $0x0;
	_ =	sdelay $0xe  }
0x145: {  	s13 =	spop (v2sf)  }
0x146: {  	s14 =	sshll.u32 s13, $0x7;
	s17 =	sand.u32 $0xFFFFFF80, s13;
	s23 =	sand.u32 $0xF, s13  }
0x147: {  	s21 =	sshll.u32 s13, $0x4;
	s24 =	sand.u32 $0xFFFFFC00, s14;
	s14 =	sadd.s32 s17, s1;
	v8 =	vmov s23  }
0x148: {  	s17 =	sand.u32 $0x70, s21;
	s23 =	sadd.s32 s24, s0  }
0x149: {  	s23 =	sadd.s32 s17, s23  }
0x14a: {  	v9 =	vld [tilespmem:s23+$0x0];
	_ =	sdelay $0x4  }
0x14b: {  	vm1 =	veq.f32 v9, v12  }
0x14c: {  	v10 =	vnsel vm1, $0x40000000, v2  }
0x14d: {  	v11 =	vperm.xlane v10, v0;
	_ =	sdelay $0x1  }
0x14e: {  	vm1 =	vlt.s32 v10, v11  }
0x14f: {  	v10 =	vsel vm1, v10, v11  }
0x150: {  	v11 =	vperm.xlane v10, v1;
	_ =	sdelay $0x1  }
0x151: {  	vm1 =	vlt.s32 v10, v11  }
0x152: {  	v10 =	vsel vm1, v10, v11  }
0x153: {  	v11 =	vperm.xlane v10, v3;
	_ =	sdelay $0x1  }
0x154: {  	vm1 =	vlt.s32 v10, v11  }
0x155: {  	v10 =	vsel vm1, v10, v11  }
0x156: {  	v11 =	vperm.xlane v10, v4;
	_ =	sdelay $0x1  }
0x157: {  	vm1 =	vlt.s32 v10, v11  }
0x158: {  	v10 =	vsel vm1, v10, v11  }
0x159: {  	v11 =	vbroadcast v10, $0x0;
	(v2sf) =	vpush v10, $0x0;
	_ =	sdelay $0x1  }
0x15a: {  	vm1 =	veq.s32 v11, v2  }
0x15b: {  	v9 =	vsel vm1, $0x7F800000, v9  }
0x15c: {  	v10 =	vperm.xlane v9, v0;
	_ =	sdelay $0x1  }
0x15d: {  	v10 =	vmin.f32 v9, v10  }
0x15e: {  	v11 =	vperm.xlane v10, v1;
	_ =	sdelay $0x1  }
0x15f: {  	v10 =	vmin.f32 v10, v11  }
0x160: {  	v11 =	vperm.xlane v10, v3  }
0x161: {  	s17 =	sadd.s32 s12, s29  }
0x162: {  	s17 =	sand.u32 $0x3F8, s17;
	v10 =	vmin.f32 v10, v11  }
0x163: {  	v11 =	vld [tilespmem:s17+$0x2580];
	v12 =	vperm.xlane v10, v4;
	_ =	sdelay $0x1  }
0x164: {  	s12 =	sand.u32 $0x7, s12;
	v10 =	vmin.f32 v10, v12;
	s24 =	spop (v2sf)  }
0x165: {  	v12 =	vmov s12;
	s12 =	sadd.s32 s9, s24  }
0x166: {  	vm1 =	veq.s32 v12, v2;
	s12 =	sadd.s32 s21, s12  }
0x167: {  	v11 =	vsel vm1, s12, v11  }
0x168: {  	s12 =	sand.u32 $0x70, s13;
	[tilespmem:s17+$0x2580] =	vst v11  }
0x169: {  	s12 =	sadd.s32 s12, s14;
	[tilespmem:s23+$0x0] =	vst v9  }
0x16a: {  	v9 =	vld [tilespmem:s12+$0x0]  }
.Ltmp2:
0x16b: {  	(pc) =	sbr.rel @p1 .LBB2_8-.Ltmp2, $4  }
0x16c: {  	_ = 	snop  }
0x16d: {  	v10 =	vbroadcast v10, $0x0  }
0x16e: {  	vm1 =	veq.s32 v8, v2  }
0x16f: {  	v8 =	vsel vm1, v10, v9  }
0x170: {  	s0 =	smul.u32 $0xA0, s30;
	_ =	sdelay $0x1  }
0x171: {  	[tilespmem:s12+$0x0] =	vst v8;
	s0 =	sshra.s32 s0, $0x2  }
0x172: {  	v8 =	vld [tilespmem:s0+$0x2598]  }
0x173: {  	s30 =	sadd.s32 $0x1, s30;
	v9 =	vld.msk [tilespmem:s0+$0x2580 ss:$0x0], $0xffff  }
0x174: {  	p1 =	sne.s32 s30, $0x8  }
.Ltmp3:
0x175: {  	_ = 	snop;
	(pc) =	sbr.rel @p1 .LBB2_7-.Ltmp3, $3  }
0x176: {  	_ =	sdelay $0x1  }
0x177: {  	v8 =	vsel vm0, v9, v8  }
0x178: {  	s29 =	sadd.s32 $0x28, s29;
	[tilespmem:s0+$0x2598] =	vst v8  }
0x179: {  	s0 =	smul.u32 $0x5, s26;
	_ =	sdelay $0x1  }
0x17a: {  	s0 =	sadd.s32 s7, s0  }
0x17b: {  	[hbm4b:s0+s2] =	stream.linear.scatter [tilespmem:s18], [sflag:$0x5], $0x140, $0x38;
	[tilespmem:$0x16700] =	vst v63  }
0x17c: {  	_ =	swait.ge [sflag:s15], $0x140  }
0x17d: {  	[sflag:s15] =	ssyncset.done $0x0  }
0x17e: {  	s0 =	simm.s32 @!p0 $0x4;
	[sflag:s15] =	ssyncadd.s32 $0xFFFFFEC0  }
0x17f: {  	_ =	swait.ge @!p0 [sflag:s0], $0xA000  }
0x180: {  	s25 =	sadd.s32 $0x1, s25;
	[sflag:s0] =	ssyncset.done @!p0 $0x0  }
0x181: {  	[sflag:s0] =	ssyncadd.s32 @!p0 $0xFFFF6000;
	p0 =	sne.s32 s25, $0x8  }
.Ltmp4:
0x182: {  	_ = 	snop;
	(pc) =	sbr.rel @p0 .LBB2_2-.Ltmp4, $2  }
0x183: {  	_ =	sdelay $0x2  }
0x184: {  	[tilespmem:s20], [sflag:$0x2] =	stream.indirect.gather [hbm4b:s6+s19], $0x80, s18, s19, $0xb8;
	[tilespmem:$0x16700] =	vst v63  }
0x185: {  	s0 =	simm.s32 $0x1  }
0x186: {  	_ =	swait.ge [sflag:s0], $0xA000  }
0x187: {  	[sflag:s0] =	ssyncset.done $0x0  }
0x188: {  	s1 =	simm.s32 $0x2700;
	s26 =	rddreg [dreg:$0x2];
	[sflag:s0] =	ssyncadd.s32 $0xFFFF6000  }
0x189: {  	[hbm4b:s26+s2] =	stream.linear.scatter [tilespmem:s1], [sflag:$0x5], $0xA000, $0x38;
	[tilespmem:$0x16700] =	vst v63  }
0x18a: {  	_ =	swait.ge [sflag:s15], $0xA000  }
0x18b: {  	[sflag:s15] =	ssyncset.done $0x0  }
0x18c: {  	s28 =	simm.s32 $0x2;
	[sflag:s15] =	ssyncadd.s32 $0xFFFF6000  }
0x18d: {  	_ =	swait.ge [sflag:s28], $0xA000  }
0x18e: {  	[sflag:s28] =	ssyncset.done $0x0  }
0x18f: {  	s29 =	rddreg [dreg:$0x3];
	[sflag:s28] =	ssyncadd.s32 $0xFFFF6000  }
0x190: {  	[hbm4b:s29+s2] =	stream.linear.scatter [tilespmem:s20], [sflag:$0x5], $0xA000, $0x38;
	[tilespmem:$0x16700] =	vst v63  }
0x191: {  	_ =	swait.ge [sflag:s15], $0xA000  }
0x192: {  	s30 =	rddreg [dreg:$0x5]  }
0x193: {  	s31 =	rddreg [dreg:$0x4];
	s1 =	sadd.s32 $0x1, s30  }
0x194: {  	p0 =	sne.s32 s1, s31  }
.Ltmp5:
0x195: {  	_ = 	snop;
	(pc) =	sbr.rel @p0 .LBB2_1-.Ltmp5, $3  }
0x196: {  	_ =	sdelay $0x1  }
0x197: {  	[sflag:s15] =	ssyncset.done $0x0  }
0x198: {  	[sflag:s15] =	ssyncadd.s32 $0xFFFF6000  }
0x199: {  	_ =	sfence.sel $0x180000  }
0x19a: {  	[bflag:$0x0] =	sbarrier.arrive $0xFFFF  }
0x19b: {  	_ =	strace $0x9000004A  }
0x19c: {  	s0 =	stileid.u32;
	[bflag:$0x2] =	sbarrier.arrive $0xFFFF  }
0x19d: {  	p0 =	sne.s32 s0, $0x0;
	s0 =	rddreg [dreg:$0x1]  }
0x19e: {  	s0 =	sadd.s32 @!p0 $0x100000, s0  }
0x19f: {  	[sflag:s0] =	ssyncadd.tile.s32 @!p0 $0x1;
	_ =	shalt  }
.Lfunc_end2:
_tile_overlayer_lowered:
.L_overlay_start_2:
0x1a0: {  	(tag) =	ssettag $0x2  }
0x1a1: {  	s0 =	rddreg [dreg:$0x0];
	s2 =	stileid.u32  }
0x1a2: {  	s1 =	rddreg [dreg:$0x1];
	p0 =	sne.s32 s2, $0x0  }
0x1a3: {  	s3 =	rddreg [dreg:$0x2];
	[bflag:$0x3] =	sbarrier.arrive $0xFFFF;
	s2 =	simm.s32 @!p0 $0x1C05  }
0x1a4: {  	[timem:s3], [sflag:s2] =	dma.local @!p0 [hbm:s0], s1  }
0x1a5: {  	s0 =	simm.s32 @!p0 $0x5  }
0x1a6: {  	_ =	swait.ge @!p0 [sflag:s0], s1  }
0x1a7: {  	s1 =	ssub.s32 @!p0 $0x0, s1;
	[sflag:s0] =	ssyncset.done @!p0 $0x0  }
0x1a8: {  	[sflag:s0] =	ssyncadd.s32 @!p0 s1  }
0x1a9: {  	[bflag:$0x3] =	sbarrier.arrive $0xFFFF  }
0x1aa: {  	_ =	shalt  }

// kernel: kernel.21.cloned.1.call-start
scs
__scs_entry_jumppad:
0x0: {  	(pc) =	sbr.rel $0x88, $3  }
0x1: {  	(tag) =	ssettag $0x0;
	lr =	simm.s32 $0x1  }
0x2: {  	[smem:$0x3F93] =	sst lr;
	_ =	strace $0xD0000000  }
0x3: {  	_ = 	snop  }
0x4: {  	_ = 	snop  }
0x5: {  	_ = 	snop  }
0x6: {  	_ = 	snop  }
0x7: {  	_ = 	snop  }
__scs_overlays_trampoline_lowered:
0x8: {  	[smem:$0x3FA2] =	sst s0  }
0x9: {  	[smem:$0x3FA3] =	sst s1  }
0xa: {  	[smem:$0x3FA4] =	sst s2  }
0xb: {  	[smem:$0x3FA5] =	sst s3  }
0xc: {  	[smem:$0x3FA6] =	sst s4  }
0xd: {  	[smem:$0x3FA7] =	sst s5  }
0xe: {  	[smem:$0x3FA8] =	sst s6  }
0xf: {  	[smem:$0x3FA9] =	sst s7  }
0x10: {  	[smem:$0x3FAA] =	sst s8  }
0x11: {  	[smem:$0x3FAB] =	sst s9;
	s0 =	simm.s32 @!p0 $0x0  }
0x12: {  	s1 =	sld [smem:$0x3F91];
	s0 =	simm.s32 @p0 $0x1  }
0x13: {  	[smem:$0x3FAC] =	sst s0;
	s0 =	simm.s32 @!p1 $0x0  }
0x14: {  	s2 =	sld [smem:$0x3F90];
	s0 =	simm.s32 @p1 $0x1  }
0x15: {  	[smem:$0x3FAD] =	sst s0;
	s0 =	simm.s32 @!p2 $0x0  }
0x16: {  	s3 =	sld [smem:$0x3FDB];
	s0 =	simm.s32 @p2 $0x1  }
0x17: {  	s4 =	simm.s32 $0x1BF5;
	[smem:$0x3FAF] =	sst s0  }
0x18: {  	s0 =	sld [smem:$0x3F92];
	_ =	swait.ge [sflag:s4], $0x0  }
0x19: {  	s7 =	sld [smem:$0x3F93]  }
0x1a: {  	s8 =	sadd.s32 $0xFFFFE003, lr  }
0x1b: {  	s9 =	sadd.s32 $0xFFFFFEF7, lr;
	s5 =	simm.s32 $0xFFFFFFFF;
	p2 =	slt.u32 s8, $0xFFFFF086  }
0x1c: {  	p1 =	slt.u32 s9, $0xF7A;
	s5 =	simm.s32 @!p2 $0x0  }
0x1d: {  	s5 =	simm.s32 @p1 $0x1;
	p0 =	seq.s32 s7, s2  }
0x1e: {  	s7 =	smul.u32 @!p0 $0xF7A, s2;
	p2 =	seq.s32 @!p0 s5, $0x0  }
0x1f: {  	s9 =	smul.u32 $0xF7A, s1;
	s8 =	simm.s32 @!p0 $0x1BF5;
	p2 =	por !p2, p0  }
0x20: {  	[sflag:s8] =	ssyncset.s32 @!p0 $0xFFFFF086;
	s6 =	sadd.s32 @!p0 s3, s7;
	s7 =	simm.s32 @!p0 $0x108  }
0x21: {  	s3 =	sadd.s32 s3, s9;
	s6 =	sadd.s32 @!p0 $0x88, s6;
	s7 =	simm.s32 @p2 $0x1082  }
0x22: {  	[simem:s7], [sflag:s8] =	dma.local @!p0 [hbm:s6], $0xF7A  }
0x23: {  	s9 =	sor.u32 $0xD0000000, s2;
	s6 =	simm.s32 $0x108;
	_ =	swait.ge @!p0 [sflag:s8], $0x0  }
0x24: {  	s3 =	sadd.s32 $0x88, s3;
	s6 =	simm.s32 @!p1 $0x1082;
	[sflag:s4] =	ssyncset.s32 $0xFFFFF086  }
0x25: {  	[simem:s6], [sflag:s4] =	dma.local [hbm:s3], $0xF7A  }
0x26: {  	[smem:$0x3F93] =	sst s1;
	(tag) =	ssettag s2;
	_ =	strace s9  }
0x27: {  	s1 =	sld [smem:$0x3FA3]  }
0x28: {  	s2 =	sld [smem:$0x3FA4]  }
0x29: {  	s4 =	sld [smem:$0x3FA6]  }
0x2a: {  	p0 =	seq.s32 s5, $0x0;
	s5 =	sld [smem:$0x3FA7]  }
0x2b: {  	s6 =	sld [smem:$0x3FA8]  }
0x2c: {  	s7 =	sld [smem:$0x3FA9]  }
0x2d: {  	s3 =	simm.s32 $0x108;
	s8 =	sld [smem:$0x3FAA]  }
0x2e: {  	s3 =	simm.s32 @!p0 $0x1082;
	s9 =	sld [smem:$0x3FAB]  }
0x2f: {  	lr =	sadd.s32 s0, s3;
	s0 =	sld [smem:$0x3FA2]  }
0x30: {  	s3 =	sld [smem:$0x3FA5]  }
0x31: {  	[smem:$0x3FAE] =	sst s10  }
0x32: {  	s10 =	sld [smem:$0x3FAC];
	_ =	sdelay $0x3  }
0x33: {  	p0 =	seq.s32 s10, $0x1;
	s10 =	sld [smem:$0x3FAE];
	_ =	sdelay $0x3  }
0x34: {  	[smem:$0x3FAE] =	sst s10  }
0x35: {  	s10 =	sld [smem:$0x3FAD];
	_ =	sdelay $0x3  }
0x36: {  	p1 =	seq.s32 s10, $0x1;
	s10 =	sld [smem:$0x3FAE];
	_ =	sdelay $0x3  }
0x37: {  	[smem:$0x3FAE] =	sst s10  }
0x38: {  	s10 =	sld [smem:$0x3FAF]  }
0x39: {  	_ = 	snop;
	(pc) =	sbr.ind lr, $3  }
0x3a: {  	_ = 	snop  }
0x3b: {  	_ = 	snop  }
0x3c: {  	p2 =	seq.s32 s10, $0x1;
	s10 =	sld [smem:$0x3FAE]  }
0x3d: {  	_ =	shalt  }
0x3e: {  	_ =	shalt  }
0x3f: {  	_ =	shalt  }
0x40: {  	_ =	shalt  }
0x41: {  	_ =	shalt  }
0x42: {  	_ =	shalt  }
0x43: {  	_ =	shalt  }
0x44: {  	_ =	shalt  }
0x45: {  	_ =	shalt  }
0x46: {  	_ =	shalt  }
0x47: {  	_ =	shalt  }
0x48: {  	_ =	shalt  }
0x49: {  	_ =	shalt  }
0x4a: {  	_ =	shalt  }
0x4b: {  	_ =	shalt  }
0x4c: {  	_ =	shalt  }
0x4d: {  	_ =	shalt  }
0x4e: {  	_ =	shalt  }
0x4f: {  	_ =	shalt  }
0x50: {  	_ =	shalt  }
0x51: {  	_ =	shalt  }
0x52: {  	_ =	shalt  }
0x53: {  	_ =	shalt  }
0x54: {  	_ =	shalt  }
0x55: {  	_ =	shalt  }
0x56: {  	_ =	shalt  }
0x57: {  	_ =	shalt  }
0x58: {  	_ =	shalt  }
0x59: {  	_ =	shalt  }
0x5a: {  	_ =	shalt  }
0x5b: {  	_ =	shalt  }
0x5c: {  	_ =	shalt  }
0x5d: {  	_ =	shalt  }
0x5e: {  	_ =	shalt  }
0x5f: {  	_ =	shalt  }
0x60: {  	_ =	shalt  }
0x61: {  	_ =	shalt  }
0x62: {  	_ =	shalt  }
0x63: {  	_ =	shalt  }
0x64: {  	_ =	shalt  }
0x65: {  	_ =	shalt  }
0x66: {  	_ =	shalt  }
0x67: {  	_ =	shalt  }
0x68: {  	_ =	shalt  }
0x69: {  	_ =	shalt  }
0x6a: {  	_ =	shalt  }
0x6b: {  	_ =	shalt  }
0x6c: {  	_ =	shalt  }
0x6d: {  	_ =	shalt  }
0x6e: {  	_ =	shalt  }
0x6f: {  	_ =	shalt  }
0x70: {  	_ =	shalt  }
0x71: {  	_ =	shalt  }
0x72: {  	_ =	shalt  }
0x73: {  	_ =	shalt  }
0x74: {  	_ =	shalt  }
0x75: {  	_ =	shalt  }
0x76: {  	_ =	shalt  }
0x77: {  	_ =	shalt  }
0x78: {  	_ =	shalt  }
0x79: {  	_ =	shalt  }
0x7a: {  	_ =	shalt  }
0x7b: {  	_ =	shalt  }
0x7c: {  	_ =	shalt  }
0x7d: {  	_ =	shalt  }
0x7e: {  	_ =	shalt  }
0x7f: {  	_ =	shalt  }
0x80: {  	_ =	shalt  }
0x81: {  	_ =	shalt  }
0x82: {  	_ =	shalt  }
0x83: {  	_ =	shalt  }
0x84: {  	_ =	shalt  }
0x85: {  	_ =	shalt  }
0x86: {  	_ =	shalt  }
0x87: {  	_ =	shalt  }
.Lfunc_end0:
.L_simem_size_0:
called_computation.2_lowered:
.L_overlay_start_0:
0x88: {  	s2 =	sld [smem:$0x3FD9]  }
0x89: {  	s3 =	sld [smem:$0x3FFE];
	_ =	sdelay $0x1  }
0x8a: {  	s1 =	srdreg.scid  }
0x8b: {  	s0 =	sand.u32 $0x1, s1  }
0x8c: {  	s16 =	sshll.u32 s0, $0xA;
	s2 =	sadd.s32 s3, s2  }
0x8d: {  	s2 =	sadd.s32 s2, s16  }
0x8e: {  	[smem:$0x3FBA] =	sst s2  }
0x8f: {  	_ = 	snop  }
0x90: {  	(tm) =	ssettm $0x1  }
0x91: {  	s17 =	sld [smem:$0x3FFB];
	_ =	sdelay $0x3  }
0x92: {  	_ =	strace s17  }
0x93: {  	s2 =	sld [smem:$0x3FFC];
	_ =	sdelay $0x3  }
0x94: {  	_ =	strace s2  }
0x95: {  	s2 =	sld [smem:$0x3FFD];
	_ =	sdelay $0x3  }
0x96: {  	_ =	strace s2  }
0x97: {  	_ =	strace $0x8FFFFFFF  }
0x98: {  	s18 =	sld [smem:$0x3FDB];
	_ =	sdelay $0x1  }
0x99: {  	s19 =	simm.s32 $_scs_section_size  }
0x9a: {  	s4 =	simm.s32 $_size__tile_overlayer_lowered;
	s5 =	simm.s32 $_tile_overlayer_lowered  }
0x9b: {  	s22 =	simm.s32 $0x1BFF;
	s21 =	sshll.u32 s5, $0x1;
	s2 =	sadd.s32 s19, s18  }
0x9c: {  	s6 =	simm.s32 $0x0;
	s20 =	sshll.u32 s4, $0x1;
	s4 =	sadd.s32 s21, s2  }
0x9d: {  	[timem:s6], [sflag:s22] =	dma.local [hbm:s4], s20  }
0x9e: {  	_ =	swait.ge [sflag:s22], s20  }
0x9f: {  	s3 =	ssub.s32 $0x0, s20;
	[sflag:s22] =	ssyncset.done $0x0  }
0xa0: {  	[sflag:s22] =	ssyncadd.s32 s3;
	_ =	sdelay $0x1  }
0xa1: {  	s23 =	simm.s32 $0x1B8B  }
0xa2: {  	_ =	swait.ge [sflag:s23], $0x1  }
0xa3: {  	[sflag:s23] =	ssyncset.done $0x0  }
0xa4: {  	s25 =	simm.s32 $0x1B8E;
	s24 =	sld [smem:$0x3FFE];
	[sflag:s23] =	ssyncadd.s32 $0xFFFFFFFF  }
0xa5: {  	s26 =	simm.s32 $execute0_lowered;
	[smem:$0x3FD2] =	sst s25  }
0xa6: {  	s4 =	sshll.u32 s26, $0x1;
	_ =	strace $0x8000004C;
	[dreg:$0x1] =	wrdreg $0xFFFFFFFF  }
0xa7: {  	s28 =	simm.s32 $_size_execute0_lowered;
	s2 =	sadd.s32 s2, s4;
	[dreg:$0x0] =	wrdreg $0x0  }
0xa8: {  	s4 =	sshll.u32 s28, $0x1;
	[dreg:$0x2] =	wrdreg s2  }
0xa9: {  	[dreg:$0x3] =	wrdreg s4  }
0xaa: {  	[dreg:$0x4] =	wrdreg $0xC0  }
0xab: {  	_ =	task [dreg:s6], $0x5FFFF  }
0xac: {  	[dreg:$0x1] =	wrdreg $0xFFFFFFFF  }
0xad: {  	[dreg:$0x0] =	wrdreg $0x60  }
0xae: {  	[dreg:$0x2] =	wrdreg s24  }
0xaf: {  	[dreg:$0x3] =	wrdreg $0x9  }
0xb0: {  	_ =	task.clear_ibuf [dreg:s6], $0x4FFFF;
	_ =	strace $0x9000004C  }
0xb1: {  	s29 =	simm.s32 $0x9;
	_ =	strace $0x8000004E  }
0xb2: {  	_ =	swait.ge [sflag:s29], $0x1  }
0xb3: {  	[sflag:s29] =	ssyncadd.s32 $0xFFFFFFFF  }
0xb4: {  	_ =	strace $0x9000004E  }
0xb5: {  	_ =	sfence  }
0xb6: {  	s30 =	sld [smem:$0x0];
	_ =	sdelay $0x2  }
0xb7: {  	s31 =	sshll.u32 s1, $0xD;
	s1 =	sshrl.u32 s1, $0x2  }
0xb8: {  	s3 =	sand.u32 $0x4000, s31;
	s1 =	sadd.s32 s1, s30  }
0xb9: {  	s0 =	sor.u32 s3, s0;
	s1 =	sshll.u32 s1, $0x11  }
0xba: {  	s0 =	sor.u32 s1, s0  }
0xbb: {  	s0 =	sadd.s32 $0x8F2B, s0  }
0xbc: {  	[sflag:s0] =	ssyncadd.remote.s32 $0x1  }
0xbd: {  	_ =	sfence.sel $0xFFFF  }
0xbe: {  	[dreg:$0x0] =	wrdreg $0xFFFFFFFF;
	(pc) =	sbr.abs _section_cstart, $3  }
0xbf: {  	[dreg:$0x1] =	wrdreg $0xFFFFFFFF  }
0xc0: {  	_ =	task.clear_ibuf [dreg:s6], $0x2FFFF;
	_ =	strace $0x9FFFFFFF  }
0xc1: {  	(tm) =	ssettm $0x7FFFFFFF  }
tec
execute0_lowered:
.L_overlay_start_1:
0x0: {  	(tag) =	ssettag $0x1  }
0x1: {  	v0 =	vimm.s32 $0xFEDCBA98;
	v1 =	vimm.s32 $0x76543210;
	v2 =	vimm.s32 $0xBA98FEDC  }
0x2: {  	s0 =	rddreg [dreg:$0x0];
	s2 =	simm.s32 $0x0;
	s1 =	srdreg.scid;
	v3 =	vimm.s32 $0x32107654;
	v4 =	vimm.s32 $0xDCFE98BA;
	v5 =	vimm.s32 $0x54761032  }
0x3: {  	s3 =	stileid.u32;
	v6 =	vimm.s32 $0xEFCDAB89;
	v7 =	vimm.s32 $0x67452301;
	s15 =	simm.s32 $0x5;
	s16 =	simm.s32 $0x2000  }
0x4: {  	s18 =	simm.s32 $0x2580;
	s19 =	simm.s32 $0x140;
	v0 =	vunpack.c.l.s4.s8 v0;
	s1 =	sand.u32 $0x1, s1;
	v1 =	vunpack.c.l.s4.s8 v1;
	v2 =	vunpack.c.l.s4.s8 v2  }
0x5: {  	s20 =	simm.s32 $0xC700;
	s9 =	sshll.u32 s3, $0x8;
	v3 =	vunpack.c.l.s4.s8 v3;
	v4 =	vunpack.c.l.s4.s8 v4;
	v5 =	vunpack.c.l.s4.s8 v5;
	s29 =	sshll.u32 s1, $0x7  }
0x6: {  	[smem:$0x7FF] =	sst s2;
	s4 =	sadd.s32 $0x15800, s0;
	v6 =	vunpack.c.l.s4.s8 v6;
	v7 =	vunpack.c.l.s4.s8 v7;
	v0 =	vunpack.c.0.s8.s32 v0;
	s3 =	sor.u32 s29, s9  }
0x7: {  	s5 =	sadd.s32 $0x95800, s0;
	s1 =	ssub.s32 $0x2, s1;
	v2 =	vunpack.c.0.s8.s32 v2;
	v3 =	vunpack.c.0.s8.s32 v3;
	v4 =	vunpack.c.0.s8.s32 v4;
	s10 =	smul.u32 $0x1400, s3  }
0x8: {  	s6 =	sadd.s32 $0x5800, s0;
	s7 =	sadd.s32 $0xA5800, s0;
	s30 =	sshrl.u32 s1, $0x1;
	v5 =	vunpack.c.0.s8.s32 v5;
	v6 =	vunpack.c.0.s8.s32 v6;
	v7 =	vunpack.c.0.s8.s32 v7  }
0x9: {  	s8 =	sadd.s32 $0xAA800, s0;
	v1 =	vunpack.c.0.s8.s32 v1;
	s0 =	ssub.s32 s1, s30;
	v2 =	vcombine.low v3, v2;
	s10 =	sshrl.u32 s10, $0x3  }
0xa: {  	_ =	strace $0x8000004D;
	s0 =	smax.u32 s0, $0x1;
	v0 =	vand.u32 $0xF, v0;
	v3 =	vcombine.low v5, v4;
	v4 =	vcombine.low v7, v6;
	s31 =	sadd.s32 s8, s10  }
0xb: {  	vm0 =	vcmask $0x3F24;
	s9 =	sand.u32 $0xC00, s9;
	[dreg:$0x4] =	wrdreg s0;
	v0 =	vcombine.low v0, v1;
	v1 =	vand.u32 $0xF, v2;
	s12 =	sadd.s32 $0x11800, s31  }
0xc: {  	s11 =	sadd.s32 $0xFFFFFFF8, s3;
	v2 =	vlaneseq.u32;
	v3 =	vand.u32 $0xF, v3;
	v4 =	vand.u32 $0xF, v4;
	s1 =	sadd.s32 $0x12C00, s31;
	[dreg:$0x2] =	wrdreg s12  }
0xd: {  	s10 =	sadd.s32 $0xFFFFFFF0, s3;
	v5 =	vor.u32 $0x30, v2;
	v6 =	vor.u32 $0x20, v2;
	v7 =	vor.u32 $0x10, v2;
	[dreg:$0x3] =	wrdreg s1;
	s1 =	simm.s32 $0x0  }
.LBB2_1:
0xe: {  	[dreg:$0x5] =	wrdreg s1;
	s25 =	simm.s32 $0x0  }
.LBB2_2:
0xf: {  	p0 =	seq.s32 s25, $0x0;
	s26 =	sshll.u32 s25, $0x4  }
0x10: {  	s0 =	simm.s32 @!p0 $0x1;
	s1 =	sadd.s32 @!p0 s26, s10  }
0x11: {  	s28 =	sor.u32 s3, s26;
	_ =	swait.ge @!p0 [sflag:s0], $0xA000;
	s1 =	smul.u32 @!p0 $0x280, s1  }
0x12: {  	s12 =	simm.s32 @!p0 $0x2700;
	s23 =	sshll.u32 s28, $0x7;
	[sflag:s0] =	ssyncset.done @!p0 $0x0  }
0x13: {  	[sflag:s0] =	ssyncadd.s32 @!p0 $0xFFFF6000;
	s0 =	sadd.s32 @!p0 s8, s1;
	s1 =	simm.s32 @!p0 $0x0  }
0x14: {  	[hbm4b:s0+s1] =	stream.linear.scatter @!p0 [tilespmem:s12], [sflag:$0x3], $0xA000, $0x38;
	[tilespmem:$0x16700] =	vst v63  }
0x15: {  	s29 =	simm.s32 $0x0;
	s0 =	sadd.s32 s4, s23  }
0x16: {  	[tilespmem:s29], [sflag:$0x5] =	stream.linear.gather [hbm4b:s0+s29], $0x2000, $0x38;
	[tilespmem:$0x16700] =	vst v63  }
0x17: {  	_ =	swait.ge [sflag:s15], $0x2000  }
0x18: {  	s24 =	sshll.u32 s28, $0x4;
	[sflag:s15] =	ssyncset.done $0x0  }
0x19: {  	s0 =	sadd.s32 s5, s24;
	[sflag:s15] =	ssyncadd.s32 $0xFFFFE000  }
0x1a: {  	[tilespmem:s16], [sflag:$0x5] =	stream.linear.gather [hbm4b:s0+s29], $0x400, $0x38;
	[tilespmem:$0x16700] =	vst v63  }
0x1b: {  	_ =	swait.ge [sflag:s15], $0x400  }
0x1c: {  	[sflag:s15] =	ssyncset.done $0x0  }
0x1d: {  	s30 =	simm.s32 $0x0;
	s31 =	simm.s32 $0x0;
	[sflag:s15] =	ssyncadd.s32 $0xFFFFFC00  }
.LBB2_3:
0x1e: {  	s0 =	sshll.u32 s31, $0x7  }
0x1f: {  	s0 =	sand.u32 $0x3FFFFF80, s0  }
0x20: {  	v8 =	vld [tilespmem:s0+$0x2020]  }
0x21: {  	v9 =	vld [tilespmem:s0+$0x2000]  }
0x22: {  	v10 =	vld [tilespmem:s0+$0x2030]  }
0x23: {  	v11 =	vld [tilespmem:s0+$0x2010];
	_ =	sdelay $0x4  }
0x24: {  	v12 =	vmin.f32 v8, v10;
	v13 =	vmin.f32 v9, v11  }
0x25: {  	v12 =	vmin.f32 v13, v12  }
0x26: {  	v13 =	vperm.xlane v12, v0;
	_ =	sdelay $0x1  }
0x27: {  	v12 =	vmin.f32 v12, v13  }
0x28: {  	v13 =	vperm.xlane v12, v1;
	_ =	sdelay $0x1  }
0x29: {  	v12 =	vmin.f32 v12, v13  }
0x2a: {  	v13 =	vperm.xlane v12, v3;
	_ =	sdelay $0x1  }
0x2b: {  	v12 =	vmin.f32 v12, v13  }
0x2c: {  	v13 =	vperm.xlane v12, v4;
	_ =	sdelay $0x1  }
0x2d: {  	v12 =	vmin.f32 v12, v13  }
0x2e: {  	v12 =	vbroadcast v12, $0x0;
	_ =	sdelay $0x1  }
0x2f: {  	vm1 =	veq.f32 v10, v12  }
0x30: {  	vm2 =	veq.f32 v8, v12;
	v8 =	vnsel vm1, $0x40000000, v5  }
0x31: {  	vm1 =	veq.f32 v11, v12;
	v8 =	vsel vm2, v6, v8  }
0x32: {  	vm2 =	veq.f32 v9, v12;
	v8 =	vsel vm1, v7, v8  }
0x33: {  	v8 =	vsel vm2, v2, v8  }
0x34: {  	v9 =	vperm.xlane v8, v0;
	_ =	sdelay $0x1  }
0x35: {  	vm1 =	vlt.s32 v8, v9  }
0x36: {  	v8 =	vsel vm1, v8, v9  }
0x37: {  	v9 =	vperm.xlane v8, v1;
	_ =	sdelay $0x1  }
0x38: {  	vm1 =	vlt.s32 v8, v9  }
0x39: {  	v8 =	vsel vm1, v8, v9  }
0x3a: {  	v9 =	vperm.xlane v8, v3;
	_ =	sdelay $0x1  }
0x3b: {  	vm1 =	vlt.s32 v8, v9  }
0x3c: {  	v8 =	vsel vm1, v8, v9  }
0x3d: {  	v9 =	vperm.xlane v8, v4;
	_ =	sdelay $0x1  }
0x3e: {  	vm1 =	vlt.s32 v8, v9  }
0x3f: {  	v8 =	vsel vm1, v8, v9  }
0x40: {  	(v2sf) =	vpush v8, $0x0;
	_ =	sdelay $0xe  }
0x41: {  	s13 =	spop (v2sf)  }
0x42: {  	s1 =	sshll.u32 s13, $0x7  }
0x43: {  	s12 =	sshll.u32 s13, $0x4;
	s1 =	sand.u32 $0xFFFFFC00, s1  }
0x44: {  	s14 =	sand.u32 $0x70, s12;
	s1 =	sadd.s32 s1, s0  }
0x45: {  	s14 =	sadd.s32 s14, s1  }
0x46: {  	v8 =	vld [tilespmem:s14+$0x0];
	_ =	sdelay $0x4  }
0x47: {  	vm1 =	veq.f32 v8, v12  }
0x48: {  	v9 =	vnsel vm1, $0x40000000, v2  }
0x49: {  	v10 =	vperm.xlane v9, v0;
	_ =	sdelay $0x1  }
0x4a: {  	vm1 =	vlt.s32 v9, v10  }
0x4b: {  	v9 =	vsel vm1, v9, v10  }
0x4c: {  	v10 =	vperm.xlane v9, v1;
	_ =	sdelay $0x1  }
0x4d: {  	vm1 =	vlt.s32 v9, v10  }
0x4e: {  	v9 =	vsel vm1, v9, v10  }
0x4f: {  	v10 =	vperm.xlane v9, v3;
	_ =	sdelay $0x1  }
0x50: {  	vm1 =	vlt.s32 v9, v10  }
0x51: {  	v9 =	vsel vm1, v9, v10  }
0x52: {  	v10 =	vperm.xlane v9, v4;
	_ =	sdelay $0x1  }
0x53: {  	vm1 =	vlt.s32 v9, v10  }
0x54: {  	v9 =	vsel vm1, v9, v10  }
0x55: {  	(v2sf) =	vpush v9, $0x0;
	_ =	sdelay $0x7  }
0x56: {  	v9 =	vbroadcast v9, $0x0;
	_ =	sdelay $0x1  }
0x57: {  	vm1 =	veq.s32 v9, v2  }
0x58: {  	s22 =	sadd.s32 $0x0, s30;
	v8 =	vsel vm1, $0x7F800000, v8  }
0x59: {  	s21 =	sand.u32 $0x3F8, s22;
	v9 =	vperm.xlane v8, v0  }
0x5a: {  	v10 =	vld [tilespmem:s21+$0x2400]  }
0x5b: {  	v9 =	vmin.f32 v8, v9  }
0x5c: {  	s23 =	sand.u32 $0x7, s29;
	v11 =	vperm.xlane v9, v1;
	s22 =	spop (v2sf)  }
0x5d: {  	v63 =	vmov s23;
	s24 =	sadd.s32 s9, s22  }
0x5e: {  	vm1 =	veq.s32 v63, v2;
	v9 =	vmin.f32 v9, v11;
	s12 =	sadd.s32 s12, s24  }
0x5f: {  	s17 =	sand.u32 $0xFFFFFF80, s13;
	s1 =	sadd.s32 $0x2000, s0;
	v11 =	vperm.xlane v9, v3;
	v10 =	vsel vm1, s12, v10  }
0x60: {  	s23 =	sadd.s32 s17, s1;
	s24 =	sand.u32 $0x70, s13;
	[tilespmem:s21+$0x2400] =	vst v10  }
0x61: {  	v9 =	vmin.f32 v9, v11;
	s12 =	sadd.s32 s24, s23;
	[tilespmem:s14+$0x0] =	vst v8  }
0x62: {  	v8 =	vperm.xlane v9, v4;
	v10 =	vld [tilespmem:s12+$0x0];
	_ =	sdelay $0x1  }
0x63: {  	s13 =	sand.u32 $0xF, s13;
	v8 =	vmin.f32 v9, v8  }
0x64: {  	v9 =	vmov s13;
	v8 =	vbroadcast v8, $0x0  }
0x65: {  	vm1 =	veq.s32 v9, v2  }
0x66: {  	s22 =	simm.s32 $0x1;
	v8 =	vsel vm1, v8, v10  }
.LBB2_4:
0x67: {  	p1 =	sne.s32 s22, $0x20;
	[tilespmem:s12+$0x0] =	vst v8;
	s12 =	smov.u32 s22;
	s22 =	sadd.s32 $0x1, s22  }
0x68: {  	v8 =	vld [tilespmem:s0+$0x2020]  }
0x69: {  	v9 =	vld [tilespmem:s0+$0x2000]  }
0x6a: {  	v10 =	vld [tilespmem:s0+$0x2030]  }
0x6b: {  	v11 =	vld [tilespmem:s0+$0x2010];
	_ =	sdelay $0x3  }
0x6c: {  	v12 =	vmin.f32 v8, v10  }
0x6d: {  	v13 =	vmin.f32 v9, v11  }
0x6e: {  	v12 =	vmin.f32 v13, v12  }
0x6f: {  	v13 =	vperm.xlane v12, v0;
	_ =	sdelay $0x1  }
0x70: {  	v12 =	vmin.f32 v12, v13  }
0x71: {  	v13 =	vperm.xlane v12, v1;
	_ =	sdelay $0x1  }
0x72: {  	v12 =	vmin.f32 v12, v13  }
0x73: {  	v13 =	vperm.xlane v12, v3;
	_ =	sdelay $0x1  }
0x74: {  	v12 =	vmin.f32 v12, v13  }
0x75: {  	v13 =	vperm.xlane v12, v4;
	_ =	sdelay $0x1  }
0x76: {  	v12 =	vmin.f32 v12, v13  }
0x77: {  	v12 =	vbroadcast v12, $0x0;
	_ =	sdelay $0x1  }
0x78: {  	vm1 =	veq.f32 v9, v12;
	vm2 =	veq.f32 v8, v12;
	vm3 =	veq.f32 v10, v12  }
0x79: {  	v8 =	vnsel vm3, $0x40000000, v5  }
0x7a: {  	vm3 =	veq.f32 v11, v12;
	v8 =	vsel vm2, v6, v8  }
0x7b: {  	v8 =	vsel vm3, v7, v8  }
0x7c: {  	v8 =	vsel vm1, v2, v8  }
0x7d: {  	v9 =	vperm.xlane v8, v0;
	_ =	sdelay $0x1  }
0x7e: {  	vm1 =	vlt.s32 v8, v9  }
0x7f: {  	v8 =	vsel vm1, v8, v9  }
0x80: {  	v9 =	vperm.xlane v8, v1;
	_ =	sdelay $0x1  }
0x81: {  	vm1 =	vlt.s32 v8, v9  }
0x82: {  	v8 =	vsel vm1, v8, v9  }
0x83: {  	v9 =	vperm.xlane v8, v3;
	_ =	sdelay $0x1  }
0x84: {  	vm1 =	vlt.s32 v8, v9  }
0x85: {  	v8 =	vsel vm1, v8, v9  }
0x86: {  	v9 =	vperm.xlane v8, v4;
	_ =	sdelay $0x1  }
0x87: {  	vm1 =	vlt.s32 v8, v9  }
0x88: {  	v8 =	vsel vm1, v8, v9  }
0x89: {  	(v2sf) =	vpush v8, $0x0;
	_ =	sdelay $0xe  }
0x8a: {  	s13 =	spop (v2sf)  }
0x8b: {  	s14 =	sshll.u32 s13, $0x7;
	s23 =	sand.u32 $0xFFFFFF80, s13;
	s24 =	sand.u32 $0xF, s13  }
0x8c: {  	s21 =	sshll.u32 s13, $0x4;
	s17 =	sand.u32 $0xFFFFFC00, s14;
	s14 =	sadd.s32 s23, s1;
	v8 =	vmov s24  }
0x8d: {  	s23 =	sand.u32 $0x70, s21;
	s17 =	sadd.s32 s17, s0  }
0x8e: {  	s23 =	sadd.s32 s23, s17  }
0x8f: {  	v9 =	vld [tilespmem:s23+$0x0];
	_ =	sdelay $0x4  }
0x90: {  	vm1 =	veq.f32 v9, v12  }
0x91: {  	v10 =	vnsel vm1, $0x40000000, v2  }
0x92: {  	v11 =	vperm.xlane v10, v0;
	_ =	sdelay $0x1  }
0x93: {  	vm1 =	vlt.s32 v10, v11  }
0x94: {  	v10 =	vsel vm1, v10, v11  }
0x95: {  	v11 =	vperm.xlane v10, v1;
	_ =	sdelay $0x1  }
0x96: {  	vm1 =	vlt.s32 v10, v11  }
0x97: {  	v10 =	vsel vm1, v10, v11  }
0x98: {  	v11 =	vperm.xlane v10, v3;
	_ =	sdelay $0x1  }
0x99: {  	vm1 =	vlt.s32 v10, v11  }
0x9a: {  	v10 =	vsel vm1, v10, v11  }
0x9b: {  	v11 =	vperm.xlane v10, v4;
	_ =	sdelay $0x1  }
0x9c: {  	vm1 =	vlt.s32 v10, v11  }
0x9d: {  	v10 =	vsel vm1, v10, v11  }
0x9e: {  	v11 =	vbroadcast v10, $0x0;
	(v2sf) =	vpush v10, $0x0;
	_ =	sdelay $0x1  }
0x9f: {  	vm1 =	veq.s32 v11, v2  }
0xa0: {  	v9 =	vsel vm1, $0x7F800000, v9  }
0xa1: {  	v10 =	vperm.xlane v9, v0;
	_ =	sdelay $0x1  }
0xa2: {  	v10 =	vmin.f32 v9, v10  }
0xa3: {  	v11 =	vperm.xlane v10, v1;
	_ =	sdelay $0x1  }
0xa4: {  	v10 =	vmin.f32 v10, v11  }
0xa5: {  	v11 =	vperm.xlane v10, v3  }
0xa6: {  	s17 =	sadd.s32 s12, s30  }
0xa7: {  	s17 =	sand.u32 $0x3F8, s17;
	v10 =	vmin.f32 v10, v11  }
0xa8: {  	v11 =	vld [tilespmem:s17+$0x2400];
	v12 =	vperm.xlane v10, v4;
	_ =	sdelay $0x1  }
0xa9: {  	s12 =	sand.u32 $0x7, s12;
	v10 =	vmin.f32 v10, v12;
	s24 =	spop (v2sf)  }
0xaa: {  	v12 =	vmov s12;
	s12 =	sadd.s32 s9, s24  }
0xab: {  	vm1 =	veq.s32 v12, v2;
	s12 =	sadd.s32 s21, s12  }
0xac: {  	v11 =	vsel vm1, s12, v11  }
0xad: {  	s12 =	sand.u32 $0x70, s13;
	[tilespmem:s17+$0x2400] =	vst v11  }
0xae: {  	s12 =	sadd.s32 s12, s14;
	[tilespmem:s23+$0x0] =	vst v9  }
0xaf: {  	v9 =	vld [tilespmem:s12+$0x0]  }
.Ltmp0:
0xb0: {  	(pc) =	sbr.rel @p1 .LBB2_4-.Ltmp0, $4  }
0xb1: {  	_ = 	snop  }
0xb2: {  	v10 =	vbroadcast v10, $0x0  }
0xb3: {  	vm1 =	veq.s32 v8, v2  }
0xb4: {  	v8 =	vsel vm1, v10, v9  }
0xb5: {  	s0 =	smul.u32 $0xA0, s31;
	_ =	sdelay $0x1  }
0xb6: {  	[tilespmem:s12+$0x0] =	vst v8;
	s0 =	sshra.s32 s0, $0x2  }
0xb7: {  	v8 =	vld [tilespmem:s0+$0x2418]  }
0xb8: {  	s31 =	sadd.s32 $0x1, s31;
	v9 =	vld.msk [tilespmem:s0+$0x2400 ss:$0x0], $0xffff  }
0xb9: {  	p1 =	sne.s32 s31, $0x8  }
.Ltmp1:
0xba: {  	_ = 	snop;
	(pc) =	sbr.rel @p1 .LBB2_3-.Ltmp1, $3  }
0xbb: {  	_ =	sdelay $0x1  }
0xbc: {  	v8 =	vsel vm0, v9, v8  }
0xbd: {  	s30 =	sadd.s32 $0x28, s30;
	[tilespmem:s0+$0x2418] =	vst v8  }
0xbe: {  	s0 =	smul.u32 $0x5, s28;
	_ =	sdelay $0x1  }
0xbf: {  	s1 =	simm.s32 $0x2400;
	s0 =	sadd.s32 s7, s0  }
0xc0: {  	[hbm4b:s0+s2] =	stream.linear.scatter [tilespmem:s1], [sflag:$0x5], $0x140, $0x38;
	[tilespmem:$0x16700] =	vst v63  }
0xc1: {  	_ =	swait.ge [sflag:s15], $0x140  }
0xc2: {  	p1 =	sne.s32 s25, $0x0;
	[sflag:s15] =	ssyncset.done $0x0  }
0xc3: {  	s0 =	simm.s32 @p1 $0x3;
	[sflag:s15] =	ssyncadd.s32 $0xFFFFFEC0  }
0xc4: {  	_ =	swait.ge @p1 [sflag:s0], $0xA000  }
0xc5: {  	s12 =	simm.s32 @p1 $0x2700;
	[sflag:s0] =	ssyncset.done @p1 $0x0  }
0xc6: {  	s1 =	simm.s32 @p1 $0x2400;
	[sflag:s0] =	ssyncadd.s32 @p1 $0xFFFF6000;
	s0 =	simm.s32 @p1 $0x140  }
0xc7: {  	[tilespmem:s12], [sflag:$0x1] =	stream.indirect.gather @p1 [hbm4b:s6+s0], $0x80, s1, s0, $0xb8;
	[tilespmem:$0x16700] =	vst v63  }
0xc8: {  	s0 =	simm.s32 @p1 $0x2  }
0xc9: {  	s1 =	sadd.s32 @p1 s26, s11;
	s12 =	sor.u32 @p1 $0x8, s26;
	_ =	swait.ge @p1 [sflag:s0], $0xA000  }
0xca: {  	s1 =	smul.u32 @p1 $0x280, s1;
	s12 =	simm.s32 @!p1 $0x8;
	[sflag:s0] =	ssyncset.done @p1 $0x0  }
0xcb: {  	s13 =	simm.s32 @p1 $0xC700;
	s26 =	sor.u32 s3, s12;
	[sflag:s0] =	ssyncadd.s32 @p1 $0xFFFF6000  }
0xcc: {  	s0 =	sadd.s32 @p1 s8, s1;
	s1 =	simm.s32 @p1 $0x0;
	s24 =	sshll.u32 s26, $0x7  }
0xcd: {  	[hbm4b:s0+s1] =	stream.linear.scatter @p1 [tilespmem:s13], [sflag:$0x4], $0xA000, $0x38;
	[tilespmem:$0x16700] =	vst v63  }
0xce: {  	s0 =	simm.s32 @!p1 $0x140;
	s1 =	simm.s32 @!p1 $0x2400;
	s13 =	simm.s32 @!p1 $0x2700  }
0xcf: {  	[tilespmem:s13], [sflag:$0x1] =	stream.indirect.gather @!p1 [hbm4b:s6+s0], $0x80, s1, s0, $0xb8;
	[tilespmem:$0x16700] =	vst v63  }
0xd0: {  	s28 =	simm.s32 $0x0;
	s0 =	sadd.s32 s4, s24  }
0xd1: {  	[tilespmem:s28], [sflag:$0x5] =	stream.linear.gather [hbm4b:s0+s28], $0x2000, $0x38;
	[tilespmem:$0x16700] =	vst v63  }
0xd2: {  	_ =	swait.ge [sflag:s15], $0x2000  }
0xd3: {  	s31 =	sshll.u32 s26, $0x4;
	[sflag:s15] =	ssyncset.done $0x0  }
0xd4: {  	s0 =	sadd.s32 s5, s31;
	[sflag:s15] =	ssyncadd.s32 $0xFFFFE000  }
0xd5: {  	[tilespmem:s16], [sflag:$0x5] =	stream.linear.gather [hbm4b:s0+s28], $0x400, $0x38;
	[tilespmem:$0x16700] =	vst v63  }
0xd6: {  	_ =	swait.ge [sflag:s15], $0x400  }
0xd7: {  	[sflag:s15] =	ssyncset.done $0x0  }
0xd8: {  	s29 =	simm.s32 $0x0;
	s30 =	simm.s32 $0x0;
	[sflag:s15] =	ssyncadd.s32 $0xFFFFFC00  }
.LBB2_7:
0xd9: {  	s0 =	sshll.u32 s30, $0x7  }
0xda: {  	s0 =	sand.u32 $0x3FFFFF80, s0  }
0xdb: {  	v8 =	vld [tilespmem:s0+$0x2020]  }
0xdc: {  	v9 =	vld [tilespmem:s0+$0x2000]  }
0xdd: {  	v10 =	vld [tilespmem:s0+$0x2030]  }
0xde: {  	v11 =	vld [tilespmem:s0+$0x2010];
	_ =	sdelay $0x4  }
0xdf: {  	v12 =	vmin.f32 v8, v10;
	v13 =	vmin.f32 v9, v11  }
0xe0: {  	v12 =	vmin.f32 v13, v12  }
0xe1: {  	v13 =	vperm.xlane v12, v0;
	_ =	sdelay $0x1  }
0xe2: {  	v12 =	vmin.f32 v12, v13  }
0xe3: {  	v13 =	vperm.xlane v12, v1;
	_ =	sdelay $0x1  }
0xe4: {  	v12 =	vmin.f32 v12, v13  }
0xe5: {  	v13 =	vperm.xlane v12, v3;
	_ =	sdelay $0x1  }
0xe6: {  	v12 =	vmin.f32 v12, v13  }
0xe7: {  	v13 =	vperm.xlane v12, v4;
	_ =	sdelay $0x1  }
0xe8: {  	v12 =	vmin.f32 v12, v13  }
0xe9: {  	v12 =	vbroadcast v12, $0x0;
	_ =	sdelay $0x1  }
0xea: {  	vm1 =	veq.f32 v10, v12  }
0xeb: {  	vm2 =	veq.f32 v8, v12;
	v8 =	vnsel vm1, $0x40000000, v5  }
0xec: {  	vm1 =	veq.f32 v11, v12;
	v8 =	vsel vm2, v6, v8  }
0xed: {  	vm2 =	veq.f32 v9, v12;
	v8 =	vsel vm1, v7, v8  }
0xee: {  	v8 =	vsel vm2, v2, v8  }
0xef: {  	v9 =	vperm.xlane v8, v0;
	_ =	sdelay $0x1  }
0xf0: {  	vm1 =	vlt.s32 v8, v9  }
0xf1: {  	v8 =	vsel vm1, v8, v9  }
0xf2: {  	v9 =	vperm.xlane v8, v1;
	_ =	sdelay $0x1  }
0xf3: {  	vm1 =	vlt.s32 v8, v9  }
0xf4: {  	v8 =	vsel vm1, v8, v9  }
0xf5: {  	v9 =	vperm.xlane v8, v3;
	_ =	sdelay $0x1  }
0xf6: {  	vm1 =	vlt.s32 v8, v9  }
0xf7: {  	v8 =	vsel vm1, v8, v9  }
0xf8: {  	v9 =	vperm.xlane v8, v4;
	_ =	sdelay $0x1  }
0xf9: {  	vm1 =	vlt.s32 v8, v9  }
0xfa: {  	v8 =	vsel vm1, v8, v9  }
0xfb: {  	(v2sf) =	vpush v8, $0x0;
	_ =	sdelay $0xe  }
0xfc: {  	s13 =	spop (v2sf)  }
0xfd: {  	s1 =	sshll.u32 s13, $0x7  }
0xfe: {  	s12 =	sshll.u32 s13, $0x4;
	s1 =	sand.u32 $0xFFFFFC00, s1  }
0xff: {  	s14 =	sand.u32 $0x70, s12;
	s1 =	sadd.s32 s1, s0  }
0x100: {  	s14 =	sadd.s32 s14, s1  }
0x101: {  	v8 =	vld [tilespmem:s14+$0x0];
	_ =	sdelay $0x4  }
0x102: {  	vm1 =	veq.f32 v8, v12  }
0x103: {  	v9 =	vnsel vm1, $0x40000000, v2  }
0x104: {  	v10 =	vperm.xlane v9, v0;
	_ =	sdelay $0x1  }
0x105: {  	vm1 =	vlt.s32 v9, v10  }
0x106: {  	v9 =	vsel vm1, v9, v10  }
0x107: {  	v10 =	vperm.xlane v9, v1;
	_ =	sdelay $0x1  }
0x108: {  	vm1 =	vlt.s32 v9, v10  }
0x109: {  	v9 =	vsel vm1, v9, v10  }
0x10a: {  	v10 =	vperm.xlane v9, v3;
	_ =	sdelay $0x1  }
0x10b: {  	vm1 =	vlt.s32 v9, v10  }
0x10c: {  	v9 =	vsel vm1, v9, v10  }
0x10d: {  	v10 =	vperm.xlane v9, v4;
	_ =	sdelay $0x1  }
0x10e: {  	vm1 =	vlt.s32 v9, v10  }
0x10f: {  	v9 =	vsel vm1, v9, v10  }
0x110: {  	(v2sf) =	vpush v9, $0x0;
	_ =	sdelay $0x7  }
0x111: {  	v9 =	vbroadcast v9, $0x0;
	_ =	sdelay $0x1  }
0x112: {  	vm1 =	veq.s32 v9, v2  }
0x113: {  	s24 =	sadd.s32 $0x0, s29;
	v8 =	vsel vm1, $0x7F800000, v8  }
0x114: {  	s17 =	sand.u32 $0x3F8, s24;
	v9 =	vperm.xlane v8, v0  }
0x115: {  	v10 =	vld [tilespmem:s17+$0x2580]  }
0x116: {  	v9 =	vmin.f32 v8, v9  }
0x117: {  	s31 =	sand.u32 $0x7, s28;
	v11 =	vperm.xlane v9, v1;
	s21 =	spop (v2sf)  }
0x118: {  	v63 =	vmov s31;
	s22 =	sadd.s32 s9, s21  }
0x119: {  	vm1 =	veq.s32 v63, v2;
	v9 =	vmin.f32 v9, v11;
	s12 =	sadd.s32 s12, s22  }
0x11a: {  	s23 =	sand.u32 $0xFFFFFF80, s13;
	s1 =	sadd.s32 $0x2000, s0;
	v11 =	vperm.xlane v9, v3;
	v10 =	vsel vm1, s12, v10  }
0x11b: {  	s31 =	sand.u32 $0x70, s13;
	s24 =	sadd.s32 s23, s1;
	[tilespmem:s17+$0x2580] =	vst v10  }
0x11c: {  	v9 =	vmin.f32 v9, v11;
	s12 =	sadd.s32 s31, s24;
	[tilespmem:s14+$0x0] =	vst v8  }
0x11d: {  	v8 =	vperm.xlane v9, v4;
	v10 =	vld [tilespmem:s12+$0x0];
	_ =	sdelay $0x1  }
0x11e: {  	s13 =	sand.u32 $0xF, s13;
	v8 =	vmin.f32 v9, v8  }
0x11f: {  	v9 =	vmov s13;
	v8 =	vbroadcast v8, $0x0  }
0x120: {  	vm1 =	veq.s32 v9, v2  }
0x121: {  	s22 =	simm.s32 $0x1;
	v8 =	vsel vm1, v8, v10  }
.LBB2_8:
0x122: {  	p1 =	sne.s32 s22, $0x20;
	[tilespmem:s12+$0x0] =	vst v8;
	s12 =	smov.u32 s22;
	s22 =	sadd.s32 $0x1, s22  }
0x123: {  	v8 =	vld [tilespmem:s0+$0x2020]  }
0x124: {  	v9 =	vld [tilespmem:s0+$0x2000]  }
0x125: {  	v10 =	vld [tilespmem:s0+$0x2030]  }
0x126: {  	v11 =	vld [tilespmem:s0+$0x2010];
	_ =	sdelay $0x3  }
0x127: {  	v12 =	vmin.f32 v8, v10  }
0x128: {  	v13 =	vmin.f32 v9, v11  }
0x129: {  	v12 =	vmin.f32 v13, v12  }
0x12a: {  	v13 =	vperm.xlane v12, v0;
	_ =	sdelay $0x1  }
0x12b: {  	v12 =	vmin.f32 v12, v13  }
0x12c: {  	v13 =	vperm.xlane v12, v1;
	_ =	sdelay $0x1  }
0x12d: {  	v12 =	vmin.f32 v12, v13  }
0x12e: {  	v13 =	vperm.xlane v12, v3;
	_ =	sdelay $0x1  }
0x12f: {  	v12 =	vmin.f32 v12, v13  }
0x130: {  	v13 =	vperm.xlane v12, v4;
	_ =	sdelay $0x1  }
0x131: {  	v12 =	vmin.f32 v12, v13  }
0x132: {  	v12 =	vbroadcast v12, $0x0;
	_ =	sdelay $0x1  }
0x133: {  	vm1 =	veq.f32 v9, v12;
	vm2 =	veq.f32 v8, v12;
	vm3 =	veq.f32 v10, v12  }
0x134: {  	v8 =	vnsel vm3, $0x40000000, v5  }
0x135: {  	vm3 =	veq.f32 v11, v12;
	v8 =	vsel vm2, v6, v8  }
0x136: {  	v8 =	vsel vm3, v7, v8  }
0x137: {  	v8 =	vsel vm1, v2, v8  }
0x138: {  	v9 =	vperm.xlane v8, v0;
	_ =	sdelay $0x1  }
0x139: {  	vm1 =	vlt.s32 v8, v9  }
0x13a: {  	v8 =	vsel vm1, v8, v9  }
0x13b: {  	v9 =	vperm.xlane v8, v1;
	_ =	sdelay $0x1  }
0x13c: {  	vm1 =	vlt.s32 v8, v9  }
0x13d: {  	v8 =	vsel vm1, v8, v9  }
0x13e: {  	v9 =	vperm.xlane v8, v3;
	_ =	sdelay $0x1  }
0x13f: {  	vm1 =	vlt.s32 v8, v9  }
0x140: {  	v8 =	vsel vm1, v8, v9  }
0x141: {  	v9 =	vperm.xlane v8, v4;
	_ =	sdelay $0x1  }
0x142: {  	vm1 =	vlt.s32 v8, v9  }
0x143: {  	v8 =	vsel vm1, v8, v9  }
0x144: {  	(v2sf) =	vpush v8, $0x0;
	_ =	sdelay $0xe  }
0x145: {  	s13 =	spop (v2sf)  }
0x146: {  	s14 =	sshll.u32 s13, $0x7;
	s17 =	sand.u32 $0xFFFFFF80, s13;
	s23 =	sand.u32 $0xF, s13  }
0x147: {  	s21 =	sshll.u32 s13, $0x4;
	s24 =	sand.u32 $0xFFFFFC00, s14;
	s14 =	sadd.s32 s17, s1;
	v8 =	vmov s23  }
0x148: {  	s17 =	sand.u32 $0x70, s21;
	s23 =	sadd.s32 s24, s0  }
0x149: {  	s23 =	sadd.s32 s17, s23  }
0x14a: {  	v9 =	vld [tilespmem:s23+$0x0];
	_ =	sdelay $0x4  }
0x14b: {  	vm1 =	veq.f32 v9, v12  }
0x14c: {  	v10 =	vnsel vm1, $0x40000000, v2  }
0x14d: {  	v11 =	vperm.xlane v10, v0;
	_ =	sdelay $0x1  }
0x14e: {  	vm1 =	vlt.s32 v10, v11  }
0x14f: {  	v10 =	vsel vm1, v10, v11  }
0x150: {  	v11 =	vperm.xlane v10, v1;
	_ =	sdelay $0x1  }
0x151: {  	vm1 =	vlt.s32 v10, v11  }
0x152: {  	v10 =	vsel vm1, v10, v11  }
0x153: {  	v11 =	vperm.xlane v10, v3;
	_ =	sdelay $0x1  }
0x154: {  	vm1 =	vlt.s32 v10, v11  }
0x155: {  	v10 =	vsel vm1, v10, v11  }
0x156: {  	v11 =	vperm.xlane v10, v4;
	_ =	sdelay $0x1  }
0x157: {  	vm1 =	vlt.s32 v10, v11  }
0x158: {  	v10 =	vsel vm1, v10, v11  }
0x159: {  	v11 =	vbroadcast v10, $0x0;
	(v2sf) =	vpush v10, $0x0;
	_ =	sdelay $0x1  }
0x15a: {  	vm1 =	veq.s32 v11, v2  }
0x15b: {  	v9 =	vsel vm1, $0x7F800000, v9  }
0x15c: {  	v10 =	vperm.xlane v9, v0;
	_ =	sdelay $0x1  }
0x15d: {  	v10 =	vmin.f32 v9, v10  }
0x15e: {  	v11 =	vperm.xlane v10, v1;
	_ =	sdelay $0x1  }
0x15f: {  	v10 =	vmin.f32 v10, v11  }
0x160: {  	v11 =	vperm.xlane v10, v3  }
0x161: {  	s17 =	sadd.s32 s12, s29  }
0x162: {  	s17 =	sand.u32 $0x3F8, s17;
	v10 =	vmin.f32 v10, v11  }
0x163: {  	v11 =	vld [tilespmem:s17+$0x2580];
	v12 =	vperm.xlane v10, v4;
	_ =	sdelay $0x1  }
0x164: {  	s12 =	sand.u32 $0x7, s12;
	v10 =	vmin.f32 v10, v12;
	s24 =	spop (v2sf)  }
0x165: {  	v12 =	vmov s12;
	s12 =	sadd.s32 s9, s24  }
0x166: {  	vm1 =	veq.s32 v12, v2;
	s12 =	sadd.s32 s21, s12  }
0x167: {  	v11 =	vsel vm1, s12, v11  }
0x168: {  	s12 =	sand.u32 $0x70, s13;
	[tilespmem:s17+$0x2580] =	vst v11  }
0x169: {  	s12 =	sadd.s32 s12, s14;
	[tilespmem:s23+$0x0] =	vst v9  }
0x16a: {  	v9 =	vld [tilespmem:s12+$0x0]  }
.Ltmp2:
0x16b: {  	(pc) =	sbr.rel @p1 .LBB2_8-.Ltmp2, $4  }
0x16c: {  	_ = 	snop  }
0x16d: {  	v10 =	vbroadcast v10, $0x0  }
0x16e: {  	vm1 =	veq.s32 v8, v2  }
0x16f: {  	v8 =	vsel vm1, v10, v9  }
0x170: {  	s0 =	smul.u32 $0xA0, s30;
	_ =	sdelay $0x1  }
0x171: {  	[tilespmem:s12+$0x0] =	vst v8;
	s0 =	sshra.s32 s0, $0x2  }
0x172: {  	v8 =	vld [tilespmem:s0+$0x2598]  }
0x173: {  	s30 =	sadd.s32 $0x1, s30;
	v9 =	vld.msk [tilespmem:s0+$0x2580 ss:$0x0], $0xffff  }
0x174: {  	p1 =	sne.s32 s30, $0x8  }
.Ltmp3:
0x175: {  	_ = 	snop;
	(pc) =	sbr.rel @p1 .LBB2_7-.Ltmp3, $3  }
0x176: {  	_ =	sdelay $0x1  }
0x177: {  	v8 =	vsel vm0, v9, v8  }
0x178: {  	s29 =	sadd.s32 $0x28, s29;
	[tilespmem:s0+$0x2598] =	vst v8  }
0x179: {  	s0 =	smul.u32 $0x5, s26;
	_ =	sdelay $0x1  }
0x17a: {  	s0 =	sadd.s32 s7, s0  }
0x17b: {  	[hbm4b:s0+s2] =	stream.linear.scatter [tilespmem:s18], [sflag:$0x5], $0x140, $0x38;
	[tilespmem:$0x16700] =	vst v63  }
0x17c: {  	_ =	swait.ge [sflag:s15], $0x140  }
0x17d: {  	[sflag:s15] =	ssyncset.done $0x0  }
0x17e: {  	s0 =	simm.s32 @!p0 $0x4;
	[sflag:s15] =	ssyncadd.s32 $0xFFFFFEC0  }
0x17f: {  	_ =	swait.ge @!p0 [sflag:s0], $0xA000  }
0x180: {  	s25 =	sadd.s32 $0x1, s25;
	[sflag:s0] =	ssyncset.done @!p0 $0x0  }
0x181: {  	[sflag:s0] =	ssyncadd.s32 @!p0 $0xFFFF6000;
	p0 =	sne.s32 s25, $0x8  }
.Ltmp4:
0x182: {  	_ = 	snop;
	(pc) =	sbr.rel @p0 .LBB2_2-.Ltmp4, $2  }
0x183: {  	_ =	sdelay $0x2  }
0x184: {  	[tilespmem:s20], [sflag:$0x2] =	stream.indirect.gather [hbm4b:s6+s19], $0x80, s18, s19, $0xb8;
	[tilespmem:$0x16700] =	vst v63  }
0x185: {  	s0 =	simm.s32 $0x1  }
0x186: {  	_ =	swait.ge [sflag:s0], $0xA000  }
0x187: {  	[sflag:s0] =	ssyncset.done $0x0  }
0x188: {  	s1 =	simm.s32 $0x2700;
	s26 =	rddreg [dreg:$0x2];
	[sflag:s0] =	ssyncadd.s32 $0xFFFF6000  }
0x189: {  	[hbm4b:s26+s2] =	stream.linear.scatter [tilespmem:s1], [sflag:$0x5], $0xA000, $0x38;
	[tilespmem:$0x16700] =	vst v63  }
0x18a: {  	_ =	swait.ge [sflag:s15], $0xA000  }
0x18b: {  	[sflag:s15] =	ssyncset.done $0x0  }
0x18c: {  	s28 =	simm.s32 $0x2;
	[sflag:s15] =	ssyncadd.s32 $0xFFFF6000  }
0x18d: {  	_ =	swait.ge [sflag:s28], $0xA000  }
0x18e: {  	[sflag:s28] =	ssyncset.done $0x0  }
0x18f: {  	s29 =	rddreg [dreg:$0x3];
	[sflag:s28] =	ssyncadd.s32 $0xFFFF6000  }
0x190: {  	[hbm4b:s29+s2] =	stream.linear.scatter [tilespmem:s20], [sflag:$0x5], $0xA000, $0x38;
	[tilespmem:$0x16700] =	vst v63  }
0x191: {  	_ =	swait.ge [sflag:s15], $0xA000  }
0x192: {  	s30 =	rddreg [dreg:$0x5]  }
0x193: {  	s31 =	rddreg [dreg:$0x4];
	s1 =	sadd.s32 $0x1, s30  }
0x194: {  	p0 =	sne.s32 s1, s31  }
.Ltmp5:
0x195: {  	_ = 	snop;
	(pc) =	sbr.rel @p0 .LBB2_1-.Ltmp5, $3  }
0x196: {  	_ =	sdelay $0x1  }
0x197: {  	[sflag:s15] =	ssyncset.done $0x0  }
0x198: {  	[sflag:s15] =	ssyncadd.s32 $0xFFFF6000  }
0x199: {  	_ =	sfence.sel $0x180000  }
0x19a: {  	[bflag:$0x0] =	sbarrier.arrive $0xFFFF  }
0x19b: {  	_ =	strace $0x9000004D  }
0x19c: {  	s0 =	stileid.u32;
	[bflag:$0x2] =	sbarrier.arrive $0xFFFF  }
0x19d: {  	p0 =	sne.s32 s0, $0x0;
	s0 =	rddreg [dreg:$0x1]  }
0x19e: {  	s0 =	sadd.s32 @!p0 $0x100000, s0  }
0x19f: {  	[sflag:s0] =	ssyncadd.tile.s32 @!p0 $0x1;
	_ =	shalt  }
.Lfunc_end2:
_tile_overlayer_lowered:
.L_overlay_start_2:
0x1a0: {  	(tag) =	ssettag $0x2  }
0x1a1: {  	s0 =	rddreg [dreg:$0x0];
	s2 =	stileid.u32  }
0x1a2: {  	s1 =	rddreg [dreg:$0x1];
	p0 =	sne.s32 s2, $0x0  }
0x1a3: {  	s3 =	rddreg [dreg:$0x2];
	[bflag:$0x3] =	sbarrier.arrive $0xFFFF;
	s2 =	simm.s32 @!p0 $0x1C05  }
0x1a4: {  	[timem:s3], [sflag:s2] =	dma.local @!p0 [hbm:s0], s1  }
0x1a5: {  	s0 =	simm.s32 @!p0 $0x5  }
0x1a6: {  	_ =	swait.ge @!p0 [sflag:s0], s1  }
0x1a7: {  	s1 =	ssub.s32 @!p0 $0x0, s1;
	[sflag:s0] =	ssyncset.done @!p0 $0x0  }
0x1a8: {  	[sflag:s0] =	ssyncadd.s32 @!p0 s1  }
0x1a9: {  	[bflag:$0x3] =	sbarrier.arrive $0xFFFF  }
0x1aa: {  	_ =	shalt  }

// kernel: kernel.24.cloned.1.call-start
scs
__scs_entry_jumppad:
0x0: {  	(pc) =	sbr.rel $0x88, $3  }
0x1: {  	(tag) =	ssettag $0x0;
	lr =	simm.s32 $0x1  }
0x2: {  	[smem:$0x3F93] =	sst lr;
	_ =	strace $0xD0000000  }
0x3: {  	_ = 	snop  }
0x4: {  	_ = 	snop  }
0x5: {  	_ = 	snop  }
0x6: {  	_ = 	snop  }
0x7: {  	_ = 	snop  }
__scs_overlays_trampoline_lowered:
0x8: {  	[smem:$0x3FA2] =	sst s0  }
0x9: {  	[smem:$0x3FA3] =	sst s1  }
0xa: {  	[smem:$0x3FA4] =	sst s2  }
0xb: {  	[smem:$0x3FA5] =	sst s3  }
0xc: {  	[smem:$0x3FA6] =	sst s4  }
0xd: {  	[smem:$0x3FA7] =	sst s5  }
0xe: {  	[smem:$0x3FA8] =	sst s6  }
0xf: {  	[smem:$0x3FA9] =	sst s7  }
0x10: {  	[smem:$0x3FAA] =	sst s8  }
0x11: {  	[smem:$0x3FAB] =	sst s9;
	s0 =	simm.s32 @!p0 $0x0  }
0x12: {  	s1 =	sld [smem:$0x3F91];
	s0 =	simm.s32 @p0 $0x1  }
0x13: {  	[smem:$0x3FAC] =	sst s0;
	s0 =	simm.s32 @!p1 $0x0  }
0x14: {  	s2 =	sld [smem:$0x3F90];
	s0 =	simm.s32 @p1 $0x1  }
0x15: {  	[smem:$0x3FAD] =	sst s0;
	s0 =	simm.s32 @!p2 $0x0  }
0x16: {  	s3 =	sld [smem:$0x3FDB];
	s0 =	simm.s32 @p2 $0x1  }
0x17: {  	s4 =	simm.s32 $0x1BF5;
	[smem:$0x3FAF] =	sst s0  }
0x18: {  	s0 =	sld [smem:$0x3F92];
	_ =	swait.ge [sflag:s4], $0x0  }
0x19: {  	s7 =	sld [smem:$0x3F93]  }
0x1a: {  	s8 =	sadd.s32 $0xFFFFE003, lr  }
0x1b: {  	s9 =	sadd.s32 $0xFFFFFEF7, lr;
	s5 =	simm.s32 $0xFFFFFFFF;
	p2 =	slt.u32 s8, $0xFFFFF086  }
0x1c: {  	p1 =	slt.u32 s9, $0xF7A;
	s5 =	simm.s32 @!p2 $0x0  }
0x1d: {  	s5 =	simm.s32 @p1 $0x1;
	p0 =	seq.s32 s7, s2  }
0x1e: {  	s7 =	smul.u32 @!p0 $0xF7A, s2;
	p2 =	seq.s32 @!p0 s5, $0x0  }
0x1f: {  	s9 =	smul.u32 $0xF7A, s1;
	s8 =	simm.s32 @!p0 $0x1BF5;
	p2 =	por !p2, p0  }
0x20: {  	[sflag:s8] =	ssyncset.s32 @!p0 $0xFFFFF086;
	s6 =	sadd.s32 @!p0 s3, s7;
	s7 =	simm.s32 @!p0 $0x108  }
0x21: {  	s3 =	sadd.s32 s3, s9;
	s6 =	sadd.s32 @!p0 $0x88, s6;
	s7 =	simm.s32 @p2 $0x1082  }
0x22: {  	[simem:s7], [sflag:s8] =	dma.local @!p0 [hbm:s6], $0xF7A  }
0x23: {  	s9 =	sor.u32 $0xD0000000, s2;
	s6 =	simm.s32 $0x108;
	_ =	swait.ge @!p0 [sflag:s8], $0x0  }
0x24: {  	s3 =	sadd.s32 $0x88, s3;
	s6 =	simm.s32 @!p1 $0x1082;
	[sflag:s4] =	ssyncset.s32 $0xFFFFF086  }
0x25: {  	[simem:s6], [sflag:s4] =	dma.local [hbm:s3], $0xF7A  }
0x26: {  	[smem:$0x3F93] =	sst s1;
	(tag) =	ssettag s2;
	_ =	strace s9  }
0x27: {  	s1 =	sld [smem:$0x3FA3]  }
0x28: {  	s2 =	sld [smem:$0x3FA4]  }
0x29: {  	s4 =	sld [smem:$0x3FA6]  }
0x2a: {  	p0 =	seq.s32 s5, $0x0;
	s5 =	sld [smem:$0x3FA7]  }
0x2b: {  	s6 =	sld [smem:$0x3FA8]  }
0x2c: {  	s7 =	sld [smem:$0x3FA9]  }
0x2d: {  	s3 =	simm.s32 $0x108;
	s8 =	sld [smem:$0x3FAA]  }
0x2e: {  	s3 =	simm.s32 @!p0 $0x1082;
	s9 =	sld [smem:$0x3FAB]  }
0x2f: {  	lr =	sadd.s32 s0, s3;
	s0 =	sld [smem:$0x3FA2]  }
0x30: {  	s3 =	sld [smem:$0x3FA5]  }
0x31: {  	[smem:$0x3FAE] =	sst s10  }
0x32: {  	s10 =	sld [smem:$0x3FAC];
	_ =	sdelay $0x3  }
0x33: {  	p0 =	seq.s32 s10, $0x1;
	s10 =	sld [smem:$0x3FAE];
	_ =	sdelay $0x3  }
0x34: {  	[smem:$0x3FAE] =	sst s10  }
0x35: {  	s10 =	sld [smem:$0x3FAD];
	_ =	sdelay $0x3  }
0x36: {  	p1 =	seq.s32 s10, $0x1;
	s10 =	sld [smem:$0x3FAE];
	_ =	sdelay $0x3  }
0x37: {  	[smem:$0x3FAE] =	sst s10  }
0x38: {  	s10 =	sld [smem:$0x3FAF]  }
0x39: {  	_ = 	snop;
	(pc) =	sbr.ind lr, $3  }
0x3a: {  	_ = 	snop  }
0x3b: {  	_ = 	snop  }
0x3c: {  	p2 =	seq.s32 s10, $0x1;
	s10 =	sld [smem:$0x3FAE]  }
0x3d: {  	_ =	shalt  }
0x3e: {  	_ =	shalt  }
0x3f: {  	_ =	shalt  }
0x40: {  	_ =	shalt  }
0x41: {  	_ =	shalt  }
0x42: {  	_ =	shalt  }
0x43: {  	_ =	shalt  }
0x44: {  	_ =	shalt  }
0x45: {  	_ =	shalt  }
0x46: {  	_ =	shalt  }
0x47: {  	_ =	shalt  }
0x48: {  	_ =	shalt  }
0x49: {  	_ =	shalt  }
0x4a: {  	_ =	shalt  }
0x4b: {  	_ =	shalt  }
0x4c: {  	_ =	shalt  }
0x4d: {  	_ =	shalt  }
0x4e: {  	_ =	shalt  }
0x4f: {  	_ =	shalt  }
0x50: {  	_ =	shalt  }
0x51: {  	_ =	shalt  }
0x52: {  	_ =	shalt  }
0x53: {  	_ =	shalt  }
0x54: {  	_ =	shalt  }
0x55: {  	_ =	shalt  }
0x56: {  	_ =	shalt  }
0x57: {  	_ =	shalt  }
0x58: {  	_ =	shalt  }
0x59: {  	_ =	shalt  }
0x5a: {  	_ =	shalt  }
0x5b: {  	_ =	shalt  }
0x5c: {  	_ =	shalt  }
0x5d: {  	_ =	shalt  }
0x5e: {  	_ =	shalt  }
0x5f: {  	_ =	shalt  }
0x60: {  	_ =	shalt  }
0x61: {  	_ =	shalt  }
0x62: {  	_ =	shalt  }
0x63: {  	_ =	shalt  }
0x64: {  	_ =	shalt  }
0x65: {  	_ =	shalt  }
0x66: {  	_ =	shalt  }
0x67: {  	_ =	shalt  }
0x68: {  	_ =	shalt  }
0x69: {  	_ =	shalt  }
0x6a: {  	_ =	shalt  }
0x6b: {  	_ =	shalt  }
0x6c: {  	_ =	shalt  }
0x6d: {  	_ =	shalt  }
0x6e: {  	_ =	shalt  }
0x6f: {  	_ =	shalt  }
0x70: {  	_ =	shalt  }
0x71: {  	_ =	shalt  }
0x72: {  	_ =	shalt  }
0x73: {  	_ =	shalt  }
0x74: {  	_ =	shalt  }
0x75: {  	_ =	shalt  }
0x76: {  	_ =	shalt  }
0x77: {  	_ =	shalt  }
0x78: {  	_ =	shalt  }
0x79: {  	_ =	shalt  }
0x7a: {  	_ =	shalt  }
0x7b: {  	_ =	shalt  }
0x7c: {  	_ =	shalt  }
0x7d: {  	_ =	shalt  }
0x7e: {  	_ =	shalt  }
0x7f: {  	_ =	shalt  }
0x80: {  	_ =	shalt  }
0x81: {  	_ =	shalt  }
0x82: {  	_ =	shalt  }
0x83: {  	_ =	shalt  }
0x84: {  	_ =	shalt  }
0x85: {  	_ =	shalt  }
0x86: {  	_ =	shalt  }
0x87: {  	_ =	shalt  }
.Lfunc_end0:
.L_simem_size_0:
called_computation.3_lowered:
.L_overlay_start_0:
0x88: {  	s2 =	sld [smem:$0x3FD9]  }
0x89: {  	s3 =	sld [smem:$0x3FFE];
	_ =	sdelay $0x1  }
0x8a: {  	s1 =	srdreg.scid  }
0x8b: {  	s0 =	sand.u32 $0x1, s1  }
0x8c: {  	s16 =	sshll.u32 s0, $0xA;
	s2 =	sadd.s32 s3, s2  }
0x8d: {  	s2 =	sadd.s32 s2, s16  }
0x8e: {  	[smem:$0x3FBA] =	sst s2  }
0x8f: {  	_ = 	snop  }
0x90: {  	(tm) =	ssettm $0x1  }
0x91: {  	s17 =	sld [smem:$0x3FFB];
	_ =	sdelay $0x3  }
0x92: {  	_ =	strace s17  }
0x93: {  	s2 =	sld [smem:$0x3FFC];
	_ =	sdelay $0x3  }
0x94: {  	_ =	strace s2  }
0x95: {  	s2 =	sld [smem:$0x3FFD];
	_ =	sdelay $0x3  }
0x96: {  	_ =	strace s2  }
0x97: {  	_ =	strace $0x8FFFFFFF  }
0x98: {  	s18 =	sld [smem:$0x3FDB];
	_ =	sdelay $0x1  }
0x99: {  	s19 =	simm.s32 $_scs_section_size  }
0x9a: {  	s4 =	simm.s32 $_size__tile_overlayer_lowered;
	s5 =	simm.s32 $_tile_overlayer_lowered  }
0x9b: {  	s22 =	simm.s32 $0x1BFF;
	s21 =	sshll.u32 s5, $0x1;
	s2 =	sadd.s32 s19, s18  }
0x9c: {  	s6 =	simm.s32 $0x0;
	s20 =	sshll.u32 s4, $0x1;
	s4 =	sadd.s32 s21, s2  }
0x9d: {  	[timem:s6], [sflag:s22] =	dma.local [hbm:s4], s20  }
0x9e: {  	_ =	swait.ge [sflag:s22], s20  }
0x9f: {  	s3 =	ssub.s32 $0x0, s20;
	[sflag:s22] =	ssyncset.done $0x0  }
0xa0: {  	[sflag:s22] =	ssyncadd.s32 s3;
	_ =	sdelay $0x1  }
0xa1: {  	s23 =	simm.s32 $0x1B8B  }
0xa2: {  	_ =	swait.ge [sflag:s23], $0x1  }
0xa3: {  	[sflag:s23] =	ssyncset.done $0x0  }
0xa4: {  	s25 =	simm.s32 $0x1B8E;
	s24 =	sld [smem:$0x3FFE];
	[sflag:s23] =	ssyncadd.s32 $0xFFFFFFFF  }
0xa5: {  	s26 =	simm.s32 $execute0_lowered;
	[smem:$0x3FD2] =	sst s25  }
0xa6: {  	s4 =	sshll.u32 s26, $0x1;
	_ =	strace $0x8000004F;
	[dreg:$0x1] =	wrdreg $0xFFFFFFFF  }
0xa7: {  	s28 =	simm.s32 $_size_execute0_lowered;
	s2 =	sadd.s32 s2, s4;
	[dreg:$0x0] =	wrdreg $0x0  }
0xa8: {  	s4 =	sshll.u32 s28, $0x1;
	[dreg:$0x2] =	wrdreg s2  }
0xa9: {  	[dreg:$0x3] =	wrdreg s4  }
0xaa: {  	[dreg:$0x4] =	wrdreg $0xC0  }
0xab: {  	_ =	task [dreg:s6], $0x5FFFF  }
0xac: {  	[dreg:$0x1] =	wrdreg $0xFFFFFFFF  }
0xad: {  	[dreg:$0x0] =	wrdreg $0x60  }
0xae: {  	[dreg:$0x2] =	wrdreg s24  }
0xaf: {  	[dreg:$0x3] =	wrdreg $0x9  }
0xb0: {  	_ =	task.clear_ibuf [dreg:s6], $0x4FFFF;
	_ =	strace $0x9000004F  }
0xb1: {  	s29 =	simm.s32 $0x9;
	_ =	strace $0x80000051  }
0xb2: {  	_ =	swait.ge [sflag:s29], $0x1  }
0xb3: {  	[sflag:s29] =	ssyncadd.s32 $0xFFFFFFFF  }
0xb4: {  	_ =	strace $0x90000051  }
0xb5: {  	_ =	sfence  }
0xb6: {  	s30 =	sld [smem:$0x0];
	_ =	sdelay $0x2  }
0xb7: {  	s31 =	sshll.u32 s1, $0xD;
	s1 =	sshrl.u32 s1, $0x2  }
0xb8: {  	s3 =	sand.u32 $0x4000, s31;
	s1 =	sadd.s32 s1, s30  }
0xb9: {  	s0 =	sor.u32 s3, s0;
	s1 =	sshll.u32 s1, $0x11  }
0xba: {  	s0 =	sor.u32 s1, s0  }
0xbb: {  	s0 =	sadd.s32 $0x8F2B, s0  }
0xbc: {  	[sflag:s0] =	ssyncadd.remote.s32 $0x1  }
0xbd: {  	_ =	sfence.sel $0xFFFF  }
0xbe: {  	[dreg:$0x0] =	wrdreg $0xFFFFFFFF;
	(pc) =	sbr.abs _section_cstart, $3  }
0xbf: {  	[dreg:$0x1] =	wrdreg $0xFFFFFFFF  }
0xc0: {  	_ =	task.clear_ibuf [dreg:s6], $0x2FFFF;
	_ =	strace $0x9FFFFFFF  }
0xc1: {  	(tm) =	ssettm $0x7FFFFFFF  }
tec
execute0_lowered:
.L_overlay_start_1:
0x0: {  	(tag) =	ssettag $0x1  }
0x1: {  	s0 =	rddreg [dreg:$0x0];
	s1 =	simm.s32 $0x0;
	s18 =	srdreg.scid  }
0x2: {  	s19 =	stileid.u32;
	s28 =	simm.s32 $0xA0;
	[smem:$0x7FF] =	sst s1  }
0x3: {  	v0 =	vimm.s32 $0xFEDCBA98;
	s2 =	sadd.s32 $0x15800, s0;
	s3 =	sadd.s32 $0x95800, s0;
	s5 =	sadd.s32 $0x5800, s0  }
0x4: {  	v1 =	vimm.s32 $0x76543210;
	s6 =	sadd.s32 $0xA5800, s0;
	s7 =	sadd.s32 $0xB5800, s0;
	s9 =	sadd.s32 $0xBA800, s0  }
0x5: {  	v2 =	vimm.s32 $0xBA98FEDC;
	s10 =	sadd.s32 $0x33A800, s0;
	s23 =	sadd.s32 $0x15840, s0;
	s15 =	sadd.s32 $0x95840, s0  }
0x6: {  	v3 =	vimm.s32 $0x32107654;
	v4 =	vimm.s32 $0xDCFE98BA;
	_ =	strace $0x80000050;
	[dreg:$0x2] =	wrdreg s2;
	s2 =	sand.u32 $0x1, s18  }
0x7: {  	v5 =	vimm.s32 $0x54761032;
	v6 =	vimm.s32 $0xEFCDAB89;
	v7 =	vimm.s32 $0x67452301;
	[dreg:$0x3] =	wrdreg s3;
	s3 =	sshll.u32 s19, $0x8;
	s4 =	sshll.u32 s2, $0x7  }
0x8: {  	v0 =	vunpack.c.l.s4.s8 v0;
	v1 =	vunpack.c.l.s4.s8 v1;
	v2 =	vunpack.c.l.s4.s8 v2;
	[dreg:$0x6] =	wrdreg s23;
	s2 =	ssub.s32 $0x2, s2;
	s8 =	sor.u32 s4, s3  }
0x9: {  	v3 =	vunpack.c.l.s4.s8 v3;
	v4 =	vunpack.c.l.s4.s8 v4;
	v5 =	vunpack.c.l.s4.s8 v5;
	s23 =	simm.s32 $0x5;
	s12 =	sshrl.u32 s2, $0x1;
	s4 =	smul.u32 $0x1400, s8  }
0xa: {  	v6 =	vunpack.c.l.s4.s8 v6;
	v7 =	vunpack.c.l.s4.s8 v7;
	v0 =	vunpack.c.0.s8.s32 v0;
	s11 =	sand.u32 $0xC00, s3;
	s20 =	sadd.s32 $0xFFFFFFF8, s8;
	s2 =	ssub.s32 s2, s12  }
0xb: {  	v2 =	vunpack.c.0.s8.s32 v2;
	v3 =	vunpack.c.0.s8.s32 v3;
	v4 =	vunpack.c.0.s8.s32 v4;
	s22 =	sadd.s32 $0xFFFFFFFC, s8;
	[dreg:$0x4] =	wrdreg s20;
	s21 =	sshrl.u32 s4, $0x3  }
0xc: {  	v5 =	vunpack.c.0.s8.s32 v5;
	v6 =	vunpack.c.0.s8.s32 v6;
	v7 =	vunpack.c.0.s8.s32 v7;
	[dreg:$0x5] =	wrdreg s22;
	s31 =	smax.u32 s2, $0x1;
	s24 =	sadd.s32 $0x12C00, s21  }
0xd: {  	v1 =	vunpack.c.0.s8.s32 v1;
	v2 =	vcombine.low v3, v2;
	s22 =	simm.s32 $0x400;
	[dreg:$0xb] =	wrdreg s31;
	s25 =	sadd.s32 s9, s24  }
0xe: {  	v0 =	vand.u32 $0xF, v0;
	v3 =	vcombine.low v5, v4;
	v4 =	vcombine.low v7, v6;
	s26 =	sadd.s32 $0x13600, s21;
	s29 =	sadd.s32 s10, s24;
	[dreg:$0x7] =	wrdreg s25  }
0xf: {  	vm0 =	vcmask $0x3F24;
	v0 =	vcombine.low v0, v1;
	s2 =	simm.s32 $0x0;
	v1 =	vand.u32 $0xF, v2;
	s30 =	sadd.s32 s9, s26;
	[dreg:$0x8] =	wrdreg s29  }
0x10: {  	v2 =	vlaneseq.u32;
	v3 =	vand.u32 $0xF, v3;
	v4 =	vand.u32 $0xF, v4;
	s21 =	simm.s32 $0x200;
	s0 =	sadd.s32 s10, s26;
	[dreg:$0x9] =	wrdreg s30  }
0x11: {  	v5 =	vor.u32 $0x30, v2;
	v6 =	vor.u32 $0x20, v2;
	v7 =	vor.u32 $0x10, v2;
	s24 =	simm.s32 $0x1000;
	s26 =	simm.s32 $0x1300;
	[dreg:$0xa] =	wrdreg s0  }
.LBB2_1:
0x12: {  	[dreg:$0xc] =	wrdreg s2;
	s16 =	simm.s32 $0x0  }
.LBB2_2:
0x13: {  	p0 =	seq.s32 s16, $0x0  }
0x14: {  	s0 =	simm.s32 @!p0 $0x1  }
0x15: {  	_ =	swait.ge @!p0 [sflag:s0], $0x5000  }
0x16: {  	[sflag:s0] =	ssyncset.done @!p0 $0x0  }
0x17: {  	[sflag:s0] =	ssyncadd.s32 @!p0 $0xFFFFB000  }
0x18: {  	_ =	swait.ge @!p0 [sflag:s0], $0x5000  }
0x19: {  	s17 =	sshll.u32 s16, $0x3;
	s2 =	rddreg [dreg:$0x4]  }
0x1a: {  	s2 =	sadd.s32 @!p0 s17, s2  }
0x1b: {  	s3 =	simm.s32 @!p0 $0x0;
	s2 =	smul.u32 @!p0 $0x280, s2  }
0x1c: {  	s4 =	simm.s32 @!p0 $0x1400;
	s18 =	sor.u32 s8, s17;
	[sflag:s0] =	ssyncset.done @!p0 $0x0  }
0x1d: {  	s20 =	sshll.u32 s18, $0x7;
	[sflag:s0] =	ssyncadd.s32 @!p0 $0xFFFFB000;
	s0 =	sadd.s32 @!p0 s9, s2  }
0x1e: {  	[hbm4b:s0+s3] =	stream.linear.scatter @!p0 [tilespmem:s4], [sflag:$0x3], $0x5000, $0x38;
	[tilespmem:$0x15400] =	vst v63  }
0x1f: {  	s25 =	rddreg [dreg:$0x2];
	s0 =	sadd.s32 @!p0 s10, s2;
	s2 =	simm.s32 @!p0 $0x6400  }
0x20: {  	[hbm4b:s0+s3] =	stream.linear.scatter @!p0 [tilespmem:s2], [sflag:$0x3], $0x5000, $0x38;
	[tilespmem:$0x15400] =	vst v63  }
0x21: {  	s19 =	simm.s32 $0x0;
	s0 =	sadd.s32 s25, s20  }
0x22: {  	[tilespmem:s19], [sflag:$0x5] =	stream.strided.gather [hbm4b:s0+s21], $0x1000, s22, s21, $0x38;
	[tilespmem:$0x15400] =	vst v63  }
0x23: {  	_ =	swait.ge [sflag:s23], $0x1000  }
0x24: {  	s29 =	sshll.u32 s18, $0x4;
	[sflag:s23] =	ssyncset.done $0x0;
	s30 =	rddreg [dreg:$0x3]  }
0x25: {  	[sflag:s23] =	ssyncadd.s32 $0xFFFFF000;
	s0 =	sadd.s32 s30, s29  }
0x26: {  	[tilespmem:s24], [sflag:$0x5] =	stream.linear.gather [hbm4b:s0+s19], $0x200, $0x38;
	[tilespmem:$0x15400] =	vst v63  }
0x27: {  	_ =	swait.ge [sflag:s23], $0x200  }
0x28: {  	[sflag:s23] =	ssyncset.done $0x0  }
0x29: {  	s31 =	simm.s32 $0x0;
	s20 =	simm.s32 $0x0;
	[sflag:s23] =	ssyncadd.s32 $0xFFFFFE00  }
.LBB2_3:
0x2a: {  	s0 =	sshll.u32 s31, $0x7  }
0x2b: {  	s0 =	sand.u32 $0x3FFFFF80, s0  }
0x2c: {  	v8 =	vld [tilespmem:s0+$0x1020]  }
0x2d: {  	v9 =	vld [tilespmem:s0+$0x1000]  }
0x2e: {  	v10 =	vld [tilespmem:s0+$0x1030]  }
0x2f: {  	v11 =	vld [tilespmem:s0+$0x1010];
	_ =	sdelay $0x4  }
0x30: {  	v12 =	vmin.f32 v8, v10;
	v13 =	vmin.f32 v9, v11  }
0x31: {  	v12 =	vmin.f32 v13, v12  }
0x32: {  	v13 =	vperm.xlane v12, v0;
	_ =	sdelay $0x1  }
0x33: {  	v12 =	vmin.f32 v12, v13  }
0x34: {  	v13 =	vperm.xlane v12, v1;
	_ =	sdelay $0x1  }
0x35: {  	v12 =	vmin.f32 v12, v13  }
0x36: {  	v13 =	vperm.xlane v12, v3;
	_ =	sdelay $0x1  }
0x37: {  	v12 =	vmin.f32 v12, v13  }
0x38: {  	v13 =	vperm.xlane v12, v4;
	_ =	sdelay $0x1  }
0x39: {  	v12 =	vmin.f32 v12, v13  }
0x3a: {  	v12 =	vbroadcast v12, $0x0;
	_ =	sdelay $0x1  }
0x3b: {  	vm1 =	veq.f32 v10, v12  }
0x3c: {  	vm2 =	veq.f32 v8, v12;
	v8 =	vnsel vm1, $0x40000000, v5  }
0x3d: {  	vm1 =	veq.f32 v11, v12;
	v8 =	vsel vm2, v6, v8  }
0x3e: {  	vm2 =	veq.f32 v9, v12;
	v8 =	vsel vm1, v7, v8  }
0x3f: {  	v8 =	vsel vm2, v2, v8  }
0x40: {  	v9 =	vperm.xlane v8, v0;
	_ =	sdelay $0x1  }
0x41: {  	vm1 =	vlt.s32 v8, v9  }
0x42: {  	v8 =	vsel vm1, v8, v9  }
0x43: {  	v9 =	vperm.xlane v8, v1;
	_ =	sdelay $0x1  }
0x44: {  	vm1 =	vlt.s32 v8, v9  }
0x45: {  	v8 =	vsel vm1, v8, v9  }
0x46: {  	v9 =	vperm.xlane v8, v3;
	_ =	sdelay $0x1  }
0x47: {  	vm1 =	vlt.s32 v8, v9  }
0x48: {  	v8 =	vsel vm1, v8, v9  }
0x49: {  	v9 =	vperm.xlane v8, v4;
	_ =	sdelay $0x1  }
0x4a: {  	vm1 =	vlt.s32 v8, v9  }
0x4b: {  	v8 =	vsel vm1, v8, v9  }
0x4c: {  	(v2sf) =	vpush v8, $0x0;
	_ =	sdelay $0xe  }
0x4d: {  	s4 =	spop (v2sf)  }
0x4e: {  	s2 =	sshll.u32 s4, $0x6  }
0x4f: {  	s3 =	sshll.u32 s4, $0x4;
	s2 =	sand.u32 $0xFFFFFE00, s2  }
0x50: {  	s12 =	sand.u32 $0x70, s3;
	s2 =	sadd.s32 s2, s0  }
0x51: {  	s12 =	sadd.s32 s12, s2  }
0x52: {  	v8 =	vld [tilespmem:s12+$0x0];
	_ =	sdelay $0x4  }
0x53: {  	vm1 =	veq.f32 v8, v12  }
0x54: {  	v9 =	vnsel vm1, $0x40000000, v2  }
0x55: {  	v10 =	vperm.xlane v9, v0;
	_ =	sdelay $0x1  }
0x56: {  	vm1 =	vlt.s32 v9, v10  }
0x57: {  	v9 =	vsel vm1, v9, v10  }
0x58: {  	v10 =	vperm.xlane v9, v1;
	_ =	sdelay $0x1  }
0x59: {  	vm1 =	vlt.s32 v9, v10  }
0x5a: {  	v9 =	vsel vm1, v9, v10  }
0x5b: {  	v10 =	vperm.xlane v9, v3;
	_ =	sdelay $0x1  }
0x5c: {  	vm1 =	vlt.s32 v9, v10  }
0x5d: {  	v9 =	vsel vm1, v9, v10  }
0x5e: {  	v10 =	vperm.xlane v9, v4;
	_ =	sdelay $0x1  }
0x5f: {  	vm1 =	vlt.s32 v9, v10  }
0x60: {  	v9 =	vsel vm1, v9, v10  }
0x61: {  	(v2sf) =	vpush v9, $0x0;
	_ =	sdelay $0x7  }
0x62: {  	v9 =	vbroadcast v9, $0x0;
	_ =	sdelay $0x1  }
0x63: {  	vm1 =	veq.s32 v9, v2  }
0x64: {  	s29 =	sadd.s32 $0x0, s20;
	v8 =	vsel vm1, $0x7F800000, v8  }
0x65: {  	s25 =	sand.u32 $0xF8, s29;
	v9 =	vperm.xlane v8, v0  }
0x66: {  	v10 =	vld [tilespmem:s25+$0x1200]  }
0x67: {  	v9 =	vmin.f32 v8, v9  }
0x68: {  	s30 =	sand.u32 $0x7, s19;
	v11 =	vperm.xlane v9, v1;
	s29 =	spop (v2sf)  }
0x69: {  	v63 =	vmov s30;
	s13 =	sadd.s32 s11, s29  }
0x6a: {  	vm1 =	veq.s32 v63, v2;
	v9 =	vmin.f32 v9, v11;
	s3 =	sadd.s32 s3, s13  }
0x6b: {  	s14 =	sand.u32 $0xFFFFFF80, s4;
	s2 =	sadd.s32 $0x1000, s0;
	v11 =	vperm.xlane v9, v3;
	v10 =	vsel vm1, s3, v10  }
0x6c: {  	s30 =	sand.u32 $0x70, s4;
	s29 =	sadd.s32 s14, s2;
	[tilespmem:s25+$0x1200] =	vst v10  }
0x6d: {  	v9 =	vmin.f32 v9, v11;
	s3 =	sadd.s32 s30, s29;
	[tilespmem:s12+$0x0] =	vst v8  }
0x6e: {  	v8 =	vperm.xlane v9, v4;
	v10 =	vld [tilespmem:s3+$0x0];
	_ =	sdelay $0x1  }
0x6f: {  	s4 =	sand.u32 $0xF, s4;
	v8 =	vmin.f32 v9, v8  }
0x70: {  	v9 =	vmov s4;
	v8 =	vbroadcast v8, $0x0  }
0x71: {  	vm1 =	veq.s32 v9, v2  }
0x72: {  	s25 =	simm.s32 $0x1;
	v8 =	vsel vm1, v8, v10  }
.LBB2_4:
0x73: {  	p1 =	sne.s32 s25, $0x20;
	[tilespmem:s3+$0x0] =	vst v8;
	s29 =	smov.u32 s25;
	s25 =	sadd.s32 $0x1, s25  }
0x74: {  	v8 =	vld [tilespmem:s0+$0x1020]  }
0x75: {  	v9 =	vld [tilespmem:s0+$0x1000]  }
0x76: {  	v10 =	vld [tilespmem:s0+$0x1030]  }
0x77: {  	v11 =	vld [tilespmem:s0+$0x1010];
	_ =	sdelay $0x3  }
0x78: {  	v12 =	vmin.f32 v8, v10  }
0x79: {  	v13 =	vmin.f32 v9, v11  }
0x7a: {  	v12 =	vmin.f32 v13, v12  }
0x7b: {  	v13 =	vperm.xlane v12, v0;
	_ =	sdelay $0x1  }
0x7c: {  	v12 =	vmin.f32 v12, v13  }
0x7d: {  	v13 =	vperm.xlane v12, v1;
	_ =	sdelay $0x1  }
0x7e: {  	v12 =	vmin.f32 v12, v13  }
0x7f: {  	v13 =	vperm.xlane v12, v3;
	_ =	sdelay $0x1  }
0x80: {  	v12 =	vmin.f32 v12, v13  }
0x81: {  	v13 =	vperm.xlane v12, v4;
	_ =	sdelay $0x1  }
0x82: {  	v12 =	vmin.f32 v12, v13  }
0x83: {  	v12 =	vbroadcast v12, $0x0;
	_ =	sdelay $0x1  }
0x84: {  	vm1 =	veq.f32 v9, v12;
	vm2 =	veq.f32 v8, v12;
	vm3 =	veq.f32 v10, v12  }
0x85: {  	v8 =	vnsel vm3, $0x40000000, v5  }
0x86: {  	vm3 =	veq.f32 v11, v12;
	v8 =	vsel vm2, v6, v8  }
0x87: {  	v8 =	vsel vm3, v7, v8  }
0x88: {  	v8 =	vsel vm1, v2, v8  }
0x89: {  	v9 =	vperm.xlane v8, v0;
	_ =	sdelay $0x1  }
0x8a: {  	vm1 =	vlt.s32 v8, v9  }
0x8b: {  	v8 =	vsel vm1, v8, v9  }
0x8c: {  	v9 =	vperm.xlane v8, v1;
	_ =	sdelay $0x1  }
0x8d: {  	vm1 =	vlt.s32 v8, v9  }
0x8e: {  	v8 =	vsel vm1, v8, v9  }
0x8f: {  	v9 =	vperm.xlane v8, v3;
	_ =	sdelay $0x1  }
0x90: {  	vm1 =	vlt.s32 v8, v9  }
0x91: {  	v8 =	vsel vm1, v8, v9  }
0x92: {  	v9 =	vperm.xlane v8, v4;
	_ =	sdelay $0x1  }
0x93: {  	vm1 =	vlt.s32 v8, v9  }
0x94: {  	v8 =	vsel vm1, v8, v9  }
0x95: {  	(v2sf) =	vpush v8, $0x0;
	_ =	sdelay $0xe  }
0x96: {  	s30 =	spop (v2sf)  }
0x97: {  	s3 =	sshll.u32 s30, $0x6;
	s12 =	sand.u32 $0xFFFFFF80, s30;
	s13 =	sand.u32 $0xF, s30  }
0x98: {  	s4 =	sshll.u32 s30, $0x4;
	s14 =	sand.u32 $0xFFFFFE00, s3;
	s3 =	sadd.s32 s12, s2;
	v8 =	vmov s13  }
0x99: {  	s12 =	sand.u32 $0x70, s4;
	s13 =	sadd.s32 s14, s0  }
0x9a: {  	s12 =	sadd.s32 s12, s13  }
0x9b: {  	v9 =	vld [tilespmem:s12+$0x0];
	_ =	sdelay $0x4  }
0x9c: {  	vm1 =	veq.f32 v9, v12  }
0x9d: {  	v10 =	vnsel vm1, $0x40000000, v2  }
0x9e: {  	v11 =	vperm.xlane v10, v0;
	_ =	sdelay $0x1  }
0x9f: {  	vm1 =	vlt.s32 v10, v11  }
0xa0: {  	v10 =	vsel vm1, v10, v11  }
0xa1: {  	v11 =	vperm.xlane v10, v1;
	_ =	sdelay $0x1  }
0xa2: {  	vm1 =	vlt.s32 v10, v11  }
0xa3: {  	v10 =	vsel vm1, v10, v11  }
0xa4: {  	v11 =	vperm.xlane v10, v3;
	_ =	sdelay $0x1  }
0xa5: {  	vm1 =	vlt.s32 v10, v11  }
0xa6: {  	v10 =	vsel vm1, v10, v11  }
0xa7: {  	v11 =	vperm.xlane v10, v4;
	_ =	sdelay $0x1  }
0xa8: {  	vm1 =	vlt.s32 v10, v11  }
0xa9: {  	v10 =	vsel vm1, v10, v11  }
0xaa: {  	v11 =	vbroadcast v10, $0x0;
	(v2sf) =	vpush v10, $0x0;
	_ =	sdelay $0x1  }
0xab: {  	vm1 =	veq.s32 v11, v2  }
0xac: {  	v9 =	vsel vm1, $0x7F800000, v9  }
0xad: {  	v10 =	vperm.xlane v9, v0;
	_ =	sdelay $0x1  }
0xae: {  	v10 =	vmin.f32 v9, v10  }
0xaf: {  	v11 =	vperm.xlane v10, v1;
	_ =	sdelay $0x1  }
0xb0: {  	v10 =	vmin.f32 v10, v11  }
0xb1: {  	v11 =	vperm.xlane v10, v3  }
0xb2: {  	s13 =	sadd.s32 s29, s20  }
0xb3: {  	s13 =	sand.u32 $0xF8, s13;
	v10 =	vmin.f32 v10, v11  }
0xb4: {  	v11 =	vld [tilespmem:s13+$0x1200];
	v12 =	vperm.xlane v10, v4;
	_ =	sdelay $0x1  }
0xb5: {  	s14 =	sand.u32 $0x7, s29;
	v10 =	vmin.f32 v10, v12;
	s29 =	spop (v2sf)  }
0xb6: {  	v12 =	vmov s14;
	s14 =	sadd.s32 s11, s29  }
0xb7: {  	vm1 =	veq.s32 v12, v2;
	s4 =	sadd.s32 s4, s14  }
0xb8: {  	v11 =	vsel vm1, s4, v11  }
0xb9: {  	s4 =	sand.u32 $0x70, s30;
	[tilespmem:s13+$0x1200] =	vst v11  }
0xba: {  	s3 =	sadd.s32 s4, s3;
	[tilespmem:s12+$0x0] =	vst v9  }
0xbb: {  	v9 =	vld [tilespmem:s3+$0x0]  }
.Ltmp0:
0xbc: {  	(pc) =	sbr.rel @p1 .LBB2_4-.Ltmp0, $4  }
0xbd: {  	_ = 	snop  }
0xbe: {  	v10 =	vbroadcast v10, $0x0  }
0xbf: {  	vm1 =	veq.s32 v8, v2  }
0xc0: {  	v8 =	vsel vm1, v10, v9  }
0xc1: {  	s0 =	smul.u32 $0xA0, s31;
	_ =	sdelay $0x1  }
0xc2: {  	[tilespmem:s3+$0x0] =	vst v8;
	s0 =	sshra.s32 s0, $0x2  }
0xc3: {  	v8 =	vld [tilespmem:s0+$0x1218]  }
0xc4: {  	s31 =	sadd.s32 $0x1, s31;
	v9 =	vld.msk [tilespmem:s0+$0x1200 ss:$0x0], $0xffff  }
0xc5: {  	p1 =	sne.s32 s31, $0x4  }
.Ltmp1:
0xc6: {  	_ = 	snop;
	(pc) =	sbr.rel @p1 .LBB2_3-.Ltmp1, $3  }
0xc7: {  	_ =	sdelay $0x1  }
0xc8: {  	v8 =	vsel vm0, v9, v8  }
0xc9: {  	s20 =	sadd.s32 $0x28, s20;
	[tilespmem:s0+$0x1218] =	vst v8  }
0xca: {  	s0 =	smul.u32 $0x5, s18;
	_ =	sdelay $0x1  }
0xcb: {  	s2 =	simm.s32 $0x1200;
	s0 =	sadd.s32 s7, s0  }
0xcc: {  	[hbm4b:s0+s1] =	stream.linear.scatter [tilespmem:s2], [sflag:$0x5], $0xA0, $0x38;
	[tilespmem:$0x15400] =	vst v63  }
0xcd: {  	_ =	swait.ge [sflag:s23], $0xA0  }
0xce: {  	p1 =	sne.s32 s16, $0x0;
	[sflag:s23] =	ssyncset.done $0x0  }
0xcf: {  	s0 =	simm.s32 @p1 $0x3;
	[sflag:s23] =	ssyncadd.s32 $0xFFFFFF60  }
0xd0: {  	_ =	swait.ge @p1 [sflag:s0], $0x5000  }
0xd1: {  	[sflag:s0] =	ssyncset.done @p1 $0x0  }
0xd2: {  	[sflag:s0] =	ssyncadd.s32 @p1 $0xFFFFB000  }
0xd3: {  	_ =	swait.ge @p1 [sflag:s0], $0x5000  }
0xd4: {  	s3 =	simm.s32 @p1 $0x1400;
	[sflag:s0] =	ssyncset.done @p1 $0x0  }
0xd5: {  	s2 =	simm.s32 @p1 $0x1200;
	[sflag:s0] =	ssyncadd.s32 @p1 $0xFFFFB000;
	s0 =	simm.s32 @p1 $0xA0  }
0xd6: {  	[tilespmem:s3], [sflag:$0x1] =	stream.indirect.gather @p1 [hbm4b:s5+s0], $0x80, s2, s0, $0xb8;
	[tilespmem:$0x15400] =	vst v63  }
0xd7: {  	s3 =	simm.s32 @p1 $0x6400  }
0xd8: {  	[tilespmem:s3], [sflag:$0x1] =	stream.indirect.gather @p1 [hbm4b:s6+s0], $0x80, s2, s0, $0xb8;
	[tilespmem:$0x15400] =	vst v63  }
0xd9: {  	s0 =	simm.s32 @p1 $0x2  }
0xda: {  	_ =	swait.ge @p1 [sflag:s0], $0x5000  }
0xdb: {  	[sflag:s0] =	ssyncset.done @p1 $0x0  }
0xdc: {  	[sflag:s0] =	ssyncadd.s32 @p1 $0xFFFFB000  }
0xdd: {  	_ =	swait.ge @p1 [sflag:s0], $0x5000  }
0xde: {  	s2 =	rddreg [dreg:$0x5]  }
0xdf: {  	s2 =	sadd.s32 @p1 s17, s2  }
0xe0: {  	s2 =	smul.u32 @p1 $0x280, s2  }
0xe1: {  	s4 =	simm.s32 @p1 $0xB400;
	[sflag:s0] =	ssyncset.done @p1 $0x0  }
0xe2: {  	s3 =	simm.s32 @p1 $0x0;
	[sflag:s0] =	ssyncadd.s32 @p1 $0xFFFFB000;
	s0 =	sadd.s32 @p1 s9, s2  }
0xe3: {  	[hbm4b:s0+s3] =	stream.linear.scatter @p1 [tilespmem:s4], [sflag:$0x4], $0x5000, $0x38;
	[tilespmem:$0x15400] =	vst v63  }
0xe4: {  	s0 =	sadd.s32 @p1 s10, s2;
	s2 =	simm.s32 @p1 $0x10400  }
0xe5: {  	[hbm4b:s0+s3] =	stream.linear.scatter @p1 [tilespmem:s2], [sflag:$0x4], $0x5000, $0x38;
	[tilespmem:$0x15400] =	vst v63  }
0xe6: {  	s0 =	simm.s32 @!p1 $0xA0;
	s2 =	simm.s32 @!p1 $0x1200;
	s3 =	simm.s32 @!p1 $0x1400  }
0xe7: {  	[tilespmem:s3], [sflag:$0x1] =	stream.indirect.gather @!p1 [hbm4b:s5+s0], $0x80, s2, s0, $0xb8;
	[tilespmem:$0x15400] =	vst v63  }
0xe8: {  	s3 =	sor.u32 @p1 $0x4, s17  }
0xe9: {  	s4 =	simm.s32 @!p1 $0x6400;
	s3 =	simm.s32 @!p1 $0x4  }
0xea: {  	[tilespmem:s4], [sflag:$0x1] =	stream.indirect.gather @!p1 [hbm4b:s6+s0], $0x80, s2, s0, $0xb8;
	[tilespmem:$0x15400] =	vst v63  }
0xeb: {  	s17 =	sor.u32 s8, s3  }
0xec: {  	s29 =	sshll.u32 s17, $0x7  }
0xed: {  	s30 =	rddreg [dreg:$0x6];
	s0 =	sand.u32 $0x1FFFFC00, s29  }
0xee: {  	s18 =	simm.s32 $0x0;
	s0 =	sadd.s32 s0, s30  }
0xef: {  	[tilespmem:s18], [sflag:$0x5] =	stream.strided.gather [hbm4b:s0+s21], $0x1000, s22, s21, $0x38;
	[tilespmem:$0x15400] =	vst v63  }
0xf0: {  	s31 =	sshll.u32 s17, $0x4;
	_ =	swait.ge [sflag:s23], $0x1000  }
0xf1: {  	s0 =	sand.u32 $0x1FFFFF80, s31;
	[sflag:s23] =	ssyncset.done $0x0  }
0xf2: {  	s0 =	sadd.s32 s0, s15;
	[sflag:s23] =	ssyncadd.s32 $0xFFFFF000  }
0xf3: {  	[tilespmem:s24], [sflag:$0x5] =	stream.linear.gather [hbm4b:s0+s18], $0x200, $0x38;
	[tilespmem:$0x15400] =	vst v63  }
0xf4: {  	_ =	swait.ge [sflag:s23], $0x200  }
0xf5: {  	[sflag:s23] =	ssyncset.done $0x0  }
0xf6: {  	s19 =	simm.s32 $0x0;
	s20 =	simm.s32 $0x0;
	[sflag:s23] =	ssyncadd.s32 $0xFFFFFE00  }
.LBB2_7:
0xf7: {  	s0 =	sshll.u32 s20, $0x7  }
0xf8: {  	s0 =	sand.u32 $0x3FFFFF80, s0  }
0xf9: {  	v8 =	vld [tilespmem:s0+$0x1020]  }
0xfa: {  	v9 =	vld [tilespmem:s0+$0x1000]  }
0xfb: {  	v10 =	vld [tilespmem:s0+$0x1030]  }
0xfc: {  	v11 =	vld [tilespmem:s0+$0x1010];
	_ =	sdelay $0x4  }
0xfd: {  	v12 =	vmin.f32 v8, v10;
	v13 =	vmin.f32 v9, v11  }
0xfe: {  	v12 =	vmin.f32 v13, v12  }
0xff: {  	v13 =	vperm.xlane v12, v0;
	_ =	sdelay $0x1  }
0x100: {  	v12 =	vmin.f32 v12, v13  }
0x101: {  	v13 =	vperm.xlane v12, v1;
	_ =	sdelay $0x1  }
0x102: {  	v12 =	vmin.f32 v12, v13  }
0x103: {  	v13 =	vperm.xlane v12, v3;
	_ =	sdelay $0x1  }
0x104: {  	v12 =	vmin.f32 v12, v13  }
0x105: {  	v13 =	vperm.xlane v12, v4;
	_ =	sdelay $0x1  }
0x106: {  	v12 =	vmin.f32 v12, v13  }
0x107: {  	v12 =	vbroadcast v12, $0x0;
	_ =	sdelay $0x1  }
0x108: {  	vm1 =	veq.f32 v10, v12  }
0x109: {  	vm2 =	veq.f32 v8, v12;
	v8 =	vnsel vm1, $0x40000000, v5  }
0x10a: {  	vm1 =	veq.f32 v11, v12;
	v8 =	vsel vm2, v6, v8  }
0x10b: {  	vm2 =	veq.f32 v9, v12;
	v8 =	vsel vm1, v7, v8  }
0x10c: {  	v8 =	vsel vm2, v2, v8  }
0x10d: {  	v9 =	vperm.xlane v8, v0;
	_ =	sdelay $0x1  }
0x10e: {  	vm1 =	vlt.s32 v8, v9  }
0x10f: {  	v8 =	vsel vm1, v8, v9  }
0x110: {  	v9 =	vperm.xlane v8, v1;
	_ =	sdelay $0x1  }
0x111: {  	vm1 =	vlt.s32 v8, v9  }
0x112: {  	v8 =	vsel vm1, v8, v9  }
0x113: {  	v9 =	vperm.xlane v8, v3;
	_ =	sdelay $0x1  }
0x114: {  	vm1 =	vlt.s32 v8, v9  }
0x115: {  	v8 =	vsel vm1, v8, v9  }
0x116: {  	v9 =	vperm.xlane v8, v4;
	_ =	sdelay $0x1  }
0x117: {  	vm1 =	vlt.s32 v8, v9  }
0x118: {  	v8 =	vsel vm1, v8, v9  }
0x119: {  	(v2sf) =	vpush v8, $0x0;
	_ =	sdelay $0xe  }
0x11a: {  	s4 =	spop (v2sf)  }
0x11b: {  	s2 =	sshll.u32 s4, $0x6  }
0x11c: {  	s3 =	sshll.u32 s4, $0x4;
	s2 =	sand.u32 $0xFFFFFE00, s2  }
0x11d: {  	s12 =	sand.u32 $0x70, s3;
	s2 =	sadd.s32 s2, s0  }
0x11e: {  	s12 =	sadd.s32 s12, s2  }
0x11f: {  	v8 =	vld [tilespmem:s12+$0x0];
	_ =	sdelay $0x4  }
0x120: {  	vm1 =	veq.f32 v8, v12  }
0x121: {  	v9 =	vnsel vm1, $0x40000000, v2  }
0x122: {  	v10 =	vperm.xlane v9, v0;
	_ =	sdelay $0x1  }
0x123: {  	vm1 =	vlt.s32 v9, v10  }
0x124: {  	v9 =	vsel vm1, v9, v10  }
0x125: {  	v10 =	vperm.xlane v9, v1;
	_ =	sdelay $0x1  }
0x126: {  	vm1 =	vlt.s32 v9, v10  }
0x127: {  	v9 =	vsel vm1, v9, v10  }
0x128: {  	v10 =	vperm.xlane v9, v3;
	_ =	sdelay $0x1  }
0x129: {  	vm1 =	vlt.s32 v9, v10  }
0x12a: {  	v9 =	vsel vm1, v9, v10  }
0x12b: {  	v10 =	vperm.xlane v9, v4;
	_ =	sdelay $0x1  }
0x12c: {  	vm1 =	vlt.s32 v9, v10  }
0x12d: {  	v9 =	vsel vm1, v9, v10  }
0x12e: {  	(v2sf) =	vpush v9, $0x0;
	_ =	sdelay $0x7  }
0x12f: {  	v9 =	vbroadcast v9, $0x0;
	_ =	sdelay $0x1  }
0x130: {  	vm1 =	veq.s32 v9, v2  }
0x131: {  	s30 =	sadd.s32 $0x0, s19;
	v8 =	vsel vm1, $0x7F800000, v8  }
0x132: {  	s13 =	sand.u32 $0xF8, s30;
	v9 =	vperm.xlane v8, v0  }
0x133: {  	v10 =	vld [tilespmem:s13+$0x1300]  }
0x134: {  	v9 =	vmin.f32 v8, v9  }
0x135: {  	s31 =	sand.u32 $0x7, s18;
	v11 =	vperm.xlane v9, v1;
	s14 =	spop (v2sf)  }
0x136: {  	v63 =	vmov s31;
	s25 =	sadd.s32 s11, s14  }
0x137: {  	vm1 =	veq.s32 v63, v2;
	v9 =	vmin.f32 v9, v11;
	s3 =	sadd.s32 s3, s25  }
0x138: {  	s29 =	sand.u32 $0xFFFFFF80, s4;
	s2 =	sadd.s32 $0x1000, s0;
	v11 =	vperm.xlane v9, v3;
	v10 =	vsel vm1, s3, v10  }
0x139: {  	s31 =	sand.u32 $0x70, s4;
	s30 =	sadd.s32 s29, s2;
	[tilespmem:s13+$0x1300] =	vst v10  }
0x13a: {  	v9 =	vmin.f32 v9, v11;
	s3 =	sadd.s32 s31, s30;
	[tilespmem:s12+$0x0] =	vst v8  }
0x13b: {  	v8 =	vperm.xlane v9, v4;
	v10 =	vld [tilespmem:s3+$0x0];
	_ =	sdelay $0x1  }
0x13c: {  	s4 =	sand.u32 $0xF, s4;
	v8 =	vmin.f32 v9, v8  }
0x13d: {  	v9 =	vmov s4;
	v8 =	vbroadcast v8, $0x0  }
0x13e: {  	vm1 =	veq.s32 v9, v2  }
0x13f: {  	s25 =	simm.s32 $0x1;
	v8 =	vsel vm1, v8, v10  }
.LBB2_8:
0x140: {  	p1 =	sne.s32 s25, $0x20;
	[tilespmem:s3+$0x0] =	vst v8;
	s29 =	smov.u32 s25;
	s25 =	sadd.s32 $0x1, s25  }
0x141: {  	v8 =	vld [tilespmem:s0+$0x1020]  }
0x142: {  	v9 =	vld [tilespmem:s0+$0x1000]  }
0x143: {  	v10 =	vld [tilespmem:s0+$0x1030]  }
0x144: {  	v11 =	vld [tilespmem:s0+$0x1010];
	_ =	sdelay $0x3  }
0x145: {  	v12 =	vmin.f32 v8, v10  }
0x146: {  	v13 =	vmin.f32 v9, v11  }
0x147: {  	v12 =	vmin.f32 v13, v12  }
0x148: {  	v13 =	vperm.xlane v12, v0;
	_ =	sdelay $0x1  }
0x149: {  	v12 =	vmin.f32 v12, v13  }
0x14a: {  	v13 =	vperm.xlane v12, v1;
	_ =	sdelay $0x1  }
0x14b: {  	v12 =	vmin.f32 v12, v13  }
0x14c: {  	v13 =	vperm.xlane v12, v3;
	_ =	sdelay $0x1  }
0x14d: {  	v12 =	vmin.f32 v12, v13  }
0x14e: {  	v13 =	vperm.xlane v12, v4;
	_ =	sdelay $0x1  }
0x14f: {  	v12 =	vmin.f32 v12, v13  }
0x150: {  	v12 =	vbroadcast v12, $0x0;
	_ =	sdelay $0x1  }
0x151: {  	vm1 =	veq.f32 v9, v12;
	vm2 =	veq.f32 v8, v12;
	vm3 =	veq.f32 v10, v12  }
0x152: {  	v8 =	vnsel vm3, $0x40000000, v5  }
0x153: {  	vm3 =	veq.f32 v11, v12;
	v8 =	vsel vm2, v6, v8  }
0x154: {  	v8 =	vsel vm3, v7, v8  }
0x155: {  	v8 =	vsel vm1, v2, v8  }
0x156: {  	v9 =	vperm.xlane v8, v0;
	_ =	sdelay $0x1  }
0x157: {  	vm1 =	vlt.s32 v8, v9  }
0x158: {  	v8 =	vsel vm1, v8, v9  }
0x159: {  	v9 =	vperm.xlane v8, v1;
	_ =	sdelay $0x1  }
0x15a: {  	vm1 =	vlt.s32 v8, v9  }
0x15b: {  	v8 =	vsel vm1, v8, v9  }
0x15c: {  	v9 =	vperm.xlane v8, v3;
	_ =	sdelay $0x1  }
0x15d: {  	vm1 =	vlt.s32 v8, v9  }
0x15e: {  	v8 =	vsel vm1, v8, v9  }
0x15f: {  	v9 =	vperm.xlane v8, v4;
	_ =	sdelay $0x1  }
0x160: {  	vm1 =	vlt.s32 v8, v9  }
0x161: {  	v8 =	vsel vm1, v8, v9  }
0x162: {  	(v2sf) =	vpush v8, $0x0;
	_ =	sdelay $0xe  }
0x163: {  	s30 =	spop (v2sf)  }
0x164: {  	s3 =	sshll.u32 s30, $0x6;
	s12 =	sand.u32 $0xFFFFFF80, s30;
	s13 =	sand.u32 $0xF, s30  }
0x165: {  	s4 =	sshll.u32 s30, $0x4;
	s14 =	sand.u32 $0xFFFFFE00, s3;
	s3 =	sadd.s32 s12, s2;
	v8 =	vmov s13  }
0x166: {  	s12 =	sand.u32 $0x70, s4;
	s13 =	sadd.s32 s14, s0  }
0x167: {  	s12 =	sadd.s32 s12, s13  }
0x168: {  	v9 =	vld [tilespmem:s12+$0x0];
	_ =	sdelay $0x4  }
0x169: {  	vm1 =	veq.f32 v9, v12  }
0x16a: {  	v10 =	vnsel vm1, $0x40000000, v2  }
0x16b: {  	v11 =	vperm.xlane v10, v0;
	_ =	sdelay $0x1  }
0x16c: {  	vm1 =	vlt.s32 v10, v11  }
0x16d: {  	v10 =	vsel vm1, v10, v11  }
0x16e: {  	v11 =	vperm.xlane v10, v1;
	_ =	sdelay $0x1  }
0x16f: {  	vm1 =	vlt.s32 v10, v11  }
0x170: {  	v10 =	vsel vm1, v10, v11  }
0x171: {  	v11 =	vperm.xlane v10, v3;
	_ =	sdelay $0x1  }
0x172: {  	vm1 =	vlt.s32 v10, v11  }
0x173: {  	v10 =	vsel vm1, v10, v11  }
0x174: {  	v11 =	vperm.xlane v10, v4;
	_ =	sdelay $0x1  }
0x175: {  	vm1 =	vlt.s32 v10, v11  }
0x176: {  	v10 =	vsel vm1, v10, v11  }
0x177: {  	v11 =	vbroadcast v10, $0x0;
	(v2sf) =	vpush v10, $0x0;
	_ =	sdelay $0x1  }
0x178: {  	vm1 =	veq.s32 v11, v2  }
0x179: {  	v9 =	vsel vm1, $0x7F800000, v9  }
0x17a: {  	v10 =	vperm.xlane v9, v0;
	_ =	sdelay $0x1  }
0x17b: {  	v10 =	vmin.f32 v9, v10  }
0x17c: {  	v11 =	vperm.xlane v10, v1;
	_ =	sdelay $0x1  }
0x17d: {  	v10 =	vmin.f32 v10, v11  }
0x17e: {  	v11 =	vperm.xlane v10, v3  }
0x17f: {  	s13 =	sadd.s32 s29, s19  }
0x180: {  	s13 =	sand.u32 $0xF8, s13;
	v10 =	vmin.f32 v10, v11  }
0x181: {  	v11 =	vld [tilespmem:s13+$0x1300];
	v12 =	vperm.xlane v10, v4;
	_ =	sdelay $0x1  }
0x182: {  	s14 =	sand.u32 $0x7, s29;
	v10 =	vmin.f32 v10, v12;
	s29 =	spop (v2sf)  }
0x183: {  	v12 =	vmov s14;
	s14 =	sadd.s32 s11, s29  }
0x184: {  	vm1 =	veq.s32 v12, v2;
	s4 =	sadd.s32 s4, s14  }
0x185: {  	v11 =	vsel vm1, s4, v11  }
0x186: {  	s4 =	sand.u32 $0x70, s30;
	[tilespmem:s13+$0x1300] =	vst v11  }
0x187: {  	s3 =	sadd.s32 s4, s3;
	[tilespmem:s12+$0x0] =	vst v9  }
0x188: {  	v9 =	vld [tilespmem:s3+$0x0]  }
.Ltmp2:
0x189: {  	(pc) =	sbr.rel @p1 .LBB2_8-.Ltmp2, $4  }
0x18a: {  	_ = 	snop  }
0x18b: {  	v10 =	vbroadcast v10, $0x0  }
0x18c: {  	vm1 =	veq.s32 v8, v2  }
0x18d: {  	v8 =	vsel vm1, v10, v9  }
0x18e: {  	s0 =	smul.u32 $0xA0, s20;
	_ =	sdelay $0x1  }
0x18f: {  	[tilespmem:s3+$0x0] =	vst v8;
	s0 =	sshra.s32 s0, $0x2  }
0x190: {  	v8 =	vld [tilespmem:s0+$0x1318]  }
0x191: {  	s20 =	sadd.s32 $0x1, s20;
	v9 =	vld.msk [tilespmem:s0+$0x1300 ss:$0x0], $0xffff  }
0x192: {  	p1 =	sne.s32 s20, $0x4  }
.Ltmp3:
0x193: {  	_ = 	snop;
	(pc) =	sbr.rel @p1 .LBB2_7-.Ltmp3, $3  }
0x194: {  	_ =	sdelay $0x1  }
0x195: {  	v8 =	vsel vm0, v9, v8  }
0x196: {  	s19 =	sadd.s32 $0x28, s19;
	[tilespmem:s0+$0x1318] =	vst v8  }
0x197: {  	s0 =	smul.u32 $0x5, s17;
	_ =	sdelay $0x1  }
0x198: {  	s0 =	sadd.s32 s7, s0  }
0x199: {  	[hbm4b:s0+s1] =	stream.linear.scatter [tilespmem:s26], [sflag:$0x5], $0xA0, $0x38;
	[tilespmem:$0x15400] =	vst v63  }
0x19a: {  	_ =	swait.ge [sflag:s23], $0xA0  }
0x19b: {  	[sflag:s23] =	ssyncset.done $0x0  }
0x19c: {  	s0 =	simm.s32 @!p0 $0x4;
	[sflag:s23] =	ssyncadd.s32 $0xFFFFFF60  }
0x19d: {  	_ =	swait.ge @!p0 [sflag:s0], $0x5000  }
0x19e: {  	[sflag:s0] =	ssyncset.done @!p0 $0x0  }
0x19f: {  	[sflag:s0] =	ssyncadd.s32 @!p0 $0xFFFFB000  }
0x1a0: {  	_ =	swait.ge @!p0 [sflag:s0], $0x5000  }
0x1a1: {  	s16 =	sadd.s32 $0x1, s16;
	[sflag:s0] =	ssyncset.done @!p0 $0x0  }
0x1a2: {  	[sflag:s0] =	ssyncadd.s32 @!p0 $0xFFFFB000;
	p0 =	sne.s32 s16, $0x10  }
.Ltmp4:
0x1a3: {  	_ = 	snop;
	(pc) =	sbr.rel @p0 .LBB2_2-.Ltmp4, $4  }
0x1a4: {  	s30 =	simm.s32 $0xB400  }
0x1a5: {  	[tilespmem:s30], [sflag:$0x2] =	stream.indirect.gather [hbm4b:s5+s28], $0x80, s26, s28, $0xb8;
	[tilespmem:$0x15400] =	vst v63  }
0x1a6: {  	s31 =	simm.s32 $0x10400  }
0x1a7: {  	[tilespmem:s31], [sflag:$0x2] =	stream.indirect.gather [hbm4b:s6+s28], $0x80, s26, s28, $0xb8;
	[tilespmem:$0x15400] =	vst v63  }
0x1a8: {  	s0 =	simm.s32 $0x1  }
0x1a9: {  	_ =	swait.ge [sflag:s0], $0x5000  }
0x1aa: {  	[sflag:s0] =	ssyncset.done $0x0  }
0x1ab: {  	[sflag:s0] =	ssyncadd.s32 $0xFFFFB000  }
0x1ac: {  	_ =	swait.ge [sflag:s0], $0x5000  }
0x1ad: {  	[sflag:s0] =	ssyncset.done $0x0  }
0x1ae: {  	s2 =	simm.s32 $0x1400;
	s14 =	rddreg [dreg:$0x7];
	[sflag:s0] =	ssyncadd.s32 $0xFFFFB000  }
0x1af: {  	[hbm4b:s14+s1] =	stream.linear.scatter [tilespmem:s2], [sflag:$0x5], $0x5000, $0x38;
	[tilespmem:$0x15400] =	vst v63  }
0x1b0: {  	_ =	swait.ge [sflag:s23], $0x5000  }
0x1b1: {  	[sflag:s23] =	ssyncset.done $0x0  }
0x1b2: {  	s17 =	simm.s32 $0x6400;
	s16 =	rddreg [dreg:$0x8];
	[sflag:s23] =	ssyncadd.s32 $0xFFFFB000  }
0x1b3: {  	[hbm4b:s16+s1] =	stream.linear.scatter [tilespmem:s17], [sflag:$0x5], $0x5000, $0x38;
	[tilespmem:$0x15400] =	vst v63  }
0x1b4: {  	_ =	swait.ge [sflag:s23], $0x5000  }
0x1b5: {  	[sflag:s23] =	ssyncset.done $0x0  }
0x1b6: {  	s18 =	simm.s32 $0x2;
	[sflag:s23] =	ssyncadd.s32 $0xFFFFB000  }
0x1b7: {  	_ =	swait.ge [sflag:s18], $0x5000  }
0x1b8: {  	[sflag:s18] =	ssyncset.done $0x0  }
0x1b9: {  	[sflag:s18] =	ssyncadd.s32 $0xFFFFB000  }
0x1ba: {  	_ =	swait.ge [sflag:s18], $0x5000  }
0x1bb: {  	[sflag:s18] =	ssyncset.done $0x0  }
0x1bc: {  	s20 =	simm.s32 $0xB400;
	s19 =	rddreg [dreg:$0x9];
	[sflag:s18] =	ssyncadd.s32 $0xFFFFB000  }
0x1bd: {  	[hbm4b:s19+s1] =	stream.linear.scatter [tilespmem:s20], [sflag:$0x5], $0x5000, $0x38;
	[tilespmem:$0x15400] =	vst v63  }
0x1be: {  	_ =	swait.ge [sflag:s23], $0x5000  }
0x1bf: {  	[sflag:s23] =	ssyncset.done $0x0  }
0x1c0: {  	s29 =	simm.s32 $0x10400;
	s25 =	rddreg [dreg:$0xa];
	[sflag:s23] =	ssyncadd.s32 $0xFFFFB000  }
0x1c1: {  	[hbm4b:s25+s1] =	stream.linear.scatter [tilespmem:s29], [sflag:$0x5], $0x5000, $0x38;
	[tilespmem:$0x15400] =	vst v63  }
0x1c2: {  	_ =	swait.ge [sflag:s23], $0x5000  }
0x1c3: {  	s30 =	rddreg [dreg:$0xc]  }
0x1c4: {  	s31 =	rddreg [dreg:$0xb];
	s2 =	sadd.s32 $0x1, s30  }
0x1c5: {  	p0 =	sne.s32 s2, s31  }
.Ltmp5:
0x1c6: {  	_ = 	snop;
	(pc) =	sbr.rel @p0 .LBB2_1-.Ltmp5, $3  }
0x1c7: {  	_ =	sdelay $0x1  }
0x1c8: {  	[sflag:s23] =	ssyncset.done $0x0  }
0x1c9: {  	[sflag:s23] =	ssyncadd.s32 $0xFFFFB000  }
0x1ca: {  	_ =	sfence.sel $0x180000  }
0x1cb: {  	[bflag:$0x0] =	sbarrier.arrive $0xFFFF  }
0x1cc: {  	_ =	strace $0x90000050  }
0x1cd: {  	s0 =	stileid.u32;
	[bflag:$0x2] =	sbarrier.arrive $0xFFFF  }
0x1ce: {  	p0 =	sne.s32 s0, $0x0;
	s0 =	rddreg [dreg:$0x1]  }
0x1cf: {  	s0 =	sadd.s32 @!p0 $0x100000, s0  }
0x1d0: {  	[sflag:s0] =	ssyncadd.tile.s32 @!p0 $0x1;
	_ =	shalt  }
.Lfunc_end2:
_tile_overlayer_lowered:
.L_overlay_start_2:
0x1d1: {  	(tag) =	ssettag $0x2  }
0x1d2: {  	s0 =	rddreg [dreg:$0x0];
	s2 =	stileid.u32  }
0x1d3: {  	s1 =	rddreg [dreg:$0x1];
	p0 =	sne.s32 s2, $0x0  }
0x1d4: {  	s3 =	rddreg [dreg:$0x2];
	[bflag:$0x3] =	sbarrier.arrive $0xFFFF;
	s2 =	simm.s32 @!p0 $0x1C05  }
0x1d5: {  	[timem:s3], [sflag:s2] =	dma.local @!p0 [hbm:s0], s1  }
0x1d6: {  	s0 =	simm.s32 @!p0 $0x5  }
0x1d7: {  	_ =	swait.ge @!p0 [sflag:s0], s1  }
0x1d8: {  	s1 =	ssub.s32 @!p0 $0x0, s1;
	[sflag:s0] =	ssyncset.done @!p0 $0x0  }
0x1d9: {  	[sflag:s0] =	ssyncadd.s32 @!p0 s1  }
0x1da: {  	[bflag:$0x3] =	sbarrier.arrive $0xFFFF  }
0x1db: {  	_ =	shalt  }

</sc_bundles>
